<compile_context>
chip_gen: v7x
topology: tpu7x:2x2x1
jax: 0.10.2.dev20260603
libtpu: 0.0.44.dev20260713+nightly
codegen_flags: <defaults>
</compile_context>

<pallas_src>
import functools

import jax
import jax.numpy as jnp
from jax import lax
from jax.experimental import pallas as pl
from jax.experimental.pallas import tpu as pltpu
from jax.experimental.pallas import tpu_sc as plsc

N = 10000
E = 320000
NS = 16
NC = 2
CH = 128
EP = E // NS
NCHF = EP // CH
TR = EP - NCHF * CH
NACC = 10240
GARB = N
ZR = NACC // NS
NI = 10240
IT_CH = 64
IT_NCH = (NI // 32) // IT_CH


def _edge_loop(table, accum, e_src, e_dst, ebase, sidx, didx, rows2,
               sem_g, sem_i, sem_s):

    def load_idx(j, b):
        pltpu.async_copy(e_src.at[pl.ds(ebase + j * CH, CH)], sidx.at[b],
                         sem_i)
        pltpu.async_copy(e_dst.at[pl.ds(ebase + j * CH, CH)], didx.at[b],
                         sem_i)

    def wait_idx(b):
        pltpu.make_async_copy(e_src.at[pl.ds(0, CH)], sidx.at[b],
                              sem_i).wait()
        pltpu.make_async_copy(e_dst.at[pl.ds(0, CH)], didx.at[b],
                              sem_i).wait()

    def gather(b):
        pltpu.async_copy(table.at[sidx.at[b]], rows2.at[b], sem_g)

    def wait_gather(b):
        pltpu.make_async_copy(table.at[sidx.at[0]], rows2.at[b],
                              sem_g).wait()

    def scatter(b):
        pltpu.async_copy(rows2.at[b], accum.at[didx.at[b]], sem_s, add=True)

    def wait_scatter(b):
        pltpu.make_async_copy(rows2.at[b], accum.at[didx.at[0]],
                              sem_s).wait()

    load_idx(0, 0)
    wait_idx(0)
    gather(0)
    load_idx(1, 1)

    def body(g, carry):
        for b in (0, 1):
            j = 2 * g + b
            wait_gather(b)

            @pl.when(j + 1 < NCHF)
            def _():
                wait_idx(1 - b)

                @pl.when(j >= 1)
                def _():
                    wait_scatter(1 - b)

                gather(1 - b)

            @pl.when(j + 2 < NCHF)
            def _():
                load_idx(j + 2, b)

            scatter(b)
        return carry

    lax.fori_loop(0, NCHF // 2, body, 0)
    wait_scatter(0)
    wait_scatter(1)

    pltpu.sync_copy(e_src.at[pl.ds(ebase + NCHF * CH, TR)],
                    sidx.at[0, pl.ds(0, TR)])
    pltpu.sync_copy(e_dst.at[pl.ds(ebase + NCHF * CH, TR)],
                    didx.at[0, pl.ds(0, TR)])
    pad_s = lax.iota(jnp.int32, 16)
    pad_d = GARB + pad_s
    for t in range(TR, CH, 16):
        sidx[0, pl.ds(t, 16)] = pad_s
        didx[0, pl.ds(t, 16)] = pad_d
    pltpu.async_copy(table.at[sidx.at[0]], rows2.at[0], sem_g)
    pltpu.make_async_copy(table.at[sidx.at[0]], rows2.at[0], sem_g).wait()
    pltpu.sync_copy(rows2.at[0], accum.at[didx.at[0]], add=True)



@functools.cache
def _get_sc_kernel():
  mesh = plsc.VectorSubcoreMesh(
      core_axis_name="c", subcore_axis_name="s", num_cores=NC, num_subcores=NS)

  @functools.partial(
    pl.kernel,
    out_type=[
        jax.ShapeDtypeStruct((NI, 128), jnp.float32),
        jax.ShapeDtypeStruct((NACC, 128), jnp.float32),
        jax.ShapeDtypeStruct((NACC, 128), jnp.float32),
        jax.ShapeDtypeStruct((NACC, 128), jnp.float32),
        jax.ShapeDtypeStruct((NACC, 128), jnp.float32),
    ],
    mesh=mesh,
    scratch_types=[
        pltpu.VMEM((2, CH), jnp.int32),
        pltpu.VMEM((2, CH), jnp.int32),
        pltpu.VMEM((2, CH, 128), jnp.float32),
        pltpu.VMEM((IT_NCH, IT_CH), jnp.int32),
        pltpu.VMEM_SHARED((NACC, 128), jnp.float32),
        pltpu.SemaphoreType.DMA,
        pltpu.SemaphoreType.DMA,
        pltpu.SemaphoreType.DMA,
    ],
  )
  def _sc_gather_agg(ops_hbm, items_hbm, rm_hbm, prec0, prec1, rese0, rese1,
                     mate0, mate1, rel, z128,
                     out_items, out_preds, out_succs, out_res, out_mat,
                     sidx, didx, rows128, ridx, acc, sem_g, sem_i, sem_s):
      cid = lax.axis_index("c")
      sid = lax.axis_index("s")
      wid = cid * NS + sid
      ebase = sid * EP

      def zero_stripe():
          pltpu.sync_copy(z128.at[pl.ds(0, ZR)], acc.at[pl.ds(sid * ZR, ZR)])

      def flush(out0, out1):
          @pl.when(cid == 0)
          def _():
              pltpu.sync_copy(acc.at[pl.ds(sid * ZR, ZR)],
                              out0.at[pl.ds(sid * ZR, ZR)])

          @pl.when(cid == 1)
          def _():
              pltpu.sync_copy(acc.at[pl.ds(sid * ZR, ZR)],
                              out1.at[pl.ds(sid * ZR, ZR)])

      zero_stripe()

      pltpu.sync_copy(rel.at[wid], ridx)
      for c in range(IT_NCH):
          pltpu.async_copy(items_hbm.at[ridx.at[c]],
                           rows128.at[0, pl.ds(0, IT_CH)], sem_g)
          pltpu.make_async_copy(items_hbm.at[ridx.at[c]],
                                rows128.at[0, pl.ds(0, IT_CH)], sem_g).wait()
          pltpu.sync_copy(
              rows128.at[0, pl.ds(0, IT_CH)],
              out_items.at[pl.ds(wid * IT_NCH * IT_CH + c * IT_CH, IT_CH)])

      plsc.subcore_barrier()

      @pl.when(cid == 0)
      def _():
          _edge_loop(ops_hbm, acc, prec1, prec0, ebase, sidx, didx, rows128,
                     sem_g, sem_i, sem_s)

      @pl.when(cid == 1)
      def _():
          _edge_loop(ops_hbm, acc, prec0, prec1, ebase, sidx, didx, rows128,
                     sem_g, sem_i, sem_s)

      plsc.subcore_barrier()
      flush(out_preds, out_succs)
      plsc.subcore_barrier()
      zero_stripe()
      plsc.subcore_barrier()

      @pl.when(cid == 0)
      def _():
          _edge_loop(rm_hbm, acc, rese1, rese0, ebase, sidx, didx, rows128,
                     sem_g, sem_i, sem_s)

      @pl.when(cid == 1)
      def _():
          _edge_loop(rm_hbm, acc, mate1, mate0, ebase, sidx, didx, rows128,
                     sem_g, sem_i, sem_s)

      plsc.subcore_barrier()
      flush(out_res, out_mat)

  return _sc_gather_agg


def _elu(x):
    return jnp.where(x > 0, x, jnp.exp(x) - 1.0)


def _tc_body(ops_ref, itm_ref, agp_ref, ags_ref, agr_ref, agm_ref, *refs):
    prefs, out_ref = refs[:-1], refs[-1]

    def layers(i):
        base = i * 6
        return [(prefs[base + 2 * k], prefs[base + 2 * k + 1])
                for k in range(3)]

    def mlp(x, ws):
        for k, (w, b) in enumerate(ws):
            x = jnp.dot(x, w[...], preferred_element_type=jnp.float32) + b[...]
            if k < 2:
                x = _elu(x)
        return x

    p = mlp(agp_ref[...], layers(0))
    s = mlp(ags_ref[...], layers(1))
    r = mlp(agr_ref[:, :64], layers(2))
    m = mlp(agm_ref[:, 64:], layers(3))
    it = mlp(itm_ref[...], layers(4))
    se = mlp(ops_ref[...], layers(5))
    comb = jnp.concatenate([p, s, r, m, it, se], axis=-1)
    out_ref[...] = mlp(comb, layers(6))


_BROW = 400


def _tc_mlps(ops, itm, agp, ags, agr, agm, flat_params):
    row_in = [
        pl.BlockSpec((_BROW, 128), lambda i: (i, 0)),
        pl.BlockSpec((_BROW, 128), lambda i: (i, 0)),
        pl.BlockSpec((_BROW, 128), lambda i: (i, 0)),
        pl.BlockSpec((_BROW, 128), lambda i: (i, 0)),
        pl.BlockSpec((_BROW, 128), lambda i: (i, 0)),
        pl.BlockSpec((_BROW, 128), lambda i: (i, 0)),
    ]
    w_in = [pl.BlockSpec(w.shape, lambda i: (0,) * w.ndim) for w in flat_params]
    return pl.pallas_call(
        _tc_body,
        grid=(N // _BROW,),
        in_specs=row_in + w_in,
        out_specs=pl.BlockSpec((_BROW, 128), lambda i: (i, 0)),
        out_shape=jax.ShapeDtypeStruct((N, 128), jnp.float32),
        compiler_params=pltpu.CompilerParams(
            dimension_semantics=("arbitrary",)),
    )(ops, itm, agp, ags, agr, agm, *flat_params)


def kernel(operations, items, related_items, materials, resources,
           need_for_resources_edge_index, need_for_materials_edge_index,
           precedences_edge_index, params):
    i32 = jnp.int32
    prec = precedences_edge_index.astype(i32)
    rese = need_for_resources_edge_index.astype(i32)
    mate = need_for_materials_edge_index.astype(i32)

    rel = jnp.concatenate(
        [related_items.astype(i32),
         jnp.zeros((NI - N,), i32)]).reshape(32, IT_NCH, IT_CH)
    z128 = jnp.zeros((ZR, 128), jnp.float32)
    rm = jnp.concatenate([resources, materials], axis=1)

    it_rows, agp, ags, agr, agm = _get_sc_kernel()(
        operations, items, rm, prec[0], prec[1], rese[0], rese[1],
        mate[0], mate[1], rel, z128)

    flat_params = []
    for name in ("predecessors", "successors", "resources", "materials",
                 "items", "self", "combined"):
        for layer in params[name]:
            flat_params.append(layer["W"])
            flat_params.append(layer["b"].reshape(1, -1))

    return _tc_mlps(operations, it_rows, agp, ags, agr, agm, flat_params)

# --- scband reference (transcript-rebuilt; emitter-appended) ---
"""Pipeline reference for scband-operation-embedding-layer-26517128085578 (READ-ONLY COPY).

The authoritative reference and input builder live on the scoring server;
editing this copy changes nothing except your own understanding.
"""

import jax, jax.numpy as jnp
import numpy as np

N_OPS = 10000
N_ITEMS = 10000
N_RES = 10000
N_MAT = 10000
E = 320000
OP_DIM = 128
ITEM_DIM = 128
RES_DIM = 64
MAT_DIM = 64
HID = 512
OUT = 128


def _init_linear(key, fan_in, fan_out):
    kw, kb = jax.random.split(key)
    lim = 1.0 / np.sqrt(fan_in)
    W = jax.random.uniform(kw, (fan_in, fan_out), minval=-lim, maxval=lim, dtype=jnp.float32)
    b = jax.random.uniform(kb, (fan_out,), minval=-lim, maxval=lim, dtype=jnp.float32)
    return {"W": W, "b": b}


def _init_mlp(key, dims):
    layers = []
    for i in range(len(dims) - 1):
        key, sub = jax.random.split(key)
        layers.append(_init_linear(sub, dims[i], dims[i + 1]))
    return layers


def _mlp_apply(layers, x):
    n = len(layers)
    for i, p in enumerate(layers):
        x = x @ p["W"] + p["b"]
        if i < n - 1:
            x = jax.nn.elu(x)
    return x


def setup_inputs(seed: int = 0) -> dict:
    key = jax.random.key(seed)
    ks = jax.random.split(key, 16)
    operations = jax.random.normal(ks[0], (N_OPS, OP_DIM), dtype=jnp.float32)
    items = jax.random.normal(ks[1], (N_ITEMS, ITEM_DIM), dtype=jnp.float32)
    related_items = jax.random.randint(ks[2], (N_OPS,), 0, N_ITEMS, dtype=jnp.int64 if jax.config.jax_enable_x64 else jnp.int32)
    materials = jax.random.normal(ks[3], (N_MAT, MAT_DIM), dtype=jnp.float32)
    resources = jax.random.normal(ks[4], (N_RES, RES_DIM), dtype=jnp.float32)
    res_ei = jax.random.randint(ks[5], (2, E), 0, N_OPS)
    mat_ei = jax.random.randint(ks[6], (2, E), 0, N_OPS)
    prec_ei = jax.random.randint(ks[7], (2, E), 0, N_OPS)
    first, second = HID, HID // 2
    params = {
        "combined": _init_mlp(ks[8], [4 * OUT + RES_DIM + MAT_DIM, first, second, OUT]),
        "items": _init_mlp(ks[9], [ITEM_DIM, first, second, OUT]),
        "predecessors": _init_mlp(ks[10], [OP_DIM, first, second, OUT]),
        "successors": _init_mlp(ks[11], [OP_DIM, first, second, OUT]),
        "resources": _init_mlp(ks[12], [RES_DIM, first, second, RES_DIM]),
        "materials": _init_mlp(ks[13], [MAT_DIM, first, second, MAT_DIM]),
        "self": _init_mlp(ks[14], [OP_DIM, first, second, OUT]),
    }
    return {
        "operations": operations,
        "items": items,
        "related_items": related_items,
        "materials": materials,
        "resources": resources,
        "need_for_resources_edge_index": res_ei,
        "need_for_materials_edge_index": mat_ei,
        "precedences_edge_index": prec_ei,
        "params": params,
    }


def reference(operations, items, related_items, materials, resources,
              need_for_resources_edge_index, need_for_materials_edge_index,
              precedences_edge_index, params):
    n = operations.shape[0]
    self_embeddings = _mlp_apply(params["self"], operations)
    item_embeddings = _mlp_apply(params["items"], items[related_items])

    mat_dst = need_for_materials_edge_index[0]
    materials_by_edge = materials[need_for_materials_edge_index[1]]
    agg_materials = jax.ops.segment_sum(materials_by_edge, mat_dst, num_segments=n)
    agg_materials_embeddings = _mlp_apply(params["materials"], agg_materials)

    res_dst = need_for_resources_edge_index[0]
    resources_by_edge = resources[need_for_resources_edge_index[1]]
    agg_resources = jax.ops.segment_sum(resources_by_edge, res_dst, num_segments=n)
    agg_resources_embeddings = _mlp_apply(params["resources"], agg_resources)

    pred_dst = precedences_edge_index[0]
    preds_by_edge = operations[precedences_edge_index[1]]
    agg_preds = jax.ops.segment_sum(preds_by_edge, pred_dst, num_segments=n)
    agg_preds_embeddings = _mlp_apply(params["predecessors"], agg_preds)

    succ_dst = precedences_edge_index[1]
    succs_by_edge = operations[precedences_edge_index[0]]
    agg_succs = jax.ops.segment_sum(succs_by_edge, succ_dst, num_segments=n)
    agg_succs_embeddings = _mlp_apply(params["successors"], agg_succs)

    combined = jnp.concatenate([
        agg_preds_embeddings, agg_succs_embeddings,
        agg_resources_embeddings, agg_materials_embeddings,
        item_embeddings, self_embeddings,
    ], axis=-1)
    return _mlp_apply(params["combined"], combined)

if __name__ == "__main__":
    import jax
    _d = setup_inputs()
    print(jax.jit(kernel)(*tuple(_d.values())))

</pallas_src>

<mosaic_0001>
#map = affine_map<(d0, d1) -> (0, 0)>
#map1 = affine_map<(d0, d1) -> (0)>
#map2 = affine_map<(d0, d1) -> (0, 0, 0)>
module attributes {stable_mosaic.version = 14 : i64} {
  func.func @_sc_gather_agg(%arg0: i32, %arg1: i32, %arg2: memref<10000x128xf32, #tpu.memory_space<hbm>>, %arg3: memref<10000x128xf32, #tpu.memory_space<hbm>>, %arg4: memref<10000x128xf32, #tpu.memory_space<hbm>>, %arg5: memref<320000xi32, #tpu.memory_space<hbm>>, %arg6: memref<320000xi32, #tpu.memory_space<hbm>>, %arg7: memref<320000xi32, #tpu.memory_space<hbm>>, %arg8: memref<320000xi32, #tpu.memory_space<hbm>>, %arg9: memref<320000xi32, #tpu.memory_space<hbm>>, %arg10: memref<320000xi32, #tpu.memory_space<hbm>>, %arg11: memref<32x5x64xi32, #tpu.memory_space<hbm>>, %arg12: memref<640x128xf32, #tpu.memory_space<hbm>>, %arg13: memref<10240x128xf32, #tpu.memory_space<hbm>>, %arg14: memref<10240x128xf32, #tpu.memory_space<hbm>>, %arg15: memref<10240x128xf32, #tpu.memory_space<hbm>>, %arg16: memref<10240x128xf32, #tpu.memory_space<hbm>>, %arg17: memref<10240x128xf32, #tpu.memory_space<hbm>>, %arg18: memref<2x128xi32, #tpu.memory_space<vmem>>, %arg19: memref<2x128xi32, #tpu.memory_space<vmem>>, %arg20: memref<2x128x128xf32, #tpu.memory_space<vmem>>, %arg21: memref<5x64xi32, #tpu.memory_space<vmem>>, %arg22: memref<10240x128xf32, #tpu.memory_space<vmem_shared>>, %arg23: memref<!tpu.dma_semaphore, #tpu.memory_space<semaphore_mem>>, %arg24: memref<!tpu.dma_semaphore, #tpu.memory_space<semaphore_mem>>, %arg25: memref<!tpu.dma_semaphore, #tpu.memory_space<semaphore_mem>>) attributes {dimension_semantics = [#tpu.dimension_semantics<core_parallel>, #tpu.dimension_semantics<subcore_parallel>], iteration_bounds = array<i64: 2, 16>, scalar_prefetch = 0 : i64, scratch_operands = 8 : i64, tpu.core_type = #tpu.core_type<sc_vector_subcore>, window_params = [{transform_indices = #map}, {transform_indices = #map}, {transform_indices = #map}, {transform_indices = #map1}, {transform_indices = #map1}, {transform_indices = #map1}, {transform_indices = #map1}, {transform_indices = #map1}, {transform_indices = #map1}, {transform_indices = #map2}, {transform_indices = #map}, {transform_indices = #map}, {transform_indices = #map}, {transform_indices = #map}, {transform_indices = #map}, {transform_indices = #map}]} {
    %mul3A = arith.constant 16 : i32
    %mul3A_0 = arith.muli %arg0, %mul3A : i32
    %add3A = arith.addi %mul3A_0, %arg1 : i32
    %mul3A_1 = arith.constant 20000 : i32
    %mul3A_2 = arith.muli %arg1, %mul3A_1 : i32
    %mul3A_3 = arith.constant 640 : i32
    %mul3A_4 = arith.muli %arg1, %mul3A_3 : i32
    "tpu.region"() ({
      %run_scoped3A_200 = tpu.sem_alloc : memref<!tpu.dma_semaphore, #tpu.memory_space<semaphore_mem>>
      %dma_start3A_201 = arith.constant 0 : i32
      %dma_start3A_202 = tpu.memref_slice %arg22[%mul3A_4, %dma_start3A_201] : memref<10240x128xf32, #tpu.memory_space<vmem_shared>> -> memref<640x128xf32, #tpu.memory_space<vmem_shared>>
      %dma_start3A_203 = arith.constant 0 : i32
      %dma_start3A_204 = arith.constant 0 : i32
      %dma_start3A_205 = tpu.memref_slice %arg12[%dma_start3A_203, %dma_start3A_204] : memref<640x128xf32, #tpu.memory_space<hbm>> -> memref<640x128xf32, #tpu.memory_space<hbm>>
      tpu.enqueue_dma source(%dma_start3A_205 : memref<640x128xf32, #tpu.memory_space<hbm>>) target(%dma_start3A_202 : memref<640x128xf32, #tpu.memory_space<vmem_shared>>) target_semaphore(%run_scoped3A_200 : memref<!tpu.dma_semaphore, #tpu.memory_space<semaphore_mem>>)
      %dma_wait3A_206 = arith.constant 0 : i32
      %dma_wait3A_207 = tpu.memref_slice %arg22[%mul3A_4, %dma_wait3A_206] : memref<10240x128xf32, #tpu.memory_space<vmem_shared>> -> memref<640x128xf32, #tpu.memory_space<vmem_shared>>
      %dma_wait3A_208 = arith.constant 0 : i32
      %dma_wait3A_209 = arith.constant 0 : i32
      %dma_wait3A_210 = tpu.memref_slice %arg12[%dma_wait3A_208, %dma_wait3A_209] : memref<640x128xf32, #tpu.memory_space<hbm>> -> memref<640x128xf32, #tpu.memory_space<hbm>>
      tpu.wait_dma2 semaphore(%run_scoped3A_200 : memref<!tpu.dma_semaphore, #tpu.memory_space<semaphore_mem>>) src(%dma_wait3A_210 : memref<640x128xf32, #tpu.memory_space<hbm>>) dst(%dma_wait3A_207 : memref<640x128xf32, #tpu.memory_space<vmem_shared>>)
      tpu.yield
    }) : () -> ()
    "tpu.region"() ({
      %run_scoped3A_200 = tpu.sem_alloc : memref<!tpu.dma_semaphore, #tpu.memory_space<semaphore_mem>>
      %dma_start3A_201 = arith.constant 0 : i32
      %dma_start3A_202 = arith.constant 0 : i32
      %dma_start3A_203 = tpu.memref_slice %arg11[%add3A, %dma_start3A_201, %dma_start3A_202] : memref<32x5x64xi32, #tpu.memory_space<hbm>> -> memref<1x5x64xi32, #tpu.memory_space<hbm>>
      %dma_start3A_204 = tpu.memref_squeeze %dma_start3A_203 : memref<1x5x64xi32, #tpu.memory_space<hbm>> -> memref<5x64xi32, #tpu.memory_space<hbm>>
      %dma_start3A_205 = arith.constant 0 : i32
      %dma_start3A_206 = arith.constant 0 : i32
      %dma_start3A_207 = tpu.memref_slice %arg11[%add3A, %dma_start3A_205, %dma_start3A_206] : memref<32x5x64xi32, #tpu.memory_space<hbm>> -> memref<1x5x64xi32, #tpu.memory_space<hbm>>
      %dma_start3A_208 = tpu.memref_squeeze %dma_start3A_207 : memref<1x5x64xi32, #tpu.memory_space<hbm>> -> memref<5x64xi32, #tpu.memory_space<hbm>>
      tpu.enqueue_dma source(%dma_start3A_208 : memref<5x64xi32, #tpu.memory_space<hbm>>) target(%arg21 : memref<5x64xi32, #tpu.memory_space<vmem>>) target_semaphore(%run_scoped3A_200 : memref<!tpu.dma_semaphore, #tpu.memory_space<semaphore_mem>>)
      %dma_wait3A_209 = arith.constant 0 : i32
      %dma_wait3A_210 = arith.constant 0 : i32
      %dma_wait3A_211 = tpu.memref_slice %arg11[%add3A, %dma_wait3A_209, %dma_wait3A_210] : memref<32x5x64xi32, #tpu.memory_space<hbm>> -> memref<1x5x64xi32, #tpu.memory_space<hbm>>
      %dma_wait3A_212 = tpu.memref_squeeze %dma_wait3A_211 : memref<1x5x64xi32, #tpu.memory_space<hbm>> -> memref<5x64xi32, #tpu.memory_space<hbm>>
      %dma_wait3A_213 = arith.constant 0 : i32
      %dma_wait3A_214 = arith.constant 0 : i32
      %dma_wait3A_215 = tpu.memref_slice %arg11[%add3A, %dma_wait3A_213, %dma_wait3A_214] : memref<32x5x64xi32, #tpu.memory_space<hbm>> -> memref<1x5x64xi32, #tpu.memory_space<hbm>>
      %dma_wait3A_216 = tpu.memref_squeeze %dma_wait3A_215 : memref<1x5x64xi32, #tpu.memory_space<hbm>> -> memref<5x64xi32, #tpu.memory_space<hbm>>
      tpu.wait_dma2 semaphore(%run_scoped3A_200 : memref<!tpu.dma_semaphore, #tpu.memory_space<semaphore_mem>>) src(%dma_wait3A_216 : memref<5x64xi32, #tpu.memory_space<hbm>>) dst(%arg21 : memref<5x64xi32, #tpu.memory_space<vmem>>)
      tpu.yield
    }) : () -> ()
    %dma_start3A = arith.constant 0 : i32
    %dma_start3A_5 = arith.constant 0 : i32
    %dma_start3A_6 = arith.constant 0 : i32
    %dma_start3A_7 = arith.constant 0 : i32
    %dma_start3A_8 = tpu.memref_slice %arg20[%dma_start3A_5, %dma_start3A_6, %dma_start3A_7] : memref<2x128x128xf32, #tpu.memory_space<vmem>> -> memref<1x64x128xf32, #tpu.memory_space<vmem>>
    %dma_start3A_9 = tpu.memref_squeeze %dma_start3A_8 : memref<1x64x128xf32, #tpu.memory_space<vmem>> -> memref<64x128xf32, #tpu.memory_space<vmem>>
    %dma_start3A_10 = arith.constant 0 : i32
    %dma_start3A_11 = tpu.memref_slice %arg21[%dma_start3A, %dma_start3A_10] : memref<5x64xi32, #tpu.memory_space<vmem>> -> memref<1x64xi32, #tpu.memory_space<vmem>>
    %dma_start3A_12 = tpu.memref_squeeze %dma_start3A_11 : memref<1x64xi32, #tpu.memory_space<vmem>> -> memref<64xi32, #tpu.memory_space<vmem>>
    %dma_start3A_13 = arith.constant 0 : i32
    %dma_start3A_14 = arith.constant 0 : i32
    %dma_start3A_15 = tpu.memref_slice %arg3[%dma_start3A_13, %dma_start3A_14] : memref<10000x128xf32, #tpu.memory_space<hbm>> -> memref<10000x128xf32, #tpu.memory_space<hbm>>
    tpu.enqueue_indirect_dma source(%dma_start3A_15 : memref<10000x128xf32, #tpu.memory_space<hbm>>) target(%dma_start3A_9 : memref<64x128xf32, #tpu.memory_space<vmem>>) offsets(%dma_start3A_12 : memref<64xi32, #tpu.memory_space<vmem>>) semaphore(%arg23 : memref<!tpu.dma_semaphore, #tpu.memory_space<semaphore_mem>>)
    %dma_wait3A = arith.constant 0 : i32
    %dma_wait3A_16 = arith.constant 0 : i32
    %dma_wait3A_17 = arith.constant 0 : i32
    %dma_wait3A_18 = arith.constant 0 : i32
    %dma_wait3A_19 = tpu.memref_slice %arg20[%dma_wait3A_16, %dma_wait3A_17, %dma_wait3A_18] : memref<2x128x128xf32, #tpu.memory_space<vmem>> -> memref<1x64x128xf32, #tpu.memory_space<vmem>>
    %dma_wait3A_20 = tpu.memref_squeeze %dma_wait3A_19 : memref<1x64x128xf32, #tpu.memory_space<vmem>> -> memref<64x128xf32, #tpu.memory_space<vmem>>
    %dma_wait3A_21 = arith.constant 0 : i32
    %dma_wait3A_22 = tpu.memref_slice %arg21[%dma_wait3A, %dma_wait3A_21] : memref<5x64xi32, #tpu.memory_space<vmem>> -> memref<1x64xi32, #tpu.memory_space<vmem>>
    %dma_wait3A_23 = tpu.memref_squeeze %dma_wait3A_22 : memref<1x64xi32, #tpu.memory_space<vmem>> -> memref<64xi32, #tpu.memory_space<vmem>>
    %dma_wait3A_24 = arith.constant 0 : i32
    %dma_wait3A_25 = arith.constant 0 : i32
    %dma_wait3A_26 = tpu.memref_slice %arg3[%dma_wait3A_24, %dma_wait3A_25] : memref<10000x128xf32, #tpu.memory_space<hbm>> -> memref<10000x128xf32, #tpu.memory_space<hbm>>
    tpu.wait_indirect_dma semaphore(%arg23 : memref<!tpu.dma_semaphore, #tpu.memory_space<semaphore_mem>>) src(%dma_wait3A_26 : memref<10000x128xf32, #tpu.memory_space<hbm>>) dst(%dma_wait3A_20 : memref<64x128xf32, #tpu.memory_space<vmem>>)
    %mul3A_27 = arith.constant 5 : i32
    %mul3A_28 = arith.muli %add3A, %mul3A_27 : i32
    %mul3A_29 = arith.constant 64 : i32
    %mul3A_30 = arith.muli %mul3A_28, %mul3A_29 : i32
    %add3A_31 = arith.constant 0 : i32
    %add3A_32 = arith.addi %mul3A_30, %add3A_31 : i32
    %run_scoped3A = arith.constant 0 : i32
    "tpu.region"() ({
      %run_scoped3A_200 = tpu.sem_alloc : memref<!tpu.dma_semaphore, #tpu.memory_space<semaphore_mem>>
      %dma_start3A_201 = arith.constant 0 : i32
      %dma_start3A_202 = arith.constant 0 : i32
      %dma_start3A_203 = tpu.memref_slice %arg20[%run_scoped3A, %dma_start3A_201, %dma_start3A_202] : memref<2x128x128xf32, #tpu.memory_space<vmem>> -> memref<1x64x128xf32, #tpu.memory_space<vmem>>
      %dma_start3A_204 = tpu.memref_squeeze %dma_start3A_203 : memref<1x64x128xf32, #tpu.memory_space<vmem>> -> memref<64x128xf32, #tpu.memory_space<vmem>>
      %dma_start3A_205 = arith.constant 0 : i32
      %dma_start3A_206 = tpu.memref_slice %arg13[%add3A_32, %dma_start3A_205] : memref<10240x128xf32, #tpu.memory_space<hbm>> -> memref<64x128xf32, #tpu.memory_space<hbm>>
      %dma_start3A_207 = arith.constant 0 : i32
      %dma_start3A_208 = tpu.memref_slice %arg13[%add3A_32, %dma_start3A_207] : memref<10240x128xf32, #tpu.memory_space<hbm>> -> memref<64x128xf32, #tpu.memory_space<hbm>>
      %dma_start3A_209 = arith.constant 0 : i32
      %dma_start3A_210 = arith.constant 0 : i32
      %dma_start3A_211 = tpu.memref_slice %arg20[%run_scoped3A, %dma_start3A_209, %dma_start3A_210] : memref<2x128x128xf32, #tpu.memory_space<vmem>> -> memref<1x64x128xf32, #tpu.memory_space<vmem>>
      %dma_start3A_212 = tpu.memref_squeeze %dma_start3A_211 : memref<1x64x128xf32, #tpu.memory_space<vmem>> -> memref<64x128xf32, #tpu.memory_space<vmem>>
      tpu.enqueue_dma source(%dma_start3A_212 : memref<64x128xf32, #tpu.memory_space<vmem>>) target(%dma_start3A_208 : memref<64x128xf32, #tpu.memory_space<hbm>>) target_semaphore(%run_scoped3A_200 : memref<!tpu.dma_semaphore, #tpu.memory_space<semaphore_mem>>)
      %dma_wait3A_213 = arith.constant 0 : i32
      %dma_wait3A_214 = arith.constant 0 : i32
      %dma_wait3A_215 = tpu.memref_slice %arg20[%run_scoped3A, %dma_wait3A_213, %dma_wait3A_214] : memref<2x128x128xf32, #tpu.memory_space<vmem>> -> memref<1x64x128xf32, #tpu.memory_space<vmem>>
      %dma_wait3A_216 = tpu.memref_squeeze %dma_wait3A_215 : memref<1x64x128xf32, #tpu.memory_space<vmem>> -> memref<64x128xf32, #tpu.memory_space<vmem>>
      %dma_wait3A_217 = arith.constant 0 : i32
      %dma_wait3A_218 = tpu.memref_slice %arg13[%add3A_32, %dma_wait3A_217] : memref<10240x128xf32, #tpu.memory_space<hbm>> -> memref<64x128xf32, #tpu.memory_space<hbm>>
      %dma_wait3A_219 = arith.constant 0 : i32
      %dma_wait3A_220 = tpu.memref_slice %arg13[%add3A_32, %dma_wait3A_219] : memref<10240x128xf32, #tpu.memory_space<hbm>> -> memref<64x128xf32, #tpu.memory_space<hbm>>
      %dma_wait3A_221 = arith.constant 0 : i32
      %dma_wait3A_222 = arith.constant 0 : i32
      %dma_wait3A_223 = tpu.memref_slice %arg20[%run_scoped3A, %dma_wait3A_221, %dma_wait3A_222] : memref<2x128x128xf32, #tpu.memory_space<vmem>> -> memref<1x64x128xf32, #tpu.memory_space<vmem>>
      %dma_wait3A_224 = tpu.memref_squeeze %dma_wait3A_223 : memref<1x64x128xf32, #tpu.memory_space<vmem>> -> memref<64x128xf32, #tpu.memory_space<vmem>>
      tpu.wait_dma2 semaphore(%run_scoped3A_200 : memref<!tpu.dma_semaphore, #tpu.memory_space<semaphore_mem>>) src(%dma_wait3A_224 : memref<64x128xf32, #tpu.memory_space<vmem>>) dst(%dma_wait3A_220 : memref<64x128xf32, #tpu.memory_space<hbm>>)
      tpu.yield
    }) : () -> ()
    %dma_start3A_33 = arith.constant 1 : i32
    %dma_start3A_34 = arith.constant 0 : i32
    %dma_start3A_35 = arith.constant 0 : i32
    %dma_start3A_36 = arith.constant 0 : i32
    %dma_start3A_37 = tpu.memref_slice %arg20[%dma_start3A_34, %dma_start3A_35, %dma_start3A_36] : memref<2x128x128xf32, #tpu.memory_space<vmem>> -> memref<1x64x128xf32, #tpu.memory_space<vmem>>
    %dma_start3A_38 = tpu.memref_squeeze %dma_start3A_37 : memref<1x64x128xf32, #tpu.memory_space<vmem>> -> memref<64x128xf32, #tpu.memory_space<vmem>>
    %dma_start3A_39 = arith.constant 0 : i32
    %dma_start3A_40 = tpu.memref_slice %arg21[%dma_start3A_33, %dma_start3A_39] : memref<5x64xi32, #tpu.memory_space<vmem>> -> memref<1x64xi32, #tpu.memory_space<vmem>>
    %dma_start3A_41 = tpu.memref_squeeze %dma_start3A_40 : memref<1x64xi32, #tpu.memory_space<vmem>> -> memref<64xi32, #tpu.memory_space<vmem>>
    %dma_start3A_42 = arith.constant 0 : i32
    %dma_start3A_43 = arith.constant 0 : i32
    %dma_start3A_44 = tpu.memref_slice %arg3[%dma_start3A_42, %dma_start3A_43] : memref<10000x128xf32, #tpu.memory_space<hbm>> -> memref<10000x128xf32, #tpu.memory_space<hbm>>
    tpu.enqueue_indirect_dma source(%dma_start3A_44 : memref<10000x128xf32, #tpu.memory_space<hbm>>) target(%dma_start3A_38 : memref<64x128xf32, #tpu.memory_space<vmem>>) offsets(%dma_start3A_41 : memref<64xi32, #tpu.memory_space<vmem>>) semaphore(%arg23 : memref<!tpu.dma_semaphore, #tpu.memory_space<semaphore_mem>>)
    %dma_wait3A_45 = arith.constant 1 : i32
    %dma_wait3A_46 = arith.constant 0 : i32
    %dma_wait3A_47 = arith.constant 0 : i32
    %dma_wait3A_48 = arith.constant 0 : i32
    %dma_wait3A_49 = tpu.memref_slice %arg20[%dma_wait3A_46, %dma_wait3A_47, %dma_wait3A_48] : memref<2x128x128xf32, #tpu.memory_space<vmem>> -> memref<1x64x128xf32, #tpu.memory_space<vmem>>
    %dma_wait3A_50 = tpu.memref_squeeze %dma_wait3A_49 : memref<1x64x128xf32, #tpu.memory_space<vmem>> -> memref<64x128xf32, #tpu.memory_space<vmem>>
    %dma_wait3A_51 = arith.constant 0 : i32
    %dma_wait3A_52 = tpu.memref_slice %arg21[%dma_wait3A_45, %dma_wait3A_51] : memref<5x64xi32, #tpu.memory_space<vmem>> -> memref<1x64xi32, #tpu.memory_space<vmem>>
    %dma_wait3A_53 = tpu.memref_squeeze %dma_wait3A_52 : memref<1x64xi32, #tpu.memory_space<vmem>> -> memref<64xi32, #tpu.memory_space<vmem>>
    %dma_wait3A_54 = arith.constant 0 : i32
    %dma_wait3A_55 = arith.constant 0 : i32
    %dma_wait3A_56 = tpu.memref_slice %arg3[%dma_wait3A_54, %dma_wait3A_55] : memref<10000x128xf32, #tpu.memory_space<hbm>> -> memref<10000x128xf32, #tpu.memory_space<hbm>>
    tpu.wait_indirect_dma semaphore(%arg23 : memref<!tpu.dma_semaphore, #tpu.memory_space<semaphore_mem>>) src(%dma_wait3A_56 : memref<10000x128xf32, #tpu.memory_space<hbm>>) dst(%dma_wait3A_50 : memref<64x128xf32, #tpu.memory_space<vmem>>)
    %mul3A_57 = arith.constant 5 : i32
    %mul3A_58 = arith.muli %add3A, %mul3A_57 : i32
    %mul3A_59 = arith.constant 64 : i32
    %mul3A_60 = arith.muli %mul3A_58, %mul3A_59 : i32
    %add3A_61 = arith.constant 64 : i32
    %add3A_62 = arith.addi %mul3A_60, %add3A_61 : i32
    %run_scoped3A_63 = arith.constant 0 : i32
    "tpu.region"() ({
      %run_scoped3A_200 = tpu.sem_alloc : memref<!tpu.dma_semaphore, #tpu.memory_space<semaphore_mem>>
      %dma_start3A_201 = arith.constant 0 : i32
      %dma_start3A_202 = arith.constant 0 : i32
      %dma_start3A_203 = tpu.memref_slice %arg20[%run_scoped3A_63, %dma_start3A_201, %dma_start3A_202] : memref<2x128x128xf32, #tpu.memory_space<vmem>> -> memref<1x64x128xf32, #tpu.memory_space<vmem>>
      %dma_start3A_204 = tpu.memref_squeeze %dma_start3A_203 : memref<1x64x128xf32, #tpu.memory_space<vmem>> -> memref<64x128xf32, #tpu.memory_space<vmem>>
      %dma_start3A_205 = arith.constant 0 : i32
      %dma_start3A_206 = tpu.memref_slice %arg13[%add3A_62, %dma_start3A_205] : memref<10240x128xf32, #tpu.memory_space<hbm>> -> memref<64x128xf32, #tpu.memory_space<hbm>>
      %dma_start3A_207 = arith.constant 0 : i32
      %dma_start3A_208 = tpu.memref_slice %arg13[%add3A_62, %dma_start3A_207] : memref<10240x128xf32, #tpu.memory_space<hbm>> -> memref<64x128xf32, #tpu.memory_space<hbm>>
      %dma_start3A_209 = arith.constant 0 : i32
      %dma_start3A_210 = arith.constant 0 : i32
      %dma_start3A_211 = tpu.memref_slice %arg20[%run_scoped3A_63, %dma_start3A_209, %dma_start3A_210] : memref<2x128x128xf32, #tpu.memory_space<vmem>> -> memref<1x64x128xf32, #tpu.memory_space<vmem>>
      %dma_start3A_212 = tpu.memref_squeeze %dma_start3A_211 : memref<1x64x128xf32, #tpu.memory_space<vmem>> -> memref<64x128xf32, #tpu.memory_space<vmem>>
      tpu.enqueue_dma source(%dma_start3A_212 : memref<64x128xf32, #tpu.memory_space<vmem>>) target(%dma_start3A_208 : memref<64x128xf32, #tpu.memory_space<hbm>>) target_semaphore(%run_scoped3A_200 : memref<!tpu.dma_semaphore, #tpu.memory_space<semaphore_mem>>)
      %dma_wait3A_213 = arith.constant 0 : i32
      %dma_wait3A_214 = arith.constant 0 : i32
      %dma_wait3A_215 = tpu.memref_slice %arg20[%run_scoped3A_63, %dma_wait3A_213, %dma_wait3A_214] : memref<2x128x128xf32, #tpu.memory_space<vmem>> -> memref<1x64x128xf32, #tpu.memory_space<vmem>>
      %dma_wait3A_216 = tpu.memref_squeeze %dma_wait3A_215 : memref<1x64x128xf32, #tpu.memory_space<vmem>> -> memref<64x128xf32, #tpu.memory_space<vmem>>
      %dma_wait3A_217 = arith.constant 0 : i32
      %dma_wait3A_218 = tpu.memref_slice %arg13[%add3A_62, %dma_wait3A_217] : memref<10240x128xf32, #tpu.memory_space<hbm>> -> memref<64x128xf32, #tpu.memory_space<hbm>>
      %dma_wait3A_219 = arith.constant 0 : i32
      %dma_wait3A_220 = tpu.memref_slice %arg13[%add3A_62, %dma_wait3A_219] : memref<10240x128xf32, #tpu.memory_space<hbm>> -> memref<64x128xf32, #tpu.memory_space<hbm>>
      %dma_wait3A_221 = arith.constant 0 : i32
      %dma_wait3A_222 = arith.constant 0 : i32
      %dma_wait3A_223 = tpu.memref_slice %arg20[%run_scoped3A_63, %dma_wait3A_221, %dma_wait3A_222] : memref<2x128x128xf32, #tpu.memory_space<vmem>> -> memref<1x64x128xf32, #tpu.memory_space<vmem>>
      %dma_wait3A_224 = tpu.memref_squeeze %dma_wait3A_223 : memref<1x64x128xf32, #tpu.memory_space<vmem>> -> memref<64x128xf32, #tpu.memory_space<vmem>>
      tpu.wait_dma2 semaphore(%run_scoped3A_200 : memref<!tpu.dma_semaphore, #tpu.memory_space<semaphore_mem>>) src(%dma_wait3A_224 : memref<64x128xf32, #tpu.memory_space<vmem>>) dst(%dma_wait3A_220 : memref<64x128xf32, #tpu.memory_space<hbm>>)
      tpu.yield
    }) : () -> ()
    %dma_start3A_64 = arith.constant 2 : i32
    %dma_start3A_65 = arith.constant 0 : i32
    %dma_start3A_66 = arith.constant 0 : i32
    %dma_start3A_67 = arith.constant 0 : i32
    %dma_start3A_68 = tpu.memref_slice %arg20[%dma_start3A_65, %dma_start3A_66, %dma_start3A_67] : memref<2x128x128xf32, #tpu.memory_space<vmem>> -> memref<1x64x128xf32, #tpu.memory_space<vmem>>
    %dma_start3A_69 = tpu.memref_squeeze %dma_start3A_68 : memref<1x64x128xf32, #tpu.memory_space<vmem>> -> memref<64x128xf32, #tpu.memory_space<vmem>>
    %dma_start3A_70 = arith.constant 0 : i32
    %dma_start3A_71 = tpu.memref_slice %arg21[%dma_start3A_64, %dma_start3A_70] : memref<5x64xi32, #tpu.memory_space<vmem>> -> memref<1x64xi32, #tpu.memory_space<vmem>>
    %dma_start3A_72 = tpu.memref_squeeze %dma_start3A_71 : memref<1x64xi32, #tpu.memory_space<vmem>> -> memref<64xi32, #tpu.memory_space<vmem>>
    %dma_start3A_73 = arith.constant 0 : i32
    %dma_start3A_74 = arith.constant 0 : i32
    %dma_start3A_75 = tpu.memref_slice %arg3[%dma_start3A_73, %dma_start3A_74] : memref<10000x128xf32, #tpu.memory_space<hbm>> -> memref<10000x128xf32, #tpu.memory_space<hbm>>
    tpu.enqueue_indirect_dma source(%dma_start3A_75 : memref<10000x128xf32, #tpu.memory_space<hbm>>) target(%dma_start3A_69 : memref<64x128xf32, #tpu.memory_space<vmem>>) offsets(%dma_start3A_72 : memref<64xi32, #tpu.memory_space<vmem>>) semaphore(%arg23 : memref<!tpu.dma_semaphore, #tpu.memory_space<semaphore_mem>>)
    %dma_wait3A_76 = arith.constant 2 : i32
    %dma_wait3A_77 = arith.constant 0 : i32
    %dma_wait3A_78 = arith.constant 0 : i32
    %dma_wait3A_79 = arith.constant 0 : i32
    %dma_wait3A_80 = tpu.memref_slice %arg20[%dma_wait3A_77, %dma_wait3A_78, %dma_wait3A_79] : memref<2x128x128xf32, #tpu.memory_space<vmem>> -> memref<1x64x128xf32, #tpu.memory_space<vmem>>
    %dma_wait3A_81 = tpu.memref_squeeze %dma_wait3A_80 : memref<1x64x128xf32, #tpu.memory_space<vmem>> -> memref<64x128xf32, #tpu.memory_space<vmem>>
    %dma_wait3A_82 = arith.constant 0 : i32
    %dma_wait3A_83 = tpu.memref_slice %arg21[%dma_wait3A_76, %dma_wait3A_82] : memref<5x64xi32, #tpu.memory_space<vmem>> -> memref<1x64xi32, #tpu.memory_space<vmem>>
    %dma_wait3A_84 = tpu.memref_squeeze %dma_wait3A_83 : memref<1x64xi32, #tpu.memory_space<vmem>> -> memref<64xi32, #tpu.memory_space<vmem>>
    %dma_wait3A_85 = arith.constant 0 : i32
    %dma_wait3A_86 = arith.constant 0 : i32
    %dma_wait3A_87 = tpu.memref_slice %arg3[%dma_wait3A_85, %dma_wait3A_86] : memref<10000x128xf32, #tpu.memory_space<hbm>> -> memref<10000x128xf32, #tpu.memory_space<hbm>>
    tpu.wait_indirect_dma semaphore(%arg23 : memref<!tpu.dma_semaphore, #tpu.memory_space<semaphore_mem>>) src(%dma_wait3A_87 : memref<10000x128xf32, #tpu.memory_space<hbm>>) dst(%dma_wait3A_81 : memref<64x128xf32, #tpu.memory_space<vmem>>)
    %mul3A_88 = arith.constant 5 : i32
    %mul3A_89 = arith.muli %add3A, %mul3A_88 : i32
    %mul3A_90 = arith.constant 64 : i32
    %mul3A_91 = arith.muli %mul3A_89, %mul3A_90 : i32
    %add3A_92 = arith.constant 128 : i32
    %add3A_93 = arith.addi %mul3A_91, %add3A_92 : i32
    %run_scoped3A_94 = arith.constant 0 : i32
    "tpu.region"() ({
      %run_scoped3A_200 = tpu.sem_alloc : memref<!tpu.dma_semaphore, #tpu.memory_space<semaphore_mem>>
      %dma_start3A_201 = arith.constant 0 : i32
      %dma_start3A_202 = arith.constant 0 : i32
      %dma_start3A_203 = tpu.memref_slice %arg20[%run_scoped3A_94, %dma_start3A_201, %dma_start3A_202] : memref<2x128x128xf32, #tpu.memory_space<vmem>> -> memref<1x64x128xf32, #tpu.memory_space<vmem>>
      %dma_start3A_204 = tpu.memref_squeeze %dma_start3A_203 : memref<1x64x128xf32, #tpu.memory_space<vmem>> -> memref<64x128xf32, #tpu.memory_space<vmem>>
      %dma_start3A_205 = arith.constant 0 : i32
      %dma_start3A_206 = tpu.memref_slice %arg13[%add3A_93, %dma_start3A_205] : memref<10240x128xf32, #tpu.memory_space<hbm>> -> memref<64x128xf32, #tpu.memory_space<hbm>>
      %dma_start3A_207 = arith.constant 0 : i32
      %dma_start3A_208 = tpu.memref_slice %arg13[%add3A_93, %dma_start3A_207] : memref<10240x128xf32, #tpu.memory_space<hbm>> -> memref<64x128xf32, #tpu.memory_space<hbm>>
      %dma_start3A_209 = arith.constant 0 : i32
      %dma_start3A_210 = arith.constant 0 : i32
      %dma_start3A_211 = tpu.memref_slice %arg20[%run_scoped3A_94, %dma_start3A_209, %dma_start3A_210] : memref<2x128x128xf32, #tpu.memory_space<vmem>> -> memref<1x64x128xf32, #tpu.memory_space<vmem>>
      %dma_start3A_212 = tpu.memref_squeeze %dma_start3A_211 : memref<1x64x128xf32, #tpu.memory_space<vmem>> -> memref<64x128xf32, #tpu.memory_space<vmem>>
      tpu.enqueue_dma source(%dma_start3A_212 : memref<64x128xf32, #tpu.memory_space<vmem>>) target(%dma_start3A_208 : memref<64x128xf32, #tpu.memory_space<hbm>>) target_semaphore(%run_scoped3A_200 : memref<!tpu.dma_semaphore, #tpu.memory_space<semaphore_mem>>)
      %dma_wait3A_213 = arith.constant 0 : i32
      %dma_wait3A_214 = arith.constant 0 : i32
      %dma_wait3A_215 = tpu.memref_slice %arg20[%run_scoped3A_94, %dma_wait3A_213, %dma_wait3A_214] : memref<2x128x128xf32, #tpu.memory_space<vmem>> -> memref<1x64x128xf32, #tpu.memory_space<vmem>>
      %dma_wait3A_216 = tpu.memref_squeeze %dma_wait3A_215 : memref<1x64x128xf32, #tpu.memory_space<vmem>> -> memref<64x128xf32, #tpu.memory_space<vmem>>
      %dma_wait3A_217 = arith.constant 0 : i32
      %dma_wait3A_218 = tpu.memref_slice %arg13[%add3A_93, %dma_wait3A_217] : memref<10240x128xf32, #tpu.memory_space<hbm>> -> memref<64x128xf32, #tpu.memory_space<hbm>>
      %dma_wait3A_219 = arith.constant 0 : i32
      %dma_wait3A_220 = tpu.memref_slice %arg13[%add3A_93, %dma_wait3A_219] : memref<10240x128xf32, #tpu.memory_space<hbm>> -> memref<64x128xf32, #tpu.memory_space<hbm>>
      %dma_wait3A_221 = arith.constant 0 : i32
      %dma_wait3A_222 = arith.constant 0 : i32
      %dma_wait3A_223 = tpu.memref_slice %arg20[%run_scoped3A_94, %dma_wait3A_221, %dma_wait3A_222] : memref<2x128x128xf32, #tpu.memory_space<vmem>> -> memref<1x64x128xf32, #tpu.memory_space<vmem>>
      %dma_wait3A_224 = tpu.memref_squeeze %dma_wait3A_223 : memref<1x64x128xf32, #tpu.memory_space<vmem>> -> memref<64x128xf32, #tpu.memory_space<vmem>>
      tpu.wait_dma2 semaphore(%run_scoped3A_200 : memref<!tpu.dma_semaphore, #tpu.memory_space<semaphore_mem>>) src(%dma_wait3A_224 : memref<64x128xf32, #tpu.memory_space<vmem>>) dst(%dma_wait3A_220 : memref<64x128xf32, #tpu.memory_space<hbm>>)
      tpu.yield
    }) : () -> ()
    %dma_start3A_95 = arith.constant 3 : i32
    %dma_start3A_96 = arith.constant 0 : i32
    %dma_start3A_97 = arith.constant 0 : i32
    %dma_start3A_98 = arith.constant 0 : i32
    %dma_start3A_99 = tpu.memref_slice %arg20[%dma_start3A_96, %dma_start3A_97, %dma_start3A_98] : memref<2x128x128xf32, #tpu.memory_space<vmem>> -> memref<1x64x128xf32, #tpu.memory_space<vmem>>
    %dma_start3A_100 = tpu.memref_squeeze %dma_start3A_99 : memref<1x64x128xf32, #tpu.memory_space<vmem>> -> memref<64x128xf32, #tpu.memory_space<vmem>>
    %dma_start3A_101 = arith.constant 0 : i32
    %dma_start3A_102 = tpu.memref_slice %arg21[%dma_start3A_95, %dma_start3A_101] : memref<5x64xi32, #tpu.memory_space<vmem>> -> memref<1x64xi32, #tpu.memory_space<vmem>>
    %dma_start3A_103 = tpu.memref_squeeze %dma_start3A_102 : memref<1x64xi32, #tpu.memory_space<vmem>> -> memref<64xi32, #tpu.memory_space<vmem>>
    %dma_start3A_104 = arith.constant 0 : i32
    %dma_start3A_105 = arith.constant 0 : i32
    %dma_start3A_106 = tpu.memref_slice %arg3[%dma_start3A_104, %dma_start3A_105] : memref<10000x128xf32, #tpu.memory_space<hbm>> -> memref<10000x128xf32, #tpu.memory_space<hbm>>
    tpu.enqueue_indirect_dma source(%dma_start3A_106 : memref<10000x128xf32, #tpu.memory_space<hbm>>) target(%dma_start3A_100 : memref<64x128xf32, #tpu.memory_space<vmem>>) offsets(%dma_start3A_103 : memref<64xi32, #tpu.memory_space<vmem>>) semaphore(%arg23 : memref<!tpu.dma_semaphore, #tpu.memory_space<semaphore_mem>>)
    %dma_wait3A_107 = arith.constant 3 : i32
    %dma_wait3A_108 = arith.constant 0 : i32
    %dma_wait3A_109 = arith.constant 0 : i32
    %dma_wait3A_110 = arith.constant 0 : i32
    %dma_wait3A_111 = tpu.memref_slice %arg20[%dma_wait3A_108, %dma_wait3A_109, %dma_wait3A_110] : memref<2x128x128xf32, #tpu.memory_space<vmem>> -> memref<1x64x128xf32, #tpu.memory_space<vmem>>
    %dma_wait3A_112 = tpu.memref_squeeze %dma_wait3A_111 : memref<1x64x128xf32, #tpu.memory_space<vmem>> -> memref<64x128xf32, #tpu.memory_space<vmem>>
    %dma_wait3A_113 = arith.constant 0 : i32
    %dma_wait3A_114 = tpu.memref_slice %arg21[%dma_wait3A_107, %dma_wait3A_113] : memref<5x64xi32, #tpu.memory_space<vmem>> -> memref<1x64xi32, #tpu.memory_space<vmem>>
    %dma_wait3A_115 = tpu.memref_squeeze %dma_wait3A_114 : memref<1x64xi32, #tpu.memory_space<vmem>> -> memref<64xi32, #tpu.memory_space<vmem>>
    %dma_wait3A_116 = arith.constant 0 : i32
    %dma_wait3A_117 = arith.constant 0 : i32
    %dma_wait3A_118 = tpu.memref_slice %arg3[%dma_wait3A_116, %dma_wait3A_117] : memref<10000x128xf32, #tpu.memory_space<hbm>> -> memref<10000x128xf32, #tpu.memory_space<hbm>>
    tpu.wait_indirect_dma semaphore(%arg23 : memref<!tpu.dma_semaphore, #tpu.memory_space<semaphore_mem>>) src(%dma_wait3A_118 : memref<10000x128xf32, #tpu.memory_space<hbm>>) dst(%dma_wait3A_112 : memref<64x128xf32, #tpu.memory_space<vmem>>)
    %mul3A_119 = arith.constant 5 : i32
    %mul3A_120 = arith.muli %add3A, %mul3A_119 : i32
    %mul3A_121 = arith.constant 64 : i32
    %mul3A_122 = arith.muli %mul3A_120, %mul3A_121 : i32
    %add3A_123 = arith.constant 192 : i32
    %add3A_124 = arith.addi %mul3A_122, %add3A_123 : i32
    %run_scoped3A_125 = arith.constant 0 : i32
    "tpu.region"() ({
      %run_scoped3A_200 = tpu.sem_alloc : memref<!tpu.dma_semaphore, #tpu.memory_space<semaphore_mem>>
      %dma_start3A_201 = arith.constant 0 : i32
      %dma_start3A_202 = arith.constant 0 : i32
      %dma_start3A_203 = tpu.memref_slice %arg20[%run_scoped3A_125, %dma_start3A_201, %dma_start3A_202] : memref<2x128x128xf32, #tpu.memory_space<vmem>> -> memref<1x64x128xf32, #tpu.memory_space<vmem>>
      %dma_start3A_204 = tpu.memref_squeeze %dma_start3A_203 : memref<1x64x128xf32, #tpu.memory_space<vmem>> -> memref<64x128xf32, #tpu.memory_space<vmem>>
      %dma_start3A_205 = arith.constant 0 : i32
      %dma_start3A_206 = tpu.memref_slice %arg13[%add3A_124, %dma_start3A_205] : memref<10240x128xf32, #tpu.memory_space<hbm>> -> memref<64x128xf32, #tpu.memory_space<hbm>>
      %dma_start3A_207 = arith.constant 0 : i32
      %dma_start3A_208 = tpu.memref_slice %arg13[%add3A_124, %dma_start3A_207] : memref<10240x128xf32, #tpu.memory_space<hbm>> -> memref<64x128xf32, #tpu.memory_space<hbm>>
      %dma_start3A_209 = arith.constant 0 : i32
      %dma_start3A_210 = arith.constant 0 : i32
      %dma_start3A_211 = tpu.memref_slice %arg20[%run_scoped3A_125, %dma_start3A_209, %dma_start3A_210] : memref<2x128x128xf32, #tpu.memory_space<vmem>> -> memref<1x64x128xf32, #tpu.memory_space<vmem>>
      %dma_start3A_212 = tpu.memref_squeeze %dma_start3A_211 : memref<1x64x128xf32, #tpu.memory_space<vmem>> -> memref<64x128xf32, #tpu.memory_space<vmem>>
      tpu.enqueue_dma source(%dma_start3A_212 : memref<64x128xf32, #tpu.memory_space<vmem>>) target(%dma_start3A_208 : memref<64x128xf32, #tpu.memory_space<hbm>>) target_semaphore(%run_scoped3A_200 : memref<!tpu.dma_semaphore, #tpu.memory_space<semaphore_mem>>)
      %dma_wait3A_213 = arith.constant 0 : i32
      %dma_wait3A_214 = arith.constant 0 : i32
      %dma_wait3A_215 = tpu.memref_slice %arg20[%run_scoped3A_125, %dma_wait3A_213, %dma_wait3A_214] : memref<2x128x128xf32, #tpu.memory_space<vmem>> -> memref<1x64x128xf32, #tpu.memory_space<vmem>>
      %dma_wait3A_216 = tpu.memref_squeeze %dma_wait3A_215 : memref<1x64x128xf32, #tpu.memory_space<vmem>> -> memref<64x128xf32, #tpu.memory_space<vmem>>
      %dma_wait3A_217 = arith.constant 0 : i32
      %dma_wait3A_218 = tpu.memref_slice %arg13[%add3A_124, %dma_wait3A_217] : memref<10240x128xf32, #tpu.memory_space<hbm>> -> memref<64x128xf32, #tpu.memory_space<hbm>>
      %dma_wait3A_219 = arith.constant 0 : i32
      %dma_wait3A_220 = tpu.memref_slice %arg13[%add3A_124, %dma_wait3A_219] : memref<10240x128xf32, #tpu.memory_space<hbm>> -> memref<64x128xf32, #tpu.memory_space<hbm>>
      %dma_wait3A_221 = arith.constant 0 : i32
      %dma_wait3A_222 = arith.constant 0 : i32
      %dma_wait3A_223 = tpu.memref_slice %arg20[%run_scoped3A_125, %dma_wait3A_221, %dma_wait3A_222] : memref<2x128x128xf32, #tpu.memory_space<vmem>> -> memref<1x64x128xf32, #tpu.memory_space<vmem>>
      %dma_wait3A_224 = tpu.memref_squeeze %dma_wait3A_223 : memref<1x64x128xf32, #tpu.memory_space<vmem>> -> memref<64x128xf32, #tpu.memory_space<vmem>>
      tpu.wait_dma2 semaphore(%run_scoped3A_200 : memref<!tpu.dma_semaphore, #tpu.memory_space<semaphore_mem>>) src(%dma_wait3A_224 : memref<64x128xf32, #tpu.memory_space<vmem>>) dst(%dma_wait3A_220 : memref<64x128xf32, #tpu.memory_space<hbm>>)
      tpu.yield
    }) : () -> ()
    %dma_start3A_126 = arith.constant 4 : i32
    %dma_start3A_127 = arith.constant 0 : i32
    %dma_start3A_128 = arith.constant 0 : i32
    %dma_start3A_129 = arith.constant 0 : i32
    %dma_start3A_130 = tpu.memref_slice %arg20[%dma_start3A_127, %dma_start3A_128, %dma_start3A_129] : memref<2x128x128xf32, #tpu.memory_space<vmem>> -> memref<1x64x128xf32, #tpu.memory_space<vmem>>
    %dma_start3A_131 = tpu.memref_squeeze %dma_start3A_130 : memref<1x64x128xf32, #tpu.memory_space<vmem>> -> memref<64x128xf32, #tpu.memory_space<vmem>>
    %dma_start3A_132 = arith.constant 0 : i32
    %dma_start3A_133 = tpu.memref_slice %arg21[%dma_start3A_126, %dma_start3A_132] : memref<5x64xi32, #tpu.memory_space<vmem>> -> memref<1x64xi32, #tpu.memory_space<vmem>>
    %dma_start3A_134 = tpu.memref_squeeze %dma_start3A_133 : memref<1x64xi32, #tpu.memory_space<vmem>> -> memref<64xi32, #tpu.memory_space<vmem>>
    %dma_start3A_135 = arith.constant 0 : i32
    %dma_start3A_136 = arith.constant 0 : i32
    %dma_start3A_137 = tpu.memref_slice %arg3[%dma_start3A_135, %dma_start3A_136] : memref<10000x128xf32, #tpu.memory_space<hbm>> -> memref<10000x128xf32, #tpu.memory_space<hbm>>
    tpu.enqueue_indirect_dma source(%dma_start3A_137 : memref<10000x128xf32, #tpu.memory_space<hbm>>) target(%dma_start3A_131 : memref<64x128xf32, #tpu.memory_space<vmem>>) offsets(%dma_start3A_134 : memref<64xi32, #tpu.memory_space<vmem>>) semaphore(%arg23 : memref<!tpu.dma_semaphore, #tpu.memory_space<semaphore_mem>>)
    %dma_wait3A_138 = arith.constant 4 : i32
    %dma_wait3A_139 = arith.constant 0 : i32
    %dma_wait3A_140 = arith.constant 0 : i32
    %dma_wait3A_141 = arith.constant 0 : i32
    %dma_wait3A_142 = tpu.memref_slice %arg20[%dma_wait3A_139, %dma_wait3A_140, %dma_wait3A_141] : memref<2x128x128xf32, #tpu.memory_space<vmem>> -> memref<1x64x128xf32, #tpu.memory_space<vmem>>
    %dma_wait3A_143 = tpu.memref_squeeze %dma_wait3A_142 : memref<1x64x128xf32, #tpu.memory_space<vmem>> -> memref<64x128xf32, #tpu.memory_space<vmem>>
    %dma_wait3A_144 = arith.constant 0 : i32
    %dma_wait3A_145 = tpu.memref_slice %arg21[%dma_wait3A_138, %dma_wait3A_144] : memref<5x64xi32, #tpu.memory_space<vmem>> -> memref<1x64xi32, #tpu.memory_space<vmem>>
    %dma_wait3A_146 = tpu.memref_squeeze %dma_wait3A_145 : memref<1x64xi32, #tpu.memory_space<vmem>> -> memref<64xi32, #tpu.memory_space<vmem>>
    %dma_wait3A_147 = arith.constant 0 : i32
    %dma_wait3A_148 = arith.constant 0 : i32
    %dma_wait3A_149 = tpu.memref_slice %arg3[%dma_wait3A_147, %dma_wait3A_148] : memref<10000x128xf32, #tpu.memory_space<hbm>> -> memref<10000x128xf32, #tpu.memory_space<hbm>>
    tpu.wait_indirect_dma semaphore(%arg23 : memref<!tpu.dma_semaphore, #tpu.memory_space<semaphore_mem>>) src(%dma_wait3A_149 : memref<10000x128xf32, #tpu.memory_space<hbm>>) dst(%dma_wait3A_143 : memref<64x128xf32, #tpu.memory_space<vmem>>)
    %mul3A_150 = arith.constant 5 : i32
    %mul3A_151 = arith.muli %add3A, %mul3A_150 : i32
    %mul3A_152 = arith.constant 64 : i32
    %mul3A_153 = arith.muli %mul3A_151, %mul3A_152 : i32
    %add3A_154 = arith.constant 256 : i32
    %add3A_155 = arith.addi %mul3A_153, %add3A_154 : i32
    %run_scoped3A_156 = arith.constant 0 : i32
    "tpu.region"() ({
      %run_scoped3A_200 = tpu.sem_alloc : memref<!tpu.dma_semaphore, #tpu.memory_space<semaphore_mem>>
      %dma_start3A_201 = arith.constant 0 : i32
      %dma_start3A_202 = arith.constant 0 : i32
      %dma_start3A_203 = tpu.memref_slice %arg20[%run_scoped3A_156, %dma_start3A_201, %dma_start3A_202] : memref<2x128x128xf32, #tpu.memory_space<vmem>> -> memref<1x64x128xf32, #tpu.memory_space<vmem>>
      %dma_start3A_204 = tpu.memref_squeeze %dma_start3A_203 : memref<1x64x128xf32, #tpu.memory_space<vmem>> -> memref<64x128xf32, #tpu.memory_space<vmem>>
      %dma_start3A_205 = arith.constant 0 : i32
      %dma_start3A_206 = tpu.memref_slice %arg13[%add3A_155, %dma_start3A_205] : memref<10240x128xf32, #tpu.memory_space<hbm>> -> memref<64x128xf32, #tpu.memory_space<hbm>>
      %dma_start3A_207 = arith.constant 0 : i32
      %dma_start3A_208 = tpu.memref_slice %arg13[%add3A_155, %dma_start3A_207] : memref<10240x128xf32, #tpu.memory_space<hbm>> -> memref<64x128xf32, #tpu.memory_space<hbm>>
      %dma_start3A_209 = arith.constant 0 : i32
      %dma_start3A_210 = arith.constant 0 : i32
      %dma_start3A_211 = tpu.memref_slice %arg20[%run_scoped3A_156, %dma_start3A_209, %dma_start3A_210] : memref<2x128x128xf32, #tpu.memory_space<vmem>> -> memref<1x64x128xf32, #tpu.memory_space<vmem>>
      %dma_start3A_212 = tpu.memref_squeeze %dma_start3A_211 : memref<1x64x128xf32, #tpu.memory_space<vmem>> -> memref<64x128xf32, #tpu.memory_space<vmem>>
      tpu.enqueue_dma source(%dma_start3A_212 : memref<64x128xf32, #tpu.memory_space<vmem>>) target(%dma_start3A_208 : memref<64x128xf32, #tpu.memory_space<hbm>>) target_semaphore(%run_scoped3A_200 : memref<!tpu.dma_semaphore, #tpu.memory_space<semaphore_mem>>)
      %dma_wait3A_213 = arith.constant 0 : i32
      %dma_wait3A_214 = arith.constant 0 : i32
      %dma_wait3A_215 = tpu.memref_slice %arg20[%run_scoped3A_156, %dma_wait3A_213, %dma_wait3A_214] : memref<2x128x128xf32, #tpu.memory_space<vmem>> -> memref<1x64x128xf32, #tpu.memory_space<vmem>>
      %dma_wait3A_216 = tpu.memref_squeeze %dma_wait3A_215 : memref<1x64x128xf32, #tpu.memory_space<vmem>> -> memref<64x128xf32, #tpu.memory_space<vmem>>
      %dma_wait3A_217 = arith.constant 0 : i32
      %dma_wait3A_218 = tpu.memref_slice %arg13[%add3A_155, %dma_wait3A_217] : memref<10240x128xf32, #tpu.memory_space<hbm>> -> memref<64x128xf32, #tpu.memory_space<hbm>>
      %dma_wait3A_219 = arith.constant 0 : i32
      %dma_wait3A_220 = tpu.memref_slice %arg13[%add3A_155, %dma_wait3A_219] : memref<10240x128xf32, #tpu.memory_space<hbm>> -> memref<64x128xf32, #tpu.memory_space<hbm>>
      %dma_wait3A_221 = arith.constant 0 : i32
      %dma_wait3A_222 = arith.constant 0 : i32
      %dma_wait3A_223 = tpu.memref_slice %arg20[%run_scoped3A_156, %dma_wait3A_221, %dma_wait3A_222] : memref<2x128x128xf32, #tpu.memory_space<vmem>> -> memref<1x64x128xf32, #tpu.memory_space<vmem>>
      %dma_wait3A_224 = tpu.memref_squeeze %dma_wait3A_223 : memref<1x64x128xf32, #tpu.memory_space<vmem>> -> memref<64x128xf32, #tpu.memory_space<vmem>>
      tpu.wait_dma2 semaphore(%run_scoped3A_200 : memref<!tpu.dma_semaphore, #tpu.memory_space<semaphore_mem>>) src(%dma_wait3A_224 : memref<64x128xf32, #tpu.memory_space<vmem>>) dst(%dma_wait3A_220 : memref<64x128xf32, #tpu.memory_space<hbm>>)
      tpu.yield
    }) : () -> ()
    %barrier3A = arith.constant 0 : index
    tpu.barrier barrier_id(%barrier3A)
    %eq3A = arith.constant 0 : i32
    %eq3A_157 = arith.cmpi eq, %arg0, %eq3A : i32
    %convert_element_type3A = arith.extui %eq3A_157 : i1 to i32
    %cond3A = arith.constant 0 : i32
    %cond3A_158 = arith.cmpi ne, %convert_element_type3A, %cond3A : i32
    scf.if %cond3A_158 {
      %add3A_200 = arith.constant 0 : i32
      %add3A_201 = arith.addi %mul3A_2, %add3A_200 : i32
      %dma_start3A_202 = arith.constant 0 : i32
      %dma_start3A_203 = arith.constant 0 : i32
      %dma_start3A_204 = tpu.memref_slice %arg18[%dma_start3A_202, %dma_start3A_203] : memref<2x128xi32, #tpu.memory_space<vmem>> -> memref<1x128xi32, #tpu.memory_space<vmem>>
      %dma_start3A_205 = tpu.memref_squeeze %dma_start3A_204 : memref<1x128xi32, #tpu.memory_space<vmem>> -> memref<128xi32, #tpu.memory_space<vmem>>
      %dma_start3A_206 = tpu.memref_slice %arg6[%add3A_201] : memref<320000xi32, #tpu.memory_space<hbm>> -> memref<128xi32, #tpu.memory_space<hbm>>
      %dma_start3A_207 = arith.constant 0 : i32
      %dma_start3A_208 = tpu.memref_slice %arg18[%dma_start3A_202, %dma_start3A_207] : memref<2x128xi32, #tpu.memory_space<vmem>> -> memref<1x128xi32, #tpu.memory_space<vmem>>
      %dma_start3A_209 = tpu.memref_squeeze %dma_start3A_208 : memref<1x128xi32, #tpu.memory_space<vmem>> -> memref<128xi32, #tpu.memory_space<vmem>>
      %dma_start3A_210 = tpu.memref_slice %arg6[%add3A_201] : memref<320000xi32, #tpu.memory_space<hbm>> -> memref<128xi32, #tpu.memory_space<hbm>>
      tpu.enqueue_dma source(%dma_start3A_210 : memref<128xi32, #tpu.memory_space<hbm>>) target(%dma_start3A_209 : memref<128xi32, #tpu.memory_space<vmem>>) target_semaphore(%arg24 : memref<!tpu.dma_semaphore, #tpu.memory_space<semaphore_mem>>)
      %add3A_211 = arith.constant 0 : i32
      %add3A_212 = arith.addi %mul3A_2, %add3A_211 : i32
      %dma_start3A_213 = arith.constant 0 : i32
      %dma_start3A_214 = arith.constant 0 : i32
      %dma_start3A_215 = tpu.memref_slice %arg19[%dma_start3A_213, %dma_start3A_214] : memref<2x128xi32, #tpu.memory_space<vmem>> -> memref<1x128xi32, #tpu.memory_space<vmem>>
      %dma_start3A_216 = tpu.memref_squeeze %dma_start3A_215 : memref<1x128xi32, #tpu.memory_space<vmem>> -> memref<128xi32, #tpu.memory_space<vmem>>
      %dma_start3A_217 = tpu.memref_slice %arg5[%add3A_212] : memref<320000xi32, #tpu.memory_space<hbm>> -> memref<128xi32, #tpu.memory_space<hbm>>
      %dma_start3A_218 = arith.constant 0 : i32
      %dma_start3A_219 = tpu.memref_slice %arg19[%dma_start3A_213, %dma_start3A_218] : memref<2x128xi32, #tpu.memory_space<vmem>> -> memref<1x128xi32, #tpu.memory_space<vmem>>
      %dma_start3A_220 = tpu.memref_squeeze %dma_start3A_219 : memref<1x128xi32, #tpu.memory_space<vmem>> -> memref<128xi32, #tpu.memory_space<vmem>>
      %dma_start3A_221 = tpu.memref_slice %arg5[%add3A_212] : memref<320000xi32, #tpu.memory_space<hbm>> -> memref<128xi32, #tpu.memory_space<hbm>>
      tpu.enqueue_dma source(%dma_start3A_221 : memref<128xi32, #tpu.memory_space<hbm>>) target(%dma_start3A_220 : memref<128xi32, #tpu.memory_space<vmem>>) target_semaphore(%arg24 : memref<!tpu.dma_semaphore, #tpu.memory_space<semaphore_mem>>)
      %dma_wait3A_222 = arith.constant 0 : i32
      %dma_wait3A_223 = arith.constant 0 : i32
      %dma_wait3A_224 = tpu.memref_slice %arg18[%dma_wait3A_222, %dma_wait3A_223] : memref<2x128xi32, #tpu.memory_space<vmem>> -> memref<1x128xi32, #tpu.memory_space<vmem>>
      %dma_wait3A_225 = tpu.memref_squeeze %dma_wait3A_224 : memref<1x128xi32, #tpu.memory_space<vmem>> -> memref<128xi32, #tpu.memory_space<vmem>>
      %dma_wait3A_226 = arith.constant 0 : i32
      %dma_wait3A_227 = tpu.memref_slice %arg6[%dma_wait3A_226] : memref<320000xi32, #tpu.memory_space<hbm>> -> memref<128xi32, #tpu.memory_space<hbm>>
      %dma_wait3A_228 = arith.constant 0 : i32
      %dma_wait3A_229 = tpu.memref_slice %arg18[%dma_wait3A_222, %dma_wait3A_228] : memref<2x128xi32, #tpu.memory_space<vmem>> -> memref<1x128xi32, #tpu.memory_space<vmem>>
      %dma_wait3A_230 = tpu.memref_squeeze %dma_wait3A_229 : memref<1x128xi32, #tpu.memory_space<vmem>> -> memref<128xi32, #tpu.memory_space<vmem>>
      %dma_wait3A_231 = arith.constant 0 : i32
      %dma_wait3A_232 = tpu.memref_slice %arg6[%dma_wait3A_231] : memref<320000xi32, #tpu.memory_space<hbm>> -> memref<128xi32, #tpu.memory_space<hbm>>
      tpu.wait_dma2 semaphore(%arg24 : memref<!tpu.dma_semaphore, #tpu.memory_space<semaphore_mem>>) src(%dma_wait3A_232 : memref<128xi32, #tpu.memory_space<hbm>>) dst(%dma_wait3A_230 : memref<128xi32, #tpu.memory_space<vmem>>)
      %dma_wait3A_233 = arith.constant 0 : i32
      %dma_wait3A_234 = arith.constant 0 : i32
      %dma_wait3A_235 = tpu.memref_slice %arg19[%dma_wait3A_233, %dma_wait3A_234] : memref<2x128xi32, #tpu.memory_space<vmem>> -> memref<1x128xi32, #tpu.memory_space<vmem>>
      %dma_wait3A_236 = tpu.memref_squeeze %dma_wait3A_235 : memref<1x128xi32, #tpu.memory_space<vmem>> -> memref<128xi32, #tpu.memory_space<vmem>>
      %dma_wait3A_237 = arith.constant 0 : i32
      %dma_wait3A_238 = tpu.memref_slice %arg5[%dma_wait3A_237] : memref<320000xi32, #tpu.memory_space<hbm>> -> memref<128xi32, #tpu.memory_space<hbm>>
      %dma_wait3A_239 = arith.constant 0 : i32
      %dma_wait3A_240 = tpu.memref_slice %arg19[%dma_wait3A_233, %dma_wait3A_239] : memref<2x128xi32, #tpu.memory_space<vmem>> -> memref<1x128xi32, #tpu.memory_space<vmem>>
      %dma_wait3A_241 = tpu.memref_squeeze %dma_wait3A_240 : memref<1x128xi32, #tpu.memory_space<vmem>> -> memref<128xi32, #tpu.memory_space<vmem>>
      %dma_wait3A_242 = arith.constant 0 : i32
      %dma_wait3A_243 = tpu.memref_slice %arg5[%dma_wait3A_242] : memref<320000xi32, #tpu.memory_space<hbm>> -> memref<128xi32, #tpu.memory_space<hbm>>
      tpu.wait_dma2 semaphore(%arg24 : memref<!tpu.dma_semaphore, #tpu.memory_space<semaphore_mem>>) src(%dma_wait3A_243 : memref<128xi32, #tpu.memory_space<hbm>>) dst(%dma_wait3A_241 : memref<128xi32, #tpu.memory_space<vmem>>)
      %dma_start3A_244 = arith.constant 0 : i32
      %dma_start3A_245 = arith.constant 0 : i32
      %dma_start3A_246 = arith.constant 0 : i32
      %dma_start3A_247 = arith.constant 0 : i32
      %dma_start3A_248 = tpu.memref_slice %arg20[%dma_start3A_245, %dma_start3A_246, %dma_start3A_247] : memref<2x128x128xf32, #tpu.memory_space<vmem>> -> memref<1x128x128xf32, #tpu.memory_space<vmem>>
      %dma_start3A_249 = tpu.memref_squeeze %dma_start3A_248 : memref<1x128x128xf32, #tpu.memory_space<vmem>> -> memref<128x128xf32, #tpu.memory_space<vmem>>
      %dma_start3A_250 = arith.constant 0 : i32
      %dma_start3A_251 = tpu.memref_slice %arg18[%dma_start3A_244, %dma_start3A_250] : memref<2x128xi32, #tpu.memory_space<vmem>> -> memref<1x128xi32, #tpu.memory_space<vmem>>
      %dma_start3A_252 = tpu.memref_squeeze %dma_start3A_251 : memref<1x128xi32, #tpu.memory_space<vmem>> -> memref<128xi32, #tpu.memory_space<vmem>>
      %dma_start3A_253 = arith.constant 0 : i32
      %dma_start3A_254 = arith.constant 0 : i32
      %dma_start3A_255 = tpu.memref_slice %arg2[%dma_start3A_253, %dma_start3A_254] : memref<10000x128xf32, #tpu.memory_space<hbm>> -> memref<10000x128xf32, #tpu.memory_space<hbm>>
      tpu.enqueue_indirect_dma source(%dma_start3A_255 : memref<10000x128xf32, #tpu.memory_space<hbm>>) target(%dma_start3A_249 : memref<128x128xf32, #tpu.memory_space<vmem>>) offsets(%dma_start3A_252 : memref<128xi32, #tpu.memory_space<vmem>>) semaphore(%arg23 : memref<!tpu.dma_semaphore, #tpu.memory_space<semaphore_mem>>)
      %add3A_256 = arith.constant 128 : i32
      %add3A_257 = arith.addi %mul3A_2, %add3A_256 : i32
      %dma_start3A_258 = arith.constant 1 : i32
      %dma_start3A_259 = arith.constant 0 : i32
      %dma_start3A_260 = tpu.memref_slice %arg18[%dma_start3A_258, %dma_start3A_259] : memref<2x128xi32, #tpu.memory_space<vmem>> -> memref<1x128xi32, #tpu.memory_space<vmem>>
      %dma_start3A_261 = tpu.memref_squeeze %dma_start3A_260 : memref<1x128xi32, #tpu.memory_space<vmem>> -> memref<128xi32, #tpu.memory_space<vmem>>
      %dma_start3A_262 = tpu.memref_slice %arg6[%add3A_257] : memref<320000xi32, #tpu.memory_space<hbm>> -> memref<128xi32, #tpu.memory_space<hbm>>
      %dma_start3A_263 = arith.constant 0 : i32
      %dma_start3A_264 = tpu.memref_slice %arg18[%dma_start3A_258, %dma_start3A_263] : memref<2x128xi32, #tpu.memory_space<vmem>> -> memref<1x128xi32, #tpu.memory_space<vmem>>
      %dma_start3A_265 = tpu.memref_squeeze %dma_start3A_264 : memref<1x128xi32, #tpu.memory_space<vmem>> -> memref<128xi32, #tpu.memory_space<vmem>>
      %dma_start3A_266 = tpu.memref_slice %arg6[%add3A_257] : memref<320000xi32, #tpu.memory_space<hbm>> -> memref<128xi32, #tpu.memory_space<hbm>>
      tpu.enqueue_dma source(%dma_start3A_266 : memref<128xi32, #tpu.memory_space<hbm>>) target(%dma_start3A_265 : memref<128xi32, #tpu.memory_space<vmem>>) target_semaphore(%arg24 : memref<!tpu.dma_semaphore, #tpu.memory_space<semaphore_mem>>)
      %add3A_267 = arith.constant 128 : i32
      %add3A_268 = arith.addi %mul3A_2, %add3A_267 : i32
      %dma_start3A_269 = arith.constant 1 : i32
      %dma_start3A_270 = arith.constant 0 : i32
      %dma_start3A_271 = tpu.memref_slice %arg19[%dma_start3A_269, %dma_start3A_270] : memref<2x128xi32, #tpu.memory_space<vmem>> -> memref<1x128xi32, #tpu.memory_space<vmem>>
      %dma_start3A_272 = tpu.memref_squeeze %dma_start3A_271 : memref<1x128xi32, #tpu.memory_space<vmem>> -> memref<128xi32, #tpu.memory_space<vmem>>
      %dma_start3A_273 = tpu.memref_slice %arg5[%add3A_268] : memref<320000xi32, #tpu.memory_space<hbm>> -> memref<128xi32, #tpu.memory_space<hbm>>
      %dma_start3A_274 = arith.constant 0 : i32
      %dma_start3A_275 = tpu.memref_slice %arg19[%dma_start3A_269, %dma_start3A_274] : memref<2x128xi32, #tpu.memory_space<vmem>> -> memref<1x128xi32, #tpu.memory_space<vmem>>
      %dma_start3A_276 = tpu.memref_squeeze %dma_start3A_275 : memref<1x128xi32, #tpu.memory_space<vmem>> -> memref<128xi32, #tpu.memory_space<vmem>>
      %dma_start3A_277 = tpu.memref_slice %arg5[%add3A_268] : memref<320000xi32, #tpu.memory_space<hbm>> -> memref<128xi32, #tpu.memory_space<hbm>>
      tpu.enqueue_dma source(%dma_start3A_277 : memref<128xi32, #tpu.memory_space<hbm>>) target(%dma_start3A_276 : memref<128xi32, #tpu.memory_space<vmem>>) target_semaphore(%arg24 : memref<!tpu.dma_semaphore, #tpu.memory_space<semaphore_mem>>)
      %scan3A = arith.constant 0 : i32
      %scan3A_278 = arith.constant 0 : i32
      %scan3A_279 = arith.constant 78 : i32
      %scan3A_280 = arith.addi %scan3A_278, %scan3A_279 : i32
      %scan3A_281 = arith.constant 1 : i32
      scf.for %scan3A_413 = %scan3A_278 to %scan3A_280 step %scan3A_281  : i32 {
        %mul3A_414 = arith.constant 2 : i32
        %mul3A_415 = arith.muli %mul3A_414, %scan3A_413 : i32
        %add3A_416 = arith.constant 0 : i32
        %add3A_417 = arith.addi %mul3A_415, %add3A_416 : i32
        %dma_wait3A_418 = arith.constant 0 : i32
        %dma_wait3A_419 = arith.constant 0 : i32
        %dma_wait3A_420 = arith.constant 0 : i32
        %dma_wait3A_421 = arith.constant 0 : i32
        %dma_wait3A_422 = tpu.memref_slice %arg20[%dma_wait3A_419, %dma_wait3A_420, %dma_wait3A_421] : memref<2x128x128xf32, #tpu.memory_space<vmem>> -> memref<1x128x128xf32, #tpu.memory_space<vmem>>
        %dma_wait3A_423 = tpu.memref_squeeze %dma_wait3A_422 : memref<1x128x128xf32, #tpu.memory_space<vmem>> -> memref<128x128xf32, #tpu.memory_space<vmem>>
        %dma_wait3A_424 = arith.constant 0 : i32
        %dma_wait3A_425 = tpu.memref_slice %arg18[%dma_wait3A_418, %dma_wait3A_424] : memref<2x128xi32, #tpu.memory_space<vmem>> -> memref<1x128xi32, #tpu.memory_space<vmem>>
        %dma_wait3A_426 = tpu.memref_squeeze %dma_wait3A_425 : memref<1x128xi32, #tpu.memory_space<vmem>> -> memref<128xi32, #tpu.memory_space<vmem>>
        %dma_wait3A_427 = arith.constant 0 : i32
        %dma_wait3A_428 = arith.constant 0 : i32
        %dma_wait3A_429 = tpu.memref_slice %arg2[%dma_wait3A_427, %dma_wait3A_428] : memref<10000x128xf32, #tpu.memory_space<hbm>> -> memref<10000x128xf32, #tpu.memory_space<hbm>>
        tpu.wait_indirect_dma semaphore(%arg23 : memref<!tpu.dma_semaphore, #tpu.memory_space<semaphore_mem>>) src(%dma_wait3A_429 : memref<10000x128xf32, #tpu.memory_space<hbm>>) dst(%dma_wait3A_423 : memref<128x128xf32, #tpu.memory_space<vmem>>)
        %add3A_430 = arith.constant 1 : i32
        %add3A_431 = arith.addi %add3A_417, %add3A_430 : i32
        %lt3A = arith.constant 156 : i32
        %lt3A_432 = arith.cmpi slt, %add3A_431, %lt3A : i32
        %convert_element_type3A_433 = arith.extui %lt3A_432 : i1 to i32
        %cond3A_434 = arith.constant 0 : i32
        %cond3A_435 = arith.cmpi ne, %convert_element_type3A_433, %cond3A_434 : i32
        scf.if %cond3A_435 {
          %dma_wait3A_497 = arith.constant 1 : i32
          %dma_wait3A_498 = arith.constant 0 : i32
          %dma_wait3A_499 = tpu.memref_slice %arg18[%dma_wait3A_497, %dma_wait3A_498] : memref<2x128xi32, #tpu.memory_space<vmem>> -> memref<1x128xi32, #tpu.memory_space<vmem>>
          %dma_wait3A_500 = tpu.memref_squeeze %dma_wait3A_499 : memref<1x128xi32, #tpu.memory_space<vmem>> -> memref<128xi32, #tpu.memory_space<vmem>>
          %dma_wait3A_501 = arith.constant 0 : i32
          %dma_wait3A_502 = tpu.memref_slice %arg6[%dma_wait3A_501] : memref<320000xi32, #tpu.memory_space<hbm>> -> memref<128xi32, #tpu.memory_space<hbm>>
          %dma_wait3A_503 = arith.constant 0 : i32
          %dma_wait3A_504 = tpu.memref_slice %arg18[%dma_wait3A_497, %dma_wait3A_503] : memref<2x128xi32, #tpu.memory_space<vmem>> -> memref<1x128xi32, #tpu.memory_space<vmem>>
          %dma_wait3A_505 = tpu.memref_squeeze %dma_wait3A_504 : memref<1x128xi32, #tpu.memory_space<vmem>> -> memref<128xi32, #tpu.memory_space<vmem>>
          %dma_wait3A_506 = arith.constant 0 : i32
          %dma_wait3A_507 = tpu.memref_slice %arg6[%dma_wait3A_506] : memref<320000xi32, #tpu.memory_space<hbm>> -> memref<128xi32, #tpu.memory_space<hbm>>
          tpu.wait_dma2 semaphore(%arg24 : memref<!tpu.dma_semaphore, #tpu.memory_space<semaphore_mem>>) src(%dma_wait3A_507 : memref<128xi32, #tpu.memory_space<hbm>>) dst(%dma_wait3A_505 : memref<128xi32, #tpu.memory_space<vmem>>)
          %dma_wait3A_508 = arith.constant 1 : i32
          %dma_wait3A_509 = arith.constant 0 : i32
          %dma_wait3A_510 = tpu.memref_slice %arg19[%dma_wait3A_508, %dma_wait3A_509] : memref<2x128xi32, #tpu.memory_space<vmem>> -> memref<1x128xi32, #tpu.memory_space<vmem>>
          %dma_wait3A_511 = tpu.memref_squeeze %dma_wait3A_510 : memref<1x128xi32, #tpu.memory_space<vmem>> -> memref<128xi32, #tpu.memory_space<vmem>>
          %dma_wait3A_512 = arith.constant 0 : i32
          %dma_wait3A_513 = tpu.memref_slice %arg5[%dma_wait3A_512] : memref<320000xi32, #tpu.memory_space<hbm>> -> memref<128xi32, #tpu.memory_space<hbm>>
          %dma_wait3A_514 = arith.constant 0 : i32
          %dma_wait3A_515 = tpu.memref_slice %arg19[%dma_wait3A_508, %dma_wait3A_514] : memref<2x128xi32, #tpu.memory_space<vmem>> -> memref<1x128xi32, #tpu.memory_space<vmem>>
          %dma_wait3A_516 = tpu.memref_squeeze %dma_wait3A_515 : memref<1x128xi32, #tpu.memory_space<vmem>> -> memref<128xi32, #tpu.memory_space<vmem>>
          %dma_wait3A_517 = arith.constant 0 : i32
          %dma_wait3A_518 = tpu.memref_slice %arg5[%dma_wait3A_517] : memref<320000xi32, #tpu.memory_space<hbm>> -> memref<128xi32, #tpu.memory_space<hbm>>
          tpu.wait_dma2 semaphore(%arg24 : memref<!tpu.dma_semaphore, #tpu.memory_space<semaphore_mem>>) src(%dma_wait3A_518 : memref<128xi32, #tpu.memory_space<hbm>>) dst(%dma_wait3A_516 : memref<128xi32, #tpu.memory_space<vmem>>)
          %ge3A = arith.constant 1 : i32
          %ge3A_519 = arith.cmpi sge, %add3A_417, %ge3A : i32
          %convert_element_type3A_520 = arith.extui %ge3A_519 : i1 to i32
          %cond3A_521 = arith.constant 0 : i32
          %cond3A_522 = arith.cmpi ne, %convert_element_type3A_520, %cond3A_521 : i32
          scf.if %cond3A_522 {
            %dma_wait3A_535 = arith.constant 1 : i32
            %dma_wait3A_536 = arith.constant 0 : i32
            %dma_wait3A_537 = arith.constant 0 : i32
            %dma_wait3A_538 = arith.constant 0 : i32
            %dma_wait3A_539 = tpu.memref_slice %arg20[%dma_wait3A_535, %dma_wait3A_537, %dma_wait3A_538] : memref<2x128x128xf32, #tpu.memory_space<vmem>> -> memref<1x128x128xf32, #tpu.memory_space<vmem>>
            %dma_wait3A_540 = tpu.memref_squeeze %dma_wait3A_539 : memref<1x128x128xf32, #tpu.memory_space<vmem>> -> memref<128x128xf32, #tpu.memory_space<vmem>>
            %dma_wait3A_541 = arith.constant 0 : i32
            %dma_wait3A_542 = tpu.memref_slice %arg19[%dma_wait3A_536, %dma_wait3A_541] : memref<2x128xi32, #tpu.memory_space<vmem>> -> memref<1x128xi32, #tpu.memory_space<vmem>>
            %dma_wait3A_543 = tpu.memref_squeeze %dma_wait3A_542 : memref<1x128xi32, #tpu.memory_space<vmem>> -> memref<128xi32, #tpu.memory_space<vmem>>
            %dma_wait3A_544 = arith.constant 0 : i32
            %dma_wait3A_545 = arith.constant 0 : i32
            %dma_wait3A_546 = tpu.memref_slice %arg22[%dma_wait3A_544, %dma_wait3A_545] : memref<10240x128xf32, #tpu.memory_space<vmem_shared>> -> memref<10240x128xf32, #tpu.memory_space<vmem_shared>>
            tpu.wait_indirect_dma semaphore(%arg25 : memref<!tpu.dma_semaphore, #tpu.memory_space<semaphore_mem>>) src(%dma_wait3A_540 : memref<128x128xf32, #tpu.memory_space<vmem>>) dst(%dma_wait3A_546 : memref<10240x128xf32, #tpu.memory_space<vmem_shared>>)
          } else {
          }
          %dma_start3A_523 = arith.constant 1 : i32
          %dma_start3A_524 = arith.constant 1 : i32
          %dma_start3A_525 = arith.constant 0 : i32
          %dma_start3A_526 = arith.constant 0 : i32
          %dma_start3A_527 = tpu.memref_slice %arg20[%dma_start3A_524, %dma_start3A_525, %dma_start3A_526] : memref<2x128x128xf32, #tpu.memory_space<vmem>> -> memref<1x128x128xf32, #tpu.memory_space<vmem>>
          %dma_start3A_528 = tpu.memref_squeeze %dma_start3A_527 : memref<1x128x128xf32, #tpu.memory_space<vmem>> -> memref<128x128xf32, #tpu.memory_space<vmem>>
          %dma_start3A_529 = arith.constant 0 : i32
          %dma_start3A_530 = tpu.memref_slice %arg18[%dma_start3A_523, %dma_start3A_529] : memref<2x128xi32, #tpu.memory_space<vmem>> -> memref<1x128xi32, #tpu.memory_space<vmem>>
          %dma_start3A_531 = tpu.memref_squeeze %dma_start3A_530 : memref<1x128xi32, #tpu.memory_space<vmem>> -> memref<128xi32, #tpu.memory_space<vmem>>
          %dma_start3A_532 = arith.constant 0 : i32
          %dma_start3A_533 = arith.constant 0 : i32
          %dma_start3A_534 = tpu.memref_slice %arg2[%dma_start3A_532, %dma_start3A_533] : memref<10000x128xf32, #tpu.memory_space<hbm>> -> memref<10000x128xf32, #tpu.memory_space<hbm>>
          tpu.enqueue_indirect_dma source(%dma_start3A_534 : memref<10000x128xf32, #tpu.memory_space<hbm>>) target(%dma_start3A_528 : memref<128x128xf32, #tpu.memory_space<vmem>>) offsets(%dma_start3A_531 : memref<128xi32, #tpu.memory_space<vmem>>) semaphore(%arg23 : memref<!tpu.dma_semaphore, #tpu.memory_space<semaphore_mem>>)
        } else {
        }
        %add3A_436 = arith.constant 2 : i32
        %add3A_437 = arith.addi %add3A_417, %add3A_436 : i32
        %lt3A_438 = arith.constant 156 : i32
        %lt3A_439 = arith.cmpi slt, %add3A_437, %lt3A_438 : i32
        %convert_element_type3A_440 = arith.extui %lt3A_439 : i1 to i32
        %cond3A_441 = arith.constant 0 : i32
        %cond3A_442 = arith.cmpi ne, %convert_element_type3A_440, %cond3A_441 : i32
        scf.if %cond3A_442 {
          %add3A_497 = arith.constant 2 : i32
          %add3A_498 = arith.addi %add3A_417, %add3A_497 : i32
          %mul3A_499 = arith.constant 128 : i32
          %mul3A_500 = arith.muli %add3A_498, %mul3A_499 : i32
          %add3A_501 = arith.addi %mul3A_2, %mul3A_500 : i32
          %dma_start3A_502 = arith.constant 0 : i32
          %dma_start3A_503 = arith.constant 0 : i32
          %dma_start3A_504 = tpu.memref_slice %arg18[%dma_start3A_502, %dma_start3A_503] : memref<2x128xi32, #tpu.memory_space<vmem>> -> memref<1x128xi32, #tpu.memory_space<vmem>>
          %dma_start3A_505 = tpu.memref_squeeze %dma_start3A_504 : memref<1x128xi32, #tpu.memory_space<vmem>> -> memref<128xi32, #tpu.memory_space<vmem>>
          %dma_start3A_506 = tpu.memref_slice %arg6[%add3A_501] : memref<320000xi32, #tpu.memory_space<hbm>> -> memref<128xi32, #tpu.memory_space<hbm>>
          %dma_start3A_507 = arith.constant 0 : i32
          %dma_start3A_508 = tpu.memref_slice %arg18[%dma_start3A_502, %dma_start3A_507] : memref<2x128xi32, #tpu.memory_space<vmem>> -> memref<1x128xi32, #tpu.memory_space<vmem>>
          %dma_start3A_509 = tpu.memref_squeeze %dma_start3A_508 : memref<1x128xi32, #tpu.memory_space<vmem>> -> memref<128xi32, #tpu.memory_space<vmem>>
          %dma_start3A_510 = tpu.memref_slice %arg6[%add3A_501] : memref<320000xi32, #tpu.memory_space<hbm>> -> memref<128xi32, #tpu.memory_space<hbm>>
          tpu.enqueue_dma source(%dma_start3A_510 : memref<128xi32, #tpu.memory_space<hbm>>) target(%dma_start3A_509 : memref<128xi32, #tpu.memory_space<vmem>>) target_semaphore(%arg24 : memref<!tpu.dma_semaphore, #tpu.memory_space<semaphore_mem>>)
          %mul3A_511 = arith.constant 128 : i32
          %mul3A_512 = arith.muli %add3A_498, %mul3A_511 : i32
          %add3A_513 = arith.addi %mul3A_2, %mul3A_512 : i32
          %dma_start3A_514 = arith.constant 0 : i32
          %dma_start3A_515 = arith.constant 0 : i32
          %dma_start3A_516 = tpu.memref_slice %arg19[%dma_start3A_514, %dma_start3A_515] : memref<2x128xi32, #tpu.memory_space<vmem>> -> memref<1x128xi32, #tpu.memory_space<vmem>>
          %dma_start3A_517 = tpu.memref_squeeze %dma_start3A_516 : memref<1x128xi32, #tpu.memory_space<vmem>> -> memref<128xi32, #tpu.memory_space<vmem>>
          %dma_start3A_518 = tpu.memref_slice %arg5[%add3A_513] : memref<320000xi32, #tpu.memory_space<hbm>> -> memref<128xi32, #tpu.memory_space<hbm>>
          %dma_start3A_519 = arith.constant 0 : i32
          %dma_start3A_520 = tpu.memref_slice %arg19[%dma_start3A_514, %dma_start3A_519] : memref<2x128xi32, #tpu.memory_space<vmem>> -> memref<1x128xi32, #tpu.memory_space<vmem>>
          %dma_start3A_521 = tpu.memref_squeeze %dma_start3A_520 : memref<1x128xi32, #tpu.memory_space<vmem>> -> memref<128xi32, #tpu.memory_space<vmem>>
          %dma_start3A_522 = tpu.memref_slice %arg5[%add3A_513] : memref<320000xi32, #tpu.memory_space<hbm>> -> memref<128xi32, #tpu.memory_space<hbm>>
          tpu.enqueue_dma source(%dma_start3A_522 : memref<128xi32, #tpu.memory_space<hbm>>) target(%dma_start3A_521 : memref<128xi32, #tpu.memory_space<vmem>>) target_semaphore(%arg24 : memref<!tpu.dma_semaphore, #tpu.memory_space<semaphore_mem>>)
        } else {
        }
        %dma_start3A_443 = arith.constant 0 : i32
        %dma_start3A_444 = arith.constant 0 : i32
        %dma_start3A_445 = arith.constant 0 : i32
        %dma_start3A_446 = arith.constant 0 : i32
        %dma_start3A_447 = tpu.memref_slice %arg20[%dma_start3A_443, %dma_start3A_445, %dma_start3A_446] : memref<2x128x128xf32, #tpu.memory_space<vmem>> -> memref<1x128x128xf32, #tpu.memory_space<vmem>>
        %dma_start3A_448 = tpu.memref_squeeze %dma_start3A_447 : memref<1x128x128xf32, #tpu.memory_space<vmem>> -> memref<128x128xf32, #tpu.memory_space<vmem>>
        %dma_start3A_449 = arith.constant 0 : i32
        %dma_start3A_450 = tpu.memref_slice %arg19[%dma_start3A_444, %dma_start3A_449] : memref<2x128xi32, #tpu.memory_space<vmem>> -> memref<1x128xi32, #tpu.memory_space<vmem>>
        %dma_start3A_451 = tpu.memref_squeeze %dma_start3A_450 : memref<1x128xi32, #tpu.memory_space<vmem>> -> memref<128xi32, #tpu.memory_space<vmem>>
        %dma_start3A_452 = arith.constant 0 : i32
        %dma_start3A_453 = arith.constant 0 : i32
        %dma_start3A_454 = tpu.memref_slice %arg22[%dma_start3A_452, %dma_start3A_453] : memref<10240x128xf32, #tpu.memory_space<vmem_shared>> -> memref<10240x128xf32, #tpu.memory_space<vmem_shared>>
        tpu.enqueue_indirect_dma source(%dma_start3A_448 : memref<128x128xf32, #tpu.memory_space<vmem>>) target(%dma_start3A_454 : memref<10240x128xf32, #tpu.memory_space<vmem_shared>>) offsets(%dma_start3A_451 : memref<128xi32, #tpu.memory_space<vmem>>) semaphore(%arg25 : memref<!tpu.dma_semaphore, #tpu.memory_space<semaphore_mem>>) {add = true}
        %mul3A_455 = arith.constant 2 : i32
        %mul3A_456 = arith.muli %mul3A_455, %scan3A_413 : i32
        %add3A_457 = arith.constant 1 : i32
        %add3A_458 = arith.addi %mul3A_456, %add3A_457 : i32
        %dma_wait3A_459 = arith.constant 0 : i32
        %dma_wait3A_460 = arith.constant 1 : i32
        %dma_wait3A_461 = arith.constant 0 : i32
        %dma_wait3A_462 = arith.constant 0 : i32
        %dma_wait3A_463 = tpu.memref_slice %arg20[%dma_wait3A_460, %dma_wait3A_461, %dma_wait3A_462] : memref<2x128x128xf32, #tpu.memory_space<vmem>> -> memref<1x128x128xf32, #tpu.memory_space<vmem>>
        %dma_wait3A_464 = tpu.memref_squeeze %dma_wait3A_463 : memref<1x128x128xf32, #tpu.memory_space<vmem>> -> memref<128x128xf32, #tpu.memory_space<vmem>>
        %dma_wait3A_465 = arith.constant 0 : i32
        %dma_wait3A_466 = tpu.memref_slice %arg18[%dma_wait3A_459, %dma_wait3A_465] : memref<2x128xi32, #tpu.memory_space<vmem>> -> memref<1x128xi32, #tpu.memory_space<vmem>>
        %dma_wait3A_467 = tpu.memref_squeeze %dma_wait3A_466 : memref<1x128xi32, #tpu.memory_space<vmem>> -> memref<128xi32, #tpu.memory_space<vmem>>
        %dma_wait3A_468 = arith.constant 0 : i32
        %dma_wait3A_469 = arith.constant 0 : i32
        %dma_wait3A_470 = tpu.memref_slice %arg2[%dma_wait3A_468, %dma_wait3A_469] : memref<10000x128xf32, #tpu.memory_space<hbm>> -> memref<10000x128xf32, #tpu.memory_space<hbm>>
        tpu.wait_indirect_dma semaphore(%arg23 : memref<!tpu.dma_semaphore, #tpu.memory_space<semaphore_mem>>) src(%dma_wait3A_470 : memref<10000x128xf32, #tpu.memory_space<hbm>>) dst(%dma_wait3A_464 : memref<128x128xf32, #tpu.memory_space<vmem>>)
        %add3A_471 = arith.constant 1 : i32
        %add3A_472 = arith.addi %add3A_458, %add3A_471 : i32
        %lt3A_473 = arith.constant 156 : i32
        %lt3A_474 = arith.cmpi slt, %add3A_472, %lt3A_473 : i32
        %convert_element_type3A_475 = arith.extui %lt3A_474 : i1 to i32
        %cond3A_476 = arith.constant 0 : i32
        %cond3A_477 = arith.cmpi ne, %convert_element_type3A_475, %cond3A_476 : i32
        scf.if %cond3A_477 {
          %dma_wait3A_497 = arith.constant 0 : i32
          %dma_wait3A_498 = arith.constant 0 : i32
          %dma_wait3A_499 = tpu.memref_slice %arg18[%dma_wait3A_497, %dma_wait3A_498] : memref<2x128xi32, #tpu.memory_space<vmem>> -> memref<1x128xi32, #tpu.memory_space<vmem>>
          %dma_wait3A_500 = tpu.memref_squeeze %dma_wait3A_499 : memref<1x128xi32, #tpu.memory_space<vmem>> -> memref<128xi32, #tpu.memory_space<vmem>>
          %dma_wait3A_501 = arith.constant 0 : i32
          %dma_wait3A_502 = tpu.memref_slice %arg6[%dma_wait3A_501] : memref<320000xi32, #tpu.memory_space<hbm>> -> memref<128xi32, #tpu.memory_space<hbm>>
          %dma_wait3A_503 = arith.constant 0 : i32
          %dma_wait3A_504 = tpu.memref_slice %arg18[%dma_wait3A_497, %dma_wait3A_503] : memref<2x128xi32, #tpu.memory_space<vmem>> -> memref<1x128xi32, #tpu.memory_space<vmem>>
          %dma_wait3A_505 = tpu.memref_squeeze %dma_wait3A_504 : memref<1x128xi32, #tpu.memory_space<vmem>> -> memref<128xi32, #tpu.memory_space<vmem>>
          %dma_wait3A_506 = arith.constant 0 : i32
          %dma_wait3A_507 = tpu.memref_slice %arg6[%dma_wait3A_506] : memref<320000xi32, #tpu.memory_space<hbm>> -> memref<128xi32, #tpu.memory_space<hbm>>
          tpu.wait_dma2 semaphore(%arg24 : memref<!tpu.dma_semaphore, #tpu.memory_space<semaphore_mem>>) src(%dma_wait3A_507 : memref<128xi32, #tpu.memory_space<hbm>>) dst(%dma_wait3A_505 : memref<128xi32, #tpu.memory_space<vmem>>)
          %dma_wait3A_508 = arith.constant 0 : i32
          %dma_wait3A_509 = arith.constant 0 : i32
          %dma_wait3A_510 = tpu.memref_slice %arg19[%dma_wait3A_508, %dma_wait3A_509] : memref<2x128xi32, #tpu.memory_space<vmem>> -> memref<1x128xi32, #tpu.memory_space<vmem>>
          %dma_wait3A_511 = tpu.memref_squeeze %dma_wait3A_510 : memref<1x128xi32, #tpu.memory_space<vmem>> -> memref<128xi32, #tpu.memory_space<vmem>>
          %dma_wait3A_512 = arith.constant 0 : i32
          %dma_wait3A_513 = tpu.memref_slice %arg5[%dma_wait3A_512] : memref<320000xi32, #tpu.memory_space<hbm>> -> memref<128xi32, #tpu.memory_space<hbm>>
          %dma_wait3A_514 = arith.constant 0 : i32
          %dma_wait3A_515 = tpu.memref_slice %arg19[%dma_wait3A_508, %dma_wait3A_514] : memref<2x128xi32, #tpu.memory_space<vmem>> -> memref<1x128xi32, #tpu.memory_space<vmem>>
          %dma_wait3A_516 = tpu.memref_squeeze %dma_wait3A_515 : memref<1x128xi32, #tpu.memory_space<vmem>> -> memref<128xi32, #tpu.memory_space<vmem>>
          %dma_wait3A_517 = arith.constant 0 : i32
          %dma_wait3A_518 = tpu.memref_slice %arg5[%dma_wait3A_517] : memref<320000xi32, #tpu.memory_space<hbm>> -> memref<128xi32, #tpu.memory_space<hbm>>
          tpu.wait_dma2 semaphore(%arg24 : memref<!tpu.dma_semaphore, #tpu.memory_space<semaphore_mem>>) src(%dma_wait3A_518 : memref<128xi32, #tpu.memory_space<hbm>>) dst(%dma_wait3A_516 : memref<128xi32, #tpu.memory_space<vmem>>)
          %ge3A = arith.constant 1 : i32
          %ge3A_519 = arith.cmpi sge, %add3A_458, %ge3A : i32
          %convert_element_type3A_520 = arith.extui %ge3A_519 : i1 to i32
          %cond3A_521 = arith.constant 0 : i32
          %cond3A_522 = arith.cmpi ne, %convert_element_type3A_520, %cond3A_521 : i32
          scf.if %cond3A_522 {
            %dma_wait3A_535 = arith.constant 0 : i32
            %dma_wait3A_536 = arith.constant 0 : i32
            %dma_wait3A_537 = arith.constant 0 : i32
            %dma_wait3A_538 = arith.constant 0 : i32
            %dma_wait3A_539 = tpu.memref_slice %arg20[%dma_wait3A_535, %dma_wait3A_537, %dma_wait3A_538] : memref<2x128x128xf32, #tpu.memory_space<vmem>> -> memref<1x128x128xf32, #tpu.memory_space<vmem>>
            %dma_wait3A_540 = tpu.memref_squeeze %dma_wait3A_539 : memref<1x128x128xf32, #tpu.memory_space<vmem>> -> memref<128x128xf32, #tpu.memory_space<vmem>>
            %dma_wait3A_541 = arith.constant 0 : i32
            %dma_wait3A_542 = tpu.memref_slice %arg19[%dma_wait3A_536, %dma_wait3A_541] : memref<2x128xi32, #tpu.memory_space<vmem>> -> memref<1x128xi32, #tpu.memory_space<vmem>>
            %dma_wait3A_543 = tpu.memref_squeeze %dma_wait3A_542 : memref<1x128xi32, #tpu.memory_space<vmem>> -> memref<128xi32, #tpu.memory_space<vmem>>
            %dma_wait3A_544 = arith.constant 0 : i32
            %dma_wait3A_545 = arith.constant 0 : i32
            %dma_wait3A_546 = tpu.memref_slice %arg22[%dma_wait3A_544, %dma_wait3A_545] : memref<10240x128xf32, #tpu.memory_space<vmem_shared>> -> memref<10240x128xf32, #tpu.memory_space<vmem_shared>>
            tpu.wait_indirect_dma semaphore(%arg25 : memref<!tpu.dma_semaphore, #tpu.memory_space<semaphore_mem>>) src(%dma_wait3A_540 : memref<128x128xf32, #tpu.memory_space<vmem>>) dst(%dma_wait3A_546 : memref<10240x128xf32, #tpu.memory_space<vmem_shared>>)
          } else {
          }
          %dma_start3A_523 = arith.constant 0 : i32
          %dma_start3A_524 = arith.constant 0 : i32
          %dma_start3A_525 = arith.constant 0 : i32
          %dma_start3A_526 = arith.constant 0 : i32
          %dma_start3A_527 = tpu.memref_slice %arg20[%dma_start3A_524, %dma_start3A_525, %dma_start3A_526] : memref<2x128x128xf32, #tpu.memory_space<vmem>> -> memref<1x128x128xf32, #tpu.memory_space<vmem>>
          %dma_start3A_528 = tpu.memref_squeeze %dma_start3A_527 : memref<1x128x128xf32, #tpu.memory_space<vmem>> -> memref<128x128xf32, #tpu.memory_space<vmem>>
          %dma_start3A_529 = arith.constant 0 : i32
          %dma_start3A_530 = tpu.memref_slice %arg18[%dma_start3A_523, %dma_start3A_529] : memref<2x128xi32, #tpu.memory_space<vmem>> -> memref<1x128xi32, #tpu.memory_space<vmem>>
          %dma_start3A_531 = tpu.memref_squeeze %dma_start3A_530 : memref<1x128xi32, #tpu.memory_space<vmem>> -> memref<128xi32, #tpu.memory_space<vmem>>
          %dma_start3A_532 = arith.constant 0 : i32
          %dma_start3A_533 = arith.constant 0 : i32
          %dma_start3A_534 = tpu.memref_slice %arg2[%dma_start3A_532, %dma_start3A_533] : memref<10000x128xf32, #tpu.memory_space<hbm>> -> memref<10000x128xf32, #tpu.memory_space<hbm>>
          tpu.enqueue_indirect_dma source(%dma_start3A_534 : memref<10000x128xf32, #tpu.memory_space<hbm>>) target(%dma_start3A_528 : memref<128x128xf32, #tpu.memory_space<vmem>>) offsets(%dma_start3A_531 : memref<128xi32, #tpu.memory_space<vmem>>) semaphore(%arg23 : memref<!tpu.dma_semaphore, #tpu.memory_space<semaphore_mem>>)
        } else {
        }
        %add3A_478 = arith.constant 2 : i32
        %add3A_479 = arith.addi %add3A_458, %add3A_478 : i32
        %lt3A_480 = arith.constant 156 : i32
        %lt3A_481 = arith.cmpi slt, %add3A_479, %lt3A_480 : i32
        %convert_element_type3A_482 = arith.extui %lt3A_481 : i1 to i32
        %cond3A_483 = arith.constant 0 : i32
        %cond3A_484 = arith.cmpi ne, %convert_element_type3A_482, %cond3A_483 : i32
        scf.if %cond3A_484 {
          %add3A_497 = arith.constant 2 : i32
          %add3A_498 = arith.addi %add3A_458, %add3A_497 : i32
          %mul3A_499 = arith.constant 128 : i32
          %mul3A_500 = arith.muli %add3A_498, %mul3A_499 : i32
          %add3A_501 = arith.addi %mul3A_2, %mul3A_500 : i32
          %dma_start3A_502 = arith.constant 1 : i32
          %dma_start3A_503 = arith.constant 0 : i32
          %dma_start3A_504 = tpu.memref_slice %arg18[%dma_start3A_502, %dma_start3A_503] : memref<2x128xi32, #tpu.memory_space<vmem>> -> memref<1x128xi32, #tpu.memory_space<vmem>>
          %dma_start3A_505 = tpu.memref_squeeze %dma_start3A_504 : memref<1x128xi32, #tpu.memory_space<vmem>> -> memref<128xi32, #tpu.memory_space<vmem>>
          %dma_start3A_506 = tpu.memref_slice %arg6[%add3A_501] : memref<320000xi32, #tpu.memory_space<hbm>> -> memref<128xi32, #tpu.memory_space<hbm>>
          %dma_start3A_507 = arith.constant 0 : i32
          %dma_start3A_508 = tpu.memref_slice %arg18[%dma_start3A_502, %dma_start3A_507] : memref<2x128xi32, #tpu.memory_space<vmem>> -> memref<1x128xi32, #tpu.memory_space<vmem>>
          %dma_start3A_509 = tpu.memref_squeeze %dma_start3A_508 : memref<1x128xi32, #tpu.memory_space<vmem>> -> memref<128xi32, #tpu.memory_space<vmem>>
          %dma_start3A_510 = tpu.memref_slice %arg6[%add3A_501] : memref<320000xi32, #tpu.memory_space<hbm>> -> memref<128xi32, #tpu.memory_space<hbm>>
          tpu.enqueue_dma source(%dma_start3A_510 : memref<128xi32, #tpu.memory_space<hbm>>) target(%dma_start3A_509 : memref<128xi32, #tpu.memory_space<vmem>>) target_semaphore(%arg24 : memref<!tpu.dma_semaphore, #tpu.memory_space<semaphore_mem>>)
          %mul3A_511 = arith.constant 128 : i32
          %mul3A_512 = arith.muli %add3A_498, %mul3A_511 : i32
          %add3A_513 = arith.addi %mul3A_2, %mul3A_512 : i32
          %dma_start3A_514 = arith.constant 1 : i32
          %dma_start3A_515 = arith.constant 0 : i32
          %dma_start3A_516 = tpu.memref_slice %arg19[%dma_start3A_514, %dma_start3A_515] : memref<2x128xi32, #tpu.memory_space<vmem>> -> memref<1x128xi32, #tpu.memory_space<vmem>>
          %dma_start3A_517 = tpu.memref_squeeze %dma_start3A_516 : memref<1x128xi32, #tpu.memory_space<vmem>> -> memref<128xi32, #tpu.memory_space<vmem>>
          %dma_start3A_518 = tpu.memref_slice %arg5[%add3A_513] : memref<320000xi32, #tpu.memory_space<hbm>> -> memref<128xi32, #tpu.memory_space<hbm>>
          %dma_start3A_519 = arith.constant 0 : i32
          %dma_start3A_520 = tpu.memref_slice %arg19[%dma_start3A_514, %dma_start3A_519] : memref<2x128xi32, #tpu.memory_space<vmem>> -> memref<1x128xi32, #tpu.memory_space<vmem>>
          %dma_start3A_521 = tpu.memref_squeeze %dma_start3A_520 : memref<1x128xi32, #tpu.memory_space<vmem>> -> memref<128xi32, #tpu.memory_space<vmem>>
          %dma_start3A_522 = tpu.memref_slice %arg5[%add3A_513] : memref<320000xi32, #tpu.memory_space<hbm>> -> memref<128xi32, #tpu.memory_space<hbm>>
          tpu.enqueue_dma source(%dma_start3A_522 : memref<128xi32, #tpu.memory_space<hbm>>) target(%dma_start3A_521 : memref<128xi32, #tpu.memory_space<vmem>>) target_semaphore(%arg24 : memref<!tpu.dma_semaphore, #tpu.memory_space<semaphore_mem>>)
        } else {
        }
        %dma_start3A_485 = arith.constant 1 : i32
        %dma_start3A_486 = arith.constant 1 : i32
        %dma_start3A_487 = arith.constant 0 : i32
        %dma_start3A_488 = arith.constant 0 : i32
        %dma_start3A_489 = tpu.memref_slice %arg20[%dma_start3A_485, %dma_start3A_487, %dma_start3A_488] : memref<2x128x128xf32, #tpu.memory_space<vmem>> -> memref<1x128x128xf32, #tpu.memory_space<vmem>>
        %dma_start3A_490 = tpu.memref_squeeze %dma_start3A_489 : memref<1x128x128xf32, #tpu.memory_space<vmem>> -> memref<128x128xf32, #tpu.memory_space<vmem>>
        %dma_start3A_491 = arith.constant 0 : i32
        %dma_start3A_492 = tpu.memref_slice %arg19[%dma_start3A_486, %dma_start3A_491] : memref<2x128xi32, #tpu.memory_space<vmem>> -> memref<1x128xi32, #tpu.memory_space<vmem>>
        %dma_start3A_493 = tpu.memref_squeeze %dma_start3A_492 : memref<1x128xi32, #tpu.memory_space<vmem>> -> memref<128xi32, #tpu.memory_space<vmem>>
        %dma_start3A_494 = arith.constant 0 : i32
        %dma_start3A_495 = arith.constant 0 : i32
        %dma_start3A_496 = tpu.memref_slice %arg22[%dma_start3A_494, %dma_start3A_495] : memref<10240x128xf32, #tpu.memory_space<vmem_shared>> -> memref<10240x128xf32, #tpu.memory_space<vmem_shared>>
        tpu.enqueue_indirect_dma source(%dma_start3A_490 : memref<128x128xf32, #tpu.memory_space<vmem>>) target(%dma_start3A_496 : memref<10240x128xf32, #tpu.memory_space<vmem_shared>>) offsets(%dma_start3A_493 : memref<128xi32, #tpu.memory_space<vmem>>) semaphore(%arg25 : memref<!tpu.dma_semaphore, #tpu.memory_space<semaphore_mem>>) {add = true}
      }
      %scan3A_282 = arith.constant 78 : i32
      %dma_wait3A_283 = arith.constant 0 : i32
      %dma_wait3A_284 = arith.constant 0 : i32
      %dma_wait3A_285 = arith.constant 0 : i32
      %dma_wait3A_286 = arith.constant 0 : i32
      %dma_wait3A_287 = tpu.memref_slice %arg20[%dma_wait3A_283, %dma_wait3A_285, %dma_wait3A_286] : memref<2x128x128xf32, #tpu.memory_space<vmem>> -> memref<1x128x128xf32, #tpu.memory_space<vmem>>
      %dma_wait3A_288 = tpu.memref_squeeze %dma_wait3A_287 : memref<1x128x128xf32, #tpu.memory_space<vmem>> -> memref<128x128xf32, #tpu.memory_space<vmem>>
      %dma_wait3A_289 = arith.constant 0 : i32
      %dma_wait3A_290 = tpu.memref_slice %arg19[%dma_wait3A_284, %dma_wait3A_289] : memref<2x128xi32, #tpu.memory_space<vmem>> -> memref<1x128xi32, #tpu.memory_space<vmem>>
      %dma_wait3A_291 = tpu.memref_squeeze %dma_wait3A_290 : memref<1x128xi32, #tpu.memory_space<vmem>> -> memref<128xi32, #tpu.memory_space<vmem>>
      %dma_wait3A_292 = arith.constant 0 : i32
      %dma_wait3A_293 = arith.constant 0 : i32
      %dma_wait3A_294 = tpu.memref_slice %arg22[%dma_wait3A_292, %dma_wait3A_293] : memref<10240x128xf32, #tpu.memory_space<vmem_shared>> -> memref<10240x128xf32, #tpu.memory_space<vmem_shared>>
      tpu.wait_indirect_dma semaphore(%arg25 : memref<!tpu.dma_semaphore, #tpu.memory_space<semaphore_mem>>) src(%dma_wait3A_288 : memref<128x128xf32, #tpu.memory_space<vmem>>) dst(%dma_wait3A_294 : memref<10240x128xf32, #tpu.memory_space<vmem_shared>>)
      %dma_wait3A_295 = arith.constant 1 : i32
      %dma_wait3A_296 = arith.constant 0 : i32
      %dma_wait3A_297 = arith.constant 0 : i32
      %dma_wait3A_298 = arith.constant 0 : i32
      %dma_wait3A_299 = tpu.memref_slice %arg20[%dma_wait3A_295, %dma_wait3A_297, %dma_wait3A_298] : memref<2x128x128xf32, #tpu.memory_space<vmem>> -> memref<1x128x128xf32, #tpu.memory_space<vmem>>
      %dma_wait3A_300 = tpu.memref_squeeze %dma_wait3A_299 : memref<1x128x128xf32, #tpu.memory_space<vmem>> -> memref<128x128xf32, #tpu.memory_space<vmem>>
      %dma_wait3A_301 = arith.constant 0 : i32
      %dma_wait3A_302 = tpu.memref_slice %arg19[%dma_wait3A_296, %dma_wait3A_301] : memref<2x128xi32, #tpu.memory_space<vmem>> -> memref<1x128xi32, #tpu.memory_space<vmem>>
      %dma_wait3A_303 = tpu.memref_squeeze %dma_wait3A_302 : memref<1x128xi32, #tpu.memory_space<vmem>> -> memref<128xi32, #tpu.memory_space<vmem>>
      %dma_wait3A_304 = arith.constant 0 : i32
      %dma_wait3A_305 = arith.constant 0 : i32
      %dma_wait3A_306 = tpu.memref_slice %arg22[%dma_wait3A_304, %dma_wait3A_305] : memref<10240x128xf32, #tpu.memory_space<vmem_shared>> -> memref<10240x128xf32, #tpu.memory_space<vmem_shared>>
      tpu.wait_indirect_dma semaphore(%arg25 : memref<!tpu.dma_semaphore, #tpu.memory_space<semaphore_mem>>) src(%dma_wait3A_300 : memref<128x128xf32, #tpu.memory_space<vmem>>) dst(%dma_wait3A_306 : memref<10240x128xf32, #tpu.memory_space<vmem_shared>>)
      %add3A_307 = arith.constant 19968 : i32
      %add3A_308 = arith.addi %mul3A_2, %add3A_307 : i32
      %run_scoped3A_309 = arith.constant 0 : i32
      "tpu.region"() ({
        %run_scoped3A_413 = tpu.sem_alloc : memref<!tpu.dma_semaphore, #tpu.memory_space<semaphore_mem>>
        %dma_start3A_414 = arith.constant 0 : i32
        %dma_start3A_415 = tpu.memref_slice %arg18[%run_scoped3A_309, %dma_start3A_414] : memref<2x128xi32, #tpu.memory_space<vmem>> -> memref<1x32xi32, #tpu.memory_space<vmem>>
        %dma_start3A_416 = tpu.memref_squeeze %dma_start3A_415 : memref<1x32xi32, #tpu.memory_space<vmem>> -> memref<32xi32, #tpu.memory_space<vmem>>
        %dma_start3A_417 = tpu.memref_slice %arg6[%add3A_308] : memref<320000xi32, #tpu.memory_space<hbm>> -> memref<32xi32, #tpu.memory_space<hbm>>
        %dma_start3A_418 = arith.constant 0 : i32
        %dma_start3A_419 = tpu.memref_slice %arg18[%run_scoped3A_309, %dma_start3A_418] : memref<2x128xi32, #tpu.memory_space<vmem>> -> memref<1x32xi32, #tpu.memory_space<vmem>>
        %dma_start3A_420 = tpu.memref_squeeze %dma_start3A_419 : memref<1x32xi32, #tpu.memory_space<vmem>> -> memref<32xi32, #tpu.memory_space<vmem>>
        %dma_start3A_421 = tpu.memref_slice %arg6[%add3A_308] : memref<320000xi32, #tpu.memory_space<hbm>> -> memref<32xi32, #tpu.memory_space<hbm>>
        tpu.enqueue_dma source(%dma_start3A_421 : memref<32xi32, #tpu.memory_space<hbm>>) target(%dma_start3A_420 : memref<32xi32, #tpu.memory_space<vmem>>) target_semaphore(%run_scoped3A_413 : memref<!tpu.dma_semaphore, #tpu.memory_space<semaphore_mem>>)
        %dma_wait3A_422 = arith.constant 0 : i32
        %dma_wait3A_423 = tpu.memref_slice %arg18[%run_scoped3A_309, %dma_wait3A_422] : memref<2x128xi32, #tpu.memory_space<vmem>> -> memref<1x32xi32, #tpu.memory_space<vmem>>
        %dma_wait3A_424 = tpu.memref_squeeze %dma_wait3A_423 : memref<1x32xi32, #tpu.memory_space<vmem>> -> memref<32xi32, #tpu.memory_space<vmem>>
        %dma_wait3A_425 = tpu.memref_slice %arg6[%add3A_308] : memref<320000xi32, #tpu.memory_space<hbm>> -> memref<32xi32, #tpu.memory_space<hbm>>
        %dma_wait3A_426 = arith.constant 0 : i32
        %dma_wait3A_427 = tpu.memref_slice %arg18[%run_scoped3A_309, %dma_wait3A_426] : memref<2x128xi32, #tpu.memory_space<vmem>> -> memref<1x32xi32, #tpu.memory_space<vmem>>
        %dma_wait3A_428 = tpu.memref_squeeze %dma_wait3A_427 : memref<1x32xi32, #tpu.memory_space<vmem>> -> memref<32xi32, #tpu.memory_space<vmem>>
        %dma_wait3A_429 = tpu.memref_slice %arg6[%add3A_308] : memref<320000xi32, #tpu.memory_space<hbm>> -> memref<32xi32, #tpu.memory_space<hbm>>
        tpu.wait_dma2 semaphore(%run_scoped3A_413 : memref<!tpu.dma_semaphore, #tpu.memory_space<semaphore_mem>>) src(%dma_wait3A_429 : memref<32xi32, #tpu.memory_space<hbm>>) dst(%dma_wait3A_428 : memref<32xi32, #tpu.memory_space<vmem>>)
        tpu.yield
      }) : () -> ()
      %add3A_310 = arith.constant 19968 : i32
      %add3A_311 = arith.addi %mul3A_2, %add3A_310 : i32
      %run_scoped3A_312 = arith.constant 0 : i32
      "tpu.region"() ({
        %run_scoped3A_413 = tpu.sem_alloc : memref<!tpu.dma_semaphore, #tpu.memory_space<semaphore_mem>>
        %dma_start3A_414 = arith.constant 0 : i32
        %dma_start3A_415 = tpu.memref_slice %arg19[%run_scoped3A_312, %dma_start3A_414] : memref<2x128xi32, #tpu.memory_space<vmem>> -> memref<1x32xi32, #tpu.memory_space<vmem>>
        %dma_start3A_416 = tpu.memref_squeeze %dma_start3A_415 : memref<1x32xi32, #tpu.memory_space<vmem>> -> memref<32xi32, #tpu.memory_space<vmem>>
        %dma_start3A_417 = tpu.memref_slice %arg5[%add3A_311] : memref<320000xi32, #tpu.memory_space<hbm>> -> memref<32xi32, #tpu.memory_space<hbm>>
        %dma_start3A_418 = arith.constant 0 : i32
        %dma_start3A_419 = tpu.memref_slice %arg19[%run_scoped3A_312, %dma_start3A_418] : memref<2x128xi32, #tpu.memory_space<vmem>> -> memref<1x32xi32, #tpu.memory_space<vmem>>
        %dma_start3A_420 = tpu.memref_squeeze %dma_start3A_419 : memref<1x32xi32, #tpu.memory_space<vmem>> -> memref<32xi32, #tpu.memory_space<vmem>>
        %dma_start3A_421 = tpu.memref_slice %arg5[%add3A_311] : memref<320000xi32, #tpu.memory_space<hbm>> -> memref<32xi32, #tpu.memory_space<hbm>>
        tpu.enqueue_dma source(%dma_start3A_421 : memref<32xi32, #tpu.memory_space<hbm>>) target(%dma_start3A_420 : memref<32xi32, #tpu.memory_space<vmem>>) target_semaphore(%run_scoped3A_413 : memref<!tpu.dma_semaphore, #tpu.memory_space<semaphore_mem>>)
        %dma_wait3A_422 = arith.constant 0 : i32
        %dma_wait3A_423 = tpu.memref_slice %arg19[%run_scoped3A_312, %dma_wait3A_422] : memref<2x128xi32, #tpu.memory_space<vmem>> -> memref<1x32xi32, #tpu.memory_space<vmem>>
        %dma_wait3A_424 = tpu.memref_squeeze %dma_wait3A_423 : memref<1x32xi32, #tpu.memory_space<vmem>> -> memref<32xi32, #tpu.memory_space<vmem>>
        %dma_wait3A_425 = tpu.memref_slice %arg5[%add3A_311] : memref<320000xi32, #tpu.memory_space<hbm>> -> memref<32xi32, #tpu.memory_space<hbm>>
        %dma_wait3A_426 = arith.constant 0 : i32
        %dma_wait3A_427 = tpu.memref_slice %arg19[%run_scoped3A_312, %dma_wait3A_426] : memref<2x128xi32, #tpu.memory_space<vmem>> -> memref<1x32xi32, #tpu.memory_space<vmem>>
        %dma_wait3A_428 = tpu.memref_squeeze %dma_wait3A_427 : memref<1x32xi32, #tpu.memory_space<vmem>> -> memref<32xi32, #tpu.memory_space<vmem>>
        %dma_wait3A_429 = tpu.memref_slice %arg5[%add3A_311] : memref<320000xi32, #tpu.memory_space<hbm>> -> memref<32xi32, #tpu.memory_space<hbm>>
        tpu.wait_dma2 semaphore(%run_scoped3A_413 : memref<!tpu.dma_semaphore, #tpu.memory_space<semaphore_mem>>) src(%dma_wait3A_429 : memref<32xi32, #tpu.memory_space<hbm>>) dst(%dma_wait3A_428 : memref<32xi32, #tpu.memory_space<vmem>>)
        tpu.yield
      }) : () -> ()
      %iota3A = tpu.iota {dimensions = array<i32: 0>} : vector<16xi32>
      %add3A_313 = arith.constant 10000 : i32
      %add3A_314 = vector.broadcast %add3A_313 : i32 to vector<16xi32>
      %add3A_315 = arith.addi %add3A_314, %iota3A : vector<16xi32>
      %swap3A = arith.constant 0 : i32
      %swap3A_316 = arith.index_cast %swap3A : i32 to index
      %swap3A_317 = arith.constant 32 : index
      %swap3A_318 = tpu.vector_load %arg18[%swap3A_316, %swap3A_317] {strides = array<i32>} : memref<2x128xi32, #tpu.memory_space<vmem>>, vector<1x16xi32>,
      %swap3A_319 = vector.shape_cast %swap3A_318 : vector<1x16xi32> to vector<16xi32>
      %swap3A_320 = vector.shape_cast %iota3A : vector<16xi32> to vector<1x16xi32>
      tpu.vector_store %arg18[%swap3A_316, %swap3A_317], %swap3A_320 {strides = array<i32>} : memref<2x128xi32, #tpu.memory_space<vmem>>, vector<1x16xi32>,
      %swap3A_321 = arith.constant 0 : i32
      %swap3A_322 = arith.index_cast %swap3A_321 : i32 to index
      %swap3A_323 = arith.constant 32 : index
      %swap3A_324 = tpu.vector_load %arg19[%swap3A_322, %swap3A_323] {strides = array<i32>} : memref<2x128xi32, #tpu.memory_space<vmem>>, vector<1x16xi32>,
      %swap3A_325 = vector.shape_cast %swap3A_324 : vector<1x16xi32> to vector<16xi32>
      %swap3A_326 = vector.shape_cast %add3A_315 : vector<16xi32> to vector<1x16xi32>
      tpu.vector_store %arg19[%swap3A_322, %swap3A_323], %swap3A_326 {strides = array<i32>} : memref<2x128xi32, #tpu.memory_space<vmem>>, vector<1x16xi32>,
      %swap3A_327 = arith.constant 0 : i32
      %swap3A_328 = arith.index_cast %swap3A_327 : i32 to index
      %swap3A_329 = arith.constant 48 : index
      %swap3A_330 = tpu.vector_load %arg18[%swap3A_328, %swap3A_329] {strides = array<i32>} : memref<2x128xi32, #tpu.memory_space<vmem>>, vector<1x16xi32>,
      %swap3A_331 = vector.shape_cast %swap3A_330 : vector<1x16xi32> to vector<16xi32>
      %swap3A_332 = vector.shape_cast %iota3A : vector<16xi32> to vector<1x16xi32>
      tpu.vector_store %arg18[%swap3A_328, %swap3A_329], %swap3A_332 {strides = array<i32>} : memref<2x128xi32, #tpu.memory_space<vmem>>, vector<1x16xi32>,
      %swap3A_333 = arith.constant 0 : i32
      %swap3A_334 = arith.index_cast %swap3A_333 : i32 to index
      %swap3A_335 = arith.constant 48 : index
      %swap3A_336 = tpu.vector_load %arg19[%swap3A_334, %swap3A_335] {strides = array<i32>} : memref<2x128xi32, #tpu.memory_space<vmem>>, vector<1x16xi32>,
      %swap3A_337 = vector.shape_cast %swap3A_336 : vector<1x16xi32> to vector<16xi32>
      %swap3A_338 = vector.shape_cast %add3A_315 : vector<16xi32> to vector<1x16xi32>
      tpu.vector_store %arg19[%swap3A_334, %swap3A_335], %swap3A_338 {strides = array<i32>} : memref<2x128xi32, #tpu.memory_space<vmem>>, vector<1x16xi32>,
      %swap3A_339 = arith.constant 0 : i32
      %swap3A_340 = arith.index_cast %swap3A_339 : i32 to index
      %swap3A_341 = arith.constant 64 : index
      %swap3A_342 = tpu.vector_load %arg18[%swap3A_340, %swap3A_341] {strides = array<i32>} : memref<2x128xi32, #tpu.memory_space<vmem>>, vector<1x16xi32>,
      %swap3A_343 = vector.shape_cast %swap3A_342 : vector<1x16xi32> to vector<16xi32>
      %swap3A_344 = vector.shape_cast %iota3A : vector<16xi32> to vector<1x16xi32>
      tpu.vector_store %arg18[%swap3A_340, %swap3A_341], %swap3A_344 {strides = array<i32>} : memref<2x128xi32, #tpu.memory_space<vmem>>, vector<1x16xi32>,
      %swap3A_345 = arith.constant 0 : i32
      %swap3A_346 = arith.index_cast %swap3A_345 : i32 to index
      %swap3A_347 = arith.constant 64 : index
      %swap3A_348 = tpu.vector_load %arg19[%swap3A_346, %swap3A_347] {strides = array<i32>} : memref<2x128xi32, #tpu.memory_space<vmem>>, vector<1x16xi32>,
      %swap3A_349 = vector.shape_cast %swap3A_348 : vector<1x16xi32> to vector<16xi32>
      %swap3A_350 = vector.shape_cast %add3A_315 : vector<16xi32> to vector<1x16xi32>
      tpu.vector_store %arg19[%swap3A_346, %swap3A_347], %swap3A_350 {strides = array<i32>} : memref<2x128xi32, #tpu.memory_space<vmem>>, vector<1x16xi32>,
      %swap3A_351 = arith.constant 0 : i32
      %swap3A_352 = arith.index_cast %swap3A_351 : i32 to index
      %swap3A_353 = arith.constant 80 : index
      %swap3A_354 = tpu.vector_load %arg18[%swap3A_352, %swap3A_353] {strides = array<i32>} : memref<2x128xi32, #tpu.memory_space<vmem>>, vector<1x16xi32>,
      %swap3A_355 = vector.shape_cast %swap3A_354 : vector<1x16xi32> to vector<16xi32>
      %swap3A_356 = vector.shape_cast %iota3A : vector<16xi32> to vector<1x16xi32>
      tpu.vector_store %arg18[%swap3A_352, %swap3A_353], %swap3A_356 {strides = array<i32>} : memref<2x128xi32, #tpu.memory_space<vmem>>, vector<1x16xi32>,
      %swap3A_357 = arith.constant 0 : i32
      %swap3A_358 = arith.index_cast %swap3A_357 : i32 to index
      %swap3A_359 = arith.constant 80 : index
      %swap3A_360 = tpu.vector_load %arg19[%swap3A_358, %swap3A_359] {strides = array<i32>} : memref<2x128xi32, #tpu.memory_space<vmem>>, vector<1x16xi32>,
      %swap3A_361 = vector.shape_cast %swap3A_360 : vector<1x16xi32> to vector<16xi32>
      %swap3A_362 = vector.shape_cast %add3A_315 : vector<16xi32> to vector<1x16xi32>
      tpu.vector_store %arg19[%swap3A_358, %swap3A_359], %swap3A_362 {strides = array<i32>} : memref<2x128xi32, #tpu.memory_space<vmem>>, vector<1x16xi32>,
      %swap3A_363 = arith.constant 0 : i32
      %swap3A_364 = arith.index_cast %swap3A_363 : i32 to index
      %swap3A_365 = arith.constant 96 : index
      %swap3A_366 = tpu.vector_load %arg18[%swap3A_364, %swap3A_365] {strides = array<i32>} : memref<2x128xi32, #tpu.memory_space<vmem>>, vector<1x16xi32>,
      %swap3A_367 = vector.shape_cast %swap3A_366 : vector<1x16xi32> to vector<16xi32>
      %swap3A_368 = vector.shape_cast %iota3A : vector<16xi32> to vector<1x16xi32>
      tpu.vector_store %arg18[%swap3A_364, %swap3A_365], %swap3A_368 {strides = array<i32>} : memref<2x128xi32, #tpu.memory_space<vmem>>, vector<1x16xi32>,
      %swap3A_369 = arith.constant 0 : i32
      %swap3A_370 = arith.index_cast %swap3A_369 : i32 to index
      %swap3A_371 = arith.constant 96 : index
      %swap3A_372 = tpu.vector_load %arg19[%swap3A_370, %swap3A_371] {strides = array<i32>} : memref<2x128xi32, #tpu.memory_space<vmem>>, vector<1x16xi32>,
      %swap3A_373 = vector.shape_cast %swap3A_372 : vector<1x16xi32> to vector<16xi32>
      %swap3A_374 = vector.shape_cast %add3A_315 : vector<16xi32> to vector<1x16xi32>
      tpu.vector_store %arg19[%swap3A_370, %swap3A_371], %swap3A_374 {strides = array<i32>} : memref<2x128xi32, #tpu.memory_space<vmem>>, vector<1x16xi32>,
      %swap3A_375 = arith.constant 0 : i32
      %swap3A_376 = arith.index_cast %swap3A_375 : i32 to index
      %swap3A_377 = arith.constant 112 : index
      %swap3A_378 = tpu.vector_load %arg18[%swap3A_376, %swap3A_377] {strides = array<i32>} : memref<2x128xi32, #tpu.memory_space<vmem>>, vector<1x16xi32>,
      %swap3A_379 = vector.shape_cast %swap3A_378 : vector<1x16xi32> to vector<16xi32>
      %swap3A_380 = vector.shape_cast %iota3A : vector<16xi32> to vector<1x16xi32>
      tpu.vector_store %arg18[%swap3A_376, %swap3A_377], %swap3A_380 {strides = array<i32>} : memref<2x128xi32, #tpu.memory_space<vmem>>, vector<1x16xi32>,
      %swap3A_381 = arith.constant 0 : i32
      %swap3A_382 = arith.index_cast %swap3A_381 : i32 to index
      %swap3A_383 = arith.constant 112 : index
      %swap3A_384 = tpu.vector_load %arg19[%swap3A_382, %swap3A_383] {strides = array<i32>} : memref<2x128xi32, #tpu.memory_space<vmem>>, vector<1x16xi32>,
      %swap3A_385 = vector.shape_cast %swap3A_384 : vector<1x16xi32> to vector<16xi32>
      %swap3A_386 = vector.shape_cast %add3A_315 : vector<16xi32> to vector<1x16xi32>
      tpu.vector_store %arg19[%swap3A_382, %swap3A_383], %swap3A_386 {strides = array<i32>} : memref<2x128xi32, #tpu.memory_space<vmem>>, vector<1x16xi32>,
      %dma_start3A_387 = arith.constant 0 : i32
      %dma_start3A_388 = arith.constant 0 : i32
      %dma_start3A_389 = arith.constant 0 : i32
      %dma_start3A_390 = arith.constant 0 : i32
      %dma_start3A_391 = tpu.memref_slice %arg20[%dma_start3A_388, %dma_start3A_389, %dma_start3A_390] : memref<2x128x128xf32, #tpu.memory_space<vmem>> -> memref<1x128x128xf32, #tpu.memory_space<vmem>>
      %dma_start3A_392 = tpu.memref_squeeze %dma_start3A_391 : memref<1x128x128xf32, #tpu.memory_space<vmem>> -> memref<128x128xf32, #tpu.memory_space<vmem>>
      %dma_start3A_393 = arith.constant 0 : i32
      %dma_start3A_394 = tpu.memref_slice %arg18[%dma_start3A_387, %dma_start3A_393] : memref<2x128xi32, #tpu.memory_space<vmem>> -> memref<1x128xi32, #tpu.memory_space<vmem>>
      %dma_start3A_395 = tpu.memref_squeeze %dma_start3A_394 : memref<1x128xi32, #tpu.memory_space<vmem>> -> memref<128xi32, #tpu.memory_space<vmem>>
      %dma_start3A_396 = arith.constant 0 : i32
      %dma_start3A_397 = arith.constant 0 : i32
      %dma_start3A_398 = tpu.memref_slice %arg2[%dma_start3A_396, %dma_start3A_397] : memref<10000x128xf32, #tpu.memory_space<hbm>> -> memref<10000x128xf32, #tpu.memory_space<hbm>>
      tpu.enqueue_indirect_dma source(%dma_start3A_398 : memref<10000x128xf32, #tpu.memory_space<hbm>>) target(%dma_start3A_392 : memref<128x128xf32, #tpu.memory_space<vmem>>) offsets(%dma_start3A_395 : memref<128xi32, #tpu.memory_space<vmem>>) semaphore(%arg23 : memref<!tpu.dma_semaphore, #tpu.memory_space<semaphore_mem>>)
      %dma_wait3A_399 = arith.constant 0 : i32
      %dma_wait3A_400 = arith.constant 0 : i32
      %dma_wait3A_401 = arith.constant 0 : i32
      %dma_wait3A_402 = arith.constant 0 : i32
      %dma_wait3A_403 = tpu.memref_slice %arg20[%dma_wait3A_400, %dma_wait3A_401, %dma_wait3A_402] : memref<2x128x128xf32, #tpu.memory_space<vmem>> -> memref<1x128x128xf32, #tpu.memory_space<vmem>>
      %dma_wait3A_404 = tpu.memref_squeeze %dma_wait3A_403 : memref<1x128x128xf32, #tpu.memory_space<vmem>> -> memref<128x128xf32, #tpu.memory_space<vmem>>
      %dma_wait3A_405 = arith.constant 0 : i32
      %dma_wait3A_406 = tpu.memref_slice %arg18[%dma_wait3A_399, %dma_wait3A_405] : memref<2x128xi32, #tpu.memory_space<vmem>> -> memref<1x128xi32, #tpu.memory_space<vmem>>
      %dma_wait3A_407 = tpu.memref_squeeze %dma_wait3A_406 : memref<1x128xi32, #tpu.memory_space<vmem>> -> memref<128xi32, #tpu.memory_space<vmem>>
      %dma_wait3A_408 = arith.constant 0 : i32
      %dma_wait3A_409 = arith.constant 0 : i32
      %dma_wait3A_410 = tpu.memref_slice %arg2[%dma_wait3A_408, %dma_wait3A_409] : memref<10000x128xf32, #tpu.memory_space<hbm>> -> memref<10000x128xf32, #tpu.memory_space<hbm>>
      tpu.wait_indirect_dma semaphore(%arg23 : memref<!tpu.dma_semaphore, #tpu.memory_space<semaphore_mem>>) src(%dma_wait3A_410 : memref<10000x128xf32, #tpu.memory_space<hbm>>) dst(%dma_wait3A_404 : memref<128x128xf32, #tpu.memory_space<vmem>>)
      %run_scoped3A_411 = arith.constant 0 : i32
      %run_scoped3A_412 = arith.constant 0 : i32
      "tpu.region"() ({
        %run_scoped3A_413 = tpu.sem_alloc : memref<!tpu.dma_semaphore, #tpu.memory_space<semaphore_mem>>
        %dma_start3A_414 = arith.constant 0 : i32
        %dma_start3A_415 = arith.constant 0 : i32
        %dma_start3A_416 = tpu.memref_slice %arg20[%run_scoped3A_411, %dma_start3A_414, %dma_start3A_415] : memref<2x128x128xf32, #tpu.memory_space<vmem>> -> memref<1x128x128xf32, #tpu.memory_space<vmem>>
        %dma_start3A_417 = tpu.memref_squeeze %dma_start3A_416 : memref<1x128x128xf32, #tpu.memory_space<vmem>> -> memref<128x128xf32, #tpu.memory_space<vmem>>
        %dma_start3A_418 = arith.constant 0 : i32
        %dma_start3A_419 = tpu.memref_slice %arg19[%run_scoped3A_412, %dma_start3A_418] : memref<2x128xi32, #tpu.memory_space<vmem>> -> memref<1x128xi32, #tpu.memory_space<vmem>>
        %dma_start3A_420 = tpu.memref_squeeze %dma_start3A_419 : memref<1x128xi32, #tpu.memory_space<vmem>> -> memref<128xi32, #tpu.memory_space<vmem>>
        %dma_start3A_421 = arith.constant 0 : i32
        %dma_start3A_422 = arith.constant 0 : i32
        %dma_start3A_423 = tpu.memref_slice %arg22[%dma_start3A_421, %dma_start3A_422] : memref<10240x128xf32, #tpu.memory_space<vmem_shared>> -> memref<10240x128xf32, #tpu.memory_space<vmem_shared>>
        tpu.enqueue_indirect_dma source(%dma_start3A_417 : memref<128x128xf32, #tpu.memory_space<vmem>>) target(%dma_start3A_423 : memref<10240x128xf32, #tpu.memory_space<vmem_shared>>) offsets(%dma_start3A_420 : memref<128xi32, #tpu.memory_space<vmem>>) semaphore(%run_scoped3A_413 : memref<!tpu.dma_semaphore, #tpu.memory_space<semaphore_mem>>) {add = true}
        %dma_wait3A_424 = arith.constant 0 : i32
        %dma_wait3A_425 = arith.constant 0 : i32
        %dma_wait3A_426 = tpu.memref_slice %arg20[%run_scoped3A_411, %dma_wait3A_424, %dma_wait3A_425] : memref<2x128x128xf32, #tpu.memory_space<vmem>> -> memref<1x128x128xf32, #tpu.memory_space<vmem>>
        %dma_wait3A_427 = tpu.memref_squeeze %dma_wait3A_426 : memref<1x128x128xf32, #tpu.memory_space<vmem>> -> memref<128x128xf32, #tpu.memory_space<vmem>>
        %dma_wait3A_428 = arith.constant 0 : i32
        %dma_wait3A_429 = tpu.memref_slice %arg19[%run_scoped3A_412, %dma_wait3A_428] : memref<2x128xi32, #tpu.memory_space<vmem>> -> memref<1x128xi32, #tpu.memory_space<vmem>>
        %dma_wait3A_430 = tpu.memref_squeeze %dma_wait3A_429 : memref<1x128xi32, #tpu.memory_space<vmem>> -> memref<128xi32, #tpu.memory_space<vmem>>
        %dma_wait3A_431 = arith.constant 0 : i32
        %dma_wait3A_432 = arith.constant 0 : i32
        %dma_wait3A_433 = tpu.memref_slice %arg22[%dma_wait3A_431, %dma_wait3A_432] : memref<10240x128xf32, #tpu.memory_space<vmem_shared>> -> memref<10240x128xf32, #tpu.memory_space<vmem_shared>>
        tpu.wait_indirect_dma semaphore(%run_scoped3A_413 : memref<!tpu.dma_semaphore, #tpu.memory_space<semaphore_mem>>) src(%dma_wait3A_427 : memref<128x128xf32, #tpu.memory_space<vmem>>) dst(%dma_wait3A_433 : memref<10240x128xf32, #tpu.memory_space<vmem_shared>>)
        tpu.yield
      }) : () -> ()
    } else {
    }
    %eq3A_159 = arith.constant 1 : i32
    %eq3A_160 = arith.cmpi eq, %arg0, %eq3A_159 : i32
    %convert_element_type3A_161 = arith.extui %eq3A_160 : i1 to i32
    %cond3A_162 = arith.constant 0 : i32
    %cond3A_163 = arith.cmpi ne, %convert_element_type3A_161, %cond3A_162 : i32
    scf.if %cond3A_163 {
      %add3A_200 = arith.constant 0 : i32
      %add3A_201 = arith.addi %mul3A_2, %add3A_200 : i32
      %dma_start3A_202 = arith.constant 0 : i32
      %dma_start3A_203 = arith.constant 0 : i32
      %dma_start3A_204 = tpu.memref_slice %arg18[%dma_start3A_202, %dma_start3A_203] : memref<2x128xi32, #tpu.memory_space<vmem>> -> memref<1x128xi32, #tpu.memory_space<vmem>>
      %dma_start3A_205 = tpu.memref_squeeze %dma_start3A_204 : memref<1x128xi32, #tpu.memory_space<vmem>> -> memref<128xi32, #tpu.memory_space<vmem>>
      %dma_start3A_206 = tpu.memref_slice %arg5[%add3A_201] : memref<320000xi32, #tpu.memory_space<hbm>> -> memref<128xi32, #tpu.memory_space<hbm>>
      %dma_start3A_207 = arith.constant 0 : i32
      %dma_start3A_208 = tpu.memref_slice %arg18[%dma_start3A_202, %dma_start3A_207] : memref<2x128xi32, #tpu.memory_space<vmem>> -> memref<1x128xi32, #tpu.memory_space<vmem>>
      %dma_start3A_209 = tpu.memref_squeeze %dma_start3A_208 : memref<1x128xi32, #tpu.memory_space<vmem>> -> memref<128xi32, #tpu.memory_space<vmem>>
      %dma_start3A_210 = tpu.memref_slice %arg5[%add3A_201] : memref<320000xi32, #tpu.memory_space<hbm>> -> memref<128xi32, #tpu.memory_space<hbm>>
      tpu.enqueue_dma source(%dma_start3A_210 : memref<128xi32, #tpu.memory_space<hbm>>) target(%dma_start3A_209 : memref<128xi32, #tpu.memory_space<vmem>>) target_semaphore(%arg24 : memref<!tpu.dma_semaphore, #tpu.memory_space<semaphore_mem>>)
      %add3A_211 = arith.constant 0 : i32
      %add3A_212 = arith.addi %mul3A_2, %add3A_211 : i32
      %dma_start3A_213 = arith.constant 0 : i32
      %dma_start3A_214 = arith.constant 0 : i32
      %dma_start3A_215 = tpu.memref_slice %arg19[%dma_start3A_213, %dma_start3A_214] : memref<2x128xi32, #tpu.memory_space<vmem>> -> memref<1x128xi32, #tpu.memory_space<vmem>>
      %dma_start3A_216 = tpu.memref_squeeze %dma_start3A_215 : memref<1x128xi32, #tpu.memory_space<vmem>> -> memref<128xi32, #tpu.memory_space<vmem>>
      %dma_start3A_217 = tpu.memref_slice %arg6[%add3A_212] : memref<320000xi32, #tpu.memory_space<hbm>> -> memref<128xi32, #tpu.memory_space<hbm>>
      %dma_start3A_218 = arith.constant 0 : i32
      %dma_start3A_219 = tpu.memref_slice %arg19[%dma_start3A_213, %dma_start3A_218] : memref<2x128xi32, #tpu.memory_space<vmem>> -> memref<1x128xi32, #tpu.memory_space<vmem>>
      %dma_start3A_220 = tpu.memref_squeeze %dma_start3A_219 : memref<1x128xi32, #tpu.memory_space<vmem>> -> memref<128xi32, #tpu.memory_space<vmem>>
      %dma_start3A_221 = tpu.memref_slice %arg6[%add3A_212] : memref<320000xi32, #tpu.memory_space<hbm>> -> memref<128xi32, #tpu.memory_space<hbm>>
      tpu.enqueue_dma source(%dma_start3A_221 : memref<128xi32, #tpu.memory_space<hbm>>) target(%dma_start3A_220 : memref<128xi32, #tpu.memory_space<vmem>>) target_semaphore(%arg24 : memref<!tpu.dma_semaphore, #tpu.memory_space<semaphore_mem>>)
      %dma_wait3A_222 = arith.constant 0 : i32
      %dma_wait3A_223 = arith.constant 0 : i32
      %dma_wait3A_224 = tpu.memref_slice %arg18[%dma_wait3A_222, %dma_wait3A_223] : memref<2x128xi32, #tpu.memory_space<vmem>> -> memref<1x128xi32, #tpu.memory_space<vmem>>
      %dma_wait3A_225 = tpu.memref_squeeze %dma_wait3A_224 : memref<1x128xi32, #tpu.memory_space<vmem>> -> memref<128xi32, #tpu.memory_space<vmem>>
      %dma_wait3A_226 = arith.constant 0 : i32
      %dma_wait3A_227 = tpu.memref_slice %arg5[%dma_wait3A_226] : memref<320000xi32, #tpu.memory_space<hbm>> -> memref<128xi32, #tpu.memory_space<hbm>>
      %dma_wait3A_228 = arith.constant 0 : i32
      %dma_wait3A_229 = tpu.memref_slice %arg18[%dma_wait3A_222, %dma_wait3A_228] : memref<2x128xi32, #tpu.memory_space<vmem>> -> memref<1x128xi32, #tpu.memory_space<vmem>>
      %dma_wait3A_230 = tpu.memref_squeeze %dma_wait3A_229 : memref<1x128xi32, #tpu.memory_space<vmem>> -> memref<128xi32, #tpu.memory_space<vmem>>
      %dma_wait3A_231 = arith.constant 0 : i32
      %dma_wait3A_232 = tpu.memref_slice %arg5[%dma_wait3A_231] : memref<320000xi32, #tpu.memory_space<hbm>> -> memref<128xi32, #tpu.memory_space<hbm>>
      tpu.wait_dma2 semaphore(%arg24 : memref<!tpu.dma_semaphore, #tpu.memory_space<semaphore_mem>>) src(%dma_wait3A_232 : memref<128xi32, #tpu.memory_space<hbm>>) dst(%dma_wait3A_230 : memref<128xi32, #tpu.memory_space<vmem>>)
      %dma_wait3A_233 = arith.constant 0 : i32
      %dma_wait3A_234 = arith.constant 0 : i32
      %dma_wait3A_235 = tpu.memref_slice %arg19[%dma_wait3A_233, %dma_wait3A_234] : memref<2x128xi32, #tpu.memory_space<vmem>> -> memref<1x128xi32, #tpu.memory_space<vmem>>
      %dma_wait3A_236 = tpu.memref_squeeze %dma_wait3A_235 : memref<1x128xi32, #tpu.memory_space<vmem>> -> memref<128xi32, #tpu.memory_space<vmem>>
      %dma_wait3A_237 = arith.constant 0 : i32
      %dma_wait3A_238 = tpu.memref_slice %arg6[%dma_wait3A_237] : memref<320000xi32, #tpu.memory_space<hbm>> -> memref<128xi32, #tpu.memory_space<hbm>>
      %dma_wait3A_239 = arith.constant 0 : i32
      %dma_wait3A_240 = tpu.memref_slice %arg19[%dma_wait3A_233, %dma_wait3A_239] : memref<2x128xi32, #tpu.memory_space<vmem>> -> memref<1x128xi32, #tpu.memory_space<vmem>>
      %dma_wait3A_241 = tpu.memref_squeeze %dma_wait3A_240 : memref<1x128xi32, #tpu.memory_space<vmem>> -> memref<128xi32, #tpu.memory_space<vmem>>
      %dma_wait3A_242 = arith.constant 0 : i32
      %dma_wait3A_243 = tpu.memref_slice %arg6[%dma_wait3A_242] : memref<320000xi32, #tpu.memory_space<hbm>> -> memref<128xi32, #tpu.memory_space<hbm>>
      tpu.wait_dma2 semaphore(%arg24 : memref<!tpu.dma_semaphore, #tpu.memory_space<semaphore_mem>>) src(%dma_wait3A_243 : memref<128xi32, #tpu.memory_space<hbm>>) dst(%dma_wait3A_241 : memref<128xi32, #tpu.memory_space<vmem>>)
      %dma_start3A_244 = arith.constant 0 : i32
      %dma_start3A_245 = arith.constant 0 : i32
      %dma_start3A_246 = arith.constant 0 : i32
      %dma_start3A_247 = arith.constant 0 : i32
      %dma_start3A_248 = tpu.memref_slice %arg20[%dma_start3A_245, %dma_start3A_246, %dma_start3A_247] : memref<2x128x128xf32, #tpu.memory_space<vmem>> -> memref<1x128x128xf32, #tpu.memory_space<vmem>>
      %dma_start3A_249 = tpu.memref_squeeze %dma_start3A_248 : memref<1x128x128xf32, #tpu.memory_space<vmem>> -> memref<128x128xf32, #tpu.memory_space<vmem>>
      %dma_start3A_250 = arith.constant 0 : i32
      %dma_start3A_251 = tpu.memref_slice %arg18[%dma_start3A_244, %dma_start3A_250] : memref<2x128xi32, #tpu.memory_space<vmem>> -> memref<1x128xi32, #tpu.memory_space<vmem>>
      %dma_start3A_252 = tpu.memref_squeeze %dma_start3A_251 : memref<1x128xi32, #tpu.memory_space<vmem>> -> memref<128xi32, #tpu.memory_space<vmem>>
      %dma_start3A_253 = arith.constant 0 : i32
      %dma_start3A_254 = arith.constant 0 : i32
      %dma_start3A_255 = tpu.memref_slice %arg2[%dma_start3A_253, %dma_start3A_254] : memref<10000x128xf32, #tpu.memory_space<hbm>> -> memref<10000x128xf32, #tpu.memory_space<hbm>>
      tpu.enqueue_indirect_dma source(%dma_start3A_255 : memref<10000x128xf32, #tpu.memory_space<hbm>>) target(%dma_start3A_249 : memref<128x128xf32, #tpu.memory_space<vmem>>) offsets(%dma_start3A_252 : memref<128xi32, #tpu.memory_space<vmem>>) semaphore(%arg23 : memref<!tpu.dma_semaphore, #tpu.memory_space<semaphore_mem>>)
      %add3A_256 = arith.constant 128 : i32
      %add3A_257 = arith.addi %mul3A_2, %add3A_256 : i32
      %dma_start3A_258 = arith.constant 1 : i32
      %dma_start3A_259 = arith.constant 0 : i32
      %dma_start3A_260 = tpu.memref_slice %arg18[%dma_start3A_258, %dma_start3A_259] : memref<2x128xi32, #tpu.memory_space<vmem>> -> memref<1x128xi32, #tpu.memory_space<vmem>>
      %dma_start3A_261 = tpu.memref_squeeze %dma_start3A_260 : memref<1x128xi32, #tpu.memory_space<vmem>> -> memref<128xi32, #tpu.memory_space<vmem>>
      %dma_start3A_262 = tpu.memref_slice %arg5[%add3A_257] : memref<320000xi32, #tpu.memory_space<hbm>> -> memref<128xi32, #tpu.memory_space<hbm>>
      %dma_start3A_263 = arith.constant 0 : i32
      %dma_start3A_264 = tpu.memref_slice %arg18[%dma_start3A_258, %dma_start3A_263] : memref<2x128xi32, #tpu.memory_space<vmem>> -> memref<1x128xi32, #tpu.memory_space<vmem>>
      %dma_start3A_265 = tpu.memref_squeeze %dma_start3A_264 : memref<1x128xi32, #tpu.memory_space<vmem>> -> memref<128xi32, #tpu.memory_space<vmem>>
      %dma_start3A_266 = tpu.memref_slice %arg5[%add3A_257] : memref<320000xi32, #tpu.memory_space<hbm>> -> memref<128xi32, #tpu.memory_space<hbm>>
      tpu.enqueue_dma source(%dma_start3A_266 : memref<128xi32, #tpu.memory_space<hbm>>) target(%dma_start3A_265 : memref<128xi32, #tpu.memory_space<vmem>>) target_semaphore(%arg24 : memref<!tpu.dma_semaphore, #tpu.memory_space<semaphore_mem>>)
      %add3A_267 = arith.constant 128 : i32
      %add3A_268 = arith.addi %mul3A_2, %add3A_267 : i32
      %dma_start3A_269 = arith.constant 1 : i32
      %dma_start3A_270 = arith.constant 0 : i32
      %dma_start3A_271 = tpu.memref_slice %arg19[%dma_start3A_269, %dma_start3A_270] : memref<2x128xi32, #tpu.memory_space<vmem>> -> memref<1x128xi32, #tpu.memory_space<vmem>>
      %dma_start3A_272 = tpu.memref_squeeze %dma_start3A_271 : memref<1x128xi32, #tpu.memory_space<vmem>> -> memref<128xi32, #tpu.memory_space<vmem>>
      %dma_start3A_273 = tpu.memref_slice %arg6[%add3A_268] : memref<320000xi32, #tpu.memory_space<hbm>> -> memref<128xi32, #tpu.memory_space<hbm>>
      %dma_start3A_274 = arith.constant 0 : i32
      %dma_start3A_275 = tpu.memref_slice %arg19[%dma_start3A_269, %dma_start3A_274] : memref<2x128xi32, #tpu.memory_space<vmem>> -> memref<1x128xi32, #tpu.memory_space<vmem>>
      %dma_start3A_276 = tpu.memref_squeeze %dma_start3A_275 : memref<1x128xi32, #tpu.memory_space<vmem>> -> memref<128xi32, #tpu.memory_space<vmem>>
      %dma_start3A_277 = tpu.memref_slice %arg6[%add3A_268] : memref<320000xi32, #tpu.memory_space<hbm>> -> memref<128xi32, #tpu.memory_space<hbm>>
      tpu.enqueue_dma source(%dma_start3A_277 : memref<128xi32, #tpu.memory_space<hbm>>) target(%dma_start3A_276 : memref<128xi32, #tpu.memory_space<vmem>>) target_semaphore(%arg24 : memref<!tpu.dma_semaphore, #tpu.memory_space<semaphore_mem>>)
      %scan3A = arith.constant 0 : i32
      %scan3A_278 = arith.constant 0 : i32
      %scan3A_279 = arith.constant 78 : i32
      %scan3A_280 = arith.addi %scan3A_278, %scan3A_279 : i32
      %scan3A_281 = arith.constant 1 : i32
      scf.for %scan3A_413 = %scan3A_278 to %scan3A_280 step %scan3A_281  : i32 {
        %mul3A_414 = arith.constant 2 : i32
        %mul3A_415 = arith.muli %mul3A_414, %scan3A_413 : i32
        %add3A_416 = arith.constant 0 : i32
        %add3A_417 = arith.addi %mul3A_415, %add3A_416 : i32
        %dma_wait3A_418 = arith.constant 0 : i32
        %dma_wait3A_419 = arith.constant 0 : i32
        %dma_wait3A_420 = arith.constant 0 : i32
        %dma_wait3A_421 = arith.constant 0 : i32
        %dma_wait3A_422 = tpu.memref_slice %arg20[%dma_wait3A_419, %dma_wait3A_420, %dma_wait3A_421] : memref<2x128x128xf32, #tpu.memory_space<vmem>> -> memref<1x128x128xf32, #tpu.memory_space<vmem>>
        %dma_wait3A_423 = tpu.memref_squeeze %dma_wait3A_422 : memref<1x128x128xf32, #tpu.memory_space<vmem>> -> memref<128x128xf32, #tpu.memory_space<vmem>>
        %dma_wait3A_424 = arith.constant 0 : i32
        %dma_wait3A_425 = tpu.memref_slice %arg18[%dma_wait3A_418, %dma_wait3A_424] : memref<2x128xi32, #tpu.memory_space<vmem>> -> memref<1x128xi32, #tpu.memory_space<vmem>>
        %dma_wait3A_426 = tpu.memref_squeeze %dma_wait3A_425 : memref<1x128xi32, #tpu.memory_space<vmem>> -> memref<128xi32, #tpu.memory_space<vmem>>
        %dma_wait3A_427 = arith.constant 0 : i32
        %dma_wait3A_428 = arith.constant 0 : i32
        %dma_wait3A_429 = tpu.memref_slice %arg2[%dma_wait3A_427, %dma_wait3A_428] : memref<10000x128xf32, #tpu.memory_space<hbm>> -> memref<10000x128xf32, #tpu.memory_space<hbm>>
        tpu.wait_indirect_dma semaphore(%arg23 : memref<!tpu.dma_semaphore, #tpu.memory_space<semaphore_mem>>) src(%dma_wait3A_429 : memref<10000x128xf32, #tpu.memory_space<hbm>>) dst(%dma_wait3A_423 : memref<128x128xf32, #tpu.memory_space<vmem>>)
        %add3A_430 = arith.constant 1 : i32
        %add3A_431 = arith.addi %add3A_417, %add3A_430 : i32
        %lt3A = arith.constant 156 : i32
        %lt3A_432 = arith.cmpi slt, %add3A_431, %lt3A : i32
        %convert_element_type3A_433 = arith.extui %lt3A_432 : i1 to i32
        %cond3A_434 = arith.constant 0 : i32
        %cond3A_435 = arith.cmpi ne, %convert_element_type3A_433, %cond3A_434 : i32
        scf.if %cond3A_435 {
          %dma_wait3A_497 = arith.constant 1 : i32
          %dma_wait3A_498 = arith.constant 0 : i32
          %dma_wait3A_499 = tpu.memref_slice %arg18[%dma_wait3A_497, %dma_wait3A_498] : memref<2x128xi32, #tpu.memory_space<vmem>> -> memref<1x128xi32, #tpu.memory_space<vmem>>
          %dma_wait3A_500 = tpu.memref_squeeze %dma_wait3A_499 : memref<1x128xi32, #tpu.memory_space<vmem>> -> memref<128xi32, #tpu.memory_space<vmem>>
          %dma_wait3A_501 = arith.constant 0 : i32
          %dma_wait3A_502 = tpu.memref_slice %arg5[%dma_wait3A_501] : memref<320000xi32, #tpu.memory_space<hbm>> -> memref<128xi32, #tpu.memory_space<hbm>>
          %dma_wait3A_503 = arith.constant 0 : i32
          %dma_wait3A_504 = tpu.memref_slice %arg18[%dma_wait3A_497, %dma_wait3A_503] : memref<2x128xi32, #tpu.memory_space<vmem>> -> memref<1x128xi32, #tpu.memory_space<vmem>>
          %dma_wait3A_505 = tpu.memref_squeeze %dma_wait3A_504 : memref<1x128xi32, #tpu.memory_space<vmem>> -> memref<128xi32, #tpu.memory_space<vmem>>
          %dma_wait3A_506 = arith.constant 0 : i32
          %dma_wait3A_507 = tpu.memref_slice %arg5[%dma_wait3A_506] : memref<320000xi32, #tpu.memory_space<hbm>> -> memref<128xi32, #tpu.memory_space<hbm>>
          tpu.wait_dma2 semaphore(%arg24 : memref<!tpu.dma_semaphore, #tpu.memory_space<semaphore_mem>>) src(%dma_wait3A_507 : memref<128xi32, #tpu.memory_space<hbm>>) dst(%dma_wait3A_505 : memref<128xi32, #tpu.memory_space<vmem>>)
          %dma_wait3A_508 = arith.constant 1 : i32
          %dma_wait3A_509 = arith.constant 0 : i32
          %dma_wait3A_510 = tpu.memref_slice %arg19[%dma_wait3A_508, %dma_wait3A_509] : memref<2x128xi32, #tpu.memory_space<vmem>> -> memref<1x128xi32, #tpu.memory_space<vmem>>
          %dma_wait3A_511 = tpu.memref_squeeze %dma_wait3A_510 : memref<1x128xi32, #tpu.memory_space<vmem>> -> memref<128xi32, #tpu.memory_space<vmem>>
          %dma_wait3A_512 = arith.constant 0 : i32
          %dma_wait3A_513 = tpu.memref_slice %arg6[%dma_wait3A_512] : memref<320000xi32, #tpu.memory_space<hbm>> -> memref<128xi32, #tpu.memory_space<hbm>>
          %dma_wait3A_514 = arith.constant 0 : i32
          %dma_wait3A_515 = tpu.memref_slice %arg19[%dma_wait3A_508, %dma_wait3A_514] : memref<2x128xi32, #tpu.memory_space<vmem>> -> memref<1x128xi32, #tpu.memory_space<vmem>>
          %dma_wait3A_516 = tpu.memref_squeeze %dma_wait3A_515 : memref<1x128xi32, #tpu.memory_space<vmem>> -> memref<128xi32, #tpu.memory_space<vmem>>
          %dma_wait3A_517 = arith.constant 0 : i32
          %dma_wait3A_518 = tpu.memref_slice %arg6[%dma_wait3A_517] : memref<320000xi32, #tpu.memory_space<hbm>> -> memref<128xi32, #tpu.memory_space<hbm>>
          tpu.wait_dma2 semaphore(%arg24 : memref<!tpu.dma_semaphore, #tpu.memory_space<semaphore_mem>>) src(%dma_wait3A_518 : memref<128xi32, #tpu.memory_space<hbm>>) dst(%dma_wait3A_516 : memref<128xi32, #tpu.memory_space<vmem>>)
          %ge3A = arith.constant 1 : i32
          %ge3A_519 = arith.cmpi sge, %add3A_417, %ge3A : i32
          %convert_element_type3A_520 = arith.extui %ge3A_519 : i1 to i32
          %cond3A_521 = arith.constant 0 : i32
          %cond3A_522 = arith.cmpi ne, %convert_element_type3A_520, %cond3A_521 : i32
          scf.if %cond3A_522 {
            %dma_wait3A_535 = arith.constant 1 : i32
            %dma_wait3A_536 = arith.constant 0 : i32
            %dma_wait3A_537 = arith.constant 0 : i32
            %dma_wait3A_538 = arith.constant 0 : i32
            %dma_wait3A_539 = tpu.memref_slice %arg20[%dma_wait3A_535, %dma_wait3A_537, %dma_wait3A_538] : memref<2x128x128xf32, #tpu.memory_space<vmem>> -> memref<1x128x128xf32, #tpu.memory_space<vmem>>
            %dma_wait3A_540 = tpu.memref_squeeze %dma_wait3A_539 : memref<1x128x128xf32, #tpu.memory_space<vmem>> -> memref<128x128xf32, #tpu.memory_space<vmem>>
            %dma_wait3A_541 = arith.constant 0 : i32
            %dma_wait3A_542 = tpu.memref_slice %arg19[%dma_wait3A_536, %dma_wait3A_541] : memref<2x128xi32, #tpu.memory_space<vmem>> -> memref<1x128xi32, #tpu.memory_space<vmem>>
            %dma_wait3A_543 = tpu.memref_squeeze %dma_wait3A_542 : memref<1x128xi32, #tpu.memory_space<vmem>> -> memref<128xi32, #tpu.memory_space<vmem>>
            %dma_wait3A_544 = arith.constant 0 : i32
            %dma_wait3A_545 = arith.constant 0 : i32
            %dma_wait3A_546 = tpu.memref_slice %arg22[%dma_wait3A_544, %dma_wait3A_545] : memref<10240x128xf32, #tpu.memory_space<vmem_shared>> -> memref<10240x128xf32, #tpu.memory_space<vmem_shared>>
            tpu.wait_indirect_dma semaphore(%arg25 : memref<!tpu.dma_semaphore, #tpu.memory_space<semaphore_mem>>) src(%dma_wait3A_540 : memref<128x128xf32, #tpu.memory_space<vmem>>) dst(%dma_wait3A_546 : memref<10240x128xf32, #tpu.memory_space<vmem_shared>>)
          } else {
          }
          %dma_start3A_523 = arith.constant 1 : i32
          %dma_start3A_524 = arith.constant 1 : i32
          %dma_start3A_525 = arith.constant 0 : i32
          %dma_start3A_526 = arith.constant 0 : i32
          %dma_start3A_527 = tpu.memref_slice %arg20[%dma_start3A_524, %dma_start3A_525, %dma_start3A_526] : memref<2x128x128xf32, #tpu.memory_space<vmem>> -> memref<1x128x128xf32, #tpu.memory_space<vmem>>
          %dma_start3A_528 = tpu.memref_squeeze %dma_start3A_527 : memref<1x128x128xf32, #tpu.memory_space<vmem>> -> memref<128x128xf32, #tpu.memory_space<vmem>>
          %dma_start3A_529 = arith.constant 0 : i32
          %dma_start3A_530 = tpu.memref_slice %arg18[%dma_start3A_523, %dma_start3A_529] : memref<2x128xi32, #tpu.memory_space<vmem>> -> memref<1x128xi32, #tpu.memory_space<vmem>>
          %dma_start3A_531 = tpu.memref_squeeze %dma_start3A_530 : memref<1x128xi32, #tpu.memory_space<vmem>> -> memref<128xi32, #tpu.memory_space<vmem>>
          %dma_start3A_532 = arith.constant 0 : i32
          %dma_start3A_533 = arith.constant 0 : i32
          %dma_start3A_534 = tpu.memref_slice %arg2[%dma_start3A_532, %dma_start3A_533] : memref<10000x128xf32, #tpu.memory_space<hbm>> -> memref<10000x128xf32, #tpu.memory_space<hbm>>
          tpu.enqueue_indirect_dma source(%dma_start3A_534 : memref<10000x128xf32, #tpu.memory_space<hbm>>) target(%dma_start3A_528 : memref<128x128xf32, #tpu.memory_space<vmem>>) offsets(%dma_start3A_531 : memref<128xi32, #tpu.memory_space<vmem>>) semaphore(%arg23 : memref<!tpu.dma_semaphore, #tpu.memory_space<semaphore_mem>>)
        } else {
        }
        %add3A_436 = arith.constant 2 : i32
        %add3A_437 = arith.addi %add3A_417, %add3A_436 : i32
        %lt3A_438 = arith.constant 156 : i32
        %lt3A_439 = arith.cmpi slt, %add3A_437, %lt3A_438 : i32
        %convert_element_type3A_440 = arith.extui %lt3A_439 : i1 to i32
        %cond3A_441 = arith.constant 0 : i32
        %cond3A_442 = arith.cmpi ne, %convert_element_type3A_440, %cond3A_441 : i32
        scf.if %cond3A_442 {
          %add3A_497 = arith.constant 2 : i32
          %add3A_498 = arith.addi %add3A_417, %add3A_497 : i32
          %mul3A_499 = arith.constant 128 : i32
          %mul3A_500 = arith.muli %add3A_498, %mul3A_499 : i32
          %add3A_501 = arith.addi %mul3A_2, %mul3A_500 : i32
          %dma_start3A_502 = arith.constant 0 : i32
          %dma_start3A_503 = arith.constant 0 : i32
          %dma_start3A_504 = tpu.memref_slice %arg18[%dma_start3A_502, %dma_start3A_503] : memref<2x128xi32, #tpu.memory_space<vmem>> -> memref<1x128xi32, #tpu.memory_space<vmem>>
          %dma_start3A_505 = tpu.memref_squeeze %dma_start3A_504 : memref<1x128xi32, #tpu.memory_space<vmem>> -> memref<128xi32, #tpu.memory_space<vmem>>
          %dma_start3A_506 = tpu.memref_slice %arg5[%add3A_501] : memref<320000xi32, #tpu.memory_space<hbm>> -> memref<128xi32, #tpu.memory_space<hbm>>
          %dma_start3A_507 = arith.constant 0 : i32
          %dma_start3A_508 = tpu.memref_slice %arg18[%dma_start3A_502, %dma_start3A_507] : memref<2x128xi32, #tpu.memory_space<vmem>> -> memref<1x128xi32, #tpu.memory_space<vmem>>
          %dma_start3A_509 = tpu.memref_squeeze %dma_start3A_508 : memref<1x128xi32, #tpu.memory_space<vmem>> -> memref<128xi32, #tpu.memory_space<vmem>>
          %dma_start3A_510 = tpu.memref_slice %arg5[%add3A_501] : memref<320000xi32, #tpu.memory_space<hbm>> -> memref<128xi32, #tpu.memory_space<hbm>>
          tpu.enqueue_dma source(%dma_start3A_510 : memref<128xi32, #tpu.memory_space<hbm>>) target(%dma_start3A_509 : memref<128xi32, #tpu.memory_space<vmem>>) target_semaphore(%arg24 : memref<!tpu.dma_semaphore, #tpu.memory_space<semaphore_mem>>)
          %mul3A_511 = arith.constant 128 : i32
          %mul3A_512 = arith.muli %add3A_498, %mul3A_511 : i32
          %add3A_513 = arith.addi %mul3A_2, %mul3A_512 : i32
          %dma_start3A_514 = arith.constant 0 : i32
          %dma_start3A_515 = arith.constant 0 : i32
          %dma_start3A_516 = tpu.memref_slice %arg19[%dma_start3A_514, %dma_start3A_515] : memref<2x128xi32, #tpu.memory_space<vmem>> -> memref<1x128xi32, #tpu.memory_space<vmem>>
          %dma_start3A_517 = tpu.memref_squeeze %dma_start3A_516 : memref<1x128xi32, #tpu.memory_space<vmem>> -> memref<128xi32, #tpu.memory_space<vmem>>
          %dma_start3A_518 = tpu.memref_slice %arg6[%add3A_513] : memref<320000xi32, #tpu.memory_space<hbm>> -> memref<128xi32, #tpu.memory_space<hbm>>
          %dma_start3A_519 = arith.constant 0 : i32
          %dma_start3A_520 = tpu.memref_slice %arg19[%dma_start3A_514, %dma_start3A_519] : memref<2x128xi32, #tpu.memory_space<vmem>> -> memref<1x128xi32, #tpu.memory_space<vmem>>
          %dma_start3A_521 = tpu.memref_squeeze %dma_start3A_520 : memref<1x128xi32, #tpu.memory_space<vmem>> -> memref<128xi32, #tpu.memory_space<vmem>>
          %dma_start3A_522 = tpu.memref_slice %arg6[%add3A_513] : memref<320000xi32, #tpu.memory_space<hbm>> -> memref<128xi32, #tpu.memory_space<hbm>>
          tpu.enqueue_dma source(%dma_start3A_522 : memref<128xi32, #tpu.memory_space<hbm>>) target(%dma_start3A_521 : memref<128xi32, #tpu.memory_space<vmem>>) target_semaphore(%arg24 : memref<!tpu.dma_semaphore, #tpu.memory_space<semaphore_mem>>)
        } else {
        }
        %dma_start3A_443 = arith.constant 0 : i32
        %dma_start3A_444 = arith.constant 0 : i32
        %dma_start3A_445 = arith.constant 0 : i32
        %dma_start3A_446 = arith.constant 0 : i32
        %dma_start3A_447 = tpu.memref_slice %arg20[%dma_start3A_443, %dma_start3A_445, %dma_start3A_446] : memref<2x128x128xf32, #tpu.memory_space<vmem>> -> memref<1x128x128xf32, #tpu.memory_space<vmem>>
        %dma_start3A_448 = tpu.memref_squeeze %dma_start3A_447 : memref<1x128x128xf32, #tpu.memory_space<vmem>> -> memref<128x128xf32, #tpu.memory_space<vmem>>
        %dma_start3A_449 = arith.constant 0 : i32
        %dma_start3A_450 = tpu.memref_slice %arg19[%dma_start3A_444, %dma_start3A_449] : memref<2x128xi32, #tpu.memory_space<vmem>> -> memref<1x128xi32, #tpu.memory_space<vmem>>
        %dma_start3A_451 = tpu.memref_squeeze %dma_start3A_450 : memref<1x128xi32, #tpu.memory_space<vmem>> -> memref<128xi32, #tpu.memory_space<vmem>>
        %dma_start3A_452 = arith.constant 0 : i32
        %dma_start3A_453 = arith.constant 0 : i32
        %dma_start3A_454 = tpu.memref_slice %arg22[%dma_start3A_452, %dma_start3A_453] : memref<10240x128xf32, #tpu.memory_space<vmem_shared>> -> memref<10240x128xf32, #tpu.memory_space<vmem_shared>>
        tpu.enqueue_indirect_dma source(%dma_start3A_448 : memref<128x128xf32, #tpu.memory_space<vmem>>) target(%dma_start3A_454 : memref<10240x128xf32, #tpu.memory_space<vmem_shared>>) offsets(%dma_start3A_451 : memref<128xi32, #tpu.memory_space<vmem>>) semaphore(%arg25 : memref<!tpu.dma_semaphore, #tpu.memory_space<semaphore_mem>>) {add = true}
        %mul3A_455 = arith.constant 2 : i32
        %mul3A_456 = arith.muli %mul3A_455, %scan3A_413 : i32
        %add3A_457 = arith.constant 1 : i32
        %add3A_458 = arith.addi %mul3A_456, %add3A_457 : i32
        %dma_wait3A_459 = arith.constant 0 : i32
        %dma_wait3A_460 = arith.constant 1 : i32
        %dma_wait3A_461 = arith.constant 0 : i32
        %dma_wait3A_462 = arith.constant 0 : i32
        %dma_wait3A_463 = tpu.memref_slice %arg20[%dma_wait3A_460, %dma_wait3A_461, %dma_wait3A_462] : memref<2x128x128xf32, #tpu.memory_space<vmem>> -> memref<1x128x128xf32, #tpu.memory_space<vmem>>
        %dma_wait3A_464 = tpu.memref_squeeze %dma_wait3A_463 : memref<1x128x128xf32, #tpu.memory_space<vmem>> -> memref<128x128xf32, #tpu.memory_space<vmem>>
        %dma_wait3A_465 = arith.constant 0 : i32
        %dma_wait3A_466 = tpu.memref_slice %arg18[%dma_wait3A_459, %dma_wait3A_465] : memref<2x128xi32, #tpu.memory_space<vmem>> -> memref<1x128xi32, #tpu.memory_space<vmem>>
        %dma_wait3A_467 = tpu.memref_squeeze %dma_wait3A_466 : memref<1x128xi32, #tpu.memory_space<vmem>> -> memref<128xi32, #tpu.memory_space<vmem>>
        %dma_wait3A_468 = arith.constant 0 : i32
        %dma_wait3A_469 = arith.constant 0 : i32
        %dma_wait3A_470 = tpu.memref_slice %arg2[%dma_wait3A_468, %dma_wait3A_469] : memref<10000x128xf32, #tpu.memory_space<hbm>> -> memref<10000x128xf32, #tpu.memory_space<hbm>>
        tpu.wait_indirect_dma semaphore(%arg23 : memref<!tpu.dma_semaphore, #tpu.memory_space<semaphore_mem>>) src(%dma_wait3A_470 : memref<10000x128xf32, #tpu.memory_space<hbm>>) dst(%dma_wait3A_464 : memref<128x128xf32, #tpu.memory_space<vmem>>)
        %add3A_471 = arith.constant 1 : i32
        %add3A_472 = arith.addi %add3A_458, %add3A_471 : i32
        %lt3A_473 = arith.constant 156 : i32
        %lt3A_474 = arith.cmpi slt, %add3A_472, %lt3A_473 : i32
        %convert_element_type3A_475 = arith.extui %lt3A_474 : i1 to i32
        %cond3A_476 = arith.constant 0 : i32
        %cond3A_477 = arith.cmpi ne, %convert_element_type3A_475, %cond3A_476 : i32
        scf.if %cond3A_477 {
          %dma_wait3A_497 = arith.constant 0 : i32
          %dma_wait3A_498 = arith.constant 0 : i32
          %dma_wait3A_499 = tpu.memref_slice %arg18[%dma_wait3A_497, %dma_wait3A_498] : memref<2x128xi32, #tpu.memory_space<vmem>> -> memref<1x128xi32, #tpu.memory_space<vmem>>
          %dma_wait3A_500 = tpu.memref_squeeze %dma_wait3A_499 : memref<1x128xi32, #tpu.memory_space<vmem>> -> memref<128xi32, #tpu.memory_space<vmem>>
          %dma_wait3A_501 = arith.constant 0 : i32
          %dma_wait3A_502 = tpu.memref_slice %arg5[%dma_wait3A_501] : memref<320000xi32, #tpu.memory_space<hbm>> -> memref<128xi32, #tpu.memory_space<hbm>>
          %dma_wait3A_503 = arith.constant 0 : i32
          %dma_wait3A_504 = tpu.memref_slice %arg18[%dma_wait3A_497, %dma_wait3A_503] : memref<2x128xi32, #tpu.memory_space<vmem>> -> memref<1x128xi32, #tpu.memory_space<vmem>>
          %dma_wait3A_505 = tpu.memref_squeeze %dma_wait3A_504 : memref<1x128xi32, #tpu.memory_space<vmem>> -> memref<128xi32, #tpu.memory_space<vmem>>
          %dma_wait3A_506 = arith.constant 0 : i32
          %dma_wait3A_507 = tpu.memref_slice %arg5[%dma_wait3A_506] : memref<320000xi32, #tpu.memory_space<hbm>> -> memref<128xi32, #tpu.memory_space<hbm>>
          tpu.wait_dma2 semaphore(%arg24 : memref<!tpu.dma_semaphore, #tpu.memory_space<semaphore_mem>>) src(%dma_wait3A_507 : memref<128xi32, #tpu.memory_space<hbm>>) dst(%dma_wait3A_505 : memref<128xi32, #tpu.memory_space<vmem>>)
          %dma_wait3A_508 = arith.constant 0 : i32
          %dma_wait3A_509 = arith.constant 0 : i32
          %dma_wait3A_510 = tpu.memref_slice %arg19[%dma_wait3A_508, %dma_wait3A_509] : memref<2x128xi32, #tpu.memory_space<vmem>> -> memref<1x128xi32, #tpu.memory_space<vmem>>
          %dma_wait3A_511 = tpu.memref_squeeze %dma_wait3A_510 : memref<1x128xi32, #tpu.memory_space<vmem>> -> memref<128xi32, #tpu.memory_space<vmem>>
          %dma_wait3A_512 = arith.constant 0 : i32
          %dma_wait3A_513 = tpu.memref_slice %arg6[%dma_wait3A_512] : memref<320000xi32, #tpu.memory_space<hbm>> -> memref<128xi32, #tpu.memory_space<hbm>>
          %dma_wait3A_514 = arith.constant 0 : i32
          %dma_wait3A_515 = tpu.memref_slice %arg19[%dma_wait3A_508, %dma_wait3A_514] : memref<2x128xi32, #tpu.memory_space<vmem>> -> memref<1x128xi32, #tpu.memory_space<vmem>>
          %dma_wait3A_516 = tpu.memref_squeeze %dma_wait3A_515 : memref<1x128xi32, #tpu.memory_space<vmem>> -> memref<128xi32, #tpu.memory_space<vmem>>
          %dma_wait3A_517 = arith.constant 0 : i32
          %dma_wait3A_518 = tpu.memref_slice %arg6[%dma_wait3A_517] : memref<320000xi32, #tpu.memory_space<hbm>> -> memref<128xi32, #tpu.memory_space<hbm>>
          tpu.wait_dma2 semaphore(%arg24 : memref<!tpu.dma_semaphore, #tpu.memory_space<semaphore_mem>>) src(%dma_wait3A_518 : memref<128xi32, #tpu.memory_space<hbm>>) dst(%dma_wait3A_516 : memref<128xi32, #tpu.memory_space<vmem>>)
          %ge3A = arith.constant 1 : i32
          %ge3A_519 = arith.cmpi sge, %add3A_458, %ge3A : i32
          %convert_element_type3A_520 = arith.extui %ge3A_519 : i1 to i32
          %cond3A_521 = arith.constant 0 : i32
          %cond3A_522 = arith.cmpi ne, %convert_element_type3A_520, %cond3A_521 : i32
          scf.if %cond3A_522 {
            %dma_wait3A_535 = arith.constant 0 : i32
            %dma_wait3A_536 = arith.constant 0 : i32
            %dma_wait3A_537 = arith.constant 0 : i32
            %dma_wait3A_538 = arith.constant 0 : i32
            %dma_wait3A_539 = tpu.memref_slice %arg20[%dma_wait3A_535, %dma_wait3A_537, %dma_wait3A_538] : memref<2x128x128xf32, #tpu.memory_space<vmem>> -> memref<1x128x128xf32, #tpu.memory_space<vmem>>
            %dma_wait3A_540 = tpu.memref_squeeze %dma_wait3A_539 : memref<1x128x128xf32, #tpu.memory_space<vmem>> -> memref<128x128xf32, #tpu.memory_space<vmem>>
            %dma_wait3A_541 = arith.constant 0 : i32
            %dma_wait3A_542 = tpu.memref_slice %arg19[%dma_wait3A_536, %dma_wait3A_541] : memref<2x128xi32, #tpu.memory_space<vmem>> -> memref<1x128xi32, #tpu.memory_space<vmem>>
            %dma_wait3A_543 = tpu.memref_squeeze %dma_wait3A_542 : memref<1x128xi32, #tpu.memory_space<vmem>> -> memref<128xi32, #tpu.memory_space<vmem>>
            %dma_wait3A_544 = arith.constant 0 : i32
            %dma_wait3A_545 = arith.constant 0 : i32
            %dma_wait3A_546 = tpu.memref_slice %arg22[%dma_wait3A_544, %dma_wait3A_545] : memref<10240x128xf32, #tpu.memory_space<vmem_shared>> -> memref<10240x128xf32, #tpu.memory_space<vmem_shared>>
            tpu.wait_indirect_dma semaphore(%arg25 : memref<!tpu.dma_semaphore, #tpu.memory_space<semaphore_mem>>) src(%dma_wait3A_540 : memref<128x128xf32, #tpu.memory_space<vmem>>) dst(%dma_wait3A_546 : memref<10240x128xf32, #tpu.memory_space<vmem_shared>>)
          } else {
          }
          %dma_start3A_523 = arith.constant 0 : i32
          %dma_start3A_524 = arith.constant 0 : i32
          %dma_start3A_525 = arith.constant 0 : i32
          %dma_start3A_526 = arith.constant 0 : i32
          %dma_start3A_527 = tpu.memref_slice %arg20[%dma_start3A_524, %dma_start3A_525, %dma_start3A_526] : memref<2x128x128xf32, #tpu.memory_space<vmem>> -> memref<1x128x128xf32, #tpu.memory_space<vmem>>
          %dma_start3A_528 = tpu.memref_squeeze %dma_start3A_527 : memref<1x128x128xf32, #tpu.memory_space<vmem>> -> memref<128x128xf32, #tpu.memory_space<vmem>>
          %dma_start3A_529 = arith.constant 0 : i32
          %dma_start3A_530 = tpu.memref_slice %arg18[%dma_start3A_523, %dma_start3A_529] : memref<2x128xi32, #tpu.memory_space<vmem>> -> memref<1x128xi32, #tpu.memory_space<vmem>>
          %dma_start3A_531 = tpu.memref_squeeze %dma_start3A_530 : memref<1x128xi32, #tpu.memory_space<vmem>> -> memref<128xi32, #tpu.memory_space<vmem>>
          %dma_start3A_532 = arith.constant 0 : i32
          %dma_start3A_533 = arith.constant 0 : i32
          %dma_start3A_534 = tpu.memref_slice %arg2[%dma_start3A_532, %dma_start3A_533] : memref<10000x128xf32, #tpu.memory_space<hbm>> -> memref<10000x128xf32, #tpu.memory_space<hbm>>
          tpu.enqueue_indirect_dma source(%dma_start3A_534 : memref<10000x128xf32, #tpu.memory_space<hbm>>) target(%dma_start3A_528 : memref<128x128xf32, #tpu.memory_space<vmem>>) offsets(%dma_start3A_531 : memref<128xi32, #tpu.memory_space<vmem>>) semaphore(%arg23 : memref<!tpu.dma_semaphore, #tpu.memory_space<semaphore_mem>>)
        } else {
        }
        %add3A_478 = arith.constant 2 : i32
        %add3A_479 = arith.addi %add3A_458, %add3A_478 : i32
        %lt3A_480 = arith.constant 156 : i32
        %lt3A_481 = arith.cmpi slt, %add3A_479, %lt3A_480 : i32
        %convert_element_type3A_482 = arith.extui %lt3A_481 : i1 to i32
        %cond3A_483 = arith.constant 0 : i32
        %cond3A_484 = arith.cmpi ne, %convert_element_type3A_482, %cond3A_483 : i32
        scf.if %cond3A_484 {
          %add3A_497 = arith.constant 2 : i32
          %add3A_498 = arith.addi %add3A_458, %add3A_497 : i32
          %mul3A_499 = arith.constant 128 : i32
          %mul3A_500 = arith.muli %add3A_498, %mul3A_499 : i32
          %add3A_501 = arith.addi %mul3A_2, %mul3A_500 : i32
          %dma_start3A_502 = arith.constant 1 : i32
          %dma_start3A_503 = arith.constant 0 : i32
          %dma_start3A_504 = tpu.memref_slice %arg18[%dma_start3A_502, %dma_start3A_503] : memref<2x128xi32, #tpu.memory_space<vmem>> -> memref<1x128xi32, #tpu.memory_space<vmem>>
          %dma_start3A_505 = tpu.memref_squeeze %dma_start3A_504 : memref<1x128xi32, #tpu.memory_space<vmem>> -> memref<128xi32, #tpu.memory_space<vmem>>
          %dma_start3A_506 = tpu.memref_slice %arg5[%add3A_501] : memref<320000xi32, #tpu.memory_space<hbm>> -> memref<128xi32, #tpu.memory_space<hbm>>
          %dma_start3A_507 = arith.constant 0 : i32
          %dma_start3A_508 = tpu.memref_slice %arg18[%dma_start3A_502, %dma_start3A_507] : memref<2x128xi32, #tpu.memory_space<vmem>> -> memref<1x128xi32, #tpu.memory_space<vmem>>
          %dma_start3A_509 = tpu.memref_squeeze %dma_start3A_508 : memref<1x128xi32, #tpu.memory_space<vmem>> -> memref<128xi32, #tpu.memory_space<vmem>>
          %dma_start3A_510 = tpu.memref_slice %arg5[%add3A_501] : memref<320000xi32, #tpu.memory_space<hbm>> -> memref<128xi32, #tpu.memory_space<hbm>>
          tpu.enqueue_dma source(%dma_start3A_510 : memref<128xi32, #tpu.memory_space<hbm>>) target(%dma_start3A_509 : memref<128xi32, #tpu.memory_space<vmem>>) target_semaphore(%arg24 : memref<!tpu.dma_semaphore, #tpu.memory_space<semaphore_mem>>)
          %mul3A_511 = arith.constant 128 : i32
          %mul3A_512 = arith.muli %add3A_498, %mul3A_511 : i32
          %add3A_513 = arith.addi %mul3A_2, %mul3A_512 : i32
          %dma_start3A_514 = arith.constant 1 : i32
          %dma_start3A_515 = arith.constant 0 : i32
          %dma_start3A_516 = tpu.memref_slice %arg19[%dma_start3A_514, %dma_start3A_515] : memref<2x128xi32, #tpu.memory_space<vmem>> -> memref<1x128xi32, #tpu.memory_space<vmem>>
          %dma_start3A_517 = tpu.memref_squeeze %dma_start3A_516 : memref<1x128xi32, #tpu.memory_space<vmem>> -> memref<128xi32, #tpu.memory_space<vmem>>
          %dma_start3A_518 = tpu.memref_slice %arg6[%add3A_513] : memref<320000xi32, #tpu.memory_space<hbm>> -> memref<128xi32, #tpu.memory_space<hbm>>
          %dma_start3A_519 = arith.constant 0 : i32
          %dma_start3A_520 = tpu.memref_slice %arg19[%dma_start3A_514, %dma_start3A_519] : memref<2x128xi32, #tpu.memory_space<vmem>> -> memref<1x128xi32, #tpu.memory_space<vmem>>
          %dma_start3A_521 = tpu.memref_squeeze %dma_start3A_520 : memref<1x128xi32, #tpu.memory_space<vmem>> -> memref<128xi32, #tpu.memory_space<vmem>>
          %dma_start3A_522 = tpu.memref_slice %arg6[%add3A_513] : memref<320000xi32, #tpu.memory_space<hbm>> -> memref<128xi32, #tpu.memory_space<hbm>>
          tpu.enqueue_dma source(%dma_start3A_522 : memref<128xi32, #tpu.memory_space<hbm>>) target(%dma_start3A_521 : memref<128xi32, #tpu.memory_space<vmem>>) target_semaphore(%arg24 : memref<!tpu.dma_semaphore, #tpu.memory_space<semaphore_mem>>)
        } else {
        }
        %dma_start3A_485 = arith.constant 1 : i32
        %dma_start3A_486 = arith.constant 1 : i32
        %dma_start3A_487 = arith.constant 0 : i32
        %dma_start3A_488 = arith.constant 0 : i32
        %dma_start3A_489 = tpu.memref_slice %arg20[%dma_start3A_485, %dma_start3A_487, %dma_start3A_488] : memref<2x128x128xf32, #tpu.memory_space<vmem>> -> memref<1x128x128xf32, #tpu.memory_space<vmem>>
        %dma_start3A_490 = tpu.memref_squeeze %dma_start3A_489 : memref<1x128x128xf32, #tpu.memory_space<vmem>> -> memref<128x128xf32, #tpu.memory_space<vmem>>
        %dma_start3A_491 = arith.constant 0 : i32
        %dma_start3A_492 = tpu.memref_slice %arg19[%dma_start3A_486, %dma_start3A_491] : memref<2x128xi32, #tpu.memory_space<vmem>> -> memref<1x128xi32, #tpu.memory_space<vmem>>
        %dma_start3A_493 = tpu.memref_squeeze %dma_start3A_492 : memref<1x128xi32, #tpu.memory_space<vmem>> -> memref<128xi32, #tpu.memory_space<vmem>>
        %dma_start3A_494 = arith.constant 0 : i32
        %dma_start3A_495 = arith.constant 0 : i32
        %dma_start3A_496 = tpu.memref_slice %arg22[%dma_start3A_494, %dma_start3A_495] : memref<10240x128xf32, #tpu.memory_space<vmem_shared>> -> memref<10240x128xf32, #tpu.memory_space<vmem_shared>>
        tpu.enqueue_indirect_dma source(%dma_start3A_490 : memref<128x128xf32, #tpu.memory_space<vmem>>) target(%dma_start3A_496 : memref<10240x128xf32, #tpu.memory_space<vmem_shared>>) offsets(%dma_start3A_493 : memref<128xi32, #tpu.memory_space<vmem>>) semaphore(%arg25 : memref<!tpu.dma_semaphore, #tpu.memory_space<semaphore_mem>>) {add = true}
      }
      %scan3A_282 = arith.constant 78 : i32
      %dma_wait3A_283 = arith.constant 0 : i32
      %dma_wait3A_284 = arith.constant 0 : i32
      %dma_wait3A_285 = arith.constant 0 : i32
      %dma_wait3A_286 = arith.constant 0 : i32
      %dma_wait3A_287 = tpu.memref_slice %arg20[%dma_wait3A_283, %dma_wait3A_285, %dma_wait3A_286] : memref<2x128x128xf32, #tpu.memory_space<vmem>> -> memref<1x128x128xf32, #tpu.memory_space<vmem>>
      %dma_wait3A_288 = tpu.memref_squeeze %dma_wait3A_287 : memref<1x128x128xf32, #tpu.memory_space<vmem>> -> memref<128x128xf32, #tpu.memory_space<vmem>>
      %dma_wait3A_289 = arith.constant 0 : i32
      %dma_wait3A_290 = tpu.memref_slice %arg19[%dma_wait3A_284, %dma_wait3A_289] : memref<2x128xi32, #tpu.memory_space<vmem>> -> memref<1x128xi32, #tpu.memory_space<vmem>>
      %dma_wait3A_291 = tpu.memref_squeeze %dma_wait3A_290 : memref<1x128xi32, #tpu.memory_space<vmem>> -> memref<128xi32, #tpu.memory_space<vmem>>
      %dma_wait3A_292 = arith.constant 0 : i32
      %dma_wait3A_293 = arith.constant 0 : i32
      %dma_wait3A_294 = tpu.memref_slice %arg22[%dma_wait3A_292, %dma_wait3A_293] : memref<10240x128xf32, #tpu.memory_space<vmem_shared>> -> memref<10240x128xf32, #tpu.memory_space<vmem_shared>>
      tpu.wait_indirect_dma semaphore(%arg25 : memref<!tpu.dma_semaphore, #tpu.memory_space<semaphore_mem>>) src(%dma_wait3A_288 : memref<128x128xf32, #tpu.memory_space<vmem>>) dst(%dma_wait3A_294 : memref<10240x128xf32, #tpu.memory_space<vmem_shared>>)
      %dma_wait3A_295 = arith.constant 1 : i32
      %dma_wait3A_296 = arith.constant 0 : i32
      %dma_wait3A_297 = arith.constant 0 : i32
      %dma_wait3A_298 = arith.constant 0 : i32
      %dma_wait3A_299 = tpu.memref_slice %arg20[%dma_wait3A_295, %dma_wait3A_297, %dma_wait3A_298] : memref<2x128x128xf32, #tpu.memory_space<vmem>> -> memref<1x128x128xf32, #tpu.memory_space<vmem>>
      %dma_wait3A_300 = tpu.memref_squeeze %dma_wait3A_299 : memref<1x128x128xf32, #tpu.memory_space<vmem>> -> memref<128x128xf32, #tpu.memory_space<vmem>>
      %dma_wait3A_301 = arith.constant 0 : i32
      %dma_wait3A_302 = tpu.memref_slice %arg19[%dma_wait3A_296, %dma_wait3A_301] : memref<2x128xi32, #tpu.memory_space<vmem>> -> memref<1x128xi32, #tpu.memory_space<vmem>>
      %dma_wait3A_303 = tpu.memref_squeeze %dma_wait3A_302 : memref<1x128xi32, #tpu.memory_space<vmem>> -> memref<128xi32, #tpu.memory_space<vmem>>
      %dma_wait3A_304 = arith.constant 0 : i32
      %dma_wait3A_305 = arith.constant 0 : i32
      %dma_wait3A_306 = tpu.memref_slice %arg22[%dma_wait3A_304, %dma_wait3A_305] : memref<10240x128xf32, #tpu.memory_space<vmem_shared>> -> memref<10240x128xf32, #tpu.memory_space<vmem_shared>>
      tpu.wait_indirect_dma semaphore(%arg25 : memref<!tpu.dma_semaphore, #tpu.memory_space<semaphore_mem>>) src(%dma_wait3A_300 : memref<128x128xf32, #tpu.memory_space<vmem>>) dst(%dma_wait3A_306 : memref<10240x128xf32, #tpu.memory_space<vmem_shared>>)
      %add3A_307 = arith.constant 19968 : i32
      %add3A_308 = arith.addi %mul3A_2, %add3A_307 : i32
      %run_scoped3A_309 = arith.constant 0 : i32
      "tpu.region"() ({
        %run_scoped3A_413 = tpu.sem_alloc : memref<!tpu.dma_semaphore, #tpu.memory_space<semaphore_mem>>
        %dma_start3A_414 = arith.constant 0 : i32
        %dma_start3A_415 = tpu.memref_slice %arg18[%run_scoped3A_309, %dma_start3A_414] : memref<2x128xi32, #tpu.memory_space<vmem>> -> memref<1x32xi32, #tpu.memory_space<vmem>>
        %dma_start3A_416 = tpu.memref_squeeze %dma_start3A_415 : memref<1x32xi32, #tpu.memory_space<vmem>> -> memref<32xi32, #tpu.memory_space<vmem>>
        %dma_start3A_417 = tpu.memref_slice %arg5[%add3A_308] : memref<320000xi32, #tpu.memory_space<hbm>> -> memref<32xi32, #tpu.memory_space<hbm>>
        %dma_start3A_418 = arith.constant 0 : i32
        %dma_start3A_419 = tpu.memref_slice %arg18[%run_scoped3A_309, %dma_start3A_418] : memref<2x128xi32, #tpu.memory_space<vmem>> -> memref<1x32xi32, #tpu.memory_space<vmem>>
        %dma_start3A_420 = tpu.memref_squeeze %dma_start3A_419 : memref<1x32xi32, #tpu.memory_space<vmem>> -> memref<32xi32, #tpu.memory_space<vmem>>
        %dma_start3A_421 = tpu.memref_slice %arg5[%add3A_308] : memref<320000xi32, #tpu.memory_space<hbm>> -> memref<32xi32, #tpu.memory_space<hbm>>
        tpu.enqueue_dma source(%dma_start3A_421 : memref<32xi32, #tpu.memory_space<hbm>>) target(%dma_start3A_420 : memref<32xi32, #tpu.memory_space<vmem>>) target_semaphore(%run_scoped3A_413 : memref<!tpu.dma_semaphore, #tpu.memory_space<semaphore_mem>>)
        %dma_wait3A_422 = arith.constant 0 : i32
        %dma_wait3A_423 = tpu.memref_slice %arg18[%run_scoped3A_309, %dma_wait3A_422] : memref<2x128xi32, #tpu.memory_space<vmem>> -> memref<1x32xi32, #tpu.memory_space<vmem>>
        %dma_wait3A_424 = tpu.memref_squeeze %dma_wait3A_423 : memref<1x32xi32, #tpu.memory_space<vmem>> -> memref<32xi32, #tpu.memory_space<vmem>>
        %dma_wait3A_425 = tpu.memref_slice %arg5[%add3A_308] : memref<320000xi32, #tpu.memory_space<hbm>> -> memref<32xi32, #tpu.memory_space<hbm>>
        %dma_wait3A_426 = arith.constant 0 : i32
        %dma_wait3A_427 = tpu.memref_slice %arg18[%run_scoped3A_309, %dma_wait3A_426] : memref<2x128xi32, #tpu.memory_space<vmem>> -> memref<1x32xi32, #tpu.memory_space<vmem>>
        %dma_wait3A_428 = tpu.memref_squeeze %dma_wait3A_427 : memref<1x32xi32, #tpu.memory_space<vmem>> -> memref<32xi32, #tpu.memory_space<vmem>>
        %dma_wait3A_429 = tpu.memref_slice %arg5[%add3A_308] : memref<320000xi32, #tpu.memory_space<hbm>> -> memref<32xi32, #tpu.memory_space<hbm>>
        tpu.wait_dma2 semaphore(%run_scoped3A_413 : memref<!tpu.dma_semaphore, #tpu.memory_space<semaphore_mem>>) src(%dma_wait3A_429 : memref<32xi32, #tpu.memory_space<hbm>>) dst(%dma_wait3A_428 : memref<32xi32, #tpu.memory_space<vmem>>)
        tpu.yield
      }) : () -> ()
      %add3A_310 = arith.constant 19968 : i32
      %add3A_311 = arith.addi %mul3A_2, %add3A_310 : i32
      %run_scoped3A_312 = arith.constant 0 : i32
      "tpu.region"() ({
        %run_scoped3A_413 = tpu.sem_alloc : memref<!tpu.dma_semaphore, #tpu.memory_space<semaphore_mem>>
        %dma_start3A_414 = arith.constant 0 : i32
        %dma_start3A_415 = tpu.memref_slice %arg19[%run_scoped3A_312, %dma_start3A_414] : memref<2x128xi32, #tpu.memory_space<vmem>> -> memref<1x32xi32, #tpu.memory_space<vmem>>
        %dma_start3A_416 = tpu.memref_squeeze %dma_start3A_415 : memref<1x32xi32, #tpu.memory_space<vmem>> -> memref<32xi32, #tpu.memory_space<vmem>>
        %dma_start3A_417 = tpu.memref_slice %arg6[%add3A_311] : memref<320000xi32, #tpu.memory_space<hbm>> -> memref<32xi32, #tpu.memory_space<hbm>>
        %dma_start3A_418 = arith.constant 0 : i32
        %dma_start3A_419 = tpu.memref_slice %arg19[%run_scoped3A_312, %dma_start3A_418] : memref<2x128xi32, #tpu.memory_space<vmem>> -> memref<1x32xi32, #tpu.memory_space<vmem>>
        %dma_start3A_420 = tpu.memref_squeeze %dma_start3A_419 : memref<1x32xi32, #tpu.memory_space<vmem>> -> memref<32xi32, #tpu.memory_space<vmem>>
        %dma_start3A_421 = tpu.memref_slice %arg6[%add3A_311] : memref<320000xi32, #tpu.memory_space<hbm>> -> memref<32xi32, #tpu.memory_space<hbm>>
        tpu.enqueue_dma source(%dma_start3A_421 : memref<32xi32, #tpu.memory_space<hbm>>) target(%dma_start3A_420 : memref<32xi32, #tpu.memory_space<vmem>>) target_semaphore(%run_scoped3A_413 : memref<!tpu.dma_semaphore, #tpu.memory_space<semaphore_mem>>)
        %dma_wait3A_422 = arith.constant 0 : i32
        %dma_wait3A_423 = tpu.memref_slice %arg19[%run_scoped3A_312, %dma_wait3A_422] : memref<2x128xi32, #tpu.memory_space<vmem>> -> memref<1x32xi32, #tpu.memory_space<vmem>>
        %dma_wait3A_424 = tpu.memref_squeeze %dma_wait3A_423 : memref<1x32xi32, #tpu.memory_space<vmem>> -> memref<32xi32, #tpu.memory_space<vmem>>
        %dma_wait3A_425 = tpu.memref_slice %arg6[%add3A_311] : memref<320000xi32, #tpu.memory_space<hbm>> -> memref<32xi32, #tpu.memory_space<hbm>>
        %dma_wait3A_426 = arith.constant 0 : i32
        %dma_wait3A_427 = tpu.memref_slice %arg19[%run_scoped3A_312, %dma_wait3A_426] : memref<2x128xi32, #tpu.memory_space<vmem>> -> memref<1x32xi32, #tpu.memory_space<vmem>>
        %dma_wait3A_428 = tpu.memref_squeeze %dma_wait3A_427 : memref<1x32xi32, #tpu.memory_space<vmem>> -> memref<32xi32, #tpu.memory_space<vmem>>
        %dma_wait3A_429 = tpu.memref_slice %arg6[%add3A_311] : memref<320000xi32, #tpu.memory_space<hbm>> -> memref<32xi32, #tpu.memory_space<hbm>>
        tpu.wait_dma2 semaphore(%run_scoped3A_413 : memref<!tpu.dma_semaphore, #tpu.memory_space<semaphore_mem>>) src(%dma_wait3A_429 : memref<32xi32, #tpu.memory_space<hbm>>) dst(%dma_wait3A_428 : memref<32xi32, #tpu.memory_space<vmem>>)
        tpu.yield
      }) : () -> ()
      %iota3A = tpu.iota {dimensions = array<i32: 0>} : vector<16xi32>
      %add3A_313 = arith.constant 10000 : i32
      %add3A_314 = vector.broadcast %add3A_313 : i32 to vector<16xi32>
      %add3A_315 = arith.addi %add3A_314, %iota3A : vector<16xi32>
      %swap3A = arith.constant 0 : i32
      %swap3A_316 = arith.index_cast %swap3A : i32 to index
      %swap3A_317 = arith.constant 32 : index
      %swap3A_318 = tpu.vector_load %arg18[%swap3A_316, %swap3A_317] {strides = array<i32>} : memref<2x128xi32, #tpu.memory_space<vmem>>, vector<1x16xi32>,
      %swap3A_319 = vector.shape_cast %swap3A_318 : vector<1x16xi32> to vector<16xi32>
      %swap3A_320 = vector.shape_cast %iota3A : vector<16xi32> to vector<1x16xi32>
      tpu.vector_store %arg18[%swap3A_316, %swap3A_317], %swap3A_320 {strides = array<i32>} : memref<2x128xi32, #tpu.memory_space<vmem>>, vector<1x16xi32>,
      %swap3A_321 = arith.constant 0 : i32
      %swap3A_322 = arith.index_cast %swap3A_321 : i32 to index
      %swap3A_323 = arith.constant 32 : index
      %swap3A_324 = tpu.vector_load %arg19[%swap3A_322, %swap3A_323] {strides = array<i32>} : memref<2x128xi32, #tpu.memory_space<vmem>>, vector<1x16xi32>,
      %swap3A_325 = vector.shape_cast %swap3A_324 : vector<1x16xi32> to vector<16xi32>
      %swap3A_326 = vector.shape_cast %add3A_315 : vector<16xi32> to vector<1x16xi32>
      tpu.vector_store %arg19[%swap3A_322, %swap3A_323], %swap3A_326 {strides = array<i32>} : memref<2x128xi32, #tpu.memory_space<vmem>>, vector<1x16xi32>,
      %swap3A_327 = arith.constant 0 : i32
      %swap3A_328 = arith.index_cast %swap3A_327 : i32 to index
      %swap3A_329 = arith.constant 48 : index
      %swap3A_330 = tpu.vector_load %arg18[%swap3A_328, %swap3A_329] {strides = array<i32>} : memref<2x128xi32, #tpu.memory_space<vmem>>, vector<1x16xi32>,
      %swap3A_331 = vector.shape_cast %swap3A_330 : vector<1x16xi32> to vector<16xi32>
      %swap3A_332 = vector.shape_cast %iota3A : vector<16xi32> to vector<1x16xi32>
      tpu.vector_store %arg18[%swap3A_328, %swap3A_329], %swap3A_332 {strides = array<i32>} : memref<2x128xi32, #tpu.memory_space<vmem>>, vector<1x16xi32>,
      %swap3A_333 = arith.constant 0 : i32
      %swap3A_334 = arith.index_cast %swap3A_333 : i32 to index
      %swap3A_335 = arith.constant 48 : index
      %swap3A_336 = tpu.vector_load %arg19[%swap3A_334, %swap3A_335] {strides = array<i32>} : memref<2x128xi32, #tpu.memory_space<vmem>>, vector<1x16xi32>,
      %swap3A_337 = vector.shape_cast %swap3A_336 : vector<1x16xi32> to vector<16xi32>
      %swap3A_338 = vector.shape_cast %add3A_315 : vector<16xi32> to vector<1x16xi32>
      tpu.vector_store %arg19[%swap3A_334, %swap3A_335], %swap3A_338 {strides = array<i32>} : memref<2x128xi32, #tpu.memory_space<vmem>>, vector<1x16xi32>,
      %swap3A_339 = arith.constant 0 : i32
      %swap3A_340 = arith.index_cast %swap3A_339 : i32 to index
      %swap3A_341 = arith.constant 64 : index
      %swap3A_342 = tpu.vector_load %arg18[%swap3A_340, %swap3A_341] {strides = array<i32>} : memref<2x128xi32, #tpu.memory_space<vmem>>, vector<1x16xi32>,
      %swap3A_343 = vector.shape_cast %swap3A_342 : vector<1x16xi32> to vector<16xi32>
      %swap3A_344 = vector.shape_cast %iota3A : vector<16xi32> to vector<1x16xi32>
      tpu.vector_store %arg18[%swap3A_340, %swap3A_341], %swap3A_344 {strides = array<i32>} : memref<2x128xi32, #tpu.memory_space<vmem>>, vector<1x16xi32>,
      %swap3A_345 = arith.constant 0 : i32
      %swap3A_346 = arith.index_cast %swap3A_345 : i32 to index
      %swap3A_347 = arith.constant 64 : index
      %swap3A_348 = tpu.vector_load %arg19[%swap3A_346, %swap3A_347] {strides = array<i32>} : memref<2x128xi32, #tpu.memory_space<vmem>>, vector<1x16xi32>,
      %swap3A_349 = vector.shape_cast %swap3A_348 : vector<1x16xi32> to vector<16xi32>
      %swap3A_350 = vector.shape_cast %add3A_315 : vector<16xi32> to vector<1x16xi32>
      tpu.vector_store %arg19[%swap3A_346, %swap3A_347], %swap3A_350 {strides = array<i32>} : memref<2x128xi32, #tpu.memory_space<vmem>>, vector<1x16xi32>,
      %swap3A_351 = arith.constant 0 : i32
      %swap3A_352 = arith.index_cast %swap3A_351 : i32 to index
      %swap3A_353 = arith.constant 80 : index
      %swap3A_354 = tpu.vector_load %arg18[%swap3A_352, %swap3A_353] {strides = array<i32>} : memref<2x128xi32, #tpu.memory_space<vmem>>, vector<1x16xi32>,
      %swap3A_355 = vector.shape_cast %swap3A_354 : vector<1x16xi32> to vector<16xi32>
      %swap3A_356 = vector.shape_cast %iota3A : vector<16xi32> to vector<1x16xi32>
      tpu.vector_store %arg18[%swap3A_352, %swap3A_353], %swap3A_356 {strides = array<i32>} : memref<2x128xi32, #tpu.memory_space<vmem>>, vector<1x16xi32>,
      %swap3A_357 = arith.constant 0 : i32
      %swap3A_358 = arith.index_cast %swap3A_357 : i32 to index
      %swap3A_359 = arith.constant 80 : index
      %swap3A_360 = tpu.vector_load %arg19[%swap3A_358, %swap3A_359] {strides = array<i32>} : memref<2x128xi32, #tpu.memory_space<vmem>>, vector<1x16xi32>,
      %swap3A_361 = vector.shape_cast %swap3A_360 : vector<1x16xi32> to vector<16xi32>
      %swap3A_362 = vector.shape_cast %add3A_315 : vector<16xi32> to vector<1x16xi32>
      tpu.vector_store %arg19[%swap3A_358, %swap3A_359], %swap3A_362 {strides = array<i32>} : memref<2x128xi32, #tpu.memory_space<vmem>>, vector<1x16xi32>,
      %swap3A_363 = arith.constant 0 : i32
      %swap3A_364 = arith.index_cast %swap3A_363 : i32 to index
      %swap3A_365 = arith.constant 96 : index
      %swap3A_366 = tpu.vector_load %arg18[%swap3A_364, %swap3A_365] {strides = array<i32>} : memref<2x128xi32, #tpu.memory_space<vmem>>, vector<1x16xi32>,
      %swap3A_367 = vector.shape_cast %swap3A_366 : vector<1x16xi32> to vector<16xi32>
      %swap3A_368 = vector.shape_cast %iota3A : vector<16xi32> to vector<1x16xi32>
      tpu.vector_store %arg18[%swap3A_364, %swap3A_365], %swap3A_368 {strides = array<i32>} : memref<2x128xi32, #tpu.memory_space<vmem>>, vector<1x16xi32>,
      %swap3A_369 = arith.constant 0 : i32
      %swap3A_370 = arith.index_cast %swap3A_369 : i32 to index
      %swap3A_371 = arith.constant 96 : index
      %swap3A_372 = tpu.vector_load %arg19[%swap3A_370, %swap3A_371] {strides = array<i32>} : memref<2x128xi32, #tpu.memory_space<vmem>>, vector<1x16xi32>,
      %swap3A_373 = vector.shape_cast %swap3A_372 : vector<1x16xi32> to vector<16xi32>
      %swap3A_374 = vector.shape_cast %add3A_315 : vector<16xi32> to vector<1x16xi32>
      tpu.vector_store %arg19[%swap3A_370, %swap3A_371], %swap3A_374 {strides = array<i32>} : memref<2x128xi32, #tpu.memory_space<vmem>>, vector<1x16xi32>,
      %swap3A_375 = arith.constant 0 : i32
      %swap3A_376 = arith.index_cast %swap3A_375 : i32 to index
      %swap3A_377 = arith.constant 112 : index
      %swap3A_378 = tpu.vector_load %arg18[%swap3A_376, %swap3A_377] {strides = array<i32>} : memref<2x128xi32, #tpu.memory_space<vmem>>, vector<1x16xi32>,
      %swap3A_379 = vector.shape_cast %swap3A_378 : vector<1x16xi32> to vector<16xi32>
      %swap3A_380 = vector.shape_cast %iota3A : vector<16xi32> to vector<1x16xi32>
      tpu.vector_store %arg18[%swap3A_376, %swap3A_377], %swap3A_380 {strides = array<i32>} : memref<2x128xi32, #tpu.memory_space<vmem>>, vector<1x16xi32>,
      %swap3A_381 = arith.constant 0 : i32
      %swap3A_382 = arith.index_cast %swap3A_381 : i32 to index
      %swap3A_383 = arith.constant 112 : index
      %swap3A_384 = tpu.vector_load %arg19[%swap3A_382, %swap3A_383] {strides = array<i32>} : memref<2x128xi32, #tpu.memory_space<vmem>>, vector<1x16xi32>,
      %swap3A_385 = vector.shape_cast %swap3A_384 : vector<1x16xi32> to vector<16xi32>
      %swap3A_386 = vector.shape_cast %add3A_315 : vector<16xi32> to vector<1x16xi32>
      tpu.vector_store %arg19[%swap3A_382, %swap3A_383], %swap3A_386 {strides = array<i32>} : memref<2x128xi32, #tpu.memory_space<vmem>>, vector<1x16xi32>,
      %dma_start3A_387 = arith.constant 0 : i32
      %dma_start3A_388 = arith.constant 0 : i32
      %dma_start3A_389 = arith.constant 0 : i32
      %dma_start3A_390 = arith.constant 0 : i32
      %dma_start3A_391 = tpu.memref_slice %arg20[%dma_start3A_388, %dma_start3A_389, %dma_start3A_390] : memref<2x128x128xf32, #tpu.memory_space<vmem>> -> memref<1x128x128xf32, #tpu.memory_space<vmem>>
      %dma_start3A_392 = tpu.memref_squeeze %dma_start3A_391 : memref<1x128x128xf32, #tpu.memory_space<vmem>> -> memref<128x128xf32, #tpu.memory_space<vmem>>
      %dma_start3A_393 = arith.constant 0 : i32
      %dma_start3A_394 = tpu.memref_slice %arg18[%dma_start3A_387, %dma_start3A_393] : memref<2x128xi32, #tpu.memory_space<vmem>> -> memref<1x128xi32, #tpu.memory_space<vmem>>
      %dma_start3A_395 = tpu.memref_squeeze %dma_start3A_394 : memref<1x128xi32, #tpu.memory_space<vmem>> -> memref<128xi32, #tpu.memory_space<vmem>>
      %dma_start3A_396 = arith.constant 0 : i32
      %dma_start3A_397 = arith.constant 0 : i32
      %dma_start3A_398 = tpu.memref_slice %arg2[%dma_start3A_396, %dma_start3A_397] : memref<10000x128xf32, #tpu.memory_space<hbm>> -> memref<10000x128xf32, #tpu.memory_space<hbm>>
      tpu.enqueue_indirect_dma source(%dma_start3A_398 : memref<10000x128xf32, #tpu.memory_space<hbm>>) target(%dma_start3A_392 : memref<128x128xf32, #tpu.memory_space<vmem>>) offsets(%dma_start3A_395 : memref<128xi32, #tpu.memory_space<vmem>>) semaphore(%arg23 : memref<!tpu.dma_semaphore, #tpu.memory_space<semaphore_mem>>)
      %dma_wait3A_399 = arith.constant 0 : i32
      %dma_wait3A_400 = arith.constant 0 : i32
      %dma_wait3A_401 = arith.constant 0 : i32
      %dma_wait3A_402 = arith.constant 0 : i32
      %dma_wait3A_403 = tpu.memref_slice %arg20[%dma_wait3A_400, %dma_wait3A_401, %dma_wait3A_402] : memref<2x128x128xf32, #tpu.memory_space<vmem>> -> memref<1x128x128xf32, #tpu.memory_space<vmem>>
      %dma_wait3A_404 = tpu.memref_squeeze %dma_wait3A_403 : memref<1x128x128xf32, #tpu.memory_space<vmem>> -> memref<128x128xf32, #tpu.memory_space<vmem>>
      %dma_wait3A_405 = arith.constant 0 : i32
      %dma_wait3A_406 = tpu.memref_slice %arg18[%dma_wait3A_399, %dma_wait3A_405] : memref<2x128xi32, #tpu.memory_space<vmem>> -> memref<1x128xi32, #tpu.memory_space<vmem>>
      %dma_wait3A_407 = tpu.memref_squeeze %dma_wait3A_406 : memref<1x128xi32, #tpu.memory_space<vmem>> -> memref<128xi32, #tpu.memory_space<vmem>>
      %dma_wait3A_408 = arith.constant 0 : i32
      %dma_wait3A_409 = arith.constant 0 : i32
      %dma_wait3A_410 = tpu.memref_slice %arg2[%dma_wait3A_408, %dma_wait3A_409] : memref<10000x128xf32, #tpu.memory_space<hbm>> -> memref<10000x128xf32, #tpu.memory_space<hbm>>
      tpu.wait_indirect_dma semaphore(%arg23 : memref<!tpu.dma_semaphore, #tpu.memory_space<semaphore_mem>>) src(%dma_wait3A_410 : memref<10000x128xf32, #tpu.memory_space<hbm>>) dst(%dma_wait3A_404 : memref<128x128xf32, #tpu.memory_space<vmem>>)
      %run_scoped3A_411 = arith.constant 0 : i32
      %run_scoped3A_412 = arith.constant 0 : i32
      "tpu.region"() ({
        %run_scoped3A_413 = tpu.sem_alloc : memref<!tpu.dma_semaphore, #tpu.memory_space<semaphore_mem>>
        %dma_start3A_414 = arith.constant 0 : i32
        %dma_start3A_415 = arith.constant 0 : i32
        %dma_start3A_416 = tpu.memref_slice %arg20[%run_scoped3A_411, %dma_start3A_414, %dma_start3A_415] : memref<2x128x128xf32, #tpu.memory_space<vmem>> -> memref<1x128x128xf32, #tpu.memory_space<vmem>>
        %dma_start3A_417 = tpu.memref_squeeze %dma_start3A_416 : memref<1x128x128xf32, #tpu.memory_space<vmem>> -> memref<128x128xf32, #tpu.memory_space<vmem>>
        %dma_start3A_418 = arith.constant 0 : i32
        %dma_start3A_419 = tpu.memref_slice %arg19[%run_scoped3A_412, %dma_start3A_418] : memref<2x128xi32, #tpu.memory_space<vmem>> -> memref<1x128xi32, #tpu.memory_space<vmem>>
        %dma_start3A_420 = tpu.memref_squeeze %dma_start3A_419 : memref<1x128xi32, #tpu.memory_space<vmem>> -> memref<128xi32, #tpu.memory_space<vmem>>
        %dma_start3A_421 = arith.constant 0 : i32
        %dma_start3A_422 = arith.constant 0 : i32
        %dma_start3A_423 = tpu.memref_slice %arg22[%dma_start3A_421, %dma_start3A_422] : memref<10240x128xf32, #tpu.memory_space<vmem_shared>> -> memref<10240x128xf32, #tpu.memory_space<vmem_shared>>
        tpu.enqueue_indirect_dma source(%dma_start3A_417 : memref<128x128xf32, #tpu.memory_space<vmem>>) target(%dma_start3A_423 : memref<10240x128xf32, #tpu.memory_space<vmem_shared>>) offsets(%dma_start3A_420 : memref<128xi32, #tpu.memory_space<vmem>>) semaphore(%run_scoped3A_413 : memref<!tpu.dma_semaphore, #tpu.memory_space<semaphore_mem>>) {add = true}
        %dma_wait3A_424 = arith.constant 0 : i32
        %dma_wait3A_425 = arith.constant 0 : i32
        %dma_wait3A_426 = tpu.memref_slice %arg20[%run_scoped3A_411, %dma_wait3A_424, %dma_wait3A_425] : memref<2x128x128xf32, #tpu.memory_space<vmem>> -> memref<1x128x128xf32, #tpu.memory_space<vmem>>
        %dma_wait3A_427 = tpu.memref_squeeze %dma_wait3A_426 : memref<1x128x128xf32, #tpu.memory_space<vmem>> -> memref<128x128xf32, #tpu.memory_space<vmem>>
        %dma_wait3A_428 = arith.constant 0 : i32
        %dma_wait3A_429 = tpu.memref_slice %arg19[%run_scoped3A_412, %dma_wait3A_428] : memref<2x128xi32, #tpu.memory_space<vmem>> -> memref<1x128xi32, #tpu.memory_space<vmem>>
        %dma_wait3A_430 = tpu.memref_squeeze %dma_wait3A_429 : memref<1x128xi32, #tpu.memory_space<vmem>> -> memref<128xi32, #tpu.memory_space<vmem>>
        %dma_wait3A_431 = arith.constant 0 : i32
        %dma_wait3A_432 = arith.constant 0 : i32
        %dma_wait3A_433 = tpu.memref_slice %arg22[%dma_wait3A_431, %dma_wait3A_432] : memref<10240x128xf32, #tpu.memory_space<vmem_shared>> -> memref<10240x128xf32, #tpu.memory_space<vmem_shared>>
        tpu.wait_indirect_dma semaphore(%run_scoped3A_413 : memref<!tpu.dma_semaphore, #tpu.memory_space<semaphore_mem>>) src(%dma_wait3A_427 : memref<128x128xf32, #tpu.memory_space<vmem>>) dst(%dma_wait3A_433 : memref<10240x128xf32, #tpu.memory_space<vmem_shared>>)
        tpu.yield
      }) : () -> ()
    } else {
    }
    %barrier3A_164 = arith.constant 0 : index
    tpu.barrier barrier_id(%barrier3A_164)
    %eq3A_165 = arith.constant 0 : i32
    %eq3A_166 = arith.cmpi eq, %arg0, %eq3A_165 : i32
    %convert_element_type3A_167 = arith.extui %eq3A_166 : i1 to i32
    %cond3A_168 = arith.constant 0 : i32
    %cond3A_169 = arith.cmpi ne, %convert_element_type3A_167, %cond3A_168 : i32
    scf.if %cond3A_169 {
      %mul3A_200 = arith.constant 640 : i32
      %mul3A_201 = arith.muli %arg1, %mul3A_200 : i32
      %mul3A_202 = arith.constant 640 : i32
      %mul3A_203 = arith.muli %arg1, %mul3A_202 : i32
      "tpu.region"() ({
        %run_scoped3A_204 = tpu.sem_alloc : memref<!tpu.dma_semaphore, #tpu.memory_space<semaphore_mem>>
        %dma_start3A_205 = arith.constant 0 : i32
        %dma_start3A_206 = tpu.memref_slice %arg14[%mul3A_203, %dma_start3A_205] : memref<10240x128xf32, #tpu.memory_space<hbm>> -> memref<640x128xf32, #tpu.memory_space<hbm>>
        %dma_start3A_207 = arith.constant 0 : i32
        %dma_start3A_208 = tpu.memref_slice %arg22[%mul3A_201, %dma_start3A_207] : memref<10240x128xf32, #tpu.memory_space<vmem_shared>> -> memref<640x128xf32, #tpu.memory_space<vmem_shared>>
        tpu.enqueue_dma source(%dma_start3A_208 : memref<640x128xf32, #tpu.memory_space<vmem_shared>>) target(%dma_start3A_206 : memref<640x128xf32, #tpu.memory_space<hbm>>) target_semaphore(%run_scoped3A_204 : memref<!tpu.dma_semaphore, #tpu.memory_space<semaphore_mem>>)
        %dma_wait3A_209 = arith.constant 0 : i32
        %dma_wait3A_210 = tpu.memref_slice %arg14[%mul3A_203, %dma_wait3A_209] : memref<10240x128xf32, #tpu.memory_space<hbm>> -> memref<640x128xf32, #tpu.memory_space<hbm>>
        %dma_wait3A_211 = arith.constant 0 : i32
        %dma_wait3A_212 = tpu.memref_slice %arg22[%mul3A_201, %dma_wait3A_211] : memref<10240x128xf32, #tpu.memory_space<vmem_shared>> -> memref<640x128xf32, #tpu.memory_space<vmem_shared>>
        tpu.wait_dma2 semaphore(%run_scoped3A_204 : memref<!tpu.dma_semaphore, #tpu.memory_space<semaphore_mem>>) src(%dma_wait3A_212 : memref<640x128xf32, #tpu.memory_space<vmem_shared>>) dst(%dma_wait3A_210 : memref<640x128xf32, #tpu.memory_space<hbm>>)
        tpu.yield
      }) : () -> ()
    } else {
    }
    %eq3A_170 = arith.constant 1 : i32
    %eq3A_171 = arith.cmpi eq, %arg0, %eq3A_170 : i32
    %convert_element_type3A_172 = arith.extui %eq3A_171 : i1 to i32
    %cond3A_173 = arith.constant 0 : i32
    %cond3A_174 = arith.cmpi ne, %convert_element_type3A_172, %cond3A_173 : i32
    scf.if %cond3A_174 {
      %mul3A_200 = arith.constant 640 : i32
      %mul3A_201 = arith.muli %arg1, %mul3A_200 : i32
      %mul3A_202 = arith.constant 640 : i32
      %mul3A_203 = arith.muli %arg1, %mul3A_202 : i32
      "tpu.region"() ({
        %run_scoped3A_204 = tpu.sem_alloc : memref<!tpu.dma_semaphore, #tpu.memory_space<semaphore_mem>>
        %dma_start3A_205 = arith.constant 0 : i32
        %dma_start3A_206 = tpu.memref_slice %arg15[%mul3A_203, %dma_start3A_205] : memref<10240x128xf32, #tpu.memory_space<hbm>> -> memref<640x128xf32, #tpu.memory_space<hbm>>
        %dma_start3A_207 = arith.constant 0 : i32
        %dma_start3A_208 = tpu.memref_slice %arg22[%mul3A_201, %dma_start3A_207] : memref<10240x128xf32, #tpu.memory_space<vmem_shared>> -> memref<640x128xf32, #tpu.memory_space<vmem_shared>>
        tpu.enqueue_dma source(%dma_start3A_208 : memref<640x128xf32, #tpu.memory_space<vmem_shared>>) target(%dma_start3A_206 : memref<640x128xf32, #tpu.memory_space<hbm>>) target_semaphore(%run_scoped3A_204 : memref<!tpu.dma_semaphore, #tpu.memory_space<semaphore_mem>>)
        %dma_wait3A_209 = arith.constant 0 : i32
        %dma_wait3A_210 = tpu.memref_slice %arg15[%mul3A_203, %dma_wait3A_209] : memref<10240x128xf32, #tpu.memory_space<hbm>> -> memref<640x128xf32, #tpu.memory_space<hbm>>
        %dma_wait3A_211 = arith.constant 0 : i32
        %dma_wait3A_212 = tpu.memref_slice %arg22[%mul3A_201, %dma_wait3A_211] : memref<10240x128xf32, #tpu.memory_space<vmem_shared>> -> memref<640x128xf32, #tpu.memory_space<vmem_shared>>
        tpu.wait_dma2 semaphore(%run_scoped3A_204 : memref<!tpu.dma_semaphore, #tpu.memory_space<semaphore_mem>>) src(%dma_wait3A_212 : memref<640x128xf32, #tpu.memory_space<vmem_shared>>) dst(%dma_wait3A_210 : memref<640x128xf32, #tpu.memory_space<hbm>>)
        tpu.yield
      }) : () -> ()
    } else {
    }
    %barrier3A_175 = arith.constant 0 : index
    tpu.barrier barrier_id(%barrier3A_175)
    %mul3A_176 = arith.constant 640 : i32
    %mul3A_177 = arith.muli %arg1, %mul3A_176 : i32
    "tpu.region"() ({
      %run_scoped3A_200 = tpu.sem_alloc : memref<!tpu.dma_semaphore, #tpu.memory_space<semaphore_mem>>
      %dma_start3A_201 = arith.constant 0 : i32
      %dma_start3A_202 = tpu.memref_slice %arg22[%mul3A_177, %dma_start3A_201] : memref<10240x128xf32, #tpu.memory_space<vmem_shared>> -> memref<640x128xf32, #tpu.memory_space<vmem_shared>>
      %dma_start3A_203 = arith.constant 0 : i32
      %dma_start3A_204 = arith.constant 0 : i32
      %dma_start3A_205 = tpu.memref_slice %arg12[%dma_start3A_203, %dma_start3A_204] : memref<640x128xf32, #tpu.memory_space<hbm>> -> memref<640x128xf32, #tpu.memory_space<hbm>>
      tpu.enqueue_dma source(%dma_start3A_205 : memref<640x128xf32, #tpu.memory_space<hbm>>) target(%dma_start3A_202 : memref<640x128xf32, #tpu.memory_space<vmem_shared>>) target_semaphore(%run_scoped3A_200 : memref<!tpu.dma_semaphore, #tpu.memory_space<semaphore_mem>>)
      %dma_wait3A_206 = arith.constant 0 : i32
      %dma_wait3A_207 = tpu.memref_slice %arg22[%mul3A_177, %dma_wait3A_206] : memref<10240x128xf32, #tpu.memory_space<vmem_shared>> -> memref<640x128xf32, #tpu.memory_space<vmem_shared>>
      %dma_wait3A_208 = arith.constant 0 : i32
      %dma_wait3A_209 = arith.constant 0 : i32
      %dma_wait3A_210 = tpu.memref_slice %arg12[%dma_wait3A_208, %dma_wait3A_209] : memref<640x128xf32, #tpu.memory_space<hbm>> -> memref<640x128xf32, #tpu.memory_space<hbm>>
      tpu.wait_dma2 semaphore(%run_scoped3A_200 : memref<!tpu.dma_semaphore, #tpu.memory_space<semaphore_mem>>) src(%dma_wait3A_210 : memref<640x128xf32, #tpu.memory_space<hbm>>) dst(%dma_wait3A_207 : memref<640x128xf32, #tpu.memory_space<vmem_shared>>)
      tpu.yield
    }) : () -> ()
    %barrier3A_178 = arith.constant 0 : index
    tpu.barrier barrier_id(%barrier3A_178)
    %eq3A_179 = arith.constant 0 : i32
    %eq3A_180 = arith.cmpi eq, %arg0, %eq3A_179 : i32
    %convert_element_type3A_181 = arith.extui %eq3A_180 : i1 to i32
    %cond3A_182 = arith.constant 0 : i32
    %cond3A_183 = arith.cmpi ne, %convert_element_type3A_181, %cond3A_182 : i32
    scf.if %cond3A_183 {
      %add3A_200 = arith.constant 0 : i32
      %add3A_201 = arith.addi %mul3A_2, %add3A_200 : i32
      %dma_start3A_202 = arith.constant 0 : i32
      %dma_start3A_203 = arith.constant 0 : i32
      %dma_start3A_204 = tpu.memref_slice %arg18[%dma_start3A_202, %dma_start3A_203] : memref<2x128xi32, #tpu.memory_space<vmem>> -> memref<1x128xi32, #tpu.memory_space<vmem>>
      %dma_start3A_205 = tpu.memref_squeeze %dma_start3A_204 : memref<1x128xi32, #tpu.memory_space<vmem>> -> memref<128xi32, #tpu.memory_space<vmem>>
      %dma_start3A_206 = tpu.memref_slice %arg8[%add3A_201] : memref<320000xi32, #tpu.memory_space<hbm>> -> memref<128xi32, #tpu.memory_space<hbm>>
      %dma_start3A_207 = arith.constant 0 : i32
      %dma_start3A_208 = tpu.memref_slice %arg18[%dma_start3A_202, %dma_start3A_207] : memref<2x128xi32, #tpu.memory_space<vmem>> -> memref<1x128xi32, #tpu.memory_space<vmem>>
      %dma_start3A_209 = tpu.memref_squeeze %dma_start3A_208 : memref<1x128xi32, #tpu.memory_space<vmem>> -> memref<128xi32, #tpu.memory_space<vmem>>
      %dma_start3A_210 = tpu.memref_slice %arg8[%add3A_201] : memref<320000xi32, #tpu.memory_space<hbm>> -> memref<128xi32, #tpu.memory_space<hbm>>
      tpu.enqueue_dma source(%dma_start3A_210 : memref<128xi32, #tpu.memory_space<hbm>>) target(%dma_start3A_209 : memref<128xi32, #tpu.memory_space<vmem>>) target_semaphore(%arg24 : memref<!tpu.dma_semaphore, #tpu.memory_space<semaphore_mem>>)
      %add3A_211 = arith.constant 0 : i32
      %add3A_212 = arith.addi %mul3A_2, %add3A_211 : i32
      %dma_start3A_213 = arith.constant 0 : i32
      %dma_start3A_214 = arith.constant 0 : i32
      %dma_start3A_215 = tpu.memref_slice %arg19[%dma_start3A_213, %dma_start3A_214] : memref<2x128xi32, #tpu.memory_space<vmem>> -> memref<1x128xi32, #tpu.memory_space<vmem>>
      %dma_start3A_216 = tpu.memref_squeeze %dma_start3A_215 : memref<1x128xi32, #tpu.memory_space<vmem>> -> memref<128xi32, #tpu.memory_space<vmem>>
      %dma_start3A_217 = tpu.memref_slice %arg7[%add3A_212] : memref<320000xi32, #tpu.memory_space<hbm>> -> memref<128xi32, #tpu.memory_space<hbm>>
      %dma_start3A_218 = arith.constant 0 : i32
      %dma_start3A_219 = tpu.memref_slice %arg19[%dma_start3A_213, %dma_start3A_218] : memref<2x128xi32, #tpu.memory_space<vmem>> -> memref<1x128xi32, #tpu.memory_space<vmem>>
      %dma_start3A_220 = tpu.memref_squeeze %dma_start3A_219 : memref<1x128xi32, #tpu.memory_space<vmem>> -> memref<128xi32, #tpu.memory_space<vmem>>
      %dma_start3A_221 = tpu.memref_slice %arg7[%add3A_212] : memref<320000xi32, #tpu.memory_space<hbm>> -> memref<128xi32, #tpu.memory_space<hbm>>
      tpu.enqueue_dma source(%dma_start3A_221 : memref<128xi32, #tpu.memory_space<hbm>>) target(%dma_start3A_220 : memref<128xi32, #tpu.memory_space<vmem>>) target_semaphore(%arg24 : memref<!tpu.dma_semaphore, #tpu.memory_space<semaphore_mem>>)
      %dma_wait3A_222 = arith.constant 0 : i32
      %dma_wait3A_223 = arith.constant 0 : i32
      %dma_wait3A_224 = tpu.memref_slice %arg18[%dma_wait3A_222, %dma_wait3A_223] : memref<2x128xi32, #tpu.memory_space<vmem>> -> memref<1x128xi32, #tpu.memory_space<vmem>>
      %dma_wait3A_225 = tpu.memref_squeeze %dma_wait3A_224 : memref<1x128xi32, #tpu.memory_space<vmem>> -> memref<128xi32, #tpu.memory_space<vmem>>
      %dma_wait3A_226 = arith.constant 0 : i32
      %dma_wait3A_227 = tpu.memref_slice %arg8[%dma_wait3A_226] : memref<320000xi32, #tpu.memory_space<hbm>> -> memref<128xi32, #tpu.memory_space<hbm>>
      %dma_wait3A_228 = arith.constant 0 : i32
      %dma_wait3A_229 = tpu.memref_slice %arg18[%dma_wait3A_222, %dma_wait3A_228] : memref<2x128xi32, #tpu.memory_space<vmem>> -> memref<1x128xi32, #tpu.memory_space<vmem>>
      %dma_wait3A_230 = tpu.memref_squeeze %dma_wait3A_229 : memref<1x128xi32, #tpu.memory_space<vmem>> -> memref<128xi32, #tpu.memory_space<vmem>>
      %dma_wait3A_231 = arith.constant 0 : i32
      %dma_wait3A_232 = tpu.memref_slice %arg8[%dma_wait3A_231] : memref<320000xi32, #tpu.memory_space<hbm>> -> memref<128xi32, #tpu.memory_space<hbm>>
      tpu.wait_dma2 semaphore(%arg24 : memref<!tpu.dma_semaphore, #tpu.memory_space<semaphore_mem>>) src(%dma_wait3A_232 : memref<128xi32, #tpu.memory_space<hbm>>) dst(%dma_wait3A_230 : memref<128xi32, #tpu.memory_space<vmem>>)
      %dma_wait3A_233 = arith.constant 0 : i32
      %dma_wait3A_234 = arith.constant 0 : i32
      %dma_wait3A_235 = tpu.memref_slice %arg19[%dma_wait3A_233, %dma_wait3A_234] : memref<2x128xi32, #tpu.memory_space<vmem>> -> memref<1x128xi32, #tpu.memory_space<vmem>>
      %dma_wait3A_236 = tpu.memref_squeeze %dma_wait3A_235 : memref<1x128xi32, #tpu.memory_space<vmem>> -> memref<128xi32, #tpu.memory_space<vmem>>
      %dma_wait3A_237 = arith.constant 0 : i32
      %dma_wait3A_238 = tpu.memref_slice %arg7[%dma_wait3A_237] : memref<320000xi32, #tpu.memory_space<hbm>> -> memref<128xi32, #tpu.memory_space<hbm>>
      %dma_wait3A_239 = arith.constant 0 : i32
      %dma_wait3A_240 = tpu.memref_slice %arg19[%dma_wait3A_233, %dma_wait3A_239] : memref<2x128xi32, #tpu.memory_space<vmem>> -> memref<1x128xi32, #tpu.memory_space<vmem>>
      %dma_wait3A_241 = tpu.memref_squeeze %dma_wait3A_240 : memref<1x128xi32, #tpu.memory_space<vmem>> -> memref<128xi32, #tpu.memory_space<vmem>>
      %dma_wait3A_242 = arith.constant 0 : i32
      %dma_wait3A_243 = tpu.memref_slice %arg7[%dma_wait3A_242] : memref<320000xi32, #tpu.memory_space<hbm>> -> memref<128xi32, #tpu.memory_space<hbm>>
      tpu.wait_dma2 semaphore(%arg24 : memref<!tpu.dma_semaphore, #tpu.memory_space<semaphore_mem>>) src(%dma_wait3A_243 : memref<128xi32, #tpu.memory_space<hbm>>) dst(%dma_wait3A_241 : memref<128xi32, #tpu.memory_space<vmem>>)
      %dma_start3A_244 = arith.constant 0 : i32
      %dma_start3A_245 = arith.constant 0 : i32
      %dma_start3A_246 = arith.constant 0 : i32
      %dma_start3A_247 = arith.constant 0 : i32
      %dma_start3A_248 = tpu.memref_slice %arg20[%dma_start3A_245, %dma_start3A_246, %dma_start3A_247] : memref<2x128x128xf32, #tpu.memory_space<vmem>> -> memref<1x128x128xf32, #tpu.memory_space<vmem>>
      %dma_start3A_249 = tpu.memref_squeeze %dma_start3A_248 : memref<1x128x128xf32, #tpu.memory_space<vmem>> -> memref<128x128xf32, #tpu.memory_space<vmem>>
      %dma_start3A_250 = arith.constant 0 : i32
      %dma_start3A_251 = tpu.memref_slice %arg18[%dma_start3A_244, %dma_start3A_250] : memref<2x128xi32, #tpu.memory_space<vmem>> -> memref<1x128xi32, #tpu.memory_space<vmem>>
      %dma_start3A_252 = tpu.memref_squeeze %dma_start3A_251 : memref<1x128xi32, #tpu.memory_space<vmem>> -> memref<128xi32, #tpu.memory_space<vmem>>
      %dma_start3A_253 = arith.constant 0 : i32
      %dma_start3A_254 = arith.constant 0 : i32
      %dma_start3A_255 = tpu.memref_slice %arg4[%dma_start3A_253, %dma_start3A_254] : memref<10000x128xf32, #tpu.memory_space<hbm>> -> memref<10000x128xf32, #tpu.memory_space<hbm>>
      tpu.enqueue_indirect_dma source(%dma_start3A_255 : memref<10000x128xf32, #tpu.memory_space<hbm>>) target(%dma_start3A_249 : memref<128x128xf32, #tpu.memory_space<vmem>>) offsets(%dma_start3A_252 : memref<128xi32, #tpu.memory_space<vmem>>) semaphore(%arg23 : memref<!tpu.dma_semaphore, #tpu.memory_space<semaphore_mem>>)
      %add3A_256 = arith.constant 128 : i32
      %add3A_257 = arith.addi %mul3A_2, %add3A_256 : i32
      %dma_start3A_258 = arith.constant 1 : i32
      %dma_start3A_259 = arith.constant 0 : i32
      %dma_start3A_260 = tpu.memref_slice %arg18[%dma_start3A_258, %dma_start3A_259] : memref<2x128xi32, #tpu.memory_space<vmem>> -> memref<1x128xi32, #tpu.memory_space<vmem>>
      %dma_start3A_261 = tpu.memref_squeeze %dma_start3A_260 : memref<1x128xi32, #tpu.memory_space<vmem>> -> memref<128xi32, #tpu.memory_space<vmem>>
      %dma_start3A_262 = tpu.memref_slice %arg8[%add3A_257] : memref<320000xi32, #tpu.memory_space<hbm>> -> memref<128xi32, #tpu.memory_space<hbm>>
      %dma_start3A_263 = arith.constant 0 : i32
      %dma_start3A_264 = tpu.memref_slice %arg18[%dma_start3A_258, %dma_start3A_263] : memref<2x128xi32, #tpu.memory_space<vmem>> -> memref<1x128xi32, #tpu.memory_space<vmem>>
      %dma_start3A_265 = tpu.memref_squeeze %dma_start3A_264 : memref<1x128xi32, #tpu.memory_space<vmem>> -> memref<128xi32, #tpu.memory_space<vmem>>
      %dma_start3A_266 = tpu.memref_slice %arg8[%add3A_257] : memref<320000xi32, #tpu.memory_space<hbm>> -> memref<128xi32, #tpu.memory_space<hbm>>
      tpu.enqueue_dma source(%dma_start3A_266 : memref<128xi32, #tpu.memory_space<hbm>>) target(%dma_start3A_265 : memref<128xi32, #tpu.memory_space<vmem>>) target_semaphore(%arg24 : memref<!tpu.dma_semaphore, #tpu.memory_space<semaphore_mem>>)
      %add3A_267 = arith.constant 128 : i32
      %add3A_268 = arith.addi %mul3A_2, %add3A_267 : i32
      %dma_start3A_269 = arith.constant 1 : i32
      %dma_start3A_270 = arith.constant 0 : i32
      %dma_start3A_271 = tpu.memref_slice %arg19[%dma_start3A_269, %dma_start3A_270] : memref<2x128xi32, #tpu.memory_space<vmem>> -> memref<1x128xi32, #tpu.memory_space<vmem>>
      %dma_start3A_272 = tpu.memref_squeeze %dma_start3A_271 : memref<1x128xi32, #tpu.memory_space<vmem>> -> memref<128xi32, #tpu.memory_space<vmem>>
      %dma_start3A_273 = tpu.memref_slice %arg7[%add3A_268] : memref<320000xi32, #tpu.memory_space<hbm>> -> memref<128xi32, #tpu.memory_space<hbm>>
      %dma_start3A_274 = arith.constant 0 : i32
      %dma_start3A_275 = tpu.memref_slice %arg19[%dma_start3A_269, %dma_start3A_274] : memref<2x128xi32, #tpu.memory_space<vmem>> -> memref<1x128xi32, #tpu.memory_space<vmem>>
      %dma_start3A_276 = tpu.memref_squeeze %dma_start3A_275 : memref<1x128xi32, #tpu.memory_space<vmem>> -> memref<128xi32, #tpu.memory_space<vmem>>
      %dma_start3A_277 = tpu.memref_slice %arg7[%add3A_268] : memref<320000xi32, #tpu.memory_space<hbm>> -> memref<128xi32, #tpu.memory_space<hbm>>
      tpu.enqueue_dma source(%dma_start3A_277 : memref<128xi32, #tpu.memory_space<hbm>>) target(%dma_start3A_276 : memref<128xi32, #tpu.memory_space<vmem>>) target_semaphore(%arg24 : memref<!tpu.dma_semaphore, #tpu.memory_space<semaphore_mem>>)
      %scan3A = arith.constant 0 : i32
      %scan3A_278 = arith.constant 0 : i32
      %scan3A_279 = arith.constant 78 : i32
      %scan3A_280 = arith.addi %scan3A_278, %scan3A_279 : i32
      %scan3A_281 = arith.constant 1 : i32
      scf.for %scan3A_413 = %scan3A_278 to %scan3A_280 step %scan3A_281  : i32 {
        %mul3A_414 = arith.constant 2 : i32
        %mul3A_415 = arith.muli %mul3A_414, %scan3A_413 : i32
        %add3A_416 = arith.constant 0 : i32
        %add3A_417 = arith.addi %mul3A_415, %add3A_416 : i32
        %dma_wait3A_418 = arith.constant 0 : i32
        %dma_wait3A_419 = arith.constant 0 : i32
        %dma_wait3A_420 = arith.constant 0 : i32
        %dma_wait3A_421 = arith.constant 0 : i32
        %dma_wait3A_422 = tpu.memref_slice %arg20[%dma_wait3A_419, %dma_wait3A_420, %dma_wait3A_421] : memref<2x128x128xf32, #tpu.memory_space<vmem>> -> memref<1x128x128xf32, #tpu.memory_space<vmem>>
        %dma_wait3A_423 = tpu.memref_squeeze %dma_wait3A_422 : memref<1x128x128xf32, #tpu.memory_space<vmem>> -> memref<128x128xf32, #tpu.memory_space<vmem>>
        %dma_wait3A_424 = arith.constant 0 : i32
        %dma_wait3A_425 = tpu.memref_slice %arg18[%dma_wait3A_418, %dma_wait3A_424] : memref<2x128xi32, #tpu.memory_space<vmem>> -> memref<1x128xi32, #tpu.memory_space<vmem>>
        %dma_wait3A_426 = tpu.memref_squeeze %dma_wait3A_425 : memref<1x128xi32, #tpu.memory_space<vmem>> -> memref<128xi32, #tpu.memory_space<vmem>>
        %dma_wait3A_427 = arith.constant 0 : i32
        %dma_wait3A_428 = arith.constant 0 : i32
        %dma_wait3A_429 = tpu.memref_slice %arg4[%dma_wait3A_427, %dma_wait3A_428] : memref<10000x128xf32, #tpu.memory_space<hbm>> -> memref<10000x128xf32, #tpu.memory_space<hbm>>
        tpu.wait_indirect_dma semaphore(%arg23 : memref<!tpu.dma_semaphore, #tpu.memory_space<semaphore_mem>>) src(%dma_wait3A_429 : memref<10000x128xf32, #tpu.memory_space<hbm>>) dst(%dma_wait3A_423 : memref<128x128xf32, #tpu.memory_space<vmem>>)
        %add3A_430 = arith.constant 1 : i32
        %add3A_431 = arith.addi %add3A_417, %add3A_430 : i32
        %lt3A = arith.constant 156 : i32
        %lt3A_432 = arith.cmpi slt, %add3A_431, %lt3A : i32
        %convert_element_type3A_433 = arith.extui %lt3A_432 : i1 to i32
        %cond3A_434 = arith.constant 0 : i32
        %cond3A_435 = arith.cmpi ne, %convert_element_type3A_433, %cond3A_434 : i32
        scf.if %cond3A_435 {
          %dma_wait3A_497 = arith.constant 1 : i32
          %dma_wait3A_498 = arith.constant 0 : i32
          %dma_wait3A_499 = tpu.memref_slice %arg18[%dma_wait3A_497, %dma_wait3A_498] : memref<2x128xi32, #tpu.memory_space<vmem>> -> memref<1x128xi32, #tpu.memory_space<vmem>>
          %dma_wait3A_500 = tpu.memref_squeeze %dma_wait3A_499 : memref<1x128xi32, #tpu.memory_space<vmem>> -> memref<128xi32, #tpu.memory_space<vmem>>
          %dma_wait3A_501 = arith.constant 0 : i32
          %dma_wait3A_502 = tpu.memref_slice %arg8[%dma_wait3A_501] : memref<320000xi32, #tpu.memory_space<hbm>> -> memref<128xi32, #tpu.memory_space<hbm>>
          %dma_wait3A_503 = arith.constant 0 : i32
          %dma_wait3A_504 = tpu.memref_slice %arg18[%dma_wait3A_497, %dma_wait3A_503] : memref<2x128xi32, #tpu.memory_space<vmem>> -> memref<1x128xi32, #tpu.memory_space<vmem>>
          %dma_wait3A_505 = tpu.memref_squeeze %dma_wait3A_504 : memref<1x128xi32, #tpu.memory_space<vmem>> -> memref<128xi32, #tpu.memory_space<vmem>>
          %dma_wait3A_506 = arith.constant 0 : i32
          %dma_wait3A_507 = tpu.memref_slice %arg8[%dma_wait3A_506] : memref<320000xi32, #tpu.memory_space<hbm>> -> memref<128xi32, #tpu.memory_space<hbm>>
          tpu.wait_dma2 semaphore(%arg24 : memref<!tpu.dma_semaphore, #tpu.memory_space<semaphore_mem>>) src(%dma_wait3A_507 : memref<128xi32, #tpu.memory_space<hbm>>) dst(%dma_wait3A_505 : memref<128xi32, #tpu.memory_space<vmem>>)
          %dma_wait3A_508 = arith.constant 1 : i32
          %dma_wait3A_509 = arith.constant 0 : i32
          %dma_wait3A_510 = tpu.memref_slice %arg19[%dma_wait3A_508, %dma_wait3A_509] : memref<2x128xi32, #tpu.memory_space<vmem>> -> memref<1x128xi32, #tpu.memory_space<vmem>>
          %dma_wait3A_511 = tpu.memref_squeeze %dma_wait3A_510 : memref<1x128xi32, #tpu.memory_space<vmem>> -> memref<128xi32, #tpu.memory_space<vmem>>
          %dma_wait3A_512 = arith.constant 0 : i32
          %dma_wait3A_513 = tpu.memref_slice %arg7[%dma_wait3A_512] : memref<320000xi32, #tpu.memory_space<hbm>> -> memref<128xi32, #tpu.memory_space<hbm>>
          %dma_wait3A_514 = arith.constant 0 : i32
          %dma_wait3A_515 = tpu.memref_slice %arg19[%dma_wait3A_508, %dma_wait3A_514] : memref<2x128xi32, #tpu.memory_space<vmem>> -> memref<1x128xi32, #tpu.memory_space<vmem>>
          %dma_wait3A_516 = tpu.memref_squeeze %dma_wait3A_515 : memref<1x128xi32, #tpu.memory_space<vmem>> -> memref<128xi32, #tpu.memory_space<vmem>>
          %dma_wait3A_517 = arith.constant 0 : i32
          %dma_wait3A_518 = tpu.memref_slice %arg7[%dma_wait3A_517] : memref<320000xi32, #tpu.memory_space<hbm>> -> memref<128xi32, #tpu.memory_space<hbm>>
          tpu.wait_dma2 semaphore(%arg24 : memref<!tpu.dma_semaphore, #tpu.memory_space<semaphore_mem>>) src(%dma_wait3A_518 : memref<128xi32, #tpu.memory_space<hbm>>) dst(%dma_wait3A_516 : memref<128xi32, #tpu.memory_space<vmem>>)
          %ge3A = arith.constant 1 : i32
          %ge3A_519 = arith.cmpi sge, %add3A_417, %ge3A : i32
          %convert_element_type3A_520 = arith.extui %ge3A_519 : i1 to i32
          %cond3A_521 = arith.constant 0 : i32
          %cond3A_522 = arith.cmpi ne, %convert_element_type3A_520, %cond3A_521 : i32
          scf.if %cond3A_522 {
            %dma_wait3A_535 = arith.constant 1 : i32
            %dma_wait3A_536 = arith.constant 0 : i32
            %dma_wait3A_537 = arith.constant 0 : i32
            %dma_wait3A_538 = arith.constant 0 : i32
            %dma_wait3A_539 = tpu.memref_slice %arg20[%dma_wait3A_535, %dma_wait3A_537, %dma_wait3A_538] : memref<2x128x128xf32, #tpu.memory_space<vmem>> -> memref<1x128x128xf32, #tpu.memory_space<vmem>>
            %dma_wait3A_540 = tpu.memref_squeeze %dma_wait3A_539 : memref<1x128x128xf32, #tpu.memory_space<vmem>> -> memref<128x128xf32, #tpu.memory_space<vmem>>
            %dma_wait3A_541 = arith.constant 0 : i32
            %dma_wait3A_542 = tpu.memref_slice %arg19[%dma_wait3A_536, %dma_wait3A_541] : memref<2x128xi32, #tpu.memory_space<vmem>> -> memref<1x128xi32, #tpu.memory_space<vmem>>
            %dma_wait3A_543 = tpu.memref_squeeze %dma_wait3A_542 : memref<1x128xi32, #tpu.memory_space<vmem>> -> memref<128xi32, #tpu.memory_space<vmem>>
            %dma_wait3A_544 = arith.constant 0 : i32
            %dma_wait3A_545 = arith.constant 0 : i32
            %dma_wait3A_546 = tpu.memref_slice %arg22[%dma_wait3A_544, %dma_wait3A_545] : memref<10240x128xf32, #tpu.memory_space<vmem_shared>> -> memref<10240x128xf32, #tpu.memory_space<vmem_shared>>
            tpu.wait_indirect_dma semaphore(%arg25 : memref<!tpu.dma_semaphore, #tpu.memory_space<semaphore_mem>>) src(%dma_wait3A_540 : memref<128x128xf32, #tpu.memory_space<vmem>>) dst(%dma_wait3A_546 : memref<10240x128xf32, #tpu.memory_space<vmem_shared>>)
          } else {
          }
          %dma_start3A_523 = arith.constant 1 : i32
          %dma_start3A_524 = arith.constant 1 : i32
          %dma_start3A_525 = arith.constant 0 : i32
          %dma_start3A_526 = arith.constant 0 : i32
          %dma_start3A_527 = tpu.memref_slice %arg20[%dma_start3A_524, %dma_start3A_525, %dma_start3A_526] : memref<2x128x128xf32, #tpu.memory_space<vmem>> -> memref<1x128x128xf32, #tpu.memory_space<vmem>>
          %dma_start3A_528 = tpu.memref_squeeze %dma_start3A_527 : memref<1x128x128xf32, #tpu.memory_space<vmem>> -> memref<128x128xf32, #tpu.memory_space<vmem>>
          %dma_start3A_529 = arith.constant 0 : i32
          %dma_start3A_530 = tpu.memref_slice %arg18[%dma_start3A_523, %dma_start3A_529] : memref<2x128xi32, #tpu.memory_space<vmem>> -> memref<1x128xi32, #tpu.memory_space<vmem>>
          %dma_start3A_531 = tpu.memref_squeeze %dma_start3A_530 : memref<1x128xi32, #tpu.memory_space<vmem>> -> memref<128xi32, #tpu.memory_space<vmem>>
          %dma_start3A_532 = arith.constant 0 : i32
          %dma_start3A_533 = arith.constant 0 : i32
          %dma_start3A_534 = tpu.memref_slice %arg4[%dma_start3A_532, %dma_start3A_533] : memref<10000x128xf32, #tpu.memory_space<hbm>> -> memref<10000x128xf32, #tpu.memory_space<hbm>>
          tpu.enqueue_indirect_dma source(%dma_start3A_534 : memref<10000x128xf32, #tpu.memory_space<hbm>>) target(%dma_start3A_528 : memref<128x128xf32, #tpu.memory_space<vmem>>) offsets(%dma_start3A_531 : memref<128xi32, #tpu.memory_space<vmem>>) semaphore(%arg23 : memref<!tpu.dma_semaphore, #tpu.memory_space<semaphore_mem>>)
        } else {
        }
        %add3A_436 = arith.constant 2 : i32
        %add3A_437 = arith.addi %add3A_417, %add3A_436 : i32
        %lt3A_438 = arith.constant 156 : i32
        %lt3A_439 = arith.cmpi slt, %add3A_437, %lt3A_438 : i32
        %convert_element_type3A_440 = arith.extui %lt3A_439 : i1 to i32
        %cond3A_441 = arith.constant 0 : i32
        %cond3A_442 = arith.cmpi ne, %convert_element_type3A_440, %cond3A_441 : i32
        scf.if %cond3A_442 {
          %add3A_497 = arith.constant 2 : i32
          %add3A_498 = arith.addi %add3A_417, %add3A_497 : i32
          %mul3A_499 = arith.constant 128 : i32
          %mul3A_500 = arith.muli %add3A_498, %mul3A_499 : i32
          %add3A_501 = arith.addi %mul3A_2, %mul3A_500 : i32
          %dma_start3A_502 = arith.constant 0 : i32
          %dma_start3A_503 = arith.constant 0 : i32
          %dma_start3A_504 = tpu.memref_slice %arg18[%dma_start3A_502, %dma_start3A_503] : memref<2x128xi32, #tpu.memory_space<vmem>> -> memref<1x128xi32, #tpu.memory_space<vmem>>
          %dma_start3A_505 = tpu.memref_squeeze %dma_start3A_504 : memref<1x128xi32, #tpu.memory_space<vmem>> -> memref<128xi32, #tpu.memory_space<vmem>>
          %dma_start3A_506 = tpu.memref_slice %arg8[%add3A_501] : memref<320000xi32, #tpu.memory_space<hbm>> -> memref<128xi32, #tpu.memory_space<hbm>>
          %dma_start3A_507 = arith.constant 0 : i32
          %dma_start3A_508 = tpu.memref_slice %arg18[%dma_start3A_502, %dma_start3A_507] : memref<2x128xi32, #tpu.memory_space<vmem>> -> memref<1x128xi32, #tpu.memory_space<vmem>>
          %dma_start3A_509 = tpu.memref_squeeze %dma_start3A_508 : memref<1x128xi32, #tpu.memory_space<vmem>> -> memref<128xi32, #tpu.memory_space<vmem>>
          %dma_start3A_510 = tpu.memref_slice %arg8[%add3A_501] : memref<320000xi32, #tpu.memory_space<hbm>> -> memref<128xi32, #tpu.memory_space<hbm>>
          tpu.enqueue_dma source(%dma_start3A_510 : memref<128xi32, #tpu.memory_space<hbm>>) target(%dma_start3A_509 : memref<128xi32, #tpu.memory_space<vmem>>) target_semaphore(%arg24 : memref<!tpu.dma_semaphore, #tpu.memory_space<semaphore_mem>>)
          %mul3A_511 = arith.constant 128 : i32
          %mul3A_512 = arith.muli %add3A_498, %mul3A_511 : i32
          %add3A_513 = arith.addi %mul3A_2, %mul3A_512 : i32
          %dma_start3A_514 = arith.constant 0 : i32
          %dma_start3A_515 = arith.constant 0 : i32
          %dma_start3A_516 = tpu.memref_slice %arg19[%dma_start3A_514, %dma_start3A_515] : memref<2x128xi32, #tpu.memory_space<vmem>> -> memref<1x128xi32, #tpu.memory_space<vmem>>
          %dma_start3A_517 = tpu.memref_squeeze %dma_start3A_516 : memref<1x128xi32, #tpu.memory_space<vmem>> -> memref<128xi32, #tpu.memory_space<vmem>>
          %dma_start3A_518 = tpu.memref_slice %arg7[%add3A_513] : memref<320000xi32, #tpu.memory_space<hbm>> -> memref<128xi32, #tpu.memory_space<hbm>>
          %dma_start3A_519 = arith.constant 0 : i32
          %dma_start3A_520 = tpu.memref_slice %arg19[%dma_start3A_514, %dma_start3A_519] : memref<2x128xi32, #tpu.memory_space<vmem>> -> memref<1x128xi32, #tpu.memory_space<vmem>>
          %dma_start3A_521 = tpu.memref_squeeze %dma_start3A_520 : memref<1x128xi32, #tpu.memory_space<vmem>> -> memref<128xi32, #tpu.memory_space<vmem>>
          %dma_start3A_522 = tpu.memref_slice %arg7[%add3A_513] : memref<320000xi32, #tpu.memory_space<hbm>> -> memref<128xi32, #tpu.memory_space<hbm>>
          tpu.enqueue_dma source(%dma_start3A_522 : memref<128xi32, #tpu.memory_space<hbm>>) target(%dma_start3A_521 : memref<128xi32, #tpu.memory_space<vmem>>) target_semaphore(%arg24 : memref<!tpu.dma_semaphore, #tpu.memory_space<semaphore_mem>>)
        } else {
        }
        %dma_start3A_443 = arith.constant 0 : i32
        %dma_start3A_444 = arith.constant 0 : i32
        %dma_start3A_445 = arith.constant 0 : i32
        %dma_start3A_446 = arith.constant 0 : i32
        %dma_start3A_447 = tpu.memref_slice %arg20[%dma_start3A_443, %dma_start3A_445, %dma_start3A_446] : memref<2x128x128xf32, #tpu.memory_space<vmem>> -> memref<1x128x128xf32, #tpu.memory_space<vmem>>
        %dma_start3A_448 = tpu.memref_squeeze %dma_start3A_447 : memref<1x128x128xf32, #tpu.memory_space<vmem>> -> memref<128x128xf32, #tpu.memory_space<vmem>>
        %dma_start3A_449 = arith.constant 0 : i32
        %dma_start3A_450 = tpu.memref_slice %arg19[%dma_start3A_444, %dma_start3A_449] : memref<2x128xi32, #tpu.memory_space<vmem>> -> memref<1x128xi32, #tpu.memory_space<vmem>>
        %dma_start3A_451 = tpu.memref_squeeze %dma_start3A_450 : memref<1x128xi32, #tpu.memory_space<vmem>> -> memref<128xi32, #tpu.memory_space<vmem>>
        %dma_start3A_452 = arith.constant 0 : i32
        %dma_start3A_453 = arith.constant 0 : i32
        %dma_start3A_454 = tpu.memref_slice %arg22[%dma_start3A_452, %dma_start3A_453] : memref<10240x128xf32, #tpu.memory_space<vmem_shared>> -> memref<10240x128xf32, #tpu.memory_space<vmem_shared>>
        tpu.enqueue_indirect_dma source(%dma_start3A_448 : memref<128x128xf32, #tpu.memory_space<vmem>>) target(%dma_start3A_454 : memref<10240x128xf32, #tpu.memory_space<vmem_shared>>) offsets(%dma_start3A_451 : memref<128xi32, #tpu.memory_space<vmem>>) semaphore(%arg25 : memref<!tpu.dma_semaphore, #tpu.memory_space<semaphore_mem>>) {add = true}
        %mul3A_455 = arith.constant 2 : i32
        %mul3A_456 = arith.muli %mul3A_455, %scan3A_413 : i32
        %add3A_457 = arith.constant 1 : i32
        %add3A_458 = arith.addi %mul3A_456, %add3A_457 : i32
        %dma_wait3A_459 = arith.constant 0 : i32
        %dma_wait3A_460 = arith.constant 1 : i32
        %dma_wait3A_461 = arith.constant 0 : i32
        %dma_wait3A_462 = arith.constant 0 : i32
        %dma_wait3A_463 = tpu.memref_slice %arg20[%dma_wait3A_460, %dma_wait3A_461, %dma_wait3A_462] : memref<2x128x128xf32, #tpu.memory_space<vmem>> -> memref<1x128x128xf32, #tpu.memory_space<vmem>>
        %dma_wait3A_464 = tpu.memref_squeeze %dma_wait3A_463 : memref<1x128x128xf32, #tpu.memory_space<vmem>> -> memref<128x128xf32, #tpu.memory_space<vmem>>
        %dma_wait3A_465 = arith.constant 0 : i32
        %dma_wait3A_466 = tpu.memref_slice %arg18[%dma_wait3A_459, %dma_wait3A_465] : memref<2x128xi32, #tpu.memory_space<vmem>> -> memref<1x128xi32, #tpu.memory_space<vmem>>
        %dma_wait3A_467 = tpu.memref_squeeze %dma_wait3A_466 : memref<1x128xi32, #tpu.memory_space<vmem>> -> memref<128xi32, #tpu.memory_space<vmem>>
        %dma_wait3A_468 = arith.constant 0 : i32
        %dma_wait3A_469 = arith.constant 0 : i32
        %dma_wait3A_470 = tpu.memref_slice %arg4[%dma_wait3A_468, %dma_wait3A_469] : memref<10000x128xf32, #tpu.memory_space<hbm>> -> memref<10000x128xf32, #tpu.memory_space<hbm>>
        tpu.wait_indirect_dma semaphore(%arg23 : memref<!tpu.dma_semaphore, #tpu.memory_space<semaphore_mem>>) src(%dma_wait3A_470 : memref<10000x128xf32, #tpu.memory_space<hbm>>) dst(%dma_wait3A_464 : memref<128x128xf32, #tpu.memory_space<vmem>>)
        %add3A_471 = arith.constant 1 : i32
        %add3A_472 = arith.addi %add3A_458, %add3A_471 : i32
        %lt3A_473 = arith.constant 156 : i32
        %lt3A_474 = arith.cmpi slt, %add3A_472, %lt3A_473 : i32
        %convert_element_type3A_475 = arith.extui %lt3A_474 : i1 to i32
        %cond3A_476 = arith.constant 0 : i32
        %cond3A_477 = arith.cmpi ne, %convert_element_type3A_475, %cond3A_476 : i32
        scf.if %cond3A_477 {
          %dma_wait3A_497 = arith.constant 0 : i32
          %dma_wait3A_498 = arith.constant 0 : i32
          %dma_wait3A_499 = tpu.memref_slice %arg18[%dma_wait3A_497, %dma_wait3A_498] : memref<2x128xi32, #tpu.memory_space<vmem>> -> memref<1x128xi32, #tpu.memory_space<vmem>>
          %dma_wait3A_500 = tpu.memref_squeeze %dma_wait3A_499 : memref<1x128xi32, #tpu.memory_space<vmem>> -> memref<128xi32, #tpu.memory_space<vmem>>
          %dma_wait3A_501 = arith.constant 0 : i32
          %dma_wait3A_502 = tpu.memref_slice %arg8[%dma_wait3A_501] : memref<320000xi32, #tpu.memory_space<hbm>> -> memref<128xi32, #tpu.memory_space<hbm>>
          %dma_wait3A_503 = arith.constant 0 : i32
          %dma_wait3A_504 = tpu.memref_slice %arg18[%dma_wait3A_497, %dma_wait3A_503] : memref<2x128xi32, #tpu.memory_space<vmem>> -> memref<1x128xi32, #tpu.memory_space<vmem>>
          %dma_wait3A_505 = tpu.memref_squeeze %dma_wait3A_504 : memref<1x128xi32, #tpu.memory_space<vmem>> -> memref<128xi32, #tpu.memory_space<vmem>>
          %dma_wait3A_506 = arith.constant 0 : i32
          %dma_wait3A_507 = tpu.memref_slice %arg8[%dma_wait3A_506] : memref<320000xi32, #tpu.memory_space<hbm>> -> memref<128xi32, #tpu.memory_space<hbm>>
          tpu.wait_dma2 semaphore(%arg24 : memref<!tpu.dma_semaphore, #tpu.memory_space<semaphore_mem>>) src(%dma_wait3A_507 : memref<128xi32, #tpu.memory_space<hbm>>) dst(%dma_wait3A_505 : memref<128xi32, #tpu.memory_space<vmem>>)
          %dma_wait3A_508 = arith.constant 0 : i32
          %dma_wait3A_509 = arith.constant 0 : i32
          %dma_wait3A_510 = tpu.memref_slice %arg19[%dma_wait3A_508, %dma_wait3A_509] : memref<2x128xi32, #tpu.memory_space<vmem>> -> memref<1x128xi32, #tpu.memory_space<vmem>>
          %dma_wait3A_511 = tpu.memref_squeeze %dma_wait3A_510 : memref<1x128xi32, #tpu.memory_space<vmem>> -> memref<128xi32, #tpu.memory_space<vmem>>
          %dma_wait3A_512 = arith.constant 0 : i32
          %dma_wait3A_513 = tpu.memref_slice %arg7[%dma_wait3A_512] : memref<320000xi32, #tpu.memory_space<hbm>> -> memref<128xi32, #tpu.memory_space<hbm>>
          %dma_wait3A_514 = arith.constant 0 : i32
          %dma_wait3A_515 = tpu.memref_slice %arg19[%dma_wait3A_508, %dma_wait3A_514] : memref<2x128xi32, #tpu.memory_space<vmem>> -> memref<1x128xi32, #tpu.memory_space<vmem>>
          %dma_wait3A_516 = tpu.memref_squeeze %dma_wait3A_515 : memref<1x128xi32, #tpu.memory_space<vmem>> -> memref<128xi32, #tpu.memory_space<vmem>>
          %dma_wait3A_517 = arith.constant 0 : i32
          %dma_wait3A_518 = tpu.memref_slice %arg7[%dma_wait3A_517] : memref<320000xi32, #tpu.memory_space<hbm>> -> memref<128xi32, #tpu.memory_space<hbm>>
          tpu.wait_dma2 semaphore(%arg24 : memref<!tpu.dma_semaphore, #tpu.memory_space<semaphore_mem>>) src(%dma_wait3A_518 : memref<128xi32, #tpu.memory_space<hbm>>) dst(%dma_wait3A_516 : memref<128xi32, #tpu.memory_space<vmem>>)
          %ge3A = arith.constant 1 : i32
          %ge3A_519 = arith.cmpi sge, %add3A_458, %ge3A : i32
          %convert_element_type3A_520 = arith.extui %ge3A_519 : i1 to i32
          %cond3A_521 = arith.constant 0 : i32
          %cond3A_522 = arith.cmpi ne, %convert_element_type3A_520, %cond3A_521 : i32
          scf.if %cond3A_522 {
            %dma_wait3A_535 = arith.constant 0 : i32
            %dma_wait3A_536 = arith.constant 0 : i32
            %dma_wait3A_537 = arith.constant 0 : i32
            %dma_wait3A_538 = arith.constant 0 : i32
            %dma_wait3A_539 = tpu.memref_slice %arg20[%dma_wait3A_535, %dma_wait3A_537, %dma_wait3A_538] : memref<2x128x128xf32, #tpu.memory_space<vmem>> -> memref<1x128x128xf32, #tpu.memory_space<vmem>>
            %dma_wait3A_540 = tpu.memref_squeeze %dma_wait3A_539 : memref<1x128x128xf32, #tpu.memory_space<vmem>> -> memref<128x128xf32, #tpu.memory_space<vmem>>
            %dma_wait3A_541 = arith.constant 0 : i32
            %dma_wait3A_542 = tpu.memref_slice %arg19[%dma_wait3A_536, %dma_wait3A_541] : memref<2x128xi32, #tpu.memory_space<vmem>> -> memref<1x128xi32, #tpu.memory_space<vmem>>
            %dma_wait3A_543 = tpu.memref_squeeze %dma_wait3A_542 : memref<1x128xi32, #tpu.memory_space<vmem>> -> memref<128xi32, #tpu.memory_space<vmem>>
            %dma_wait3A_544 = arith.constant 0 : i32
            %dma_wait3A_545 = arith.constant 0 : i32
            %dma_wait3A_546 = tpu.memref_slice %arg22[%dma_wait3A_544, %dma_wait3A_545] : memref<10240x128xf32, #tpu.memory_space<vmem_shared>> -> memref<10240x128xf32, #tpu.memory_space<vmem_shared>>
            tpu.wait_indirect_dma semaphore(%arg25 : memref<!tpu.dma_semaphore, #tpu.memory_space<semaphore_mem>>) src(%dma_wait3A_540 : memref<128x128xf32, #tpu.memory_space<vmem>>) dst(%dma_wait3A_546 : memref<10240x128xf32, #tpu.memory_space<vmem_shared>>)
          } else {
          }
          %dma_start3A_523 = arith.constant 0 : i32
          %dma_start3A_524 = arith.constant 0 : i32
          %dma_start3A_525 = arith.constant 0 : i32
          %dma_start3A_526 = arith.constant 0 : i32
          %dma_start3A_527 = tpu.memref_slice %arg20[%dma_start3A_524, %dma_start3A_525, %dma_start3A_526] : memref<2x128x128xf32, #tpu.memory_space<vmem>> -> memref<1x128x128xf32, #tpu.memory_space<vmem>>
          %dma_start3A_528 = tpu.memref_squeeze %dma_start3A_527 : memref<1x128x128xf32, #tpu.memory_space<vmem>> -> memref<128x128xf32, #tpu.memory_space<vmem>>
          %dma_start3A_529 = arith.constant 0 : i32
          %dma_start3A_530 = tpu.memref_slice %arg18[%dma_start3A_523, %dma_start3A_529] : memref<2x128xi32, #tpu.memory_space<vmem>> -> memref<1x128xi32, #tpu.memory_space<vmem>>
          %dma_start3A_531 = tpu.memref_squeeze %dma_start3A_530 : memref<1x128xi32, #tpu.memory_space<vmem>> -> memref<128xi32, #tpu.memory_space<vmem>>
          %dma_start3A_532 = arith.constant 0 : i32
          %dma_start3A_533 = arith.constant 0 : i32
          %dma_start3A_534 = tpu.memref_slice %arg4[%dma_start3A_532, %dma_start3A_533] : memref<10000x128xf32, #tpu.memory_space<hbm>> -> memref<10000x128xf32, #tpu.memory_space<hbm>>
          tpu.enqueue_indirect_dma source(%dma_start3A_534 : memref<10000x128xf32, #tpu.memory_space<hbm>>) target(%dma_start3A_528 : memref<128x128xf32, #tpu.memory_space<vmem>>) offsets(%dma_start3A_531 : memref<128xi32, #tpu.memory_space<vmem>>) semaphore(%arg23 : memref<!tpu.dma_semaphore, #tpu.memory_space<semaphore_mem>>)
        } else {
        }
        %add3A_478 = arith.constant 2 : i32
        %add3A_479 = arith.addi %add3A_458, %add3A_478 : i32
        %lt3A_480 = arith.constant 156 : i32
        %lt3A_481 = arith.cmpi slt, %add3A_479, %lt3A_480 : i32
        %convert_element_type3A_482 = arith.extui %lt3A_481 : i1 to i32
        %cond3A_483 = arith.constant 0 : i32
        %cond3A_484 = arith.cmpi ne, %convert_element_type3A_482, %cond3A_483 : i32
        scf.if %cond3A_484 {
          %add3A_497 = arith.constant 2 : i32
          %add3A_498 = arith.addi %add3A_458, %add3A_497 : i32
          %mul3A_499 = arith.constant 128 : i32
          %mul3A_500 = arith.muli %add3A_498, %mul3A_499 : i32
          %add3A_501 = arith.addi %mul3A_2, %mul3A_500 : i32
          %dma_start3A_502 = arith.constant 1 : i32
          %dma_start3A_503 = arith.constant 0 : i32
          %dma_start3A_504 = tpu.memref_slice %arg18[%dma_start3A_502, %dma_start3A_503] : memref<2x128xi32, #tpu.memory_space<vmem>> -> memref<1x128xi32, #tpu.memory_space<vmem>>
          %dma_start3A_505 = tpu.memref_squeeze %dma_start3A_504 : memref<1x128xi32, #tpu.memory_space<vmem>> -> memref<128xi32, #tpu.memory_space<vmem>>
          %dma_start3A_506 = tpu.memref_slice %arg8[%add3A_501] : memref<320000xi32, #tpu.memory_space<hbm>> -> memref<128xi32, #tpu.memory_space<hbm>>
          %dma_start3A_507 = arith.constant 0 : i32
          %dma_start3A_508 = tpu.memref_slice %arg18[%dma_start3A_502, %dma_start3A_507] : memref<2x128xi32, #tpu.memory_space<vmem>> -> memref<1x128xi32, #tpu.memory_space<vmem>>
          %dma_start3A_509 = tpu.memref_squeeze %dma_start3A_508 : memref<1x128xi32, #tpu.memory_space<vmem>> -> memref<128xi32, #tpu.memory_space<vmem>>
          %dma_start3A_510 = tpu.memref_slice %arg8[%add3A_501] : memref<320000xi32, #tpu.memory_space<hbm>> -> memref<128xi32, #tpu.memory_space<hbm>>
          tpu.enqueue_dma source(%dma_start3A_510 : memref<128xi32, #tpu.memory_space<hbm>>) target(%dma_start3A_509 : memref<128xi32, #tpu.memory_space<vmem>>) target_semaphore(%arg24 : memref<!tpu.dma_semaphore, #tpu.memory_space<semaphore_mem>>)
          %mul3A_511 = arith.constant 128 : i32
          %mul3A_512 = arith.muli %add3A_498, %mul3A_511 : i32
          %add3A_513 = arith.addi %mul3A_2, %mul3A_512 : i32
          %dma_start3A_514 = arith.constant 1 : i32
          %dma_start3A_515 = arith.constant 0 : i32
          %dma_start3A_516 = tpu.memref_slice %arg19[%dma_start3A_514, %dma_start3A_515] : memref<2x128xi32, #tpu.memory_space<vmem>> -> memref<1x128xi32, #tpu.memory_space<vmem>>
          %dma_start3A_517 = tpu.memref_squeeze %dma_start3A_516 : memref<1x128xi32, #tpu.memory_space<vmem>> -> memref<128xi32, #tpu.memory_space<vmem>>
          %dma_start3A_518 = tpu.memref_slice %arg7[%add3A_513] : memref<320000xi32, #tpu.memory_space<hbm>> -> memref<128xi32, #tpu.memory_space<hbm>>
          %dma_start3A_519 = arith.constant 0 : i32
          %dma_start3A_520 = tpu.memref_slice %arg19[%dma_start3A_514, %dma_start3A_519] : memref<2x128xi32, #tpu.memory_space<vmem>> -> memref<1x128xi32, #tpu.memory_space<vmem>>
          %dma_start3A_521 = tpu.memref_squeeze %dma_start3A_520 : memref<1x128xi32, #tpu.memory_space<vmem>> -> memref<128xi32, #tpu.memory_space<vmem>>
          %dma_start3A_522 = tpu.memref_slice %arg7[%add3A_513] : memref<320000xi32, #tpu.memory_space<hbm>> -> memref<128xi32, #tpu.memory_space<hbm>>
          tpu.enqueue_dma source(%dma_start3A_522 : memref<128xi32, #tpu.memory_space<hbm>>) target(%dma_start3A_521 : memref<128xi32, #tpu.memory_space<vmem>>) target_semaphore(%arg24 : memref<!tpu.dma_semaphore, #tpu.memory_space<semaphore_mem>>)
        } else {
        }
        %dma_start3A_485 = arith.constant 1 : i32
        %dma_start3A_486 = arith.constant 1 : i32
        %dma_start3A_487 = arith.constant 0 : i32
        %dma_start3A_488 = arith.constant 0 : i32
        %dma_start3A_489 = tpu.memref_slice %arg20[%dma_start3A_485, %dma_start3A_487, %dma_start3A_488] : memref<2x128x128xf32, #tpu.memory_space<vmem>> -> memref<1x128x128xf32, #tpu.memory_space<vmem>>
        %dma_start3A_490 = tpu.memref_squeeze %dma_start3A_489 : memref<1x128x128xf32, #tpu.memory_space<vmem>> -> memref<128x128xf32, #tpu.memory_space<vmem>>
        %dma_start3A_491 = arith.constant 0 : i32
        %dma_start3A_492 = tpu.memref_slice %arg19[%dma_start3A_486, %dma_start3A_491] : memref<2x128xi32, #tpu.memory_space<vmem>> -> memref<1x128xi32, #tpu.memory_space<vmem>>
        %dma_start3A_493 = tpu.memref_squeeze %dma_start3A_492 : memref<1x128xi32, #tpu.memory_space<vmem>> -> memref<128xi32, #tpu.memory_space<vmem>>
        %dma_start3A_494 = arith.constant 0 : i32
        %dma_start3A_495 = arith.constant 0 : i32
        %dma_start3A_496 = tpu.memref_slice %arg22[%dma_start3A_494, %dma_start3A_495] : memref<10240x128xf32, #tpu.memory_space<vmem_shared>> -> memref<10240x128xf32, #tpu.memory_space<vmem_shared>>
        tpu.enqueue_indirect_dma source(%dma_start3A_490 : memref<128x128xf32, #tpu.memory_space<vmem>>) target(%dma_start3A_496 : memref<10240x128xf32, #tpu.memory_space<vmem_shared>>) offsets(%dma_start3A_493 : memref<128xi32, #tpu.memory_space<vmem>>) semaphore(%arg25 : memref<!tpu.dma_semaphore, #tpu.memory_space<semaphore_mem>>) {add = true}
      }
      %scan3A_282 = arith.constant 78 : i32
      %dma_wait3A_283 = arith.constant 0 : i32
      %dma_wait3A_284 = arith.constant 0 : i32
      %dma_wait3A_285 = arith.constant 0 : i32
      %dma_wait3A_286 = arith.constant 0 : i32
      %dma_wait3A_287 = tpu.memref_slice %arg20[%dma_wait3A_283, %dma_wait3A_285, %dma_wait3A_286] : memref<2x128x128xf32, #tpu.memory_space<vmem>> -> memref<1x128x128xf32, #tpu.memory_space<vmem>>
      %dma_wait3A_288 = tpu.memref_squeeze %dma_wait3A_287 : memref<1x128x128xf32, #tpu.memory_space<vmem>> -> memref<128x128xf32, #tpu.memory_space<vmem>>
      %dma_wait3A_289 = arith.constant 0 : i32
      %dma_wait3A_290 = tpu.memref_slice %arg19[%dma_wait3A_284, %dma_wait3A_289] : memref<2x128xi32, #tpu.memory_space<vmem>> -> memref<1x128xi32, #tpu.memory_space<vmem>>
      %dma_wait3A_291 = tpu.memref_squeeze %dma_wait3A_290 : memref<1x128xi32, #tpu.memory_space<vmem>> -> memref<128xi32, #tpu.memory_space<vmem>>
      %dma_wait3A_292 = arith.constant 0 : i32
      %dma_wait3A_293 = arith.constant 0 : i32
      %dma_wait3A_294 = tpu.memref_slice %arg22[%dma_wait3A_292, %dma_wait3A_293] : memref<10240x128xf32, #tpu.memory_space<vmem_shared>> -> memref<10240x128xf32, #tpu.memory_space<vmem_shared>>
      tpu.wait_indirect_dma semaphore(%arg25 : memref<!tpu.dma_semaphore, #tpu.memory_space<semaphore_mem>>) src(%dma_wait3A_288 : memref<128x128xf32, #tpu.memory_space<vmem>>) dst(%dma_wait3A_294 : memref<10240x128xf32, #tpu.memory_space<vmem_shared>>)
      %dma_wait3A_295 = arith.constant 1 : i32
      %dma_wait3A_296 = arith.constant 0 : i32
      %dma_wait3A_297 = arith.constant 0 : i32
      %dma_wait3A_298 = arith.constant 0 : i32
      %dma_wait3A_299 = tpu.memref_slice %arg20[%dma_wait3A_295, %dma_wait3A_297, %dma_wait3A_298] : memref<2x128x128xf32, #tpu.memory_space<vmem>> -> memref<1x128x128xf32, #tpu.memory_space<vmem>>
      %dma_wait3A_300 = tpu.memref_squeeze %dma_wait3A_299 : memref<1x128x128xf32, #tpu.memory_space<vmem>> -> memref<128x128xf32, #tpu.memory_space<vmem>>
      %dma_wait3A_301 = arith.constant 0 : i32
      %dma_wait3A_302 = tpu.memref_slice %arg19[%dma_wait3A_296, %dma_wait3A_301] : memref<2x128xi32, #tpu.memory_space<vmem>> -> memref<1x128xi32, #tpu.memory_space<vmem>>
      %dma_wait3A_303 = tpu.memref_squeeze %dma_wait3A_302 : memref<1x128xi32, #tpu.memory_space<vmem>> -> memref<128xi32, #tpu.memory_space<vmem>>
      %dma_wait3A_304 = arith.constant 0 : i32
      %dma_wait3A_305 = arith.constant 0 : i32
      %dma_wait3A_306 = tpu.memref_slice %arg22[%dma_wait3A_304, %dma_wait3A_305] : memref<10240x128xf32, #tpu.memory_space<vmem_shared>> -> memref<10240x128xf32, #tpu.memory_space<vmem_shared>>
      tpu.wait_indirect_dma semaphore(%arg25 : memref<!tpu.dma_semaphore, #tpu.memory_space<semaphore_mem>>) src(%dma_wait3A_300 : memref<128x128xf32, #tpu.memory_space<vmem>>) dst(%dma_wait3A_306 : memref<10240x128xf32, #tpu.memory_space<vmem_shared>>)
      %add3A_307 = arith.constant 19968 : i32
      %add3A_308 = arith.addi %mul3A_2, %add3A_307 : i32
      %run_scoped3A_309 = arith.constant 0 : i32
      "tpu.region"() ({
        %run_scoped3A_413 = tpu.sem_alloc : memref<!tpu.dma_semaphore, #tpu.memory_space<semaphore_mem>>
        %dma_start3A_414 = arith.constant 0 : i32
        %dma_start3A_415 = tpu.memref_slice %arg18[%run_scoped3A_309, %dma_start3A_414] : memref<2x128xi32, #tpu.memory_space<vmem>> -> memref<1x32xi32, #tpu.memory_space<vmem>>
        %dma_start3A_416 = tpu.memref_squeeze %dma_start3A_415 : memref<1x32xi32, #tpu.memory_space<vmem>> -> memref<32xi32, #tpu.memory_space<vmem>>
        %dma_start3A_417 = tpu.memref_slice %arg8[%add3A_308] : memref<320000xi32, #tpu.memory_space<hbm>> -> memref<32xi32, #tpu.memory_space<hbm>>
        %dma_start3A_418 = arith.constant 0 : i32
        %dma_start3A_419 = tpu.memref_slice %arg18[%run_scoped3A_309, %dma_start3A_418] : memref<2x128xi32, #tpu.memory_space<vmem>> -> memref<1x32xi32, #tpu.memory_space<vmem>>
        %dma_start3A_420 = tpu.memref_squeeze %dma_start3A_419 : memref<1x32xi32, #tpu.memory_space<vmem>> -> memref<32xi32, #tpu.memory_space<vmem>>
        %dma_start3A_421 = tpu.memref_slice %arg8[%add3A_308] : memref<320000xi32, #tpu.memory_space<hbm>> -> memref<32xi32, #tpu.memory_space<hbm>>
        tpu.enqueue_dma source(%dma_start3A_421 : memref<32xi32, #tpu.memory_space<hbm>>) target(%dma_start3A_420 : memref<32xi32, #tpu.memory_space<vmem>>) target_semaphore(%run_scoped3A_413 : memref<!tpu.dma_semaphore, #tpu.memory_space<semaphore_mem>>)
        %dma_wait3A_422 = arith.constant 0 : i32
        %dma_wait3A_423 = tpu.memref_slice %arg18[%run_scoped3A_309, %dma_wait3A_422] : memref<2x128xi32, #tpu.memory_space<vmem>> -> memref<1x32xi32, #tpu.memory_space<vmem>>
        %dma_wait3A_424 = tpu.memref_squeeze %dma_wait3A_423 : memref<1x32xi32, #tpu.memory_space<vmem>> -> memref<32xi32, #tpu.memory_space<vmem>>
        %dma_wait3A_425 = tpu.memref_slice %arg8[%add3A_308] : memref<320000xi32, #tpu.memory_space<hbm>> -> memref<32xi32, #tpu.memory_space<hbm>>
        %dma_wait3A_426 = arith.constant 0 : i32
        %dma_wait3A_427 = tpu.memref_slice %arg18[%run_scoped3A_309, %dma_wait3A_426] : memref<2x128xi32, #tpu.memory_space<vmem>> -> memref<1x32xi32, #tpu.memory_space<vmem>>
        %dma_wait3A_428 = tpu.memref_squeeze %dma_wait3A_427 : memref<1x32xi32, #tpu.memory_space<vmem>> -> memref<32xi32, #tpu.memory_space<vmem>>
        %dma_wait3A_429 = tpu.memref_slice %arg8[%add3A_308] : memref<320000xi32, #tpu.memory_space<hbm>> -> memref<32xi32, #tpu.memory_space<hbm>>
        tpu.wait_dma2 semaphore(%run_scoped3A_413 : memref<!tpu.dma_semaphore, #tpu.memory_space<semaphore_mem>>) src(%dma_wait3A_429 : memref<32xi32, #tpu.memory_space<hbm>>) dst(%dma_wait3A_428 : memref<32xi32, #tpu.memory_space<vmem>>)
        tpu.yield
      }) : () -> ()
      %add3A_310 = arith.constant 19968 : i32
      %add3A_311 = arith.addi %mul3A_2, %add3A_310 : i32
      %run_scoped3A_312 = arith.constant 0 : i32
      "tpu.region"() ({
        %run_scoped3A_413 = tpu.sem_alloc : memref<!tpu.dma_semaphore, #tpu.memory_space<semaphore_mem>>
        %dma_start3A_414 = arith.constant 0 : i32
        %dma_start3A_415 = tpu.memref_slice %arg19[%run_scoped3A_312, %dma_start3A_414] : memref<2x128xi32, #tpu.memory_space<vmem>> -> memref<1x32xi32, #tpu.memory_space<vmem>>
        %dma_start3A_416 = tpu.memref_squeeze %dma_start3A_415 : memref<1x32xi32, #tpu.memory_space<vmem>> -> memref<32xi32, #tpu.memory_space<vmem>>
        %dma_start3A_417 = tpu.memref_slice %arg7[%add3A_311] : memref<320000xi32, #tpu.memory_space<hbm>> -> memref<32xi32, #tpu.memory_space<hbm>>
        %dma_start3A_418 = arith.constant 0 : i32
        %dma_start3A_419 = tpu.memref_slice %arg19[%run_scoped3A_312, %dma_start3A_418] : memref<2x128xi32, #tpu.memory_space<vmem>> -> memref<1x32xi32, #tpu.memory_space<vmem>>
        %dma_start3A_420 = tpu.memref_squeeze %dma_start3A_419 : memref<1x32xi32, #tpu.memory_space<vmem>> -> memref<32xi32, #tpu.memory_space<vmem>>
        %dma_start3A_421 = tpu.memref_slice %arg7[%add3A_311] : memref<320000xi32, #tpu.memory_space<hbm>> -> memref<32xi32, #tpu.memory_space<hbm>>
        tpu.enqueue_dma source(%dma_start3A_421 : memref<32xi32, #tpu.memory_space<hbm>>) target(%dma_start3A_420 : memref<32xi32, #tpu.memory_space<vmem>>) target_semaphore(%run_scoped3A_413 : memref<!tpu.dma_semaphore, #tpu.memory_space<semaphore_mem>>)
        %dma_wait3A_422 = arith.constant 0 : i32
        %dma_wait3A_423 = tpu.memref_slice %arg19[%run_scoped3A_312, %dma_wait3A_422] : memref<2x128xi32, #tpu.memory_space<vmem>> -> memref<1x32xi32, #tpu.memory_space<vmem>>
        %dma_wait3A_424 = tpu.memref_squeeze %dma_wait3A_423 : memref<1x32xi32, #tpu.memory_space<vmem>> -> memref<32xi32, #tpu.memory_space<vmem>>
        %dma_wait3A_425 = tpu.memref_slice %arg7[%add3A_311] : memref<320000xi32, #tpu.memory_space<hbm>> -> memref<32xi32, #tpu.memory_space<hbm>>
        %dma_wait3A_426 = arith.constant 0 : i32
        %dma_wait3A_427 = tpu.memref_slice %arg19[%run_scoped3A_312, %dma_wait3A_426] : memref<2x128xi32, #tpu.memory_space<vmem>> -> memref<1x32xi32, #tpu.memory_space<vmem>>
        %dma_wait3A_428 = tpu.memref_squeeze %dma_wait3A_427 : memref<1x32xi32, #tpu.memory_space<vmem>> -> memref<32xi32, #tpu.memory_space<vmem>>
        %dma_wait3A_429 = tpu.memref_slice %arg7[%add3A_311] : memref<320000xi32, #tpu.memory_space<hbm>> -> memref<32xi32, #tpu.memory_space<hbm>>
        tpu.wait_dma2 semaphore(%run_scoped3A_413 : memref<!tpu.dma_semaphore, #tpu.memory_space<semaphore_mem>>) src(%dma_wait3A_429 : memref<32xi32, #tpu.memory_space<hbm>>) dst(%dma_wait3A_428 : memref<32xi32, #tpu.memory_space<vmem>>)
        tpu.yield
      }) : () -> ()
      %iota3A = tpu.iota {dimensions = array<i32: 0>} : vector<16xi32>
      %add3A_313 = arith.constant 10000 : i32
      %add3A_314 = vector.broadcast %add3A_313 : i32 to vector<16xi32>
      %add3A_315 = arith.addi %add3A_314, %iota3A : vector<16xi32>
      %swap3A = arith.constant 0 : i32
      %swap3A_316 = arith.index_cast %swap3A : i32 to index
      %swap3A_317 = arith.constant 32 : index
      %swap3A_318 = tpu.vector_load %arg18[%swap3A_316, %swap3A_317] {strides = array<i32>} : memref<2x128xi32, #tpu.memory_space<vmem>>, vector<1x16xi32>,
      %swap3A_319 = vector.shape_cast %swap3A_318 : vector<1x16xi32> to vector<16xi32>
      %swap3A_320 = vector.shape_cast %iota3A : vector<16xi32> to vector<1x16xi32>
      tpu.vector_store %arg18[%swap3A_316, %swap3A_317], %swap3A_320 {strides = array<i32>} : memref<2x128xi32, #tpu.memory_space<vmem>>, vector<1x16xi32>,
      %swap3A_321 = arith.constant 0 : i32
      %swap3A_322 = arith.index_cast %swap3A_321 : i32 to index
      %swap3A_323 = arith.constant 32 : index
      %swap3A_324 = tpu.vector_load %arg19[%swap3A_322, %swap3A_323] {strides = array<i32>} : memref<2x128xi32, #tpu.memory_space<vmem>>, vector<1x16xi32>,
      %swap3A_325 = vector.shape_cast %swap3A_324 : vector<1x16xi32> to vector<16xi32>
      %swap3A_326 = vector.shape_cast %add3A_315 : vector<16xi32> to vector<1x16xi32>
      tpu.vector_store %arg19[%swap3A_322, %swap3A_323], %swap3A_326 {strides = array<i32>} : memref<2x128xi32, #tpu.memory_space<vmem>>, vector<1x16xi32>,
      %swap3A_327 = arith.constant 0 : i32
      %swap3A_328 = arith.index_cast %swap3A_327 : i32 to index
      %swap3A_329 = arith.constant 48 : index
      %swap3A_330 = tpu.vector_load %arg18[%swap3A_328, %swap3A_329] {strides = array<i32>} : memref<2x128xi32, #tpu.memory_space<vmem>>, vector<1x16xi32>,
      %swap3A_331 = vector.shape_cast %swap3A_330 : vector<1x16xi32> to vector<16xi32>
      %swap3A_332 = vector.shape_cast %iota3A : vector<16xi32> to vector<1x16xi32>
      tpu.vector_store %arg18[%swap3A_328, %swap3A_329], %swap3A_332 {strides = array<i32>} : memref<2x128xi32, #tpu.memory_space<vmem>>, vector<1x16xi32>,
      %swap3A_333 = arith.constant 0 : i32
      %swap3A_334 = arith.index_cast %swap3A_333 : i32 to index
      %swap3A_335 = arith.constant 48 : index
      %swap3A_336 = tpu.vector_load %arg19[%swap3A_334, %swap3A_335] {strides = array<i32>} : memref<2x128xi32, #tpu.memory_space<vmem>>, vector<1x16xi32>,
      %swap3A_337 = vector.shape_cast %swap3A_336 : vector<1x16xi32> to vector<16xi32>
      %swap3A_338 = vector.shape_cast %add3A_315 : vector<16xi32> to vector<1x16xi32>
      tpu.vector_store %arg19[%swap3A_334, %swap3A_335], %swap3A_338 {strides = array<i32>} : memref<2x128xi32, #tpu.memory_space<vmem>>, vector<1x16xi32>,
      %swap3A_339 = arith.constant 0 : i32
      %swap3A_340 = arith.index_cast %swap3A_339 : i32 to index
      %swap3A_341 = arith.constant 64 : index
      %swap3A_342 = tpu.vector_load %arg18[%swap3A_340, %swap3A_341] {strides = array<i32>} : memref<2x128xi32, #tpu.memory_space<vmem>>, vector<1x16xi32>,
      %swap3A_343 = vector.shape_cast %swap3A_342 : vector<1x16xi32> to vector<16xi32>
      %swap3A_344 = vector.shape_cast %iota3A : vector<16xi32> to vector<1x16xi32>
      tpu.vector_store %arg18[%swap3A_340, %swap3A_341], %swap3A_344 {strides = array<i32>} : memref<2x128xi32, #tpu.memory_space<vmem>>, vector<1x16xi32>,
      %swap3A_345 = arith.constant 0 : i32
      %swap3A_346 = arith.index_cast %swap3A_345 : i32 to index
      %swap3A_347 = arith.constant 64 : index
      %swap3A_348 = tpu.vector_load %arg19[%swap3A_346, %swap3A_347] {strides = array<i32>} : memref<2x128xi32, #tpu.memory_space<vmem>>, vector<1x16xi32>,
      %swap3A_349 = vector.shape_cast %swap3A_348 : vector<1x16xi32> to vector<16xi32>
      %swap3A_350 = vector.shape_cast %add3A_315 : vector<16xi32> to vector<1x16xi32>
      tpu.vector_store %arg19[%swap3A_346, %swap3A_347], %swap3A_350 {strides = array<i32>} : memref<2x128xi32, #tpu.memory_space<vmem>>, vector<1x16xi32>,
      %swap3A_351 = arith.constant 0 : i32
      %swap3A_352 = arith.index_cast %swap3A_351 : i32 to index
      %swap3A_353 = arith.constant 80 : index
      %swap3A_354 = tpu.vector_load %arg18[%swap3A_352, %swap3A_353] {strides = array<i32>} : memref<2x128xi32, #tpu.memory_space<vmem>>, vector<1x16xi32>,
      %swap3A_355 = vector.shape_cast %swap3A_354 : vector<1x16xi32> to vector<16xi32>
      %swap3A_356 = vector.shape_cast %iota3A : vector<16xi32> to vector<1x16xi32>
      tpu.vector_store %arg18[%swap3A_352, %swap3A_353], %swap3A_356 {strides = array<i32>} : memref<2x128xi32, #tpu.memory_space<vmem>>, vector<1x16xi32>,
      %swap3A_357 = arith.constant 0 : i32
      %swap3A_358 = arith.index_cast %swap3A_357 : i32 to index
      %swap3A_359 = arith.constant 80 : index
      %swap3A_360 = tpu.vector_load %arg19[%swap3A_358, %swap3A_359] {strides = array<i32>} : memref<2x128xi32, #tpu.memory_space<vmem>>, vector<1x16xi32>,
      %swap3A_361 = vector.shape_cast %swap3A_360 : vector<1x16xi32> to vector<16xi32>
      %swap3A_362 = vector.shape_cast %add3A_315 : vector<16xi32> to vector<1x16xi32>
      tpu.vector_store %arg19[%swap3A_358, %swap3A_359], %swap3A_362 {strides = array<i32>} : memref<2x128xi32, #tpu.memory_space<vmem>>, vector<1x16xi32>,
      %swap3A_363 = arith.constant 0 : i32
      %swap3A_364 = arith.index_cast %swap3A_363 : i32 to index
      %swap3A_365 = arith.constant 96 : index
      %swap3A_366 = tpu.vector_load %arg18[%swap3A_364, %swap3A_365] {strides = array<i32>} : memref<2x128xi32, #tpu.memory_space<vmem>>, vector<1x16xi32>,
      %swap3A_367 = vector.shape_cast %swap3A_366 : vector<1x16xi32> to vector<16xi32>
      %swap3A_368 = vector.shape_cast %iota3A : vector<16xi32> to vector<1x16xi32>
      tpu.vector_store %arg18[%swap3A_364, %swap3A_365], %swap3A_368 {strides = array<i32>} : memref<2x128xi32, #tpu.memory_space<vmem>>, vector<1x16xi32>,
      %swap3A_369 = arith.constant 0 : i32
      %swap3A_370 = arith.index_cast %swap3A_369 : i32 to index
      %swap3A_371 = arith.constant 96 : index
      %swap3A_372 = tpu.vector_load %arg19[%swap3A_370, %swap3A_371] {strides = array<i32>} : memref<2x128xi32, #tpu.memory_space<vmem>>, vector<1x16xi32>,
      %swap3A_373 = vector.shape_cast %swap3A_372 : vector<1x16xi32> to vector<16xi32>
      %swap3A_374 = vector.shape_cast %add3A_315 : vector<16xi32> to vector<1x16xi32>
      tpu.vector_store %arg19[%swap3A_370, %swap3A_371], %swap3A_374 {strides = array<i32>} : memref<2x128xi32, #tpu.memory_space<vmem>>, vector<1x16xi32>,
      %swap3A_375 = arith.constant 0 : i32
      %swap3A_376 = arith.index_cast %swap3A_375 : i32 to index
      %swap3A_377 = arith.constant 112 : index
      %swap3A_378 = tpu.vector_load %arg18[%swap3A_376, %swap3A_377] {strides = array<i32>} : memref<2x128xi32, #tpu.memory_space<vmem>>, vector<1x16xi32>,
      %swap3A_379 = vector.shape_cast %swap3A_378 : vector<1x16xi32> to vector<16xi32>
      %swap3A_380 = vector.shape_cast %iota3A : vector<16xi32> to vector<1x16xi32>
      tpu.vector_store %arg18[%swap3A_376, %swap3A_377], %swap3A_380 {strides = array<i32>} : memref<2x128xi32, #tpu.memory_space<vmem>>, vector<1x16xi32>,
      %swap3A_381 = arith.constant 0 : i32
      %swap3A_382 = arith.index_cast %swap3A_381 : i32 to index
      %swap3A_383 = arith.constant 112 : index
      %swap3A_384 = tpu.vector_load %arg19[%swap3A_382, %swap3A_383] {strides = array<i32>} : memref<2x128xi32, #tpu.memory_space<vmem>>, vector<1x16xi32>,
      %swap3A_385 = vector.shape_cast %swap3A_384 : vector<1x16xi32> to vector<16xi32>
      %swap3A_386 = vector.shape_cast %add3A_315 : vector<16xi32> to vector<1x16xi32>
      tpu.vector_store %arg19[%swap3A_382, %swap3A_383], %swap3A_386 {strides = array<i32>} : memref<2x128xi32, #tpu.memory_space<vmem>>, vector<1x16xi32>,
      %dma_start3A_387 = arith.constant 0 : i32
      %dma_start3A_388 = arith.constant 0 : i32
      %dma_start3A_389 = arith.constant 0 : i32
      %dma_start3A_390 = arith.constant 0 : i32
      %dma_start3A_391 = tpu.memref_slice %arg20[%dma_start3A_388, %dma_start3A_389, %dma_start3A_390] : memref<2x128x128xf32, #tpu.memory_space<vmem>> -> memref<1x128x128xf32, #tpu.memory_space<vmem>>
      %dma_start3A_392 = tpu.memref_squeeze %dma_start3A_391 : memref<1x128x128xf32, #tpu.memory_space<vmem>> -> memref<128x128xf32, #tpu.memory_space<vmem>>
      %dma_start3A_393 = arith.constant 0 : i32
      %dma_start3A_394 = tpu.memref_slice %arg18[%dma_start3A_387, %dma_start3A_393] : memref<2x128xi32, #tpu.memory_space<vmem>> -> memref<1x128xi32, #tpu.memory_space<vmem>>
      %dma_start3A_395 = tpu.memref_squeeze %dma_start3A_394 : memref<1x128xi32, #tpu.memory_space<vmem>> -> memref<128xi32, #tpu.memory_space<vmem>>
      %dma_start3A_396 = arith.constant 0 : i32
      %dma_start3A_397 = arith.constant 0 : i32
      %dma_start3A_398 = tpu.memref_slice %arg4[%dma_start3A_396, %dma_start3A_397] : memref<10000x128xf32, #tpu.memory_space<hbm>> -> memref<10000x128xf32, #tpu.memory_space<hbm>>
      tpu.enqueue_indirect_dma source(%dma_start3A_398 : memref<10000x128xf32, #tpu.memory_space<hbm>>) target(%dma_start3A_392 : memref<128x128xf32, #tpu.memory_space<vmem>>) offsets(%dma_start3A_395 : memref<128xi32, #tpu.memory_space<vmem>>) semaphore(%arg23 : memref<!tpu.dma_semaphore, #tpu.memory_space<semaphore_mem>>)
      %dma_wait3A_399 = arith.constant 0 : i32
      %dma_wait3A_400 = arith.constant 0 : i32
      %dma_wait3A_401 = arith.constant 0 : i32
      %dma_wait3A_402 = arith.constant 0 : i32
      %dma_wait3A_403 = tpu.memref_slice %arg20[%dma_wait3A_400, %dma_wait3A_401, %dma_wait3A_402] : memref<2x128x128xf32, #tpu.memory_space<vmem>> -> memref<1x128x128xf32, #tpu.memory_space<vmem>>
      %dma_wait3A_404 = tpu.memref_squeeze %dma_wait3A_403 : memref<1x128x128xf32, #tpu.memory_space<vmem>> -> memref<128x128xf32, #tpu.memory_space<vmem>>
      %dma_wait3A_405 = arith.constant 0 : i32
      %dma_wait3A_406 = tpu.memref_slice %arg18[%dma_wait3A_399, %dma_wait3A_405] : memref<2x128xi32, #tpu.memory_space<vmem>> -> memref<1x128xi32, #tpu.memory_space<vmem>>
      %dma_wait3A_407 = tpu.memref_squeeze %dma_wait3A_406 : memref<1x128xi32, #tpu.memory_space<vmem>> -> memref<128xi32, #tpu.memory_space<vmem>>
      %dma_wait3A_408 = arith.constant 0 : i32
      %dma_wait3A_409 = arith.constant 0 : i32
      %dma_wait3A_410 = tpu.memref_slice %arg4[%dma_wait3A_408, %dma_wait3A_409] : memref<10000x128xf32, #tpu.memory_space<hbm>> -> memref<10000x128xf32, #tpu.memory_space<hbm>>
      tpu.wait_indirect_dma semaphore(%arg23 : memref<!tpu.dma_semaphore, #tpu.memory_space<semaphore_mem>>) src(%dma_wait3A_410 : memref<10000x128xf32, #tpu.memory_space<hbm>>) dst(%dma_wait3A_404 : memref<128x128xf32, #tpu.memory_space<vmem>>)
      %run_scoped3A_411 = arith.constant 0 : i32
      %run_scoped3A_412 = arith.constant 0 : i32
      "tpu.region"() ({
        %run_scoped3A_413 = tpu.sem_alloc : memref<!tpu.dma_semaphore, #tpu.memory_space<semaphore_mem>>
        %dma_start3A_414 = arith.constant 0 : i32
        %dma_start3A_415 = arith.constant 0 : i32
        %dma_start3A_416 = tpu.memref_slice %arg20[%run_scoped3A_411, %dma_start3A_414, %dma_start3A_415] : memref<2x128x128xf32, #tpu.memory_space<vmem>> -> memref<1x128x128xf32, #tpu.memory_space<vmem>>
        %dma_start3A_417 = tpu.memref_squeeze %dma_start3A_416 : memref<1x128x128xf32, #tpu.memory_space<vmem>> -> memref<128x128xf32, #tpu.memory_space<vmem>>
        %dma_start3A_418 = arith.constant 0 : i32
        %dma_start3A_419 = tpu.memref_slice %arg19[%run_scoped3A_412, %dma_start3A_418] : memref<2x128xi32, #tpu.memory_space<vmem>> -> memref<1x128xi32, #tpu.memory_space<vmem>>
        %dma_start3A_420 = tpu.memref_squeeze %dma_start3A_419 : memref<1x128xi32, #tpu.memory_space<vmem>> -> memref<128xi32, #tpu.memory_space<vmem>>
        %dma_start3A_421 = arith.constant 0 : i32
        %dma_start3A_422 = arith.constant 0 : i32
        %dma_start3A_423 = tpu.memref_slice %arg22[%dma_start3A_421, %dma_start3A_422] : memref<10240x128xf32, #tpu.memory_space<vmem_shared>> -> memref<10240x128xf32, #tpu.memory_space<vmem_shared>>
        tpu.enqueue_indirect_dma source(%dma_start3A_417 : memref<128x128xf32, #tpu.memory_space<vmem>>) target(%dma_start3A_423 : memref<10240x128xf32, #tpu.memory_space<vmem_shared>>) offsets(%dma_start3A_420 : memref<128xi32, #tpu.memory_space<vmem>>) semaphore(%run_scoped3A_413 : memref<!tpu.dma_semaphore, #tpu.memory_space<semaphore_mem>>) {add = true}
        %dma_wait3A_424 = arith.constant 0 : i32
        %dma_wait3A_425 = arith.constant 0 : i32
        %dma_wait3A_426 = tpu.memref_slice %arg20[%run_scoped3A_411, %dma_wait3A_424, %dma_wait3A_425] : memref<2x128x128xf32, #tpu.memory_space<vmem>> -> memref<1x128x128xf32, #tpu.memory_space<vmem>>
        %dma_wait3A_427 = tpu.memref_squeeze %dma_wait3A_426 : memref<1x128x128xf32, #tpu.memory_space<vmem>> -> memref<128x128xf32, #tpu.memory_space<vmem>>
        %dma_wait3A_428 = arith.constant 0 : i32
        %dma_wait3A_429 = tpu.memref_slice %arg19[%run_scoped3A_412, %dma_wait3A_428] : memref<2x128xi32, #tpu.memory_space<vmem>> -> memref<1x128xi32, #tpu.memory_space<vmem>>
        %dma_wait3A_430 = tpu.memref_squeeze %dma_wait3A_429 : memref<1x128xi32, #tpu.memory_space<vmem>> -> memref<128xi32, #tpu.memory_space<vmem>>
        %dma_wait3A_431 = arith.constant 0 : i32
        %dma_wait3A_432 = arith.constant 0 : i32
        %dma_wait3A_433 = tpu.memref_slice %arg22[%dma_wait3A_431, %dma_wait3A_432] : memref<10240x128xf32, #tpu.memory_space<vmem_shared>> -> memref<10240x128xf32, #tpu.memory_space<vmem_shared>>
        tpu.wait_indirect_dma semaphore(%run_scoped3A_413 : memref<!tpu.dma_semaphore, #tpu.memory_space<semaphore_mem>>) src(%dma_wait3A_427 : memref<128x128xf32, #tpu.memory_space<vmem>>) dst(%dma_wait3A_433 : memref<10240x128xf32, #tpu.memory_space<vmem_shared>>)
        tpu.yield
      }) : () -> ()
    } else {
    }
    %eq3A_184 = arith.constant 1 : i32
    %eq3A_185 = arith.cmpi eq, %arg0, %eq3A_184 : i32
    %convert_element_type3A_186 = arith.extui %eq3A_185 : i1 to i32
    %cond3A_187 = arith.constant 0 : i32
    %cond3A_188 = arith.cmpi ne, %convert_element_type3A_186, %cond3A_187 : i32
    scf.if %cond3A_188 {
      %add3A_200 = arith.constant 0 : i32
      %add3A_201 = arith.addi %mul3A_2, %add3A_200 : i32
      %dma_start3A_202 = arith.constant 0 : i32
      %dma_start3A_203 = arith.constant 0 : i32
      %dma_start3A_204 = tpu.memref_slice %arg18[%dma_start3A_202, %dma_start3A_203] : memref<2x128xi32, #tpu.memory_space<vmem>> -> memref<1x128xi32, #tpu.memory_space<vmem>>
      %dma_start3A_205 = tpu.memref_squeeze %dma_start3A_204 : memref<1x128xi32, #tpu.memory_space<vmem>> -> memref<128xi32, #tpu.memory_space<vmem>>
      %dma_start3A_206 = tpu.memref_slice %arg10[%add3A_201] : memref<320000xi32, #tpu.memory_space<hbm>> -> memref<128xi32, #tpu.memory_space<hbm>>
      %dma_start3A_207 = arith.constant 0 : i32
      %dma_start3A_208 = tpu.memref_slice %arg18[%dma_start3A_202, %dma_start3A_207] : memref<2x128xi32, #tpu.memory_space<vmem>> -> memref<1x128xi32, #tpu.memory_space<vmem>>
      %dma_start3A_209 = tpu.memref_squeeze %dma_start3A_208 : memref<1x128xi32, #tpu.memory_space<vmem>> -> memref<128xi32, #tpu.memory_space<vmem>>
      %dma_start3A_210 = tpu.memref_slice %arg10[%add3A_201] : memref<320000xi32, #tpu.memory_space<hbm>> -> memref<128xi32, #tpu.memory_space<hbm>>
      tpu.enqueue_dma source(%dma_start3A_210 : memref<128xi32, #tpu.memory_space<hbm>>) target(%dma_start3A_209 : memref<128xi32, #tpu.memory_space<vmem>>) target_semaphore(%arg24 : memref<!tpu.dma_semaphore, #tpu.memory_space<semaphore_mem>>)
      %add3A_211 = arith.constant 0 : i32
      %add3A_212 = arith.addi %mul3A_2, %add3A_211 : i32
      %dma_start3A_213 = arith.constant 0 : i32
      %dma_start3A_214 = arith.constant 0 : i32
      %dma_start3A_215 = tpu.memref_slice %arg19[%dma_start3A_213, %dma_start3A_214] : memref<2x128xi32, #tpu.memory_space<vmem>> -> memref<1x128xi32, #tpu.memory_space<vmem>>
      %dma_start3A_216 = tpu.memref_squeeze %dma_start3A_215 : memref<1x128xi32, #tpu.memory_space<vmem>> -> memref<128xi32, #tpu.memory_space<vmem>>
      %dma_start3A_217 = tpu.memref_slice %arg9[%add3A_212] : memref<320000xi32, #tpu.memory_space<hbm>> -> memref<128xi32, #tpu.memory_space<hbm>>
      %dma_start3A_218 = arith.constant 0 : i32
      %dma_start3A_219 = tpu.memref_slice %arg19[%dma_start3A_213, %dma_start3A_218] : memref<2x128xi32, #tpu.memory_space<vmem>> -> memref<1x128xi32, #tpu.memory_space<vmem>>
      %dma_start3A_220 = tpu.memref_squeeze %dma_start3A_219 : memref<1x128xi32, #tpu.memory_space<vmem>> -> memref<128xi32, #tpu.memory_space<vmem>>
      %dma_start3A_221 = tpu.memref_slice %arg9[%add3A_212] : memref<320000xi32, #tpu.memory_space<hbm>> -> memref<128xi32, #tpu.memory_space<hbm>>
      tpu.enqueue_dma source(%dma_start3A_221 : memref<128xi32, #tpu.memory_space<hbm>>) target(%dma_start3A_220 : memref<128xi32, #tpu.memory_space<vmem>>) target_semaphore(%arg24 : memref<!tpu.dma_semaphore, #tpu.memory_space<semaphore_mem>>)
      %dma_wait3A_222 = arith.constant 0 : i32
      %dma_wait3A_223 = arith.constant 0 : i32
      %dma_wait3A_224 = tpu.memref_slice %arg18[%dma_wait3A_222, %dma_wait3A_223] : memref<2x128xi32, #tpu.memory_space<vmem>> -> memref<1x128xi32, #tpu.memory_space<vmem>>
      %dma_wait3A_225 = tpu.memref_squeeze %dma_wait3A_224 : memref<1x128xi32, #tpu.memory_space<vmem>> -> memref<128xi32, #tpu.memory_space<vmem>>
      %dma_wait3A_226 = arith.constant 0 : i32
      %dma_wait3A_227 = tpu.memref_slice %arg10[%dma_wait3A_226] : memref<320000xi32, #tpu.memory_space<hbm>> -> memref<128xi32, #tpu.memory_space<hbm>>
      %dma_wait3A_228 = arith.constant 0 : i32
      %dma_wait3A_229 = tpu.memref_slice %arg18[%dma_wait3A_222, %dma_wait3A_228] : memref<2x128xi32, #tpu.memory_space<vmem>> -> memref<1x128xi32, #tpu.memory_space<vmem>>
      %dma_wait3A_230 = tpu.memref_squeeze %dma_wait3A_229 : memref<1x128xi32, #tpu.memory_space<vmem>> -> memref<128xi32, #tpu.memory_space<vmem>>
      %dma_wait3A_231 = arith.constant 0 : i32
      %dma_wait3A_232 = tpu.memref_slice %arg10[%dma_wait3A_231] : memref<320000xi32, #tpu.memory_space<hbm>> -> memref<128xi32, #tpu.memory_space<hbm>>
      tpu.wait_dma2 semaphore(%arg24 : memref<!tpu.dma_semaphore, #tpu.memory_space<semaphore_mem>>) src(%dma_wait3A_232 : memref<128xi32, #tpu.memory_space<hbm>>) dst(%dma_wait3A_230 : memref<128xi32, #tpu.memory_space<vmem>>)
      %dma_wait3A_233 = arith.constant 0 : i32
      %dma_wait3A_234 = arith.constant 0 : i32
      %dma_wait3A_235 = tpu.memref_slice %arg19[%dma_wait3A_233, %dma_wait3A_234] : memref<2x128xi32, #tpu.memory_space<vmem>> -> memref<1x128xi32, #tpu.memory_space<vmem>>
      %dma_wait3A_236 = tpu.memref_squeeze %dma_wait3A_235 : memref<1x128xi32, #tpu.memory_space<vmem>> -> memref<128xi32, #tpu.memory_space<vmem>>
      %dma_wait3A_237 = arith.constant 0 : i32
      %dma_wait3A_238 = tpu.memref_slice %arg9[%dma_wait3A_237] : memref<320000xi32, #tpu.memory_space<hbm>> -> memref<128xi32, #tpu.memory_space<hbm>>
      %dma_wait3A_239 = arith.constant 0 : i32
      %dma_wait3A_240 = tpu.memref_slice %arg19[%dma_wait3A_233, %dma_wait3A_239] : memref<2x128xi32, #tpu.memory_space<vmem>> -> memref<1x128xi32, #tpu.memory_space<vmem>>
      %dma_wait3A_241 = tpu.memref_squeeze %dma_wait3A_240 : memref<1x128xi32, #tpu.memory_space<vmem>> -> memref<128xi32, #tpu.memory_space<vmem>>
      %dma_wait3A_242 = arith.constant 0 : i32
      %dma_wait3A_243 = tpu.memref_slice %arg9[%dma_wait3A_242] : memref<320000xi32, #tpu.memory_space<hbm>> -> memref<128xi32, #tpu.memory_space<hbm>>
      tpu.wait_dma2 semaphore(%arg24 : memref<!tpu.dma_semaphore, #tpu.memory_space<semaphore_mem>>) src(%dma_wait3A_243 : memref<128xi32, #tpu.memory_space<hbm>>) dst(%dma_wait3A_241 : memref<128xi32, #tpu.memory_space<vmem>>)
      %dma_start3A_244 = arith.constant 0 : i32
      %dma_start3A_245 = arith.constant 0 : i32
      %dma_start3A_246 = arith.constant 0 : i32
      %dma_start3A_247 = arith.constant 0 : i32
      %dma_start3A_248 = tpu.memref_slice %arg20[%dma_start3A_245, %dma_start3A_246, %dma_start3A_247] : memref<2x128x128xf32, #tpu.memory_space<vmem>> -> memref<1x128x128xf32, #tpu.memory_space<vmem>>
      %dma_start3A_249 = tpu.memref_squeeze %dma_start3A_248 : memref<1x128x128xf32, #tpu.memory_space<vmem>> -> memref<128x128xf32, #tpu.memory_space<vmem>>
      %dma_start3A_250 = arith.constant 0 : i32
      %dma_start3A_251 = tpu.memref_slice %arg18[%dma_start3A_244, %dma_start3A_250] : memref<2x128xi32, #tpu.memory_space<vmem>> -> memref<1x128xi32, #tpu.memory_space<vmem>>
      %dma_start3A_252 = tpu.memref_squeeze %dma_start3A_251 : memref<1x128xi32, #tpu.memory_space<vmem>> -> memref<128xi32, #tpu.memory_space<vmem>>
      %dma_start3A_253 = arith.constant 0 : i32
      %dma_start3A_254 = arith.constant 0 : i32
      %dma_start3A_255 = tpu.memref_slice %arg4[%dma_start3A_253, %dma_start3A_254] : memref<10000x128xf32, #tpu.memory_space<hbm>> -> memref<10000x128xf32, #tpu.memory_space<hbm>>
      tpu.enqueue_indirect_dma source(%dma_start3A_255 : memref<10000x128xf32, #tpu.memory_space<hbm>>) target(%dma_start3A_249 : memref<128x128xf32, #tpu.memory_space<vmem>>) offsets(%dma_start3A_252 : memref<128xi32, #tpu.memory_space<vmem>>) semaphore(%arg23 : memref<!tpu.dma_semaphore, #tpu.memory_space<semaphore_mem>>)
      %add3A_256 = arith.constant 128 : i32
      %add3A_257 = arith.addi %mul3A_2, %add3A_256 : i32
      %dma_start3A_258 = arith.constant 1 : i32
      %dma_start3A_259 = arith.constant 0 : i32
      %dma_start3A_260 = tpu.memref_slice %arg18[%dma_start3A_258, %dma_start3A_259] : memref<2x128xi32, #tpu.memory_space<vmem>> -> memref<1x128xi32, #tpu.memory_space<vmem>>
      %dma_start3A_261 = tpu.memref_squeeze %dma_start3A_260 : memref<1x128xi32, #tpu.memory_space<vmem>> -> memref<128xi32, #tpu.memory_space<vmem>>
      %dma_start3A_262 = tpu.memref_slice %arg10[%add3A_257] : memref<320000xi32, #tpu.memory_space<hbm>> -> memref<128xi32, #tpu.memory_space<hbm>>
      %dma_start3A_263 = arith.constant 0 : i32
      %dma_start3A_264 = tpu.memref_slice %arg18[%dma_start3A_258, %dma_start3A_263] : memref<2x128xi32, #tpu.memory_space<vmem>> -> memref<1x128xi32, #tpu.memory_space<vmem>>
      %dma_start3A_265 = tpu.memref_squeeze %dma_start3A_264 : memref<1x128xi32, #tpu.memory_space<vmem>> -> memref<128xi32, #tpu.memory_space<vmem>>
      %dma_start3A_266 = tpu.memref_slice %arg10[%add3A_257] : memref<320000xi32, #tpu.memory_space<hbm>> -> memref<128xi32, #tpu.memory_space<hbm>>
      tpu.enqueue_dma source(%dma_start3A_266 : memref<128xi32, #tpu.memory_space<hbm>>) target(%dma_start3A_265 : memref<128xi32, #tpu.memory_space<vmem>>) target_semaphore(%arg24 : memref<!tpu.dma_semaphore, #tpu.memory_space<semaphore_mem>>)
      %add3A_267 = arith.constant 128 : i32
      %add3A_268 = arith.addi %mul3A_2, %add3A_267 : i32
      %dma_start3A_269 = arith.constant 1 : i32
      %dma_start3A_270 = arith.constant 0 : i32
      %dma_start3A_271 = tpu.memref_slice %arg19[%dma_start3A_269, %dma_start3A_270] : memref<2x128xi32, #tpu.memory_space<vmem>> -> memref<1x128xi32, #tpu.memory_space<vmem>>
      %dma_start3A_272 = tpu.memref_squeeze %dma_start3A_271 : memref<1x128xi32, #tpu.memory_space<vmem>> -> memref<128xi32, #tpu.memory_space<vmem>>
      %dma_start3A_273 = tpu.memref_slice %arg9[%add3A_268] : memref<320000xi32, #tpu.memory_space<hbm>> -> memref<128xi32, #tpu.memory_space<hbm>>
      %dma_start3A_274 = arith.constant 0 : i32
      %dma_start3A_275 = tpu.memref_slice %arg19[%dma_start3A_269, %dma_start3A_274] : memref<2x128xi32, #tpu.memory_space<vmem>> -> memref<1x128xi32, #tpu.memory_space<vmem>>
      %dma_start3A_276 = tpu.memref_squeeze %dma_start3A_275 : memref<1x128xi32, #tpu.memory_space<vmem>> -> memref<128xi32, #tpu.memory_space<vmem>>
      %dma_start3A_277 = tpu.memref_slice %arg9[%add3A_268] : memref<320000xi32, #tpu.memory_space<hbm>> -> memref<128xi32, #tpu.memory_space<hbm>>
      tpu.enqueue_dma source(%dma_start3A_277 : memref<128xi32, #tpu.memory_space<hbm>>) target(%dma_start3A_276 : memref<128xi32, #tpu.memory_space<vmem>>) target_semaphore(%arg24 : memref<!tpu.dma_semaphore, #tpu.memory_space<semaphore_mem>>)
      %scan3A = arith.constant 0 : i32
      %scan3A_278 = arith.constant 0 : i32
      %scan3A_279 = arith.constant 78 : i32
      %scan3A_280 = arith.addi %scan3A_278, %scan3A_279 : i32
      %scan3A_281 = arith.constant 1 : i32
      scf.for %scan3A_413 = %scan3A_278 to %scan3A_280 step %scan3A_281  : i32 {
        %mul3A_414 = arith.constant 2 : i32
        %mul3A_415 = arith.muli %mul3A_414, %scan3A_413 : i32
        %add3A_416 = arith.constant 0 : i32
        %add3A_417 = arith.addi %mul3A_415, %add3A_416 : i32
        %dma_wait3A_418 = arith.constant 0 : i32
        %dma_wait3A_419 = arith.constant 0 : i32
        %dma_wait3A_420 = arith.constant 0 : i32
        %dma_wait3A_421 = arith.constant 0 : i32
        %dma_wait3A_422 = tpu.memref_slice %arg20[%dma_wait3A_419, %dma_wait3A_420, %dma_wait3A_421] : memref<2x128x128xf32, #tpu.memory_space<vmem>> -> memref<1x128x128xf32, #tpu.memory_space<vmem>>
        %dma_wait3A_423 = tpu.memref_squeeze %dma_wait3A_422 : memref<1x128x128xf32, #tpu.memory_space<vmem>> -> memref<128x128xf32, #tpu.memory_space<vmem>>
        %dma_wait3A_424 = arith.constant 0 : i32
        %dma_wait3A_425 = tpu.memref_slice %arg18[%dma_wait3A_418, %dma_wait3A_424] : memref<2x128xi32, #tpu.memory_space<vmem>> -> memref<1x128xi32, #tpu.memory_space<vmem>>
        %dma_wait3A_426 = tpu.memref_squeeze %dma_wait3A_425 : memref<1x128xi32, #tpu.memory_space<vmem>> -> memref<128xi32, #tpu.memory_space<vmem>>
        %dma_wait3A_427 = arith.constant 0 : i32
        %dma_wait3A_428 = arith.constant 0 : i32
        %dma_wait3A_429 = tpu.memref_slice %arg4[%dma_wait3A_427, %dma_wait3A_428] : memref<10000x128xf32, #tpu.memory_space<hbm>> -> memref<10000x128xf32, #tpu.memory_space<hbm>>
        tpu.wait_indirect_dma semaphore(%arg23 : memref<!tpu.dma_semaphore, #tpu.memory_space<semaphore_mem>>) src(%dma_wait3A_429 : memref<10000x128xf32, #tpu.memory_space<hbm>>) dst(%dma_wait3A_423 : memref<128x128xf32, #tpu.memory_space<vmem>>)
        %add3A_430 = arith.constant 1 : i32
        %add3A_431 = arith.addi %add3A_417, %add3A_430 : i32
        %lt3A = arith.constant 156 : i32
        %lt3A_432 = arith.cmpi slt, %add3A_431, %lt3A : i32
        %convert_element_type3A_433 = arith.extui %lt3A_432 : i1 to i32
        %cond3A_434 = arith.constant 0 : i32
        %cond3A_435 = arith.cmpi ne, %convert_element_type3A_433, %cond3A_434 : i32
        scf.if %cond3A_435 {
          %dma_wait3A_497 = arith.constant 1 : i32
          %dma_wait3A_498 = arith.constant 0 : i32
          %dma_wait3A_499 = tpu.memref_slice %arg18[%dma_wait3A_497, %dma_wait3A_498] : memref<2x128xi32, #tpu.memory_space<vmem>> -> memref<1x128xi32, #tpu.memory_space<vmem>>
          %dma_wait3A_500 = tpu.memref_squeeze %dma_wait3A_499 : memref<1x128xi32, #tpu.memory_space<vmem>> -> memref<128xi32, #tpu.memory_space<vmem>>
          %dma_wait3A_501 = arith.constant 0 : i32
          %dma_wait3A_502 = tpu.memref_slice %arg10[%dma_wait3A_501] : memref<320000xi32, #tpu.memory_space<hbm>> -> memref<128xi32, #tpu.memory_space<hbm>>
          %dma_wait3A_503 = arith.constant 0 : i32
          %dma_wait3A_504 = tpu.memref_slice %arg18[%dma_wait3A_497, %dma_wait3A_503] : memref<2x128xi32, #tpu.memory_space<vmem>> -> memref<1x128xi32, #tpu.memory_space<vmem>>
          %dma_wait3A_505 = tpu.memref_squeeze %dma_wait3A_504 : memref<1x128xi32, #tpu.memory_space<vmem>> -> memref<128xi32, #tpu.memory_space<vmem>>
          %dma_wait3A_506 = arith.constant 0 : i32
          %dma_wait3A_507 = tpu.memref_slice %arg10[%dma_wait3A_506] : memref<320000xi32, #tpu.memory_space<hbm>> -> memref<128xi32, #tpu.memory_space<hbm>>
          tpu.wait_dma2 semaphore(%arg24 : memref<!tpu.dma_semaphore, #tpu.memory_space<semaphore_mem>>) src(%dma_wait3A_507 : memref<128xi32, #tpu.memory_space<hbm>>) dst(%dma_wait3A_505 : memref<128xi32, #tpu.memory_space<vmem>>)
          %dma_wait3A_508 = arith.constant 1 : i32
          %dma_wait3A_509 = arith.constant 0 : i32
          %dma_wait3A_510 = tpu.memref_slice %arg19[%dma_wait3A_508, %dma_wait3A_509] : memref<2x128xi32, #tpu.memory_space<vmem>> -> memref<1x128xi32, #tpu.memory_space<vmem>>
          %dma_wait3A_511 = tpu.memref_squeeze %dma_wait3A_510 : memref<1x128xi32, #tpu.memory_space<vmem>> -> memref<128xi32, #tpu.memory_space<vmem>>
          %dma_wait3A_512 = arith.constant 0 : i32
          %dma_wait3A_513 = tpu.memref_slice %arg9[%dma_wait3A_512] : memref<320000xi32, #tpu.memory_space<hbm>> -> memref<128xi32, #tpu.memory_space<hbm>>
          %dma_wait3A_514 = arith.constant 0 : i32
          %dma_wait3A_515 = tpu.memref_slice %arg19[%dma_wait3A_508, %dma_wait3A_514] : memref<2x128xi32, #tpu.memory_space<vmem>> -> memref<1x128xi32, #tpu.memory_space<vmem>>
          %dma_wait3A_516 = tpu.memref_squeeze %dma_wait3A_515 : memref<1x128xi32, #tpu.memory_space<vmem>> -> memref<128xi32, #tpu.memory_space<vmem>>
          %dma_wait3A_517 = arith.constant 0 : i32
          %dma_wait3A_518 = tpu.memref_slice %arg9[%dma_wait3A_517] : memref<320000xi32, #tpu.memory_space<hbm>> -> memref<128xi32, #tpu.memory_space<hbm>>
          tpu.wait_dma2 semaphore(%arg24 : memref<!tpu.dma_semaphore, #tpu.memory_space<semaphore_mem>>) src(%dma_wait3A_518 : memref<128xi32, #tpu.memory_space<hbm>>) dst(%dma_wait3A_516 : memref<128xi32, #tpu.memory_space<vmem>>)
          %ge3A = arith.constant 1 : i32
          %ge3A_519 = arith.cmpi sge, %add3A_417, %ge3A : i32
          %convert_element_type3A_520 = arith.extui %ge3A_519 : i1 to i32
          %cond3A_521 = arith.constant 0 : i32
          %cond3A_522 = arith.cmpi ne, %convert_element_type3A_520, %cond3A_521 : i32
          scf.if %cond3A_522 {
            %dma_wait3A_535 = arith.constant 1 : i32
            %dma_wait3A_536 = arith.constant 0 : i32
            %dma_wait3A_537 = arith.constant 0 : i32
            %dma_wait3A_538 = arith.constant 0 : i32
            %dma_wait3A_539 = tpu.memref_slice %arg20[%dma_wait3A_535, %dma_wait3A_537, %dma_wait3A_538] : memref<2x128x128xf32, #tpu.memory_space<vmem>> -> memref<1x128x128xf32, #tpu.memory_space<vmem>>
            %dma_wait3A_540 = tpu.memref_squeeze %dma_wait3A_539 : memref<1x128x128xf32, #tpu.memory_space<vmem>> -> memref<128x128xf32, #tpu.memory_space<vmem>>
            %dma_wait3A_541 = arith.constant 0 : i32
            %dma_wait3A_542 = tpu.memref_slice %arg19[%dma_wait3A_536, %dma_wait3A_541] : memref<2x128xi32, #tpu.memory_space<vmem>> -> memref<1x128xi32, #tpu.memory_space<vmem>>
            %dma_wait3A_543 = tpu.memref_squeeze %dma_wait3A_542 : memref<1x128xi32, #tpu.memory_space<vmem>> -> memref<128xi32, #tpu.memory_space<vmem>>
            %dma_wait3A_544 = arith.constant 0 : i32
            %dma_wait3A_545 = arith.constant 0 : i32
            %dma_wait3A_546 = tpu.memref_slice %arg22[%dma_wait3A_544, %dma_wait3A_545] : memref<10240x128xf32, #tpu.memory_space<vmem_shared>> -> memref<10240x128xf32, #tpu.memory_space<vmem_shared>>
            tpu.wait_indirect_dma semaphore(%arg25 : memref<!tpu.dma_semaphore, #tpu.memory_space<semaphore_mem>>) src(%dma_wait3A_540 : memref<128x128xf32, #tpu.memory_space<vmem>>) dst(%dma_wait3A_546 : memref<10240x128xf32, #tpu.memory_space<vmem_shared>>)
          } else {
          }
          %dma_start3A_523 = arith.constant 1 : i32
          %dma_start3A_524 = arith.constant 1 : i32
          %dma_start3A_525 = arith.constant 0 : i32
          %dma_start3A_526 = arith.constant 0 : i32
          %dma_start3A_527 = tpu.memref_slice %arg20[%dma_start3A_524, %dma_start3A_525, %dma_start3A_526] : memref<2x128x128xf32, #tpu.memory_space<vmem>> -> memref<1x128x128xf32, #tpu.memory_space<vmem>>
          %dma_start3A_528 = tpu.memref_squeeze %dma_start3A_527 : memref<1x128x128xf32, #tpu.memory_space<vmem>> -> memref<128x128xf32, #tpu.memory_space<vmem>>
          %dma_start3A_529 = arith.constant 0 : i32
          %dma_start3A_530 = tpu.memref_slice %arg18[%dma_start3A_523, %dma_start3A_529] : memref<2x128xi32, #tpu.memory_space<vmem>> -> memref<1x128xi32, #tpu.memory_space<vmem>>
          %dma_start3A_531 = tpu.memref_squeeze %dma_start3A_530 : memref<1x128xi32, #tpu.memory_space<vmem>> -> memref<128xi32, #tpu.memory_space<vmem>>
          %dma_start3A_532 = arith.constant 0 : i32
          %dma_start3A_533 = arith.constant 0 : i32
          %dma_start3A_534 = tpu.memref_slice %arg4[%dma_start3A_532, %dma_start3A_533] : memref<10000x128xf32, #tpu.memory_space<hbm>> -> memref<10000x128xf32, #tpu.memory_space<hbm>>
          tpu.enqueue_indirect_dma source(%dma_start3A_534 : memref<10000x128xf32, #tpu.memory_space<hbm>>) target(%dma_start3A_528 : memref<128x128xf32, #tpu.memory_space<vmem>>) offsets(%dma_start3A_531 : memref<128xi32, #tpu.memory_space<vmem>>) semaphore(%arg23 : memref<!tpu.dma_semaphore, #tpu.memory_space<semaphore_mem>>)
        } else {
        }
        %add3A_436 = arith.constant 2 : i32
        %add3A_437 = arith.addi %add3A_417, %add3A_436 : i32
        %lt3A_438 = arith.constant 156 : i32
        %lt3A_439 = arith.cmpi slt, %add3A_437, %lt3A_438 : i32
        %convert_element_type3A_440 = arith.extui %lt3A_439 : i1 to i32
        %cond3A_441 = arith.constant 0 : i32
        %cond3A_442 = arith.cmpi ne, %convert_element_type3A_440, %cond3A_441 : i32
        scf.if %cond3A_442 {
          %add3A_497 = arith.constant 2 : i32
          %add3A_498 = arith.addi %add3A_417, %add3A_497 : i32
          %mul3A_499 = arith.constant 128 : i32
          %mul3A_500 = arith.muli %add3A_498, %mul3A_499 : i32
          %add3A_501 = arith.addi %mul3A_2, %mul3A_500 : i32
          %dma_start3A_502 = arith.constant 0 : i32
          %dma_start3A_503 = arith.constant 0 : i32
          %dma_start3A_504 = tpu.memref_slice %arg18[%dma_start3A_502, %dma_start3A_503] : memref<2x128xi32, #tpu.memory_space<vmem>> -> memref<1x128xi32, #tpu.memory_space<vmem>>
          %dma_start3A_505 = tpu.memref_squeeze %dma_start3A_504 : memref<1x128xi32, #tpu.memory_space<vmem>> -> memref<128xi32, #tpu.memory_space<vmem>>
          %dma_start3A_506 = tpu.memref_slice %arg10[%add3A_501] : memref<320000xi32, #tpu.memory_space<hbm>> -> memref<128xi32, #tpu.memory_space<hbm>>
          %dma_start3A_507 = arith.constant 0 : i32
          %dma_start3A_508 = tpu.memref_slice %arg18[%dma_start3A_502, %dma_start3A_507] : memref<2x128xi32, #tpu.memory_space<vmem>> -> memref<1x128xi32, #tpu.memory_space<vmem>>
          %dma_start3A_509 = tpu.memref_squeeze %dma_start3A_508 : memref<1x128xi32, #tpu.memory_space<vmem>> -> memref<128xi32, #tpu.memory_space<vmem>>
          %dma_start3A_510 = tpu.memref_slice %arg10[%add3A_501] : memref<320000xi32, #tpu.memory_space<hbm>> -> memref<128xi32, #tpu.memory_space<hbm>>
          tpu.enqueue_dma source(%dma_start3A_510 : memref<128xi32, #tpu.memory_space<hbm>>) target(%dma_start3A_509 : memref<128xi32, #tpu.memory_space<vmem>>) target_semaphore(%arg24 : memref<!tpu.dma_semaphore, #tpu.memory_space<semaphore_mem>>)
          %mul3A_511 = arith.constant 128 : i32
          %mul3A_512 = arith.muli %add3A_498, %mul3A_511 : i32
          %add3A_513 = arith.addi %mul3A_2, %mul3A_512 : i32
          %dma_start3A_514 = arith.constant 0 : i32
          %dma_start3A_515 = arith.constant 0 : i32
          %dma_start3A_516 = tpu.memref_slice %arg19[%dma_start3A_514, %dma_start3A_515] : memref<2x128xi32, #tpu.memory_space<vmem>> -> memref<1x128xi32, #tpu.memory_space<vmem>>
          %dma_start3A_517 = tpu.memref_squeeze %dma_start3A_516 : memref<1x128xi32, #tpu.memory_space<vmem>> -> memref<128xi32, #tpu.memory_space<vmem>>
          %dma_start3A_518 = tpu.memref_slice %arg9[%add3A_513] : memref<320000xi32, #tpu.memory_space<hbm>> -> memref<128xi32, #tpu.memory_space<hbm>>
          %dma_start3A_519 = arith.constant 0 : i32
          %dma_start3A_520 = tpu.memref_slice %arg19[%dma_start3A_514, %dma_start3A_519] : memref<2x128xi32, #tpu.memory_space<vmem>> -> memref<1x128xi32, #tpu.memory_space<vmem>>
          %dma_start3A_521 = tpu.memref_squeeze %dma_start3A_520 : memref<1x128xi32, #tpu.memory_space<vmem>> -> memref<128xi32, #tpu.memory_space<vmem>>
          %dma_start3A_522 = tpu.memref_slice %arg9[%add3A_513] : memref<320000xi32, #tpu.memory_space<hbm>> -> memref<128xi32, #tpu.memory_space<hbm>>
          tpu.enqueue_dma source(%dma_start3A_522 : memref<128xi32, #tpu.memory_space<hbm>>) target(%dma_start3A_521 : memref<128xi32, #tpu.memory_space<vmem>>) target_semaphore(%arg24 : memref<!tpu.dma_semaphore, #tpu.memory_space<semaphore_mem>>)
        } else {
        }
        %dma_start3A_443 = arith.constant 0 : i32
        %dma_start3A_444 = arith.constant 0 : i32
        %dma_start3A_445 = arith.constant 0 : i32
        %dma_start3A_446 = arith.constant 0 : i32
        %dma_start3A_447 = tpu.memref_slice %arg20[%dma_start3A_443, %dma_start3A_445, %dma_start3A_446] : memref<2x128x128xf32, #tpu.memory_space<vmem>> -> memref<1x128x128xf32, #tpu.memory_space<vmem>>
        %dma_start3A_448 = tpu.memref_squeeze %dma_start3A_447 : memref<1x128x128xf32, #tpu.memory_space<vmem>> -> memref<128x128xf32, #tpu.memory_space<vmem>>
        %dma_start3A_449 = arith.constant 0 : i32
        %dma_start3A_450 = tpu.memref_slice %arg19[%dma_start3A_444, %dma_start3A_449] : memref<2x128xi32, #tpu.memory_space<vmem>> -> memref<1x128xi32, #tpu.memory_space<vmem>>
        %dma_start3A_451 = tpu.memref_squeeze %dma_start3A_450 : memref<1x128xi32, #tpu.memory_space<vmem>> -> memref<128xi32, #tpu.memory_space<vmem>>
        %dma_start3A_452 = arith.constant 0 : i32
        %dma_start3A_453 = arith.constant 0 : i32
        %dma_start3A_454 = tpu.memref_slice %arg22[%dma_start3A_452, %dma_start3A_453] : memref<10240x128xf32, #tpu.memory_space<vmem_shared>> -> memref<10240x128xf32, #tpu.memory_space<vmem_shared>>
        tpu.enqueue_indirect_dma source(%dma_start3A_448 : memref<128x128xf32, #tpu.memory_space<vmem>>) target(%dma_start3A_454 : memref<10240x128xf32, #tpu.memory_space<vmem_shared>>) offsets(%dma_start3A_451 : memref<128xi32, #tpu.memory_space<vmem>>) semaphore(%arg25 : memref<!tpu.dma_semaphore, #tpu.memory_space<semaphore_mem>>) {add = true}
        %mul3A_455 = arith.constant 2 : i32
        %mul3A_456 = arith.muli %mul3A_455, %scan3A_413 : i32
        %add3A_457 = arith.constant 1 : i32
        %add3A_458 = arith.addi %mul3A_456, %add3A_457 : i32
        %dma_wait3A_459 = arith.constant 0 : i32
        %dma_wait3A_460 = arith.constant 1 : i32
        %dma_wait3A_461 = arith.constant 0 : i32
        %dma_wait3A_462 = arith.constant 0 : i32
        %dma_wait3A_463 = tpu.memref_slice %arg20[%dma_wait3A_460, %dma_wait3A_461, %dma_wait3A_462] : memref<2x128x128xf32, #tpu.memory_space<vmem>> -> memref<1x128x128xf32, #tpu.memory_space<vmem>>
        %dma_wait3A_464 = tpu.memref_squeeze %dma_wait3A_463 : memref<1x128x128xf32, #tpu.memory_space<vmem>> -> memref<128x128xf32, #tpu.memory_space<vmem>>
        %dma_wait3A_465 = arith.constant 0 : i32
        %dma_wait3A_466 = tpu.memref_slice %arg18[%dma_wait3A_459, %dma_wait3A_465] : memref<2x128xi32, #tpu.memory_space<vmem>> -> memref<1x128xi32, #tpu.memory_space<vmem>>
        %dma_wait3A_467 = tpu.memref_squeeze %dma_wait3A_466 : memref<1x128xi32, #tpu.memory_space<vmem>> -> memref<128xi32, #tpu.memory_space<vmem>>
        %dma_wait3A_468 = arith.constant 0 : i32
        %dma_wait3A_469 = arith.constant 0 : i32
        %dma_wait3A_470 = tpu.memref_slice %arg4[%dma_wait3A_468, %dma_wait3A_469] : memref<10000x128xf32, #tpu.memory_space<hbm>> -> memref<10000x128xf32, #tpu.memory_space<hbm>>
        tpu.wait_indirect_dma semaphore(%arg23 : memref<!tpu.dma_semaphore, #tpu.memory_space<semaphore_mem>>) src(%dma_wait3A_470 : memref<10000x128xf32, #tpu.memory_space<hbm>>) dst(%dma_wait3A_464 : memref<128x128xf32, #tpu.memory_space<vmem>>)
        %add3A_471 = arith.constant 1 : i32
        %add3A_472 = arith.addi %add3A_458, %add3A_471 : i32
        %lt3A_473 = arith.constant 156 : i32
        %lt3A_474 = arith.cmpi slt, %add3A_472, %lt3A_473 : i32
        %convert_element_type3A_475 = arith.extui %lt3A_474 : i1 to i32
        %cond3A_476 = arith.constant 0 : i32
        %cond3A_477 = arith.cmpi ne, %convert_element_type3A_475, %cond3A_476 : i32
        scf.if %cond3A_477 {
          %dma_wait3A_497 = arith.constant 0 : i32
          %dma_wait3A_498 = arith.constant 0 : i32
          %dma_wait3A_499 = tpu.memref_slice %arg18[%dma_wait3A_497, %dma_wait3A_498] : memref<2x128xi32, #tpu.memory_space<vmem>> -> memref<1x128xi32, #tpu.memory_space<vmem>>
          %dma_wait3A_500 = tpu.memref_squeeze %dma_wait3A_499 : memref<1x128xi32, #tpu.memory_space<vmem>> -> memref<128xi32, #tpu.memory_space<vmem>>
          %dma_wait3A_501 = arith.constant 0 : i32
          %dma_wait3A_502 = tpu.memref_slice %arg10[%dma_wait3A_501] : memref<320000xi32, #tpu.memory_space<hbm>> -> memref<128xi32, #tpu.memory_space<hbm>>
          %dma_wait3A_503 = arith.constant 0 : i32
          %dma_wait3A_504 = tpu.memref_slice %arg18[%dma_wait3A_497, %dma_wait3A_503] : memref<2x128xi32, #tpu.memory_space<vmem>> -> memref<1x128xi32, #tpu.memory_space<vmem>>
          %dma_wait3A_505 = tpu.memref_squeeze %dma_wait3A_504 : memref<1x128xi32, #tpu.memory_space<vmem>> -> memref<128xi32, #tpu.memory_space<vmem>>
          %dma_wait3A_506 = arith.constant 0 : i32
          %dma_wait3A_507 = tpu.memref_slice %arg10[%dma_wait3A_506] : memref<320000xi32, #tpu.memory_space<hbm>> -> memref<128xi32, #tpu.memory_space<hbm>>
          tpu.wait_dma2 semaphore(%arg24 : memref<!tpu.dma_semaphore, #tpu.memory_space<semaphore_mem>>) src(%dma_wait3A_507 : memref<128xi32, #tpu.memory_space<hbm>>) dst(%dma_wait3A_505 : memref<128xi32, #tpu.memory_space<vmem>>)
          %dma_wait3A_508 = arith.constant 0 : i32
          %dma_wait3A_509 = arith.constant 0 : i32
          %dma_wait3A_510 = tpu.memref_slice %arg19[%dma_wait3A_508, %dma_wait3A_509] : memref<2x128xi32, #tpu.memory_space<vmem>> -> memref<1x128xi32, #tpu.memory_space<vmem>>
          %dma_wait3A_511 = tpu.memref_squeeze %dma_wait3A_510 : memref<1x128xi32, #tpu.memory_space<vmem>> -> memref<128xi32, #tpu.memory_space<vmem>>
          %dma_wait3A_512 = arith.constant 0 : i32
          %dma_wait3A_513 = tpu.memref_slice %arg9[%dma_wait3A_512] : memref<320000xi32, #tpu.memory_space<hbm>> -> memref<128xi32, #tpu.memory_space<hbm>>
          %dma_wait3A_514 = arith.constant 0 : i32
          %dma_wait3A_515 = tpu.memref_slice %arg19[%dma_wait3A_508, %dma_wait3A_514] : memref<2x128xi32, #tpu.memory_space<vmem>> -> memref<1x128xi32, #tpu.memory_space<vmem>>
          %dma_wait3A_516 = tpu.memref_squeeze %dma_wait3A_515 : memref<1x128xi32, #tpu.memory_space<vmem>> -> memref<128xi32, #tpu.memory_space<vmem>>
          %dma_wait3A_517 = arith.constant 0 : i32
          %dma_wait3A_518 = tpu.memref_slice %arg9[%dma_wait3A_517] : memref<320000xi32, #tpu.memory_space<hbm>> -> memref<128xi32, #tpu.memory_space<hbm>>
          tpu.wait_dma2 semaphore(%arg24 : memref<!tpu.dma_semaphore, #tpu.memory_space<semaphore_mem>>) src(%dma_wait3A_518 : memref<128xi32, #tpu.memory_space<hbm>>) dst(%dma_wait3A_516 : memref<128xi32, #tpu.memory_space<vmem>>)
          %ge3A = arith.constant 1 : i32
          %ge3A_519 = arith.cmpi sge, %add3A_458, %ge3A : i32
          %convert_element_type3A_520 = arith.extui %ge3A_519 : i1 to i32
          %cond3A_521 = arith.constant 0 : i32
          %cond3A_522 = arith.cmpi ne, %convert_element_type3A_520, %cond3A_521 : i32
          scf.if %cond3A_522 {
            %dma_wait3A_535 = arith.constant 0 : i32
            %dma_wait3A_536 = arith.constant 0 : i32
            %dma_wait3A_537 = arith.constant 0 : i32
            %dma_wait3A_538 = arith.constant 0 : i32
            %dma_wait3A_539 = tpu.memref_slice %arg20[%dma_wait3A_535, %dma_wait3A_537, %dma_wait3A_538] : memref<2x128x128xf32, #tpu.memory_space<vmem>> -> memref<1x128x128xf32, #tpu.memory_space<vmem>>
            %dma_wait3A_540 = tpu.memref_squeeze %dma_wait3A_539 : memref<1x128x128xf32, #tpu.memory_space<vmem>> -> memref<128x128xf32, #tpu.memory_space<vmem>>
            %dma_wait3A_541 = arith.constant 0 : i32
            %dma_wait3A_542 = tpu.memref_slice %arg19[%dma_wait3A_536, %dma_wait3A_541] : memref<2x128xi32, #tpu.memory_space<vmem>> -> memref<1x128xi32, #tpu.memory_space<vmem>>
            %dma_wait3A_543 = tpu.memref_squeeze %dma_wait3A_542 : memref<1x128xi32, #tpu.memory_space<vmem>> -> memref<128xi32, #tpu.memory_space<vmem>>
            %dma_wait3A_544 = arith.constant 0 : i32
            %dma_wait3A_545 = arith.constant 0 : i32
            %dma_wait3A_546 = tpu.memref_slice %arg22[%dma_wait3A_544, %dma_wait3A_545] : memref<10240x128xf32, #tpu.memory_space<vmem_shared>> -> memref<10240x128xf32, #tpu.memory_space<vmem_shared>>
            tpu.wait_indirect_dma semaphore(%arg25 : memref<!tpu.dma_semaphore, #tpu.memory_space<semaphore_mem>>) src(%dma_wait3A_540 : memref<128x128xf32, #tpu.memory_space<vmem>>) dst(%dma_wait3A_546 : memref<10240x128xf32, #tpu.memory_space<vmem_shared>>)
          } else {
          }
          %dma_start3A_523 = arith.constant 0 : i32
          %dma_start3A_524 = arith.constant 0 : i32
          %dma_start3A_525 = arith.constant 0 : i32
          %dma_start3A_526 = arith.constant 0 : i32
          %dma_start3A_527 = tpu.memref_slice %arg20[%dma_start3A_524, %dma_start3A_525, %dma_start3A_526] : memref<2x128x128xf32, #tpu.memory_space<vmem>> -> memref<1x128x128xf32, #tpu.memory_space<vmem>>
          %dma_start3A_528 = tpu.memref_squeeze %dma_start3A_527 : memref<1x128x128xf32, #tpu.memory_space<vmem>> -> memref<128x128xf32, #tpu.memory_space<vmem>>
          %dma_start3A_529 = arith.constant 0 : i32
          %dma_start3A_530 = tpu.memref_slice %arg18[%dma_start3A_523, %dma_start3A_529] : memref<2x128xi32, #tpu.memory_space<vmem>> -> memref<1x128xi32, #tpu.memory_space<vmem>>
          %dma_start3A_531 = tpu.memref_squeeze %dma_start3A_530 : memref<1x128xi32, #tpu.memory_space<vmem>> -> memref<128xi32, #tpu.memory_space<vmem>>
          %dma_start3A_532 = arith.constant 0 : i32
          %dma_start3A_533 = arith.constant 0 : i32
          %dma_start3A_534 = tpu.memref_slice %arg4[%dma_start3A_532, %dma_start3A_533] : memref<10000x128xf32, #tpu.memory_space<hbm>> -> memref<10000x128xf32, #tpu.memory_space<hbm>>
          tpu.enqueue_indirect_dma source(%dma_start3A_534 : memref<10000x128xf32, #tpu.memory_space<hbm>>) target(%dma_start3A_528 : memref<128x128xf32, #tpu.memory_space<vmem>>) offsets(%dma_start3A_531 : memref<128xi32, #tpu.memory_space<vmem>>) semaphore(%arg23 : memref<!tpu.dma_semaphore, #tpu.memory_space<semaphore_mem>>)
        } else {
        }
        %add3A_478 = arith.constant 2 : i32
        %add3A_479 = arith.addi %add3A_458, %add3A_478 : i32
        %lt3A_480 = arith.constant 156 : i32
        %lt3A_481 = arith.cmpi slt, %add3A_479, %lt3A_480 : i32
        %convert_element_type3A_482 = arith.extui %lt3A_481 : i1 to i32
        %cond3A_483 = arith.constant 0 : i32
        %cond3A_484 = arith.cmpi ne, %convert_element_type3A_482, %cond3A_483 : i32
        scf.if %cond3A_484 {
          %add3A_497 = arith.constant 2 : i32
          %add3A_498 = arith.addi %add3A_458, %add3A_497 : i32
          %mul3A_499 = arith.constant 128 : i32
          %mul3A_500 = arith.muli %add3A_498, %mul3A_499 : i32
          %add3A_501 = arith.addi %mul3A_2, %mul3A_500 : i32
          %dma_start3A_502 = arith.constant 1 : i32
          %dma_start3A_503 = arith.constant 0 : i32
          %dma_start3A_504 = tpu.memref_slice %arg18[%dma_start3A_502, %dma_start3A_503] : memref<2x128xi32, #tpu.memory_space<vmem>> -> memref<1x128xi32, #tpu.memory_space<vmem>>
          %dma_start3A_505 = tpu.memref_squeeze %dma_start3A_504 : memref<1x128xi32, #tpu.memory_space<vmem>> -> memref<128xi32, #tpu.memory_space<vmem>>
          %dma_start3A_506 = tpu.memref_slice %arg10[%add3A_501] : memref<320000xi32, #tpu.memory_space<hbm>> -> memref<128xi32, #tpu.memory_space<hbm>>
          %dma_start3A_507 = arith.constant 0 : i32
          %dma_start3A_508 = tpu.memref_slice %arg18[%dma_start3A_502, %dma_start3A_507] : memref<2x128xi32, #tpu.memory_space<vmem>> -> memref<1x128xi32, #tpu.memory_space<vmem>>
          %dma_start3A_509 = tpu.memref_squeeze %dma_start3A_508 : memref<1x128xi32, #tpu.memory_space<vmem>> -> memref<128xi32, #tpu.memory_space<vmem>>
          %dma_start3A_510 = tpu.memref_slice %arg10[%add3A_501] : memref<320000xi32, #tpu.memory_space<hbm>> -> memref<128xi32, #tpu.memory_space<hbm>>
          tpu.enqueue_dma source(%dma_start3A_510 : memref<128xi32, #tpu.memory_space<hbm>>) target(%dma_start3A_509 : memref<128xi32, #tpu.memory_space<vmem>>) target_semaphore(%arg24 : memref<!tpu.dma_semaphore, #tpu.memory_space<semaphore_mem>>)
          %mul3A_511 = arith.constant 128 : i32
          %mul3A_512 = arith.muli %add3A_498, %mul3A_511 : i32
          %add3A_513 = arith.addi %mul3A_2, %mul3A_512 : i32
          %dma_start3A_514 = arith.constant 1 : i32
          %dma_start3A_515 = arith.constant 0 : i32
          %dma_start3A_516 = tpu.memref_slice %arg19[%dma_start3A_514, %dma_start3A_515] : memref<2x128xi32, #tpu.memory_space<vmem>> -> memref<1x128xi32, #tpu.memory_space<vmem>>
          %dma_start3A_517 = tpu.memref_squeeze %dma_start3A_516 : memref<1x128xi32, #tpu.memory_space<vmem>> -> memref<128xi32, #tpu.memory_space<vmem>>
          %dma_start3A_518 = tpu.memref_slice %arg9[%add3A_513] : memref<320000xi32, #tpu.memory_space<hbm>> -> memref<128xi32, #tpu.memory_space<hbm>>
          %dma_start3A_519 = arith.constant 0 : i32
          %dma_start3A_520 = tpu.memref_slice %arg19[%dma_start3A_514, %dma_start3A_519] : memref<2x128xi32, #tpu.memory_space<vmem>> -> memref<1x128xi32, #tpu.memory_space<vmem>>
          %dma_start3A_521 = tpu.memref_squeeze %dma_start3A_520 : memref<1x128xi32, #tpu.memory_space<vmem>> -> memref<128xi32, #tpu.memory_space<vmem>>
          %dma_start3A_522 = tpu.memref_slice %arg9[%add3A_513] : memref<320000xi32, #tpu.memory_space<hbm>> -> memref<128xi32, #tpu.memory_space<hbm>>
          tpu.enqueue_dma source(%dma_start3A_522 : memref<128xi32, #tpu.memory_space<hbm>>) target(%dma_start3A_521 : memref<128xi32, #tpu.memory_space<vmem>>) target_semaphore(%arg24 : memref<!tpu.dma_semaphore, #tpu.memory_space<semaphore_mem>>)
        } else {
        }
        %dma_start3A_485 = arith.constant 1 : i32
        %dma_start3A_486 = arith.constant 1 : i32
        %dma_start3A_487 = arith.constant 0 : i32
        %dma_start3A_488 = arith.constant 0 : i32
        %dma_start3A_489 = tpu.memref_slice %arg20[%dma_start3A_485, %dma_start3A_487, %dma_start3A_488] : memref<2x128x128xf32, #tpu.memory_space<vmem>> -> memref<1x128x128xf32, #tpu.memory_space<vmem>>
        %dma_start3A_490 = tpu.memref_squeeze %dma_start3A_489 : memref<1x128x128xf32, #tpu.memory_space<vmem>> -> memref<128x128xf32, #tpu.memory_space<vmem>>
        %dma_start3A_491 = arith.constant 0 : i32
        %dma_start3A_492 = tpu.memref_slice %arg19[%dma_start3A_486, %dma_start3A_491] : memref<2x128xi32, #tpu.memory_space<vmem>> -> memref<1x128xi32, #tpu.memory_space<vmem>>
        %dma_start3A_493 = tpu.memref_squeeze %dma_start3A_492 : memref<1x128xi32, #tpu.memory_space<vmem>> -> memref<128xi32, #tpu.memory_space<vmem>>
        %dma_start3A_494 = arith.constant 0 : i32
        %dma_start3A_495 = arith.constant 0 : i32
        %dma_start3A_496 = tpu.memref_slice %arg22[%dma_start3A_494, %dma_start3A_495] : memref<10240x128xf32, #tpu.memory_space<vmem_shared>> -> memref<10240x128xf32, #tpu.memory_space<vmem_shared>>
        tpu.enqueue_indirect_dma source(%dma_start3A_490 : memref<128x128xf32, #tpu.memory_space<vmem>>) target(%dma_start3A_496 : memref<10240x128xf32, #tpu.memory_space<vmem_shared>>) offsets(%dma_start3A_493 : memref<128xi32, #tpu.memory_space<vmem>>) semaphore(%arg25 : memref<!tpu.dma_semaphore, #tpu.memory_space<semaphore_mem>>) {add = true}
      }
      %scan3A_282 = arith.constant 78 : i32
      %dma_wait3A_283 = arith.constant 0 : i32
      %dma_wait3A_284 = arith.constant 0 : i32
      %dma_wait3A_285 = arith.constant 0 : i32
      %dma_wait3A_286 = arith.constant 0 : i32
      %dma_wait3A_287 = tpu.memref_slice %arg20[%dma_wait3A_283, %dma_wait3A_285, %dma_wait3A_286] : memref<2x128x128xf32, #tpu.memory_space<vmem>> -> memref<1x128x128xf32, #tpu.memory_space<vmem>>
      %dma_wait3A_288 = tpu.memref_squeeze %dma_wait3A_287 : memref<1x128x128xf32, #tpu.memory_space<vmem>> -> memref<128x128xf32, #tpu.memory_space<vmem>>
      %dma_wait3A_289 = arith.constant 0 : i32
      %dma_wait3A_290 = tpu.memref_slice %arg19[%dma_wait3A_284, %dma_wait3A_289] : memref<2x128xi32, #tpu.memory_space<vmem>> -> memref<1x128xi32, #tpu.memory_space<vmem>>
      %dma_wait3A_291 = tpu.memref_squeeze %dma_wait3A_290 : memref<1x128xi32, #tpu.memory_space<vmem>> -> memref<128xi32, #tpu.memory_space<vmem>>
      %dma_wait3A_292 = arith.constant 0 : i32
      %dma_wait3A_293 = arith.constant 0 : i32
      %dma_wait3A_294 = tpu.memref_slice %arg22[%dma_wait3A_292, %dma_wait3A_293] : memref<10240x128xf32, #tpu.memory_space<vmem_shared>> -> memref<10240x128xf32, #tpu.memory_space<vmem_shared>>
      tpu.wait_indirect_dma semaphore(%arg25 : memref<!tpu.dma_semaphore, #tpu.memory_space<semaphore_mem>>) src(%dma_wait3A_288 : memref<128x128xf32, #tpu.memory_space<vmem>>) dst(%dma_wait3A_294 : memref<10240x128xf32, #tpu.memory_space<vmem_shared>>)
      %dma_wait3A_295 = arith.constant 1 : i32
      %dma_wait3A_296 = arith.constant 0 : i32
      %dma_wait3A_297 = arith.constant 0 : i32
      %dma_wait3A_298 = arith.constant 0 : i32
      %dma_wait3A_299 = tpu.memref_slice %arg20[%dma_wait3A_295, %dma_wait3A_297, %dma_wait3A_298] : memref<2x128x128xf32, #tpu.memory_space<vmem>> -> memref<1x128x128xf32, #tpu.memory_space<vmem>>
      %dma_wait3A_300 = tpu.memref_squeeze %dma_wait3A_299 : memref<1x128x128xf32, #tpu.memory_space<vmem>> -> memref<128x128xf32, #tpu.memory_space<vmem>>
      %dma_wait3A_301 = arith.constant 0 : i32
      %dma_wait3A_302 = tpu.memref_slice %arg19[%dma_wait3A_296, %dma_wait3A_301] : memref<2x128xi32, #tpu.memory_space<vmem>> -> memref<1x128xi32, #tpu.memory_space<vmem>>
      %dma_wait3A_303 = tpu.memref_squeeze %dma_wait3A_302 : memref<1x128xi32, #tpu.memory_space<vmem>> -> memref<128xi32, #tpu.memory_space<vmem>>
      %dma_wait3A_304 = arith.constant 0 : i32
      %dma_wait3A_305 = arith.constant 0 : i32
      %dma_wait3A_306 = tpu.memref_slice %arg22[%dma_wait3A_304, %dma_wait3A_305] : memref<10240x128xf32, #tpu.memory_space<vmem_shared>> -> memref<10240x128xf32, #tpu.memory_space<vmem_shared>>
      tpu.wait_indirect_dma semaphore(%arg25 : memref<!tpu.dma_semaphore, #tpu.memory_space<semaphore_mem>>) src(%dma_wait3A_300 : memref<128x128xf32, #tpu.memory_space<vmem>>) dst(%dma_wait3A_306 : memref<10240x128xf32, #tpu.memory_space<vmem_shared>>)
      %add3A_307 = arith.constant 19968 : i32
      %add3A_308 = arith.addi %mul3A_2, %add3A_307 : i32
      %run_scoped3A_309 = arith.constant 0 : i32
      "tpu.region"() ({
        %run_scoped3A_413 = tpu.sem_alloc : memref<!tpu.dma_semaphore, #tpu.memory_space<semaphore_mem>>
        %dma_start3A_414 = arith.constant 0 : i32
        %dma_start3A_415 = tpu.memref_slice %arg18[%run_scoped3A_309, %dma_start3A_414] : memref<2x128xi32, #tpu.memory_space<vmem>> -> memref<1x32xi32, #tpu.memory_space<vmem>>
        %dma_start3A_416 = tpu.memref_squeeze %dma_start3A_415 : memref<1x32xi32, #tpu.memory_space<vmem>> -> memref<32xi32, #tpu.memory_space<vmem>>
        %dma_start3A_417 = tpu.memref_slice %arg10[%add3A_308] : memref<320000xi32, #tpu.memory_space<hbm>> -> memref<32xi32, #tpu.memory_space<hbm>>
        %dma_start3A_418 = arith.constant 0 : i32
        %dma_start3A_419 = tpu.memref_slice %arg18[%run_scoped3A_309, %dma_start3A_418] : memref<2x128xi32, #tpu.memory_space<vmem>> -> memref<1x32xi32, #tpu.memory_space<vmem>>
        %dma_start3A_420 = tpu.memref_squeeze %dma_start3A_419 : memref<1x32xi32, #tpu.memory_space<vmem>> -> memref<32xi32, #tpu.memory_space<vmem>>
        %dma_start3A_421 = tpu.memref_slice %arg10[%add3A_308] : memref<320000xi32, #tpu.memory_space<hbm>> -> memref<32xi32, #tpu.memory_space<hbm>>
        tpu.enqueue_dma source(%dma_start3A_421 : memref<32xi32, #tpu.memory_space<hbm>>) target(%dma_start3A_420 : memref<32xi32, #tpu.memory_space<vmem>>) target_semaphore(%run_scoped3A_413 : memref<!tpu.dma_semaphore, #tpu.memory_space<semaphore_mem>>)
        %dma_wait3A_422 = arith.constant 0 : i32
        %dma_wait3A_423 = tpu.memref_slice %arg18[%run_scoped3A_309, %dma_wait3A_422] : memref<2x128xi32, #tpu.memory_space<vmem>> -> memref<1x32xi32, #tpu.memory_space<vmem>>
        %dma_wait3A_424 = tpu.memref_squeeze %dma_wait3A_423 : memref<1x32xi32, #tpu.memory_space<vmem>> -> memref<32xi32, #tpu.memory_space<vmem>>
        %dma_wait3A_425 = tpu.memref_slice %arg10[%add3A_308] : memref<320000xi32, #tpu.memory_space<hbm>> -> memref<32xi32, #tpu.memory_space<hbm>>
        %dma_wait3A_426 = arith.constant 0 : i32
        %dma_wait3A_427 = tpu.memref_slice %arg18[%run_scoped3A_309, %dma_wait3A_426] : memref<2x128xi32, #tpu.memory_space<vmem>> -> memref<1x32xi32, #tpu.memory_space<vmem>>
        %dma_wait3A_428 = tpu.memref_squeeze %dma_wait3A_427 : memref<1x32xi32, #tpu.memory_space<vmem>> -> memref<32xi32, #tpu.memory_space<vmem>>
        %dma_wait3A_429 = tpu.memref_slice %arg10[%add3A_308] : memref<320000xi32, #tpu.memory_space<hbm>> -> memref<32xi32, #tpu.memory_space<hbm>>
        tpu.wait_dma2 semaphore(%run_scoped3A_413 : memref<!tpu.dma_semaphore, #tpu.memory_space<semaphore_mem>>) src(%dma_wait3A_429 : memref<32xi32, #tpu.memory_space<hbm>>) dst(%dma_wait3A_428 : memref<32xi32, #tpu.memory_space<vmem>>)
        tpu.yield
      }) : () -> ()
      %add3A_310 = arith.constant 19968 : i32
      %add3A_311 = arith.addi %mul3A_2, %add3A_310 : i32
      %run_scoped3A_312 = arith.constant 0 : i32
      "tpu.region"() ({
        %run_scoped3A_413 = tpu.sem_alloc : memref<!tpu.dma_semaphore, #tpu.memory_space<semaphore_mem>>
        %dma_start3A_414 = arith.constant 0 : i32
        %dma_start3A_415 = tpu.memref_slice %arg19[%run_scoped3A_312, %dma_start3A_414] : memref<2x128xi32, #tpu.memory_space<vmem>> -> memref<1x32xi32, #tpu.memory_space<vmem>>
        %dma_start3A_416 = tpu.memref_squeeze %dma_start3A_415 : memref<1x32xi32, #tpu.memory_space<vmem>> -> memref<32xi32, #tpu.memory_space<vmem>>
        %dma_start3A_417 = tpu.memref_slice %arg9[%add3A_311] : memref<320000xi32, #tpu.memory_space<hbm>> -> memref<32xi32, #tpu.memory_space<hbm>>
        %dma_start3A_418 = arith.constant 0 : i32
        %dma_start3A_419 = tpu.memref_slice %arg19[%run_scoped3A_312, %dma_start3A_418] : memref<2x128xi32, #tpu.memory_space<vmem>> -> memref<1x32xi32, #tpu.memory_space<vmem>>
        %dma_start3A_420 = tpu.memref_squeeze %dma_start3A_419 : memref<1x32xi32, #tpu.memory_space<vmem>> -> memref<32xi32, #tpu.memory_space<vmem>>
        %dma_start3A_421 = tpu.memref_slice %arg9[%add3A_311] : memref<320000xi32, #tpu.memory_space<hbm>> -> memref<32xi32, #tpu.memory_space<hbm>>
        tpu.enqueue_dma source(%dma_start3A_421 : memref<32xi32, #tpu.memory_space<hbm>>) target(%dma_start3A_420 : memref<32xi32, #tpu.memory_space<vmem>>) target_semaphore(%run_scoped3A_413 : memref<!tpu.dma_semaphore, #tpu.memory_space<semaphore_mem>>)
        %dma_wait3A_422 = arith.constant 0 : i32
        %dma_wait3A_423 = tpu.memref_slice %arg19[%run_scoped3A_312, %dma_wait3A_422] : memref<2x128xi32, #tpu.memory_space<vmem>> -> memref<1x32xi32, #tpu.memory_space<vmem>>
        %dma_wait3A_424 = tpu.memref_squeeze %dma_wait3A_423 : memref<1x32xi32, #tpu.memory_space<vmem>> -> memref<32xi32, #tpu.memory_space<vmem>>
        %dma_wait3A_425 = tpu.memref_slice %arg9[%add3A_311] : memref<320000xi32, #tpu.memory_space<hbm>> -> memref<32xi32, #tpu.memory_space<hbm>>
        %dma_wait3A_426 = arith.constant 0 : i32
        %dma_wait3A_427 = tpu.memref_slice %arg19[%run_scoped3A_312, %dma_wait3A_426] : memref<2x128xi32, #tpu.memory_space<vmem>> -> memref<1x32xi32, #tpu.memory_space<vmem>>
        %dma_wait3A_428 = tpu.memref_squeeze %dma_wait3A_427 : memref<1x32xi32, #tpu.memory_space<vmem>> -> memref<32xi32, #tpu.memory_space<vmem>>
        %dma_wait3A_429 = tpu.memref_slice %arg9[%add3A_311] : memref<320000xi32, #tpu.memory_space<hbm>> -> memref<32xi32, #tpu.memory_space<hbm>>
        tpu.wait_dma2 semaphore(%run_scoped3A_413 : memref<!tpu.dma_semaphore, #tpu.memory_space<semaphore_mem>>) src(%dma_wait3A_429 : memref<32xi32, #tpu.memory_space<hbm>>) dst(%dma_wait3A_428 : memref<32xi32, #tpu.memory_space<vmem>>)
        tpu.yield
      }) : () -> ()
      %iota3A = tpu.iota {dimensions = array<i32: 0>} : vector<16xi32>
      %add3A_313 = arith.constant 10000 : i32
      %add3A_314 = vector.broadcast %add3A_313 : i32 to vector<16xi32>
      %add3A_315 = arith.addi %add3A_314, %iota3A : vector<16xi32>
      %swap3A = arith.constant 0 : i32
      %swap3A_316 = arith.index_cast %swap3A : i32 to index
      %swap3A_317 = arith.constant 32 : index
      %swap3A_318 = tpu.vector_load %arg18[%swap3A_316, %swap3A_317] {strides = array<i32>} : memref<2x128xi32, #tpu.memory_space<vmem>>, vector<1x16xi32>,
      %swap3A_319 = vector.shape_cast %swap3A_318 : vector<1x16xi32> to vector<16xi32>
      %swap3A_320 = vector.shape_cast %iota3A : vector<16xi32> to vector<1x16xi32>
      tpu.vector_store %arg18[%swap3A_316, %swap3A_317], %swap3A_320 {strides = array<i32>} : memref<2x128xi32, #tpu.memory_space<vmem>>, vector<1x16xi32>,
      %swap3A_321 = arith.constant 0 : i32
      %swap3A_322 = arith.index_cast %swap3A_321 : i32 to index
      %swap3A_323 = arith.constant 32 : index
      %swap3A_324 = tpu.vector_load %arg19[%swap3A_322, %swap3A_323] {strides = array<i32>} : memref<2x128xi32, #tpu.memory_space<vmem>>, vector<1x16xi32>,
      %swap3A_325 = vector.shape_cast %swap3A_324 : vector<1x16xi32> to vector<16xi32>
      %swap3A_326 = vector.shape_cast %add3A_315 : vector<16xi32> to vector<1x16xi32>
      tpu.vector_store %arg19[%swap3A_322, %swap3A_323], %swap3A_326 {strides = array<i32>} : memref<2x128xi32, #tpu.memory_space<vmem>>, vector<1x16xi32>,
      %swap3A_327 = arith.constant 0 : i32
      %swap3A_328 = arith.index_cast %swap3A_327 : i32 to index
      %swap3A_329 = arith.constant 48 : index
      %swap3A_330 = tpu.vector_load %arg18[%swap3A_328, %swap3A_329] {strides = array<i32>} : memref<2x128xi32, #tpu.memory_space<vmem>>, vector<1x16xi32>,
      %swap3A_331 = vector.shape_cast %swap3A_330 : vector<1x16xi32> to vector<16xi32>
      %swap3A_332 = vector.shape_cast %iota3A : vector<16xi32> to vector<1x16xi32>
      tpu.vector_store %arg18[%swap3A_328, %swap3A_329], %swap3A_332 {strides = array<i32>} : memref<2x128xi32, #tpu.memory_space<vmem>>, vector<1x16xi32>,
      %swap3A_333 = arith.constant 0 : i32
      %swap3A_334 = arith.index_cast %swap3A_333 : i32 to index
      %swap3A_335 = arith.constant 48 : index
      %swap3A_336 = tpu.vector_load %arg19[%swap3A_334, %swap3A_335] {strides = array<i32>} : memref<2x128xi32, #tpu.memory_space<vmem>>, vector<1x16xi32>,
      %swap3A_337 = vector.shape_cast %swap3A_336 : vector<1x16xi32> to vector<16xi32>
      %swap3A_338 = vector.shape_cast %add3A_315 : vector<16xi32> to vector<1x16xi32>
      tpu.vector_store %arg19[%swap3A_334, %swap3A_335], %swap3A_338 {strides = array<i32>} : memref<2x128xi32, #tpu.memory_space<vmem>>, vector<1x16xi32>,
      %swap3A_339 = arith.constant 0 : i32
      %swap3A_340 = arith.index_cast %swap3A_339 : i32 to index
      %swap3A_341 = arith.constant 64 : index
      %swap3A_342 = tpu.vector_load %arg18[%swap3A_340, %swap3A_341] {strides = array<i32>} : memref<2x128xi32, #tpu.memory_space<vmem>>, vector<1x16xi32>,
      %swap3A_343 = vector.shape_cast %swap3A_342 : vector<1x16xi32> to vector<16xi32>
      %swap3A_344 = vector.shape_cast %iota3A : vector<16xi32> to vector<1x16xi32>
      tpu.vector_store %arg18[%swap3A_340, %swap3A_341], %swap3A_344 {strides = array<i32>} : memref<2x128xi32, #tpu.memory_space<vmem>>, vector<1x16xi32>,
      %swap3A_345 = arith.constant 0 : i32
      %swap3A_346 = arith.index_cast %swap3A_345 : i32 to index
      %swap3A_347 = arith.constant 64 : index
      %swap3A_348 = tpu.vector_load %arg19[%swap3A_346, %swap3A_347] {strides = array<i32>} : memref<2x128xi32, #tpu.memory_space<vmem>>, vector<1x16xi32>,
      %swap3A_349 = vector.shape_cast %swap3A_348 : vector<1x16xi32> to vector<16xi32>
      %swap3A_350 = vector.shape_cast %add3A_315 : vector<16xi32> to vector<1x16xi32>
      tpu.vector_store %arg19[%swap3A_346, %swap3A_347], %swap3A_350 {strides = array<i32>} : memref<2x128xi32, #tpu.memory_space<vmem>>, vector<1x16xi32>,
      %swap3A_351 = arith.constant 0 : i32
      %swap3A_352 = arith.index_cast %swap3A_351 : i32 to index
      %swap3A_353 = arith.constant 80 : index
      %swap3A_354 = tpu.vector_load %arg18[%swap3A_352, %swap3A_353] {strides = array<i32>} : memref<2x128xi32, #tpu.memory_space<vmem>>, vector<1x16xi32>,
      %swap3A_355 = vector.shape_cast %swap3A_354 : vector<1x16xi32> to vector<16xi32>
      %swap3A_356 = vector.shape_cast %iota3A : vector<16xi32> to vector<1x16xi32>
      tpu.vector_store %arg18[%swap3A_352, %swap3A_353], %swap3A_356 {strides = array<i32>} : memref<2x128xi32, #tpu.memory_space<vmem>>, vector<1x16xi32>,
      %swap3A_357 = arith.constant 0 : i32
      %swap3A_358 = arith.index_cast %swap3A_357 : i32 to index
      %swap3A_359 = arith.constant 80 : index
      %swap3A_360 = tpu.vector_load %arg19[%swap3A_358, %swap3A_359] {strides = array<i32>} : memref<2x128xi32, #tpu.memory_space<vmem>>, vector<1x16xi32>,
      %swap3A_361 = vector.shape_cast %swap3A_360 : vector<1x16xi32> to vector<16xi32>
      %swap3A_362 = vector.shape_cast %add3A_315 : vector<16xi32> to vector<1x16xi32>
      tpu.vector_store %arg19[%swap3A_358, %swap3A_359], %swap3A_362 {strides = array<i32>} : memref<2x128xi32, #tpu.memory_space<vmem>>, vector<1x16xi32>,
      %swap3A_363 = arith.constant 0 : i32
      %swap3A_364 = arith.index_cast %swap3A_363 : i32 to index
      %swap3A_365 = arith.constant 96 : index
      %swap3A_366 = tpu.vector_load %arg18[%swap3A_364, %swap3A_365] {strides = array<i32>} : memref<2x128xi32, #tpu.memory_space<vmem>>, vector<1x16xi32>,
      %swap3A_367 = vector.shape_cast %swap3A_366 : vector<1x16xi32> to vector<16xi32>
      %swap3A_368 = vector.shape_cast %iota3A : vector<16xi32> to vector<1x16xi32>
      tpu.vector_store %arg18[%swap3A_364, %swap3A_365], %swap3A_368 {strides = array<i32>} : memref<2x128xi32, #tpu.memory_space<vmem>>, vector<1x16xi32>,
      %swap3A_369 = arith.constant 0 : i32
      %swap3A_370 = arith.index_cast %swap3A_369 : i32 to index
      %swap3A_371 = arith.constant 96 : index
      %swap3A_372 = tpu.vector_load %arg19[%swap3A_370, %swap3A_371] {strides = array<i32>} : memref<2x128xi32, #tpu.memory_space<vmem>>, vector<1x16xi32>,
      %swap3A_373 = vector.shape_cast %swap3A_372 : vector<1x16xi32> to vector<16xi32>
      %swap3A_374 = vector.shape_cast %add3A_315 : vector<16xi32> to vector<1x16xi32>
      tpu.vector_store %arg19[%swap3A_370, %swap3A_371], %swap3A_374 {strides = array<i32>} : memref<2x128xi32, #tpu.memory_space<vmem>>, vector<1x16xi32>,
      %swap3A_375 = arith.constant 0 : i32
      %swap3A_376 = arith.index_cast %swap3A_375 : i32 to index
      %swap3A_377 = arith.constant 112 : index
      %swap3A_378 = tpu.vector_load %arg18[%swap3A_376, %swap3A_377] {strides = array<i32>} : memref<2x128xi32, #tpu.memory_space<vmem>>, vector<1x16xi32>,
      %swap3A_379 = vector.shape_cast %swap3A_378 : vector<1x16xi32> to vector<16xi32>
      %swap3A_380 = vector.shape_cast %iota3A : vector<16xi32> to vector<1x16xi32>
      tpu.vector_store %arg18[%swap3A_376, %swap3A_377], %swap3A_380 {strides = array<i32>} : memref<2x128xi32, #tpu.memory_space<vmem>>, vector<1x16xi32>,
      %swap3A_381 = arith.constant 0 : i32
      %swap3A_382 = arith.index_cast %swap3A_381 : i32 to index
      %swap3A_383 = arith.constant 112 : index
      %swap3A_384 = tpu.vector_load %arg19[%swap3A_382, %swap3A_383] {strides = array<i32>} : memref<2x128xi32, #tpu.memory_space<vmem>>, vector<1x16xi32>,
      %swap3A_385 = vector.shape_cast %swap3A_384 : vector<1x16xi32> to vector<16xi32>
      %swap3A_386 = vector.shape_cast %add3A_315 : vector<16xi32> to vector<1x16xi32>
      tpu.vector_store %arg19[%swap3A_382, %swap3A_383], %swap3A_386 {strides = array<i32>} : memref<2x128xi32, #tpu.memory_space<vmem>>, vector<1x16xi32>,
      %dma_start3A_387 = arith.constant 0 : i32
      %dma_start3A_388 = arith.constant 0 : i32
      %dma_start3A_389 = arith.constant 0 : i32
      %dma_start3A_390 = arith.constant 0 : i32
      %dma_start3A_391 = tpu.memref_slice %arg20[%dma_start3A_388, %dma_start3A_389, %dma_start3A_390] : memref<2x128x128xf32, #tpu.memory_space<vmem>> -> memref<1x128x128xf32, #tpu.memory_space<vmem>>
      %dma_start3A_392 = tpu.memref_squeeze %dma_start3A_391 : memref<1x128x128xf32, #tpu.memory_space<vmem>> -> memref<128x128xf32, #tpu.memory_space<vmem>>
      %dma_start3A_393 = arith.constant 0 : i32
      %dma_start3A_394 = tpu.memref_slice %arg18[%dma_start3A_387, %dma_start3A_393] : memref<2x128xi32, #tpu.memory_space<vmem>> -> memref<1x128xi32, #tpu.memory_space<vmem>>
      %dma_start3A_395 = tpu.memref_squeeze %dma_start3A_394 : memref<1x128xi32, #tpu.memory_space<vmem>> -> memref<128xi32, #tpu.memory_space<vmem>>
      %dma_start3A_396 = arith.constant 0 : i32
      %dma_start3A_397 = arith.constant 0 : i32
      %dma_start3A_398 = tpu.memref_slice %arg4[%dma_start3A_396, %dma_start3A_397] : memref<10000x128xf32, #tpu.memory_space<hbm>> -> memref<10000x128xf32, #tpu.memory_space<hbm>>
      tpu.enqueue_indirect_dma source(%dma_start3A_398 : memref<10000x128xf32, #tpu.memory_space<hbm>>) target(%dma_start3A_392 : memref<128x128xf32, #tpu.memory_space<vmem>>) offsets(%dma_start3A_395 : memref<128xi32, #tpu.memory_space<vmem>>) semaphore(%arg23 : memref<!tpu.dma_semaphore, #tpu.memory_space<semaphore_mem>>)
      %dma_wait3A_399 = arith.constant 0 : i32
      %dma_wait3A_400 = arith.constant 0 : i32
      %dma_wait3A_401 = arith.constant 0 : i32
      %dma_wait3A_402 = arith.constant 0 : i32
      %dma_wait3A_403 = tpu.memref_slice %arg20[%dma_wait3A_400, %dma_wait3A_401, %dma_wait3A_402] : memref<2x128x128xf32, #tpu.memory_space<vmem>> -> memref<1x128x128xf32, #tpu.memory_space<vmem>>
      %dma_wait3A_404 = tpu.memref_squeeze %dma_wait3A_403 : memref<1x128x128xf32, #tpu.memory_space<vmem>> -> memref<128x128xf32, #tpu.memory_space<vmem>>
      %dma_wait3A_405 = arith.constant 0 : i32
      %dma_wait3A_406 = tpu.memref_slice %arg18[%dma_wait3A_399, %dma_wait3A_405] : memref<2x128xi32, #tpu.memory_space<vmem>> -> memref<1x128xi32, #tpu.memory_space<vmem>>
      %dma_wait3A_407 = tpu.memref_squeeze %dma_wait3A_406 : memref<1x128xi32, #tpu.memory_space<vmem>> -> memref<128xi32, #tpu.memory_space<vmem>>
      %dma_wait3A_408 = arith.constant 0 : i32
      %dma_wait3A_409 = arith.constant 0 : i32
      %dma_wait3A_410 = tpu.memref_slice %arg4[%dma_wait3A_408, %dma_wait3A_409] : memref<10000x128xf32, #tpu.memory_space<hbm>> -> memref<10000x128xf32, #tpu.memory_space<hbm>>
      tpu.wait_indirect_dma semaphore(%arg23 : memref<!tpu.dma_semaphore, #tpu.memory_space<semaphore_mem>>) src(%dma_wait3A_410 : memref<10000x128xf32, #tpu.memory_space<hbm>>) dst(%dma_wait3A_404 : memref<128x128xf32, #tpu.memory_space<vmem>>)
      %run_scoped3A_411 = arith.constant 0 : i32
      %run_scoped3A_412 = arith.constant 0 : i32
      "tpu.region"() ({
        %run_scoped3A_413 = tpu.sem_alloc : memref<!tpu.dma_semaphore, #tpu.memory_space<semaphore_mem>>
        %dma_start3A_414 = arith.constant 0 : i32
        %dma_start3A_415 = arith.constant 0 : i32
        %dma_start3A_416 = tpu.memref_slice %arg20[%run_scoped3A_411, %dma_start3A_414, %dma_start3A_415] : memref<2x128x128xf32, #tpu.memory_space<vmem>> -> memref<1x128x128xf32, #tpu.memory_space<vmem>>
        %dma_start3A_417 = tpu.memref_squeeze %dma_start3A_416 : memref<1x128x128xf32, #tpu.memory_space<vmem>> -> memref<128x128xf32, #tpu.memory_space<vmem>>
        %dma_start3A_418 = arith.constant 0 : i32
        %dma_start3A_419 = tpu.memref_slice %arg19[%run_scoped3A_412, %dma_start3A_418] : memref<2x128xi32, #tpu.memory_space<vmem>> -> memref<1x128xi32, #tpu.memory_space<vmem>>
        %dma_start3A_420 = tpu.memref_squeeze %dma_start3A_419 : memref<1x128xi32, #tpu.memory_space<vmem>> -> memref<128xi32, #tpu.memory_space<vmem>>
        %dma_start3A_421 = arith.constant 0 : i32
        %dma_start3A_422 = arith.constant 0 : i32
        %dma_start3A_423 = tpu.memref_slice %arg22[%dma_start3A_421, %dma_start3A_422] : memref<10240x128xf32, #tpu.memory_space<vmem_shared>> -> memref<10240x128xf32, #tpu.memory_space<vmem_shared>>
        tpu.enqueue_indirect_dma source(%dma_start3A_417 : memref<128x128xf32, #tpu.memory_space<vmem>>) target(%dma_start3A_423 : memref<10240x128xf32, #tpu.memory_space<vmem_shared>>) offsets(%dma_start3A_420 : memref<128xi32, #tpu.memory_space<vmem>>) semaphore(%run_scoped3A_413 : memref<!tpu.dma_semaphore, #tpu.memory_space<semaphore_mem>>) {add = true}
        %dma_wait3A_424 = arith.constant 0 : i32
        %dma_wait3A_425 = arith.constant 0 : i32
        %dma_wait3A_426 = tpu.memref_slice %arg20[%run_scoped3A_411, %dma_wait3A_424, %dma_wait3A_425] : memref<2x128x128xf32, #tpu.memory_space<vmem>> -> memref<1x128x128xf32, #tpu.memory_space<vmem>>
        %dma_wait3A_427 = tpu.memref_squeeze %dma_wait3A_426 : memref<1x128x128xf32, #tpu.memory_space<vmem>> -> memref<128x128xf32, #tpu.memory_space<vmem>>
        %dma_wait3A_428 = arith.constant 0 : i32
        %dma_wait3A_429 = tpu.memref_slice %arg19[%run_scoped3A_412, %dma_wait3A_428] : memref<2x128xi32, #tpu.memory_space<vmem>> -> memref<1x128xi32, #tpu.memory_space<vmem>>
        %dma_wait3A_430 = tpu.memref_squeeze %dma_wait3A_429 : memref<1x128xi32, #tpu.memory_space<vmem>> -> memref<128xi32, #tpu.memory_space<vmem>>
        %dma_wait3A_431 = arith.constant 0 : i32
        %dma_wait3A_432 = arith.constant 0 : i32
        %dma_wait3A_433 = tpu.memref_slice %arg22[%dma_wait3A_431, %dma_wait3A_432] : memref<10240x128xf32, #tpu.memory_space<vmem_shared>> -> memref<10240x128xf32, #tpu.memory_space<vmem_shared>>
        tpu.wait_indirect_dma semaphore(%run_scoped3A_413 : memref<!tpu.dma_semaphore, #tpu.memory_space<semaphore_mem>>) src(%dma_wait3A_427 : memref<128x128xf32, #tpu.memory_space<vmem>>) dst(%dma_wait3A_433 : memref<10240x128xf32, #tpu.memory_space<vmem_shared>>)
        tpu.yield
      }) : () -> ()
    } else {
    }
    %barrier3A_189 = arith.constant 0 : index
    tpu.barrier barrier_id(%barrier3A_189)
    %eq3A_190 = arith.constant 0 : i32
    %eq3A_191 = arith.cmpi eq, %arg0, %eq3A_190 : i32
    %convert_element_type3A_192 = arith.extui %eq3A_191 : i1 to i32
    %cond3A_193 = arith.constant 0 : i32
    %cond3A_194 = arith.cmpi ne, %convert_element_type3A_192, %cond3A_193 : i32
    scf.if %cond3A_194 {
      %mul3A_200 = arith.constant 640 : i32
      %mul3A_201 = arith.muli %arg1, %mul3A_200 : i32
      %mul3A_202 = arith.constant 640 : i32
      %mul3A_203 = arith.muli %arg1, %mul3A_202 : i32
      "tpu.region"() ({
        %run_scoped3A_204 = tpu.sem_alloc : memref<!tpu.dma_semaphore, #tpu.memory_space<semaphore_mem>>
        %dma_start3A_205 = arith.constant 0 : i32
        %dma_start3A_206 = tpu.memref_slice %arg16[%mul3A_203, %dma_start3A_205] : memref<10240x128xf32, #tpu.memory_space<hbm>> -> memref<640x128xf32, #tpu.memory_space<hbm>>
        %dma_start3A_207 = arith.constant 0 : i32
        %dma_start3A_208 = tpu.memref_slice %arg22[%mul3A_201, %dma_start3A_207] : memref<10240x128xf32, #tpu.memory_space<vmem_shared>> -> memref<640x128xf32, #tpu.memory_space<vmem_shared>>
        tpu.enqueue_dma source(%dma_start3A_208 : memref<640x128xf32, #tpu.memory_space<vmem_shared>>) target(%dma_start3A_206 : memref<640x128xf32, #tpu.memory_space<hbm>>) target_semaphore(%run_scoped3A_204 : memref<!tpu.dma_semaphore, #tpu.memory_space<semaphore_mem>>)
        %dma_wait3A_209 = arith.constant 0 : i32
        %dma_wait3A_210 = tpu.memref_slice %arg16[%mul3A_203, %dma_wait3A_209] : memref<10240x128xf32, #tpu.memory_space<hbm>> -> memref<640x128xf32, #tpu.memory_space<hbm>>
        %dma_wait3A_211 = arith.constant 0 : i32
        %dma_wait3A_212 = tpu.memref_slice %arg22[%mul3A_201, %dma_wait3A_211] : memref<10240x128xf32, #tpu.memory_space<vmem_shared>> -> memref<640x128xf32, #tpu.memory_space<vmem_shared>>
        tpu.wait_dma2 semaphore(%run_scoped3A_204 : memref<!tpu.dma_semaphore, #tpu.memory_space<semaphore_mem>>) src(%dma_wait3A_212 : memref<640x128xf32, #tpu.memory_space<vmem_shared>>) dst(%dma_wait3A_210 : memref<640x128xf32, #tpu.memory_space<hbm>>)
        tpu.yield
      }) : () -> ()
    } else {
    }
    %eq3A_195 = arith.constant 1 : i32
    %eq3A_196 = arith.cmpi eq, %arg0, %eq3A_195 : i32
    %convert_element_type3A_197 = arith.extui %eq3A_196 : i1 to i32
    %cond3A_198 = arith.constant 0 : i32
    %cond3A_199 = arith.cmpi ne, %convert_element_type3A_197, %cond3A_198 : i32
    scf.if %cond3A_199 {
      %mul3A_200 = arith.constant 640 : i32
      %mul3A_201 = arith.muli %arg1, %mul3A_200 : i32
      %mul3A_202 = arith.constant 640 : i32
      %mul3A_203 = arith.muli %arg1, %mul3A_202 : i32
      "tpu.region"() ({
        %run_scoped3A_204 = tpu.sem_alloc : memref<!tpu.dma_semaphore, #tpu.memory_space<semaphore_mem>>
        %dma_start3A_205 = arith.constant 0 : i32
        %dma_start3A_206 = tpu.memref_slice %arg17[%mul3A_203, %dma_start3A_205] : memref<10240x128xf32, #tpu.memory_space<hbm>> -> memref<640x128xf32, #tpu.memory_space<hbm>>
        %dma_start3A_207 = arith.constant 0 : i32
        %dma_start3A_208 = tpu.memref_slice %arg22[%mul3A_201, %dma_start3A_207] : memref<10240x128xf32, #tpu.memory_space<vmem_shared>> -> memref<640x128xf32, #tpu.memory_space<vmem_shared>>
        tpu.enqueue_dma source(%dma_start3A_208 : memref<640x128xf32, #tpu.memory_space<vmem_shared>>) target(%dma_start3A_206 : memref<640x128xf32, #tpu.memory_space<hbm>>) target_semaphore(%run_scoped3A_204 : memref<!tpu.dma_semaphore, #tpu.memory_space<semaphore_mem>>)
        %dma_wait3A_209 = arith.constant 0 : i32
        %dma_wait3A_210 = tpu.memref_slice %arg17[%mul3A_203, %dma_wait3A_209] : memref<10240x128xf32, #tpu.memory_space<hbm>> -> memref<640x128xf32, #tpu.memory_space<hbm>>
        %dma_wait3A_211 = arith.constant 0 : i32
        %dma_wait3A_212 = tpu.memref_slice %arg22[%mul3A_201, %dma_wait3A_211] : memref<10240x128xf32, #tpu.memory_space<vmem_shared>> -> memref<640x128xf32, #tpu.memory_space<vmem_shared>>
        tpu.wait_dma2 semaphore(%run_scoped3A_204 : memref<!tpu.dma_semaphore, #tpu.memory_space<semaphore_mem>>) src(%dma_wait3A_212 : memref<640x128xf32, #tpu.memory_space<vmem_shared>>) dst(%dma_wait3A_210 : memref<640x128xf32, #tpu.memory_space<hbm>>)
        tpu.yield
      }) : () -> ()
    } else {
    }
    return
  }
}

module attributes {stable_mosaic.version = 14 : i64} {
  func.func @_tc_body(%arg0: i32, %arg1: memref<400x128xf32, #tpu.memory_space<vmem>>, %arg2: memref<400x128xf32, #tpu.memory_space<vmem>>, %arg3: memref<400x128xf32, #tpu.memory_space<vmem>>, %arg4: memref<400x128xf32, #tpu.memory_space<vmem>>, %arg5: memref<400x128xf32, #tpu.memory_space<vmem>>, %arg6: memref<400x128xf32, #tpu.memory_space<vmem>>, %arg7: memref<128x512xf32, #tpu.memory_space<vmem>>, %arg8: memref<1x512xf32, #tpu.memory_space<vmem>>, %arg9: memref<512x256xf32, #tpu.memory_space<vmem>>, %arg10: memref<1x256xf32, #tpu.memory_space<vmem>>, %arg11: memref<256x128xf32, #tpu.memory_space<vmem>>, %arg12: memref<1x128xf32, #tpu.memory_space<vmem>>, %arg13: memref<128x512xf32, #tpu.memory_space<vmem>>, %arg14: memref<1x512xf32, #tpu.memory_space<vmem>>, %arg15: memref<512x256xf32, #tpu.memory_space<vmem>>, %arg16: memref<1x256xf32, #tpu.memory_space<vmem>>, %arg17: memref<256x128xf32, #tpu.memory_space<vmem>>, %arg18: memref<1x128xf32, #tpu.memory_space<vmem>>, %arg19: memref<64x512xf32, #tpu.memory_space<vmem>>, %arg20: memref<1x512xf32, #tpu.memory_space<vmem>>, %arg21: memref<512x256xf32, #tpu.memory_space<vmem>>, %arg22: memref<1x256xf32, #tpu.memory_space<vmem>>, %arg23: memref<256x64xf32, #tpu.memory_space<vmem>>, %arg24: memref<1x64xf32, #tpu.memory_space<vmem>>, %arg25: memref<64x512xf32, #tpu.memory_space<vmem>>, %arg26: memref<1x512xf32, #tpu.memory_space<vmem>>, %arg27: memref<512x256xf32, #tpu.memory_space<vmem>>, %arg28: memref<1x256xf32, #tpu.memory_space<vmem>>, %arg29: memref<256x64xf32, #tpu.memory_space<vmem>>, %arg30: memref<1x64xf32, #tpu.memory_space<vmem>>, %arg31: memref<128x512xf32, #tpu.memory_space<vmem>>, %arg32: memref<1x512xf32, #tpu.memory_space<vmem>>, %arg33: memref<512x256xf32, #tpu.memory_space<vmem>>, %arg34: memref<1x256xf32, #tpu.memory_space<vmem>>, %arg35: memref<256x128xf32, #tpu.memory_space<vmem>>, %arg36: memref<1x128xf32, #tpu.memory_space<vmem>>, %arg37: memref<128x512xf32, #tpu.memory_space<vmem>>, %arg38: memref<1x512xf32, #tpu.memory_space<vmem>>, %arg39: memref<512x256xf32, #tpu.memory_space<vmem>>, %arg40: memref<1x256xf32, #tpu.memory_space<vmem>>, %arg41: memref<256x128xf32, #tpu.memory_space<vmem>>, %arg42: memref<1x128xf32, #tpu.memory_space<vmem>>, %arg43: memref<640x512xf32, #tpu.memory_space<vmem>>, %arg44: memref<1x512xf32, #tpu.memory_space<vmem>>, %arg45: memref<512x256xf32, #tpu.memory_space<vmem>>, %arg46: memref<1x256xf32, #tpu.memory_space<vmem>>, %arg47: memref<256x128xf32, #tpu.memory_space<vmem>>, %arg48: memref<1x128xf32, #tpu.memory_space<vmem>>, %arg49: memref<400x128xf32, #tpu.memory_space<vmem>>) attributes {dimension_semantics = [#tpu.dimension_semantics<arbitrary>], iteration_bounds = array<i64: 25>, scalar_prefetch = 0 : i64, scratch_operands = 0 : i64, tpu.core_type = #tpu.core_type<tc>, window_params = [{transform_indices = @transform_0, window_bounds = array<i64: 400, 128>}, {transform_indices = @transform_1, window_bounds = array<i64: 400, 128>}, {transform_indices = @transform_2, window_bounds = array<i64: 400, 128>}, {transform_indices = @transform_3, window_bounds = array<i64: 400, 128>}, {transform_indices = @transform_4, window_bounds = array<i64: 400, 128>}, {transform_indices = @transform_5, window_bounds = array<i64: 400, 128>}, {pipeline_mode = #tpu.pipeline_mode<synchronous>, transform_indices = @transform_6, window_bounds = array<i64: 128, 512>}, {pipeline_mode = #tpu.pipeline_mode<synchronous>, transform_indices = @transform_7, window_bounds = array<i64: 1, 512>}, {pipeline_mode = #tpu.pipeline_mode<synchronous>, transform_indices = @transform_8, window_bounds = array<i64: 512, 256>}, {pipeline_mode = #tpu.pipeline_mode<synchronous>, transform_indices = @transform_9, window_bounds = array<i64: 1, 256>}, {pipeline_mode = #tpu.pipeline_mode<synchronous>, transform_indices = @transform_10, window_bounds = array<i64: 256, 128>}, {pipeline_mode = #tpu.pipeline_mode<synchronous>, transform_indices = @transform_11, window_bounds = array<i64: 1, 128>}, {pipeline_mode = #tpu.pipeline_mode<synchronous>, transform_indices = @transform_12, window_bounds = array<i64: 128, 512>}, {pipeline_mode = #tpu.pipeline_mode<synchronous>, transform_indices = @transform_13, window_bounds = array<i64: 1, 512>}, {pipeline_mode = #tpu.pipeline_mode<synchronous>, transform_indices = @transform_14, window_bounds = array<i64: 512, 256>}, {pipeline_mode = #tpu.pipeline_mode<synchronous>, transform_indices = @transform_15, window_bounds = array<i64: 1, 256>}, {pipeline_mode = #tpu.pipeline_mode<synchronous>, transform_indices = @transform_16, window_bounds = array<i64: 256, 128>}, {pipeline_mode = #tpu.pipeline_mode<synchronous>, transform_indices = @transform_17, window_bounds = array<i64: 1, 128>}, {pipeline_mode = #tpu.pipeline_mode<synchronous>, transform_indices = @transform_18, window_bounds = array<i64: 64, 512>}, {pipeline_mode = #tpu.pipeline_mode<synchronous>, transform_indices = @transform_19, window_bounds = array<i64: 1, 512>}, {pipeline_mode = #tpu.pipeline_mode<synchronous>, transform_indices = @transform_20, window_bounds = array<i64: 512, 256>}, {pipeline_mode = #tpu.pipeline_mode<synchronous>, transform_indices = @transform_21, window_bounds = array<i64: 1, 256>}, {pipeline_mode = #tpu.pipeline_mode<synchronous>, transform_indices = @transform_22, window_bounds = array<i64: 256, 64>}, {pipeline_mode = #tpu.pipeline_mode<synchronous>, transform_indices = @transform_23, window_bounds = array<i64: 1, 64>}, {pipeline_mode = #tpu.pipeline_mode<synchronous>, transform_indices = @transform_24, window_bounds = array<i64: 64, 512>}, {pipeline_mode = #tpu.pipeline_mode<synchronous>, transform_indices = @transform_25, window_bounds = array<i64: 1, 512>}, {pipeline_mode = #tpu.pipeline_mode<synchronous>, transform_indices = @transform_26, window_bounds = array<i64: 512, 256>}, {pipeline_mode = #tpu.pipeline_mode<synchronous>, transform_indices = @transform_27, window_bounds = array<i64: 1, 256>}, {pipeline_mode = #tpu.pipeline_mode<synchronous>, transform_indices = @transform_28, window_bounds = array<i64: 256, 64>}, {pipeline_mode = #tpu.pipeline_mode<synchronous>, transform_indices = @transform_29, window_bounds = array<i64: 1, 64>}, {pipeline_mode = #tpu.pipeline_mode<synchronous>, transform_indices = @transform_30, window_bounds = array<i64: 128, 512>}, {pipeline_mode = #tpu.pipeline_mode<synchronous>, transform_indices = @transform_31, window_bounds = array<i64: 1, 512>}, {pipeline_mode = #tpu.pipeline_mode<synchronous>, transform_indices = @transform_32, window_bounds = array<i64: 512, 256>}, {pipeline_mode = #tpu.pipeline_mode<synchronous>, transform_indices = @transform_33, window_bounds = array<i64: 1, 256>}, {pipeline_mode = #tpu.pipeline_mode<synchronous>, transform_indices = @transform_34, window_bounds = array<i64: 256, 128>}, {pipeline_mode = #tpu.pipeline_mode<synchronous>, transform_indices = @transform_35, window_bounds = array<i64: 1, 128>}, {pipeline_mode = #tpu.pipeline_mode<synchronous>, transform_indices = @transform_36, window_bounds = array<i64: 128, 512>}, {pipeline_mode = #tpu.pipeline_mode<synchronous>, transform_indices = @transform_37, window_bounds = array<i64: 1, 512>}, {pipeline_mode = #tpu.pipeline_mode<synchronous>, transform_indices = @transform_38, window_bounds = array<i64: 512, 256>}, {pipeline_mode = #tpu.pipeline_mode<synchronous>, transform_indices = @transform_39, window_bounds = array<i64: 1, 256>}, {pipeline_mode = #tpu.pipeline_mode<synchronous>, transform_indices = @transform_40, window_bounds = array<i64: 256, 128>}, {pipeline_mode = #tpu.pipeline_mode<synchronous>, transform_indices = @transform_41, window_bounds = array<i64: 1, 128>}, {pipeline_mode = #tpu.pipeline_mode<synchronous>, transform_indices = @transform_42, window_bounds = array<i64: 640, 512>}, {pipeline_mode = #tpu.pipeline_mode<synchronous>, transform_indices = @transform_43, window_bounds = array<i64: 1, 512>}, {pipeline_mode = #tpu.pipeline_mode<synchronous>, transform_indices = @transform_44, window_bounds = array<i64: 512, 256>}, {pipeline_mode = #tpu.pipeline_mode<synchronous>, transform_indices = @transform_45, window_bounds = array<i64: 1, 256>}, {pipeline_mode = #tpu.pipeline_mode<synchronous>, transform_indices = @transform_46, window_bounds = array<i64: 256, 128>}, {pipeline_mode = #tpu.pipeline_mode<synchronous>, transform_indices = @transform_47, window_bounds = array<i64: 1, 128>}, {transform_indices = @transform_48, window_bounds = array<i64: 400, 128>}]} {
    %get3A = arith.constant 0 : index
    %get3A_0 = arith.constant 0 : index
    %get3A_1 = vector.load %arg3[%get3A, %get3A_0] : memref<400x128xf32, #tpu.memory_space<vmem>>, vector<400x128xf32>
    %get3A_2 = arith.constant 0 : index
    %get3A_3 = arith.constant 0 : index
    %get3A_4 = vector.load %arg7[%get3A_2, %get3A_3] : memref<128x512xf32, #tpu.memory_space<vmem>>, vector<128x512xf32>
    %dot_general3A = arith.constant dense<0.000000e+00> : vector<400x512xf32>
    %dot_general3A_5 = tpu.matmul %get3A_1, %get3A_4, %dot_general3A {dimension_numbers = #tpu.dot_dimension_numbers<[1], [0], [0], [1], [0, 0, 1, 1], [], []>, transpose_lhs_hint = false} : vector<400x128xf32>, vector<128x512xf32>, vector<400x512xf32> -> vector<400x512xf32>
    %get3A_6 = arith.constant 0 : index
    %get3A_7 = arith.constant 0 : index
    %get3A_8 = vector.load %arg8[%get3A_6, %get3A_7] : memref<1x512xf32, #tpu.memory_space<vmem>>, vector<1x512xf32>
    %add3A = vector.broadcast %get3A_8 : vector<1x512xf32> to vector<400x512xf32>
    %add3A_9 = arith.addf %dot_general3A_5, %add3A : vector<400x512xf32>
    %gt3A = arith.constant 0.000000e+00 : f32
    %gt3A_10 = vector.broadcast %gt3A : f32 to vector<400x512xf32>
    %gt3A_11 = arith.cmpf ogt, %add3A_9, %gt3A_10 : vector<400x512xf32>
    %exp3A = math.exp %add3A_9 : vector<400x512xf32>
    %sub3A = arith.constant 1.000000e+00 : f32
    %sub3A_12 = vector.broadcast %sub3A : f32 to vector<400x512xf32>
    %sub3A_13 = arith.subf %exp3A, %sub3A_12 : vector<400x512xf32>
    %select_n3A = arith.select %gt3A_11, %add3A_9, %sub3A_13 : vector<400x512xi1>, vector<400x512xf32>
    %get3A_14 = arith.constant 0 : index
    %get3A_15 = arith.constant 0 : index
    %get3A_16 = vector.load %arg9[%get3A_14, %get3A_15] : memref<512x256xf32, #tpu.memory_space<vmem>>, vector<512x256xf32>
    %dot_general3A_17 = arith.constant dense<0.000000e+00> : vector<400x256xf32>
    %dot_general3A_18 = tpu.matmul %select_n3A, %get3A_16, %dot_general3A_17 {dimension_numbers = #tpu.dot_dimension_numbers<[1], [0], [0], [1], [0, 0, 1, 1], [], []>, transpose_lhs_hint = false} : vector<400x512xf32>, vector<512x256xf32>, vector<400x256xf32> -> vector<400x256xf32>
    %get3A_19 = arith.constant 0 : index
    %get3A_20 = arith.constant 0 : index
    %get3A_21 = vector.load %arg10[%get3A_19, %get3A_20] : memref<1x256xf32, #tpu.memory_space<vmem>>, vector<1x256xf32>
    %add3A_22 = vector.broadcast %get3A_21 : vector<1x256xf32> to vector<400x256xf32>
    %add3A_23 = arith.addf %dot_general3A_18, %add3A_22 : vector<400x256xf32>
    %gt3A_24 = arith.constant 0.000000e+00 : f32
    %gt3A_25 = vector.broadcast %gt3A_24 : f32 to vector<400x256xf32>
    %gt3A_26 = arith.cmpf ogt, %add3A_23, %gt3A_25 : vector<400x256xf32>
    %exp3A_27 = math.exp %add3A_23 : vector<400x256xf32>
    %sub3A_28 = arith.constant 1.000000e+00 : f32
    %sub3A_29 = vector.broadcast %sub3A_28 : f32 to vector<400x256xf32>
    %sub3A_30 = arith.subf %exp3A_27, %sub3A_29 : vector<400x256xf32>
    %select_n3A_31 = arith.select %gt3A_26, %add3A_23, %sub3A_30 : vector<400x256xi1>, vector<400x256xf32>
    %get3A_32 = arith.constant 0 : index
    %get3A_33 = arith.constant 0 : index
    %get3A_34 = vector.load %arg11[%get3A_32, %get3A_33] : memref<256x128xf32, #tpu.memory_space<vmem>>, vector<256x128xf32>
    %dot_general3A_35 = arith.constant dense<0.000000e+00> : vector<400x128xf32>
    %dot_general3A_36 = tpu.matmul %select_n3A_31, %get3A_34, %dot_general3A_35 {dimension_numbers = #tpu.dot_dimension_numbers<[1], [0], [0], [1], [0, 0, 1, 1], [], []>, transpose_lhs_hint = false} : vector<400x256xf32>, vector<256x128xf32>, vector<400x128xf32> -> vector<400x128xf32>
    %get3A_37 = arith.constant 0 : index
    %get3A_38 = arith.constant 0 : index
    %get3A_39 = vector.load %arg12[%get3A_37, %get3A_38] : memref<1x128xf32, #tpu.memory_space<vmem>>, vector<1x128xf32>
    %add3A_40 = vector.broadcast %get3A_39 : vector<1x128xf32> to vector<400x128xf32>
    %add3A_41 = arith.addf %dot_general3A_36, %add3A_40 : vector<400x128xf32>
    %get3A_42 = arith.constant 0 : index
    %get3A_43 = arith.constant 0 : index
    %get3A_44 = vector.load %arg4[%get3A_42, %get3A_43] : memref<400x128xf32, #tpu.memory_space<vmem>>, vector<400x128xf32>
    %get3A_45 = arith.constant 0 : index
    %get3A_46 = arith.constant 0 : index
    %get3A_47 = vector.load %arg13[%get3A_45, %get3A_46] : memref<128x512xf32, #tpu.memory_space<vmem>>, vector<128x512xf32>
    %dot_general3A_48 = arith.constant dense<0.000000e+00> : vector<400x512xf32>
    %dot_general3A_49 = tpu.matmul %get3A_44, %get3A_47, %dot_general3A_48 {dimension_numbers = #tpu.dot_dimension_numbers<[1], [0], [0], [1], [0, 0, 1, 1], [], []>, transpose_lhs_hint = false} : vector<400x128xf32>, vector<128x512xf32>, vector<400x512xf32> -> vector<400x512xf32>
    %get3A_50 = arith.constant 0 : index
    %get3A_51 = arith.constant 0 : index
    %get3A_52 = vector.load %arg14[%get3A_50, %get3A_51] : memref<1x512xf32, #tpu.memory_space<vmem>>, vector<1x512xf32>
    %add3A_53 = vector.broadcast %get3A_52 : vector<1x512xf32> to vector<400x512xf32>
    %add3A_54 = arith.addf %dot_general3A_49, %add3A_53 : vector<400x512xf32>
    %gt3A_55 = arith.constant 0.000000e+00 : f32
    %gt3A_56 = vector.broadcast %gt3A_55 : f32 to vector<400x512xf32>
    %gt3A_57 = arith.cmpf ogt, %add3A_54, %gt3A_56 : vector<400x512xf32>
    %exp3A_58 = math.exp %add3A_54 : vector<400x512xf32>
    %sub3A_59 = arith.constant 1.000000e+00 : f32
    %sub3A_60 = vector.broadcast %sub3A_59 : f32 to vector<400x512xf32>
    %sub3A_61 = arith.subf %exp3A_58, %sub3A_60 : vector<400x512xf32>
    %select_n3A_62 = arith.select %gt3A_57, %add3A_54, %sub3A_61 : vector<400x512xi1>, vector<400x512xf32>
    %get3A_63 = arith.constant 0 : index
    %get3A_64 = arith.constant 0 : index
    %get3A_65 = vector.load %arg15[%get3A_63, %get3A_64] : memref<512x256xf32, #tpu.memory_space<vmem>>, vector<512x256xf32>
    %dot_general3A_66 = arith.constant dense<0.000000e+00> : vector<400x256xf32>
    %dot_general3A_67 = tpu.matmul %select_n3A_62, %get3A_65, %dot_general3A_66 {dimension_numbers = #tpu.dot_dimension_numbers<[1], [0], [0], [1], [0, 0, 1, 1], [], []>, transpose_lhs_hint = false} : vector<400x512xf32>, vector<512x256xf32>, vector<400x256xf32> -> vector<400x256xf32>
    %get3A_68 = arith.constant 0 : index
    %get3A_69 = arith.constant 0 : index
    %get3A_70 = vector.load %arg16[%get3A_68, %get3A_69] : memref<1x256xf32, #tpu.memory_space<vmem>>, vector<1x256xf32>
    %add3A_71 = vector.broadcast %get3A_70 : vector<1x256xf32> to vector<400x256xf32>
    %add3A_72 = arith.addf %dot_general3A_67, %add3A_71 : vector<400x256xf32>
    %gt3A_73 = arith.constant 0.000000e+00 : f32
    %gt3A_74 = vector.broadcast %gt3A_73 : f32 to vector<400x256xf32>
    %gt3A_75 = arith.cmpf ogt, %add3A_72, %gt3A_74 : vector<400x256xf32>
    %exp3A_76 = math.exp %add3A_72 : vector<400x256xf32>
    %sub3A_77 = arith.constant 1.000000e+00 : f32
    %sub3A_78 = vector.broadcast %sub3A_77 : f32 to vector<400x256xf32>
    %sub3A_79 = arith.subf %exp3A_76, %sub3A_78 : vector<400x256xf32>
    %select_n3A_80 = arith.select %gt3A_75, %add3A_72, %sub3A_79 : vector<400x256xi1>, vector<400x256xf32>
    %get3A_81 = arith.constant 0 : index
    %get3A_82 = arith.constant 0 : index
    %get3A_83 = vector.load %arg17[%get3A_81, %get3A_82] : memref<256x128xf32, #tpu.memory_space<vmem>>, vector<256x128xf32>
    %dot_general3A_84 = arith.constant dense<0.000000e+00> : vector<400x128xf32>
    %dot_general3A_85 = tpu.matmul %select_n3A_80, %get3A_83, %dot_general3A_84 {dimension_numbers = #tpu.dot_dimension_numbers<[1], [0], [0], [1], [0, 0, 1, 1], [], []>, transpose_lhs_hint = false} : vector<400x256xf32>, vector<256x128xf32>, vector<400x128xf32> -> vector<400x128xf32>
    %get3A_86 = arith.constant 0 : index
    %get3A_87 = arith.constant 0 : index
    %get3A_88 = vector.load %arg18[%get3A_86, %get3A_87] : memref<1x128xf32, #tpu.memory_space<vmem>>, vector<1x128xf32>
    %add3A_89 = vector.broadcast %get3A_88 : vector<1x128xf32> to vector<400x128xf32>
    %add3A_90 = arith.addf %dot_general3A_85, %add3A_89 : vector<400x128xf32>
    %get3A_91 = arith.constant 0 : index
    %get3A_92 = arith.constant 0 : index
    %get3A_93 = vector.load %arg5[%get3A_91, %get3A_92] : memref<400x128xf32, #tpu.memory_space<vmem>>, vector<400x64xf32>
    %get3A_94 = arith.constant 0 : index
    %get3A_95 = arith.constant 0 : index
    %get3A_96 = vector.load %arg19[%get3A_94, %get3A_95] : memref<64x512xf32, #tpu.memory_space<vmem>>, vector<64x512xf32>
    %dot_general3A_97 = arith.constant dense<0.000000e+00> : vector<400x512xf32>
    %dot_general3A_98 = tpu.matmul %get3A_93, %get3A_96, %dot_general3A_97 {dimension_numbers = #tpu.dot_dimension_numbers<[1], [0], [0], [1], [0, 0, 1, 1], [], []>, transpose_lhs_hint = false} : vector<400x64xf32>, vector<64x512xf32>, vector<400x512xf32> -> vector<400x512xf32>
    %get3A_99 = arith.constant 0 : index
    %get3A_100 = arith.constant 0 : index
    %get3A_101 = vector.load %arg20[%get3A_99, %get3A_100] : memref<1x512xf32, #tpu.memory_space<vmem>>, vector<1x512xf32>
    %add3A_102 = vector.broadcast %get3A_101 : vector<1x512xf32> to vector<400x512xf32>
    %add3A_103 = arith.addf %dot_general3A_98, %add3A_102 : vector<400x512xf32>
    %gt3A_104 = arith.constant 0.000000e+00 : f32
    %gt3A_105 = vector.broadcast %gt3A_104 : f32 to vector<400x512xf32>
    %gt3A_106 = arith.cmpf ogt, %add3A_103, %gt3A_105 : vector<400x512xf32>
    %exp3A_107 = math.exp %add3A_103 : vector<400x512xf32>
    %sub3A_108 = arith.constant 1.000000e+00 : f32
    %sub3A_109 = vector.broadcast %sub3A_108 : f32 to vector<400x512xf32>
    %sub3A_110 = arith.subf %exp3A_107, %sub3A_109 : vector<400x512xf32>
    %select_n3A_111 = arith.select %gt3A_106, %add3A_103, %sub3A_110 : vector<400x512xi1>, vector<400x512xf32>
    %get3A_112 = arith.constant 0 : index
    %get3A_113 = arith.constant 0 : index
    %get3A_114 = vector.load %arg21[%get3A_112, %get3A_113] : memref<512x256xf32, #tpu.memory_space<vmem>>, vector<512x256xf32>
    %dot_general3A_115 = arith.constant dense<0.000000e+00> : vector<400x256xf32>
    %dot_general3A_116 = tpu.matmul %select_n3A_111, %get3A_114, %dot_general3A_115 {dimension_numbers = #tpu.dot_dimension_numbers<[1], [0], [0], [1], [0, 0, 1, 1], [], []>, transpose_lhs_hint = false} : vector<400x512xf32>, vector<512x256xf32>, vector<400x256xf32> -> vector<400x256xf32>
    %get3A_117 = arith.constant 0 : index
    %get3A_118 = arith.constant 0 : index
    %get3A_119 = vector.load %arg22[%get3A_117, %get3A_118] : memref<1x256xf32, #tpu.memory_space<vmem>>, vector<1x256xf32>
    %add3A_120 = vector.broadcast %get3A_119 : vector<1x256xf32> to vector<400x256xf32>
    %add3A_121 = arith.addf %dot_general3A_116, %add3A_120 : vector<400x256xf32>
    %gt3A_122 = arith.constant 0.000000e+00 : f32
    %gt3A_123 = vector.broadcast %gt3A_122 : f32 to vector<400x256xf32>
    %gt3A_124 = arith.cmpf ogt, %add3A_121, %gt3A_123 : vector<400x256xf32>
    %exp3A_125 = math.exp %add3A_121 : vector<400x256xf32>
    %sub3A_126 = arith.constant 1.000000e+00 : f32
    %sub3A_127 = vector.broadcast %sub3A_126 : f32 to vector<400x256xf32>
    %sub3A_128 = arith.subf %exp3A_125, %sub3A_127 : vector<400x256xf32>
    %select_n3A_129 = arith.select %gt3A_124, %add3A_121, %sub3A_128 : vector<400x256xi1>, vector<400x256xf32>
    %get3A_130 = arith.constant 0 : index
    %get3A_131 = arith.constant 0 : index
    %get3A_132 = vector.load %arg23[%get3A_130, %get3A_131] : memref<256x64xf32, #tpu.memory_space<vmem>>, vector<256x64xf32>
    %dot_general3A_133 = arith.constant dense<0.000000e+00> : vector<400x64xf32>
    %dot_general3A_134 = tpu.matmul %select_n3A_129, %get3A_132, %dot_general3A_133 {dimension_numbers = #tpu.dot_dimension_numbers<[1], [0], [0], [1], [0, 0, 1, 1], [], []>, transpose_lhs_hint = false} : vector<400x256xf32>, vector<256x64xf32>, vector<400x64xf32> -> vector<400x64xf32>
    %get3A_135 = arith.constant 0 : index
    %get3A_136 = arith.constant 0 : index
    %get3A_137 = vector.load %arg24[%get3A_135, %get3A_136] : memref<1x64xf32, #tpu.memory_space<vmem>>, vector<1x64xf32>
    %add3A_138 = vector.broadcast %get3A_137 : vector<1x64xf32> to vector<400x64xf32>
    %add3A_139 = arith.addf %dot_general3A_134, %add3A_138 : vector<400x64xf32>
    %get3A_140 = arith.constant 0 : index
    %get3A_141 = arith.constant 64 : index
    %get3A_142 = vector.load %arg6[%get3A_140, %get3A_141] : memref<400x128xf32, #tpu.memory_space<vmem>>, vector<400x64xf32>
    %get3A_143 = arith.constant 0 : index
    %get3A_144 = arith.constant 0 : index
    %get3A_145 = vector.load %arg25[%get3A_143, %get3A_144] : memref<64x512xf32, #tpu.memory_space<vmem>>, vector<64x512xf32>
    %dot_general3A_146 = arith.constant dense<0.000000e+00> : vector<400x512xf32>
    %dot_general3A_147 = tpu.matmul %get3A_142, %get3A_145, %dot_general3A_146 {dimension_numbers = #tpu.dot_dimension_numbers<[1], [0], [0], [1], [0, 0, 1, 1], [], []>, transpose_lhs_hint = false} : vector<400x64xf32>, vector<64x512xf32>, vector<400x512xf32> -> vector<400x512xf32>
    %get3A_148 = arith.constant 0 : index
    %get3A_149 = arith.constant 0 : index
    %get3A_150 = vector.load %arg26[%get3A_148, %get3A_149] : memref<1x512xf32, #tpu.memory_space<vmem>>, vector<1x512xf32>
    %add3A_151 = vector.broadcast %get3A_150 : vector<1x512xf32> to vector<400x512xf32>
    %add3A_152 = arith.addf %dot_general3A_147, %add3A_151 : vector<400x512xf32>
    %gt3A_153 = arith.constant 0.000000e+00 : f32
    %gt3A_154 = vector.broadcast %gt3A_153 : f32 to vector<400x512xf32>
    %gt3A_155 = arith.cmpf ogt, %add3A_152, %gt3A_154 : vector<400x512xf32>
    %exp3A_156 = math.exp %add3A_152 : vector<400x512xf32>
    %sub3A_157 = arith.constant 1.000000e+00 : f32
    %sub3A_158 = vector.broadcast %sub3A_157 : f32 to vector<400x512xf32>
    %sub3A_159 = arith.subf %exp3A_156, %sub3A_158 : vector<400x512xf32>
    %select_n3A_160 = arith.select %gt3A_155, %add3A_152, %sub3A_159 : vector<400x512xi1>, vector<400x512xf32>
    %get3A_161 = arith.constant 0 : index
    %get3A_162 = arith.constant 0 : index
    %get3A_163 = vector.load %arg27[%get3A_161, %get3A_162] : memref<512x256xf32, #tpu.memory_space<vmem>>, vector<512x256xf32>
    %dot_general3A_164 = arith.constant dense<0.000000e+00> : vector<400x256xf32>
    %dot_general3A_165 = tpu.matmul %select_n3A_160, %get3A_163, %dot_general3A_164 {dimension_numbers = #tpu.dot_dimension_numbers<[1], [0], [0], [1], [0, 0, 1, 1], [], []>, transpose_lhs_hint = false} : vector<400x512xf32>, vector<512x256xf32>, vector<400x256xf32> -> vector<400x256xf32>
    %get3A_166 = arith.constant 0 : index
    %get3A_167 = arith.constant 0 : index
    %get3A_168 = vector.load %arg28[%get3A_166, %get3A_167] : memref<1x256xf32, #tpu.memory_space<vmem>>, vector<1x256xf32>
    %add3A_169 = vector.broadcast %get3A_168 : vector<1x256xf32> to vector<400x256xf32>
    %add3A_170 = arith.addf %dot_general3A_165, %add3A_169 : vector<400x256xf32>
    %gt3A_171 = arith.constant 0.000000e+00 : f32
    %gt3A_172 = vector.broadcast %gt3A_171 : f32 to vector<400x256xf32>
    %gt3A_173 = arith.cmpf ogt, %add3A_170, %gt3A_172 : vector<400x256xf32>
    %exp3A_174 = math.exp %add3A_170 : vector<400x256xf32>
    %sub3A_175 = arith.constant 1.000000e+00 : f32
    %sub3A_176 = vector.broadcast %sub3A_175 : f32 to vector<400x256xf32>
    %sub3A_177 = arith.subf %exp3A_174, %sub3A_176 : vector<400x256xf32>
    %select_n3A_178 = arith.select %gt3A_173, %add3A_170, %sub3A_177 : vector<400x256xi1>, vector<400x256xf32>
    %get3A_179 = arith.constant 0 : index
    %get3A_180 = arith.constant 0 : index
    %get3A_181 = vector.load %arg29[%get3A_179, %get3A_180] : memref<256x64xf32, #tpu.memory_space<vmem>>, vector<256x64xf32>
    %dot_general3A_182 = arith.constant dense<0.000000e+00> : vector<400x64xf32>
    %dot_general3A_183 = tpu.matmul %select_n3A_178, %get3A_181, %dot_general3A_182 {dimension_numbers = #tpu.dot_dimension_numbers<[1], [0], [0], [1], [0, 0, 1, 1], [], []>, transpose_lhs_hint = false} : vector<400x256xf32>, vector<256x64xf32>, vector<400x64xf32> -> vector<400x64xf32>
    %get3A_184 = arith.constant 0 : index
    %get3A_185 = arith.constant 0 : index
    %get3A_186 = vector.load %arg30[%get3A_184, %get3A_185] : memref<1x64xf32, #tpu.memory_space<vmem>>, vector<1x64xf32>
    %add3A_187 = vector.broadcast %get3A_186 : vector<1x64xf32> to vector<400x64xf32>
    %add3A_188 = arith.addf %dot_general3A_183, %add3A_187 : vector<400x64xf32>
    %get3A_189 = arith.constant 0 : index
    %get3A_190 = arith.constant 0 : index
    %get3A_191 = vector.load %arg2[%get3A_189, %get3A_190] : memref<400x128xf32, #tpu.memory_space<vmem>>, vector<400x128xf32>
    %get3A_192 = arith.constant 0 : index
    %get3A_193 = arith.constant 0 : index
    %get3A_194 = vector.load %arg31[%get3A_192, %get3A_193] : memref<128x512xf32, #tpu.memory_space<vmem>>, vector<128x512xf32>
    %dot_general3A_195 = arith.constant dense<0.000000e+00> : vector<400x512xf32>
    %dot_general3A_196 = tpu.matmul %get3A_191, %get3A_194, %dot_general3A_195 {dimension_numbers = #tpu.dot_dimension_numbers<[1], [0], [0], [1], [0, 0, 1, 1], [], []>, transpose_lhs_hint = false} : vector<400x128xf32>, vector<128x512xf32>, vector<400x512xf32> -> vector<400x512xf32>
    %get3A_197 = arith.constant 0 : index
    %get3A_198 = arith.constant 0 : index
    %get3A_199 = vector.load %arg32[%get3A_197, %get3A_198] : memref<1x512xf32, #tpu.memory_space<vmem>>, vector<1x512xf32>
    %add3A_200 = vector.broadcast %get3A_199 : vector<1x512xf32> to vector<400x512xf32>
    %add3A_201 = arith.addf %dot_general3A_196, %add3A_200 : vector<400x512xf32>
    %gt3A_202 = arith.constant 0.000000e+00 : f32
    %gt3A_203 = vector.broadcast %gt3A_202 : f32 to vector<400x512xf32>
    %gt3A_204 = arith.cmpf ogt, %add3A_201, %gt3A_203 : vector<400x512xf32>
    %exp3A_205 = math.exp %add3A_201 : vector<400x512xf32>
    %sub3A_206 = arith.constant 1.000000e+00 : f32
    %sub3A_207 = vector.broadcast %sub3A_206 : f32 to vector<400x512xf32>
    %sub3A_208 = arith.subf %exp3A_205, %sub3A_207 : vector<400x512xf32>
    %select_n3A_209 = arith.select %gt3A_204, %add3A_201, %sub3A_208 : vector<400x512xi1>, vector<400x512xf32>
    %get3A_210 = arith.constant 0 : index
    %get3A_211 = arith.constant 0 : index
    %get3A_212 = vector.load %arg33[%get3A_210, %get3A_211] : memref<512x256xf32, #tpu.memory_space<vmem>>, vector<512x256xf32>
    %dot_general3A_213 = arith.constant dense<0.000000e+00> : vector<400x256xf32>
    %dot_general3A_214 = tpu.matmul %select_n3A_209, %get3A_212, %dot_general3A_213 {dimension_numbers = #tpu.dot_dimension_numbers<[1], [0], [0], [1], [0, 0, 1, 1], [], []>, transpose_lhs_hint = false} : vector<400x512xf32>, vector<512x256xf32>, vector<400x256xf32> -> vector<400x256xf32>
    %get3A_215 = arith.constant 0 : index
    %get3A_216 = arith.constant 0 : index
    %get3A_217 = vector.load %arg34[%get3A_215, %get3A_216] : memref<1x256xf32, #tpu.memory_space<vmem>>, vector<1x256xf32>
    %add3A_218 = vector.broadcast %get3A_217 : vector<1x256xf32> to vector<400x256xf32>
    %add3A_219 = arith.addf %dot_general3A_214, %add3A_218 : vector<400x256xf32>
    %gt3A_220 = arith.constant 0.000000e+00 : f32
    %gt3A_221 = vector.broadcast %gt3A_220 : f32 to vector<400x256xf32>
    %gt3A_222 = arith.cmpf ogt, %add3A_219, %gt3A_221 : vector<400x256xf32>
    %exp3A_223 = math.exp %add3A_219 : vector<400x256xf32>
    %sub3A_224 = arith.constant 1.000000e+00 : f32
    %sub3A_225 = vector.broadcast %sub3A_224 : f32 to vector<400x256xf32>
    %sub3A_226 = arith.subf %exp3A_223, %sub3A_225 : vector<400x256xf32>
    %select_n3A_227 = arith.select %gt3A_222, %add3A_219, %sub3A_226 : vector<400x256xi1>, vector<400x256xf32>
    %get3A_228 = arith.constant 0 : index
    %get3A_229 = arith.constant 0 : index
    %get3A_230 = vector.load %arg35[%get3A_228, %get3A_229] : memref<256x128xf32, #tpu.memory_space<vmem>>, vector<256x128xf32>
    %dot_general3A_231 = arith.constant dense<0.000000e+00> : vector<400x128xf32>
    %dot_general3A_232 = tpu.matmul %select_n3A_227, %get3A_230, %dot_general3A_231 {dimension_numbers = #tpu.dot_dimension_numbers<[1], [0], [0], [1], [0, 0, 1, 1], [], []>, transpose_lhs_hint = false} : vector<400x256xf32>, vector<256x128xf32>, vector<400x128xf32> -> vector<400x128xf32>
    %get3A_233 = arith.constant 0 : index
    %get3A_234 = arith.constant 0 : index
    %get3A_235 = vector.load %arg36[%get3A_233, %get3A_234] : memref<1x128xf32, #tpu.memory_space<vmem>>, vector<1x128xf32>
    %add3A_236 = vector.broadcast %get3A_235 : vector<1x128xf32> to vector<400x128xf32>
    %add3A_237 = arith.addf %dot_general3A_232, %add3A_236 : vector<400x128xf32>
    %get3A_238 = arith.constant 0 : index
    %get3A_239 = arith.constant 0 : index
    %get3A_240 = vector.load %arg1[%get3A_238, %get3A_239] : memref<400x128xf32, #tpu.memory_space<vmem>>, vector<400x128xf32>
    %get3A_241 = arith.constant 0 : index
    %get3A_242 = arith.constant 0 : index
    %get3A_243 = vector.load %arg37[%get3A_241, %get3A_242] : memref<128x512xf32, #tpu.memory_space<vmem>>, vector<128x512xf32>
    %dot_general3A_244 = arith.constant dense<0.000000e+00> : vector<400x512xf32>
    %dot_general3A_245 = tpu.matmul %get3A_240, %get3A_243, %dot_general3A_244 {dimension_numbers = #tpu.dot_dimension_numbers<[1], [0], [0], [1], [0, 0, 1, 1], [], []>, transpose_lhs_hint = false} : vector<400x128xf32>, vector<128x512xf32>, vector<400x512xf32> -> vector<400x512xf32>
    %get3A_246 = arith.constant 0 : index
    %get3A_247 = arith.constant 0 : index
    %get3A_248 = vector.load %arg38[%get3A_246, %get3A_247] : memref<1x512xf32, #tpu.memory_space<vmem>>, vector<1x512xf32>
    %add3A_249 = vector.broadcast %get3A_248 : vector<1x512xf32> to vector<400x512xf32>
    %add3A_250 = arith.addf %dot_general3A_245, %add3A_249 : vector<400x512xf32>
    %gt3A_251 = arith.constant 0.000000e+00 : f32
    %gt3A_252 = vector.broadcast %gt3A_251 : f32 to vector<400x512xf32>
    %gt3A_253 = arith.cmpf ogt, %add3A_250, %gt3A_252 : vector<400x512xf32>
    %exp3A_254 = math.exp %add3A_250 : vector<400x512xf32>
    %sub3A_255 = arith.constant 1.000000e+00 : f32
    %sub3A_256 = vector.broadcast %sub3A_255 : f32 to vector<400x512xf32>
    %sub3A_257 = arith.subf %exp3A_254, %sub3A_256 : vector<400x512xf32>
    %select_n3A_258 = arith.select %gt3A_253, %add3A_250, %sub3A_257 : vector<400x512xi1>, vector<400x512xf32>
    %get3A_259 = arith.constant 0 : index
    %get3A_260 = arith.constant 0 : index
    %get3A_261 = vector.load %arg39[%get3A_259, %get3A_260] : memref<512x256xf32, #tpu.memory_space<vmem>>, vector<512x256xf32>
    %dot_general3A_262 = arith.constant dense<0.000000e+00> : vector<400x256xf32>
    %dot_general3A_263 = tpu.matmul %select_n3A_258, %get3A_261, %dot_general3A_262 {dimension_numbers = #tpu.dot_dimension_numbers<[1], [0], [0], [1], [0, 0, 1, 1], [], []>, transpose_lhs_hint = false} : vector<400x512xf32>, vector<512x256xf32>, vector<400x256xf32> -> vector<400x256xf32>
    %get3A_264 = arith.constant 0 : index
    %get3A_265 = arith.constant 0 : index
    %get3A_266 = vector.load %arg40[%get3A_264, %get3A_265] : memref<1x256xf32, #tpu.memory_space<vmem>>, vector<1x256xf32>
    %add3A_267 = vector.broadcast %get3A_266 : vector<1x256xf32> to vector<400x256xf32>
    %add3A_268 = arith.addf %dot_general3A_263, %add3A_267 : vector<400x256xf32>
    %gt3A_269 = arith.constant 0.000000e+00 : f32
    %gt3A_270 = vector.broadcast %gt3A_269 : f32 to vector<400x256xf32>
    %gt3A_271 = arith.cmpf ogt, %add3A_268, %gt3A_270 : vector<400x256xf32>
    %exp3A_272 = math.exp %add3A_268 : vector<400x256xf32>
    %sub3A_273 = arith.constant 1.000000e+00 : f32
    %sub3A_274 = vector.broadcast %sub3A_273 : f32 to vector<400x256xf32>
    %sub3A_275 = arith.subf %exp3A_272, %sub3A_274 : vector<400x256xf32>
    %select_n3A_276 = arith.select %gt3A_271, %add3A_268, %sub3A_275 : vector<400x256xi1>, vector<400x256xf32>
    %get3A_277 = arith.constant 0 : index
    %get3A_278 = arith.constant 0 : index
    %get3A_279 = vector.load %arg41[%get3A_277, %get3A_278] : memref<256x128xf32, #tpu.memory_space<vmem>>, vector<256x128xf32>
    %dot_general3A_280 = arith.constant dense<0.000000e+00> : vector<400x128xf32>
    %dot_general3A_281 = tpu.matmul %select_n3A_276, %get3A_279, %dot_general3A_280 {dimension_numbers = #tpu.dot_dimension_numbers<[1], [0], [0], [1], [0, 0, 1, 1], [], []>, transpose_lhs_hint = false} : vector<400x256xf32>, vector<256x128xf32>, vector<400x128xf32> -> vector<400x128xf32>
    %get3A_282 = arith.constant 0 : index
    %get3A_283 = arith.constant 0 : index
    %get3A_284 = vector.load %arg42[%get3A_282, %get3A_283] : memref<1x128xf32, #tpu.memory_space<vmem>>, vector<1x128xf32>
    %add3A_285 = vector.broadcast %get3A_284 : vector<1x128xf32> to vector<400x128xf32>
    %add3A_286 = arith.addf %dot_general3A_281, %add3A_285 : vector<400x128xf32>
    %concatenate3A = tpu.concatenate %add3A_41, %add3A_90, %add3A_139, %add3A_188, %add3A_237, %add3A_286 in 1 : vector<400x128xf32>, vector<400x128xf32>, vector<400x64xf32>, vector<400x64xf32>, vector<400x128xf32>, vector<400x128xf32> -> vector<400x640xf32>
    %get3A_287 = arith.constant 0 : index
    %get3A_288 = arith.constant 0 : index
    %get3A_289 = vector.load %arg43[%get3A_287, %get3A_288] : memref<640x512xf32, #tpu.memory_space<vmem>>, vector<640x512xf32>
    %dot_general3A_290 = arith.constant dense<0.000000e+00> : vector<400x512xf32>
    %dot_general3A_291 = tpu.matmul %concatenate3A, %get3A_289, %dot_general3A_290 {dimension_numbers = #tpu.dot_dimension_numbers<[1], [0], [0], [1], [0, 0, 1, 1], [], []>, transpose_lhs_hint = false} : vector<400x640xf32>, vector<640x512xf32>, vector<400x512xf32> -> vector<400x512xf32>
    %get3A_292 = arith.constant 0 : index
    %get3A_293 = arith.constant 0 : index
    %get3A_294 = vector.load %arg44[%get3A_292, %get3A_293] : memref<1x512xf32, #tpu.memory_space<vmem>>, vector<1x512xf32>
    %add3A_295 = vector.broadcast %get3A_294 : vector<1x512xf32> to vector<400x512xf32>
    %add3A_296 = arith.addf %dot_general3A_291, %add3A_295 : vector<400x512xf32>
    %gt3A_297 = arith.constant 0.000000e+00 : f32
    %gt3A_298 = vector.broadcast %gt3A_297 : f32 to vector<400x512xf32>
    %gt3A_299 = arith.cmpf ogt, %add3A_296, %gt3A_298 : vector<400x512xf32>
    %exp3A_300 = math.exp %add3A_296 : vector<400x512xf32>
    %sub3A_301 = arith.constant 1.000000e+00 : f32
    %sub3A_302 = vector.broadcast %sub3A_301 : f32 to vector<400x512xf32>
    %sub3A_303 = arith.subf %exp3A_300, %sub3A_302 : vector<400x512xf32>
    %select_n3A_304 = arith.select %gt3A_299, %add3A_296, %sub3A_303 : vector<400x512xi1>, vector<400x512xf32>
    %get3A_305 = arith.constant 0 : index
    %get3A_306 = arith.constant 0 : index
    %get3A_307 = vector.load %arg45[%get3A_305, %get3A_306] : memref<512x256xf32, #tpu.memory_space<vmem>>, vector<512x256xf32>
    %dot_general3A_308 = arith.constant dense<0.000000e+00> : vector<400x256xf32>
    %dot_general3A_309 = tpu.matmul %select_n3A_304, %get3A_307, %dot_general3A_308 {dimension_numbers = #tpu.dot_dimension_numbers<[1], [0], [0], [1], [0, 0, 1, 1], [], []>, transpose_lhs_hint = false} : vector<400x512xf32>, vector<512x256xf32>, vector<400x256xf32> -> vector<400x256xf32>
    %get3A_310 = arith.constant 0 : index
    %get3A_311 = arith.constant 0 : index
    %get3A_312 = vector.load %arg46[%get3A_310, %get3A_311] : memref<1x256xf32, #tpu.memory_space<vmem>>, vector<1x256xf32>
    %add3A_313 = vector.broadcast %get3A_312 : vector<1x256xf32> to vector<400x256xf32>
    %add3A_314 = arith.addf %dot_general3A_309, %add3A_313 : vector<400x256xf32>
    %gt3A_315 = arith.constant 0.000000e+00 : f32
    %gt3A_316 = vector.broadcast %gt3A_315 : f32 to vector<400x256xf32>
    %gt3A_317 = arith.cmpf ogt, %add3A_314, %gt3A_316 : vector<400x256xf32>
    %exp3A_318 = math.exp %add3A_314 : vector<400x256xf32>
    %sub3A_319 = arith.constant 1.000000e+00 : f32
    %sub3A_320 = vector.broadcast %sub3A_319 : f32 to vector<400x256xf32>
    %sub3A_321 = arith.subf %exp3A_318, %sub3A_320 : vector<400x256xf32>
    %select_n3A_322 = arith.select %gt3A_317, %add3A_314, %sub3A_321 : vector<400x256xi1>, vector<400x256xf32>
    %get3A_323 = arith.constant 0 : index
    %get3A_324 = arith.constant 0 : index
    %get3A_325 = vector.load %arg47[%get3A_323, %get3A_324] : memref<256x128xf32, #tpu.memory_space<vmem>>, vector<256x128xf32>
    %dot_general3A_326 = arith.constant dense<0.000000e+00> : vector<400x128xf32>
    %dot_general3A_327 = tpu.matmul %select_n3A_322, %get3A_325, %dot_general3A_326 {dimension_numbers = #tpu.dot_dimension_numbers<[1], [0], [0], [1], [0, 0, 1, 1], [], []>, transpose_lhs_hint = false} : vector<400x256xf32>, vector<256x128xf32>, vector<400x128xf32> -> vector<400x128xf32>
    %get3A_328 = arith.constant 0 : index
    %get3A_329 = arith.constant 0 : index
    %get3A_330 = vector.load %arg48[%get3A_328, %get3A_329] : memref<1x128xf32, #tpu.memory_space<vmem>>, vector<1x128xf32>
    %add3A_331 = vector.broadcast %get3A_330 : vector<1x128xf32> to vector<400x128xf32>
    %add3A_332 = arith.addf %dot_general3A_327, %add3A_331 : vector<400x128xf32>
    %swap3A = arith.constant 0 : index
    %swap3A_333 = arith.constant 0 : index
    %swap3A_334 = vector.load %arg49[%swap3A, %swap3A_333] : memref<400x128xf32, #tpu.memory_space<vmem>>, vector<400x128xf32>
    tpu.vector_store %arg49[%swap3A, %swap3A_333], %add3A_332 {strides = array<i32>} : memref<400x128xf32, #tpu.memory_space<vmem>>, vector<400x128xf32>,
    return
  }
  func.func @transform_0(%arg0: i32) -> (i32, i32) {
    %c0_i32 = arith.constant 0 : i32
    %c0_i32_0 = arith.constant 0 : i32
    return %arg0, %c0_i32 : i32, i32
  }
  func.func @transform_1(%arg0: i32) -> (i32, i32) {
    %c0_i32 = arith.constant 0 : i32
    %c0_i32_0 = arith.constant 0 : i32
    return %arg0, %c0_i32 : i32, i32
  }
  func.func @transform_2(%arg0: i32) -> (i32, i32) {
    %c0_i32 = arith.constant 0 : i32
    %c0_i32_0 = arith.constant 0 : i32
    return %arg0, %c0_i32 : i32, i32
  }
  func.func @transform_3(%arg0: i32) -> (i32, i32) {
    %c0_i32 = arith.constant 0 : i32
    %c0_i32_0 = arith.constant 0 : i32
    return %arg0, %c0_i32 : i32, i32
  }
  func.func @transform_4(%arg0: i32) -> (i32, i32) {
    %c0_i32 = arith.constant 0 : i32
    %c0_i32_0 = arith.constant 0 : i32
    return %arg0, %c0_i32 : i32, i32
  }
  func.func @transform_5(%arg0: i32) -> (i32, i32) {
    %c0_i32 = arith.constant 0 : i32
    %c0_i32_0 = arith.constant 0 : i32
    return %arg0, %c0_i32 : i32, i32
  }
  func.func @transform_6(%arg0: i32) -> (i32, i32) {
    %c0_i32 = arith.constant 0 : i32
    %c0_i32_0 = arith.constant 0 : i32
    %c0_i32_1 = arith.constant 0 : i32
    return %c0_i32, %c0_i32_0 : i32, i32
  }
  func.func @transform_7(%arg0: i32) -> (i32, i32) {
    %c0_i32 = arith.constant 0 : i32
    %c0_i32_0 = arith.constant 0 : i32
    %c0_i32_1 = arith.constant 0 : i32
    return %c0_i32, %c0_i32_0 : i32, i32
  }
  func.func @transform_8(%arg0: i32) -> (i32, i32) {
    %c0_i32 = arith.constant 0 : i32
    %c0_i32_0 = arith.constant 0 : i32
    %c0_i32_1 = arith.constant 0 : i32
    return %c0_i32, %c0_i32_0 : i32, i32
  }
  func.func @transform_9(%arg0: i32) -> (i32, i32) {
    %c0_i32 = arith.constant 0 : i32
    %c0_i32_0 = arith.constant 0 : i32
    %c0_i32_1 = arith.constant 0 : i32
    return %c0_i32, %c0_i32_0 : i32, i32
  }
  func.func @transform_10(%arg0: i32) -> (i32, i32) {
    %c0_i32 = arith.constant 0 : i32
    %c0_i32_0 = arith.constant 0 : i32
    %c0_i32_1 = arith.constant 0 : i32
    return %c0_i32, %c0_i32_0 : i32, i32
  }
  func.func @transform_11(%arg0: i32) -> (i32, i32) {
    %c0_i32 = arith.constant 0 : i32
    %c0_i32_0 = arith.constant 0 : i32
    %c0_i32_1 = arith.constant 0 : i32
    return %c0_i32, %c0_i32_0 : i32, i32
  }
  func.func @transform_12(%arg0: i32) -> (i32, i32) {
    %c0_i32 = arith.constant 0 : i32
    %c0_i32_0 = arith.constant 0 : i32
    %c0_i32_1 = arith.constant 0 : i32
    return %c0_i32, %c0_i32_0 : i32, i32
  }
  func.func @transform_13(%arg0: i32) -> (i32, i32) {
    %c0_i32 = arith.constant 0 : i32
    %c0_i32_0 = arith.constant 0 : i32
    %c0_i32_1 = arith.constant 0 : i32
    return %c0_i32, %c0_i32_0 : i32, i32
  }
  func.func @transform_14(%arg0: i32) -> (i32, i32) {
    %c0_i32 = arith.constant 0 : i32
    %c0_i32_0 = arith.constant 0 : i32
    %c0_i32_1 = arith.constant 0 : i32
    return %c0_i32, %c0_i32_0 : i32, i32
  }
  func.func @transform_15(%arg0: i32) -> (i32, i32) {
    %c0_i32 = arith.constant 0 : i32
    %c0_i32_0 = arith.constant 0 : i32
    %c0_i32_1 = arith.constant 0 : i32
    return %c0_i32, %c0_i32_0 : i32, i32
  }
  func.func @transform_16(%arg0: i32) -> (i32, i32) {
    %c0_i32 = arith.constant 0 : i32
    %c0_i32_0 = arith.constant 0 : i32
    %c0_i32_1 = arith.constant 0 : i32
    return %c0_i32, %c0_i32_0 : i32, i32
  }
  func.func @transform_17(%arg0: i32) -> (i32, i32) {
    %c0_i32 = arith.constant 0 : i32
    %c0_i32_0 = arith.constant 0 : i32
    %c0_i32_1 = arith.constant 0 : i32
    return %c0_i32, %c0_i32_0 : i32, i32
  }
  func.func @transform_18(%arg0: i32) -> (i32, i32) {
    %c0_i32 = arith.constant 0 : i32
    %c0_i32_0 = arith.constant 0 : i32
    %c0_i32_1 = arith.constant 0 : i32
    return %c0_i32, %c0_i32_0 : i32, i32
  }
  func.func @transform_19(%arg0: i32) -> (i32, i32) {
    %c0_i32 = arith.constant 0 : i32
    %c0_i32_0 = arith.constant 0 : i32
    %c0_i32_1 = arith.constant 0 : i32
    return %c0_i32, %c0_i32_0 : i32, i32
  }
  func.func @transform_20(%arg0: i32) -> (i32, i32) {
    %c0_i32 = arith.constant 0 : i32
    %c0_i32_0 = arith.constant 0 : i32
    %c0_i32_1 = arith.constant 0 : i32
    return %c0_i32, %c0_i32_0 : i32, i32
  }
  func.func @transform_21(%arg0: i32) -> (i32, i32) {
    %c0_i32 = arith.constant 0 : i32
    %c0_i32_0 = arith.constant 0 : i32
    %c0_i32_1 = arith.constant 0 : i32
    return %c0_i32, %c0_i32_0 : i32, i32
  }
  func.func @transform_22(%arg0: i32) -> (i32, i32) {
    %c0_i32 = arith.constant 0 : i32
    %c0_i32_0 = arith.constant 0 : i32
    %c0_i32_1 = arith.constant 0 : i32
    return %c0_i32, %c0_i32_0 : i32, i32
  }
  func.func @transform_23(%arg0: i32) -> (i32, i32) {
    %c0_i32 = arith.constant 0 : i32
    %c0_i32_0 = arith.constant 0 : i32
    %c0_i32_1 = arith.constant 0 : i32
    return %c0_i32, %c0_i32_0 : i32, i32
  }
  func.func @transform_24(%arg0: i32) -> (i32, i32) {
    %c0_i32 = arith.constant 0 : i32
    %c0_i32_0 = arith.constant 0 : i32
    %c0_i32_1 = arith.constant 0 : i32
    return %c0_i32, %c0_i32_0 : i32, i32
  }
  func.func @transform_25(%arg0: i32) -> (i32, i32) {
    %c0_i32 = arith.constant 0 : i32
    %c0_i32_0 = arith.constant 0 : i32
    %c0_i32_1 = arith.constant 0 : i32
    return %c0_i32, %c0_i32_0 : i32, i32
  }
  func.func @transform_26(%arg0: i32) -> (i32, i32) {
    %c0_i32 = arith.constant 0 : i32
    %c0_i32_0 = arith.constant 0 : i32
    %c0_i32_1 = arith.constant 0 : i32
    return %c0_i32, %c0_i32_0 : i32, i32
  }
  func.func @transform_27(%arg0: i32) -> (i32, i32) {
    %c0_i32 = arith.constant 0 : i32
    %c0_i32_0 = arith.constant 0 : i32
    %c0_i32_1 = arith.constant 0 : i32
    return %c0_i32, %c0_i32_0 : i32, i32
  }
  func.func @transform_28(%arg0: i32) -> (i32, i32) {
    %c0_i32 = arith.constant 0 : i32
    %c0_i32_0 = arith.constant 0 : i32
    %c0_i32_1 = arith.constant 0 : i32
    return %c0_i32, %c0_i32_0 : i32, i32
  }
  func.func @transform_29(%arg0: i32) -> (i32, i32) {
    %c0_i32 = arith.constant 0 : i32
    %c0_i32_0 = arith.constant 0 : i32
    %c0_i32_1 = arith.constant 0 : i32
    return %c0_i32, %c0_i32_0 : i32, i32
  }
  func.func @transform_30(%arg0: i32) -> (i32, i32) {
    %c0_i32 = arith.constant 0 : i32
    %c0_i32_0 = arith.constant 0 : i32
    %c0_i32_1 = arith.constant 0 : i32
    return %c0_i32, %c0_i32_0 : i32, i32
  }
  func.func @transform_31(%arg0: i32) -> (i32, i32) {
    %c0_i32 = arith.constant 0 : i32
    %c0_i32_0 = arith.constant 0 : i32
    %c0_i32_1 = arith.constant 0 : i32
    return %c0_i32, %c0_i32_0 : i32, i32
  }
  func.func @transform_32(%arg0: i32) -> (i32, i32) {
    %c0_i32 = arith.constant 0 : i32
    %c0_i32_0 = arith.constant 0 : i32
    %c0_i32_1 = arith.constant 0 : i32
    return %c0_i32, %c0_i32_0 : i32, i32
  }
  func.func @transform_33(%arg0: i32) -> (i32, i32) {
    %c0_i32 = arith.constant 0 : i32
    %c0_i32_0 = arith.constant 0 : i32
    %c0_i32_1 = arith.constant 0 : i32
    return %c0_i32, %c0_i32_0 : i32, i32
  }
  func.func @transform_34(%arg0: i32) -> (i32, i32) {
    %c0_i32 = arith.constant 0 : i32
    %c0_i32_0 = arith.constant 0 : i32
    %c0_i32_1 = arith.constant 0 : i32
    return %c0_i32, %c0_i32_0 : i32, i32
  }
  func.func @transform_35(%arg0: i32) -> (i32, i32) {
    %c0_i32 = arith.constant 0 : i32
    %c0_i32_0 = arith.constant 0 : i32
    %c0_i32_1 = arith.constant 0 : i32
    return %c0_i32, %c0_i32_0 : i32, i32
  }
  func.func @transform_36(%arg0: i32) -> (i32, i32) {
    %c0_i32 = arith.constant 0 : i32
    %c0_i32_0 = arith.constant 0 : i32
    %c0_i32_1 = arith.constant 0 : i32
    return %c0_i32, %c0_i32_0 : i32, i32
  }
  func.func @transform_37(%arg0: i32) -> (i32, i32) {
    %c0_i32 = arith.constant 0 : i32
    %c0_i32_0 = arith.constant 0 : i32
    %c0_i32_1 = arith.constant 0 : i32
    return %c0_i32, %c0_i32_0 : i32, i32
  }
  func.func @transform_38(%arg0: i32) -> (i32, i32) {
    %c0_i32 = arith.constant 0 : i32
    %c0_i32_0 = arith.constant 0 : i32
    %c0_i32_1 = arith.constant 0 : i32
    return %c0_i32, %c0_i32_0 : i32, i32
  }
  func.func @transform_39(%arg0: i32) -> (i32, i32) {
    %c0_i32 = arith.constant 0 : i32
    %c0_i32_0 = arith.constant 0 : i32
    %c0_i32_1 = arith.constant 0 : i32
    return %c0_i32, %c0_i32_0 : i32, i32
  }
  func.func @transform_40(%arg0: i32) -> (i32, i32) {
    %c0_i32 = arith.constant 0 : i32
    %c0_i32_0 = arith.constant 0 : i32
    %c0_i32_1 = arith.constant 0 : i32
    return %c0_i32, %c0_i32_0 : i32, i32
  }
  func.func @transform_41(%arg0: i32) -> (i32, i32) {
    %c0_i32 = arith.constant 0 : i32
    %c0_i32_0 = arith.constant 0 : i32
    %c0_i32_1 = arith.constant 0 : i32
    return %c0_i32, %c0_i32_0 : i32, i32
  }
  func.func @transform_42(%arg0: i32) -> (i32, i32) {
    %c0_i32 = arith.constant 0 : i32
    %c0_i32_0 = arith.constant 0 : i32
    %c0_i32_1 = arith.constant 0 : i32
    return %c0_i32, %c0_i32_0 : i32, i32
  }
  func.func @transform_43(%arg0: i32) -> (i32, i32) {
    %c0_i32 = arith.constant 0 : i32
    %c0_i32_0 = arith.constant 0 : i32
    %c0_i32_1 = arith.constant 0 : i32
    return %c0_i32, %c0_i32_0 : i32, i32
  }
  func.func @transform_44(%arg0: i32) -> (i32, i32) {
    %c0_i32 = arith.constant 0 : i32
    %c0_i32_0 = arith.constant 0 : i32
    %c0_i32_1 = arith.constant 0 : i32
    return %c0_i32, %c0_i32_0 : i32, i32
  }
  func.func @transform_45(%arg0: i32) -> (i32, i32) {
    %c0_i32 = arith.constant 0 : i32
    %c0_i32_0 = arith.constant 0 : i32
    %c0_i32_1 = arith.constant 0 : i32
    return %c0_i32, %c0_i32_0 : i32, i32
  }
  func.func @transform_46(%arg0: i32) -> (i32, i32) {
    %c0_i32 = arith.constant 0 : i32
    %c0_i32_0 = arith.constant 0 : i32
    %c0_i32_1 = arith.constant 0 : i32
    return %c0_i32, %c0_i32_0 : i32, i32
  }
  func.func @transform_47(%arg0: i32) -> (i32, i32) {
    %c0_i32 = arith.constant 0 : i32
    %c0_i32_0 = arith.constant 0 : i32
    %c0_i32_1 = arith.constant 0 : i32
    return %c0_i32, %c0_i32_0 : i32, i32
  }
  func.func @transform_48(%arg0: i32) -> (i32, i32) {
    %c0_i32 = arith.constant 0 : i32
    %c0_i32_0 = arith.constant 0 : i32
    return %arg0, %c0_i32 : i32, i32
  }
}

</mosaic_0001>

<sc_bundles>
// kernel: kernel.4.cloned.1.call-start
scs
__scs_entry_jumppad:
0x0: {  	(pc) =	sbr.rel $0x88, $3  }
0x1: {  	(tag) =	ssettag $0x0;
	lr =	simm.s32 $0x1  }
0x2: {  	[smem:$0x3F6F] =	sst lr;
	_ =	strace $0xD0000000  }
0x3: {  	_ = 	snop  }
0x4: {  	_ = 	snop  }
0x5: {  	_ = 	snop  }
0x6: {  	_ = 	snop  }
0x7: {  	_ = 	snop  }
__scs_overlays_trampoline_lowered:
0x8: {  	[smem:$0x3F7E] =	sst s0  }
0x9: {  	[smem:$0x3F7F] =	sst s1  }
0xa: {  	[smem:$0x3F80] =	sst s2  }
0xb: {  	[smem:$0x3F81] =	sst s3  }
0xc: {  	[smem:$0x3F82] =	sst s4  }
0xd: {  	[smem:$0x3F83] =	sst s5  }
0xe: {  	[smem:$0x3F84] =	sst s6  }
0xf: {  	[smem:$0x3F85] =	sst s7  }
0x10: {  	[smem:$0x3F86] =	sst s8  }
0x11: {  	[smem:$0x3F87] =	sst s9;
	s0 =	simm.s32 @!p0 $0x0  }
0x12: {  	s1 =	sld [smem:$0x3F6D];
	s0 =	simm.s32 @p0 $0x1  }
0x13: {  	[smem:$0x3F88] =	sst s0;
	s0 =	simm.s32 @!p1 $0x0  }
0x14: {  	s2 =	sld [smem:$0x3F6C];
	s0 =	simm.s32 @p1 $0x1  }
0x15: {  	[smem:$0x3F89] =	sst s0;
	s0 =	simm.s32 @!p2 $0x0  }
0x16: {  	s3 =	sld [smem:$0x3FDB];
	s0 =	simm.s32 @p2 $0x1  }
0x17: {  	s4 =	simm.s32 $0x1BF5;
	[smem:$0x3F8B] =	sst s0  }
0x18: {  	s0 =	sld [smem:$0x3F6E];
	_ =	swait.ge [sflag:s4], $0x0  }
0x19: {  	s7 =	sld [smem:$0x3F6F]  }
0x1a: {  	s8 =	sadd.s32 $0xFFFFE003, lr  }
0x1b: {  	s9 =	sadd.s32 $0xFFFFFEF7, lr;
	s5 =	simm.s32 $0xFFFFFFFF;
	p2 =	slt.u32 s8, $0xFFFFF086  }
0x1c: {  	p1 =	slt.u32 s9, $0xF7A;
	s5 =	simm.s32 @!p2 $0x0  }
0x1d: {  	s5 =	simm.s32 @p1 $0x1;
	p0 =	seq.s32 s7, s2  }
0x1e: {  	s7 =	smul.u32 @!p0 $0xF7A, s2;
	p2 =	seq.s32 @!p0 s5, $0x0  }
0x1f: {  	s9 =	smul.u32 $0xF7A, s1;
	s8 =	simm.s32 @!p0 $0x1BF5;
	p2 =	por !p2, p0  }
0x20: {  	[sflag:s8] =	ssyncset.s32 @!p0 $0xFFFFF086;
	s6 =	sadd.s32 @!p0 s3, s7;
	s7 =	simm.s32 @!p0 $0x108  }
0x21: {  	s3 =	sadd.s32 s3, s9;
	s6 =	sadd.s32 @!p0 $0x88, s6;
	s7 =	simm.s32 @p2 $0x1082  }
0x22: {  	[simem:s7], [sflag:s8] =	dma.local @!p0 [hbm:s6], $0xF7A  }
0x23: {  	s9 =	sor.u32 $0xD0000000, s2;
	s6 =	simm.s32 $0x108;
	_ =	swait.ge @!p0 [sflag:s8], $0x0  }
0x24: {  	s3 =	sadd.s32 $0x88, s3;
	s6 =	simm.s32 @!p1 $0x1082;
	[sflag:s4] =	ssyncset.s32 $0xFFFFF086  }
0x25: {  	[simem:s6], [sflag:s4] =	dma.local [hbm:s3], $0xF7A  }
0x26: {  	[smem:$0x3F6F] =	sst s1;
	(tag) =	ssettag s2;
	_ =	strace s9  }
0x27: {  	s1 =	sld [smem:$0x3F7F]  }
0x28: {  	s2 =	sld [smem:$0x3F80]  }
0x29: {  	s4 =	sld [smem:$0x3F82]  }
0x2a: {  	p0 =	seq.s32 s5, $0x0;
	s5 =	sld [smem:$0x3F83]  }
0x2b: {  	s6 =	sld [smem:$0x3F84]  }
0x2c: {  	s7 =	sld [smem:$0x3F85]  }
0x2d: {  	s3 =	simm.s32 $0x108;
	s8 =	sld [smem:$0x3F86]  }
0x2e: {  	s3 =	simm.s32 @!p0 $0x1082;
	s9 =	sld [smem:$0x3F87]  }
0x2f: {  	lr =	sadd.s32 s0, s3;
	s0 =	sld [smem:$0x3F7E]  }
0x30: {  	s3 =	sld [smem:$0x3F81]  }
0x31: {  	[smem:$0x3F8A] =	sst s10  }
0x32: {  	s10 =	sld [smem:$0x3F88];
	_ =	sdelay $0x3  }
0x33: {  	p0 =	seq.s32 s10, $0x1;
	s10 =	sld [smem:$0x3F8A];
	_ =	sdelay $0x3  }
0x34: {  	[smem:$0x3F8A] =	sst s10  }
0x35: {  	s10 =	sld [smem:$0x3F89];
	_ =	sdelay $0x3  }
0x36: {  	p1 =	seq.s32 s10, $0x1;
	s10 =	sld [smem:$0x3F8A];
	_ =	sdelay $0x3  }
0x37: {  	[smem:$0x3F8A] =	sst s10  }
0x38: {  	s10 =	sld [smem:$0x3F8B]  }
0x39: {  	_ = 	snop;
	(pc) =	sbr.ind lr, $3  }
0x3a: {  	_ = 	snop  }
0x3b: {  	_ = 	snop  }
0x3c: {  	p2 =	seq.s32 s10, $0x1;
	s10 =	sld [smem:$0x3F8A]  }
0x3d: {  	_ =	shalt  }
0x3e: {  	_ =	shalt  }
0x3f: {  	_ =	shalt  }
0x40: {  	_ =	shalt  }
0x41: {  	_ =	shalt  }
0x42: {  	_ =	shalt  }
0x43: {  	_ =	shalt  }
0x44: {  	_ =	shalt  }
0x45: {  	_ =	shalt  }
0x46: {  	_ =	shalt  }
0x47: {  	_ =	shalt  }
0x48: {  	_ =	shalt  }
0x49: {  	_ =	shalt  }
0x4a: {  	_ =	shalt  }
0x4b: {  	_ =	shalt  }
0x4c: {  	_ =	shalt  }
0x4d: {  	_ =	shalt  }
0x4e: {  	_ =	shalt  }
0x4f: {  	_ =	shalt  }
0x50: {  	_ =	shalt  }
0x51: {  	_ =	shalt  }
0x52: {  	_ =	shalt  }
0x53: {  	_ =	shalt  }
0x54: {  	_ =	shalt  }
0x55: {  	_ =	shalt  }
0x56: {  	_ =	shalt  }
0x57: {  	_ =	shalt  }
0x58: {  	_ =	shalt  }
0x59: {  	_ =	shalt  }
0x5a: {  	_ =	shalt  }
0x5b: {  	_ =	shalt  }
0x5c: {  	_ =	shalt  }
0x5d: {  	_ =	shalt  }
0x5e: {  	_ =	shalt  }
0x5f: {  	_ =	shalt  }
0x60: {  	_ =	shalt  }
0x61: {  	_ =	shalt  }
0x62: {  	_ =	shalt  }
0x63: {  	_ =	shalt  }
0x64: {  	_ =	shalt  }
0x65: {  	_ =	shalt  }
0x66: {  	_ =	shalt  }
0x67: {  	_ =	shalt  }
0x68: {  	_ =	shalt  }
0x69: {  	_ =	shalt  }
0x6a: {  	_ =	shalt  }
0x6b: {  	_ =	shalt  }
0x6c: {  	_ =	shalt  }
0x6d: {  	_ =	shalt  }
0x6e: {  	_ =	shalt  }
0x6f: {  	_ =	shalt  }
0x70: {  	_ =	shalt  }
0x71: {  	_ =	shalt  }
0x72: {  	_ =	shalt  }
0x73: {  	_ =	shalt  }
0x74: {  	_ =	shalt  }
0x75: {  	_ =	shalt  }
0x76: {  	_ =	shalt  }
0x77: {  	_ =	shalt  }
0x78: {  	_ =	shalt  }
0x79: {  	_ =	shalt  }
0x7a: {  	_ =	shalt  }
0x7b: {  	_ =	shalt  }
0x7c: {  	_ =	shalt  }
0x7d: {  	_ =	shalt  }
0x7e: {  	_ =	shalt  }
0x7f: {  	_ =	shalt  }
0x80: {  	_ =	shalt  }
0x81: {  	_ =	shalt  }
0x82: {  	_ =	shalt  }
0x83: {  	_ =	shalt  }
0x84: {  	_ =	shalt  }
0x85: {  	_ =	shalt  }
0x86: {  	_ =	shalt  }
0x87: {  	_ =	shalt  }
.Lfunc_end0:
.L_simem_size_0:
called_computation_lowered:
.L_overlay_start_0:
0x88: {  	s2 =	sld [smem:$0x3FD9]  }
0x89: {  	s3 =	sld [smem:$0x3FFE];
	_ =	sdelay $0x1  }
0x8a: {  	s1 =	srdreg.scid  }
0x8b: {  	s0 =	sand.u32 $0x1, s1  }
0x8c: {  	s17 =	sshll.u32 s0, $0xA;
	s2 =	sadd.s32 s3, s2  }
0x8d: {  	s2 =	sadd.s32 s2, s17  }
0x8e: {  	[smem:$0x3F96] =	sst s2  }
0x8f: {  	_ = 	snop  }
0x90: {  	s2 =	sld [smem:$0x3FC9]  }
0x91: {  	s18 =	sld [smem:$0x3FC8]  }
0x92: {  	s4 =	sld [smem:$0x3FD0];
	(tm) =	ssettm $0x1  }
0x93: {  	s5 =	sld [smem:$0x3FFB];
	_ =	sdelay $0x3  }
0x94: {  	_ =	strace s5  }
0x95: {  	s5 =	sld [smem:$0x3FFC];
	_ =	sdelay $0x3  }
0x96: {  	_ =	strace s5  }
0x97: {  	s5 =	sld [smem:$0x3FFD];
	_ =	sdelay $0x3  }
0x98: {  	_ =	strace s5  }
0x99: {  	_ =	strace $0x8FFFFFFF  }
0x9a: {  	s19 =	sld [smem:$0x3FDB];
	_ =	sdelay $0x1  }
0x9b: {  	s6 =	simm.s32 $_scs_section_size  }
0x9c: {  	s7 =	simm.s32 $_size__tile_overlayer_lowered;
	s8 =	simm.s32 $_tile_overlayer_lowered  }
0x9d: {  	s22 =	simm.s32 $0x1BFF;
	s21 =	sshll.u32 s8, $0x1;
	s5 =	sadd.s32 s6, s19  }
0x9e: {  	s9 =	simm.s32 $0x0;
	s20 =	sshll.u32 s7, $0x1;
	s7 =	sadd.s32 s21, s5  }
0x9f: {  	[timem:s9], [sflag:s22] =	dma.local [hbm:s7], s20  }
0xa0: {  	_ =	swait.ge [sflag:s22], s20  }
0xa1: {  	s6 =	ssub.s32 $0x0, s20;
	[sflag:s22] =	ssyncset.done $0x0  }
0xa2: {  	[sflag:s22] =	ssyncadd.s32 s6;
	_ =	sdelay $0x1  }
0xa3: {  	s23 =	simm.s32 $0x1B8B  }
0xa4: {  	_ =	swait.ge [sflag:s23], $0x1  }
0xa5: {  	[sflag:s23] =	ssyncset.done $0x0  }
0xa6: {  	s25 =	simm.s32 $0x1B8E;
	s24 =	sld [smem:$0x3FFE];
	[sflag:s23] =	ssyncadd.s32 $0xFFFFFFFF  }
0xa7: {  	s26 =	simm.s32 $execute0_lowered;
	[smem:$0x3FD2] =	sst s25  }
0xa8: {  	s7 =	sshll.u32 s26, $0x1;
	_ =	strace $0x80000046;
	[dreg:$0x1] =	wrdreg $0xFFFFFFFF  }
0xa9: {  	s28 =	simm.s32 $_size_execute0_lowered;
	s5 =	sadd.s32 s5, s7;
	[dreg:$0x0] =	wrdreg $0x0  }
0xaa: {  	s7 =	sshll.u32 s28, $0x1;
	[dreg:$0x2] =	wrdreg s5  }
0xab: {  	[dreg:$0x3] =	wrdreg s7  }
0xac: {  	[dreg:$0x4] =	wrdreg $0xC0  }
0xad: {  	_ =	task [dreg:s9], $0x5FFFF  }
0xae: {  	[dreg:$0x1] =	wrdreg $0xFFFFFFFF  }
0xaf: {  	[dreg:$0x0] =	wrdreg $0x60  }
0xb0: {  	[dreg:$0x2] =	wrdreg s2  }
0xb1: {  	[dreg:$0x3] =	wrdreg s18  }
0xb2: {  	[dreg:$0x4] =	wrdreg s4  }
0xb3: {  	[dreg:$0x5] =	wrdreg s24  }
0xb4: {  	[dreg:$0x6] =	wrdreg $0x86000  }
0xb5: {  	[dreg:$0x7] =	wrdreg $0x9  }
0xb6: {  	_ =	task.clear_ibuf [dreg:s9], $0x8FFFF;
	_ =	strace $0x90000046  }
0xb7: {  	s29 =	simm.s32 $0x9;
	_ =	strace $0x80000048  }
0xb8: {  	_ =	swait.ge [sflag:s29], $0x1  }
0xb9: {  	[sflag:s29] =	ssyncadd.s32 $0xFFFFFFFF  }
0xba: {  	_ =	strace $0x90000048  }
0xbb: {  	_ =	sfence  }
0xbc: {  	s30 =	sld [smem:$0x0];
	_ =	sdelay $0x2  }
0xbd: {  	s31 =	sshll.u32 s1, $0xD;
	s1 =	sshrl.u32 s1, $0x2  }
0xbe: {  	s3 =	sand.u32 $0x4000, s31;
	s1 =	sadd.s32 s1, s30  }
0xbf: {  	s0 =	sor.u32 s3, s0;
	s1 =	sshll.u32 s1, $0x11  }
0xc0: {  	s0 =	sor.u32 s1, s0  }
0xc1: {  	s0 =	sadd.s32 $0x8F2B, s0  }
0xc2: {  	[sflag:s0] =	ssyncadd.remote.s32 $0x1  }
0xc3: {  	_ =	sfence.sel $0xFFFF  }
0xc4: {  	[dreg:$0x0] =	wrdreg $0xFFFFFFFF;
	(pc) =	sbr.abs _section_cstart, $3  }
0xc5: {  	[dreg:$0x1] =	wrdreg $0xFFFFFFFF  }
0xc6: {  	_ =	task.clear_ibuf [dreg:s9], $0x2FFFF;
	_ =	strace $0x9FFFFFFF  }
0xc7: {  	(tm) =	ssettm $0x7FFFFFFF  }
tec
execute0_lowered:
.L_overlay_start_1:
0x0: {  	(tag) =	ssettag $0x1  }
0x1: {  	s1 =	rddreg [dreg:$0x0]  }
0x2: {  	s2 =	rddreg [dreg:$0x1]  }
0x3: {  	s3 =	rddreg [dreg:$0x2]  }
0x4: {  	s7 =	rddreg [dreg:$0x3]  }
0x5: {  	s4 =	rddreg [dreg:$0x4]  }
0x6: {  	s5 =	simm.s32 $0x0;
	s0 =	srdreg.scid;
	s17 =	stileid.u32  }
0x7: {  	[smem:$0x7FF] =	sst s5;
	s8 =	sand.u32 $0x1, s0;
	s11 =	sadd.s32 $0x41800, s7  }
0x8: {  	s12 =	sadd.s32 $0x6C000, s7;
	_ =	strace $0x80000047;
	[dreg:$0xa] =	wrdreg s11  }
0x9: {  	s0 =	sadd.s32 $0xF200, s7;
	s14 =	sadd.s32 $0x94000, s7;
	[dreg:$0xb] =	wrdreg s12  }
0xa: {  	s6 =	sadd.s32 $0x5400, s7;
	s15 =	sadd.s32 $0xBC000, s7;
	[dreg:$0xc] =	wrdreg s14  }
0xb: {  	s16 =	sadd.s32 $0x2DC00, s7;
	s20 =	sadd.s32 $0x23E00, s7;
	[dreg:$0xd] =	wrdreg s15  }
0xc: {  	s19 =	sadd.s32 $0x37A00, s7;
	s21 =	sadd.s32 $0x1A000, s7;
	[dreg:$0x8] =	wrdreg s20  }
0xd: {  	s30 =	sadd.s32 $0x44000, s7;
	s13 =	smul.u32 $0x50000, s17;
	[dreg:$0x9] =	wrdreg s21  }
0xe: {  	s24 =	smul.u32 $0x4E20, s17;
	s9 =	sshll.u32 s8, $0x4;
	[dreg:$0x6] =	wrdreg s16  }
0xf: {  	s18 =	ssub.s32 $0x2, s8;
	p0 =	sne.s32 s8, $0x0;
	[dreg:$0x7] =	wrdreg s19  }
0x10: {  	s9 =	sor.u32 s17, s9;
	s22 =	sshrl.u32 s18, $0x1;
	s23 =	sshrl.u32 s13, $0x2  }
0x11: {  	s8 =	sshrl.u32 s24, $0x3;
	s10 =	sshll.u32 s9, $0x7;
	s12 =	sadd.s32 s23, s4  }
0x12: {  	s14 =	smul.u32 $0xA000, s9;
	s11 =	sadd.s32 s0, s8;
	[dreg:$0xf] =	wrdreg s12  }
0x13: {  	s9 =	smul.u32 $0x1400, s9;
	s13 =	sadd.s32 s21, s8;
	[dreg:$0x1d] =	wrdreg s11  }
0x14: {  	s10 =	sadd.s32 s10, s7;
	s7 =	sadd.s32 $0xE4000, s7;
	[smem:$0x7EB] =	sst s13  }
0x15: {  	[dreg:$0xe] =	wrdreg s7;
	s7 =	ssub.s32 s18, s22;
	s9 =	sadd.s32 s30, s9  }
0x16: {  	s10 =	sadd.s32 $0x19000, s10;
	s22 =	sadd.s32 $0x10, s8;
	[dreg:$0x10] =	wrdreg s9  }
0x17: {  	[dreg:$0x11] =	wrdreg s10;
	s23 =	sadd.s32 s0, s22  }
0x18: {  	s25 =	sshrl.u32 s14, $0x3;
	s24 =	sadd.s32 s6, s22;
	[dreg:$0x16] =	wrdreg s23  }
0x19: {  	s26 =	sadd.s32 s30, s25;
	s25 =	sadd.s32 s21, s22;
	[dreg:$0x17] =	wrdreg s24  }
0x1a: {  	s7 =	smax.u32 s7, $0x1;
	[dreg:$0x18] =	wrdreg s25  }
0x1b: {  	s12 =	sadd.s32 $0x400, s26;
	[dreg:$0x1c] =	wrdreg s7  }
0x1c: {  	s14 =	sadd.s32 $0x800, s26;
	[dreg:$0x12] =	wrdreg s12  }
0x1d: {  	s15 =	sadd.s32 $0xC00, s26;
	[dreg:$0x13] =	wrdreg s14  }
0x1e: {  	s9 =	sadd.s32 $0x1000, s26;
	[dreg:$0x14] =	wrdreg s15  }
0x1f: {  	s30 =	sshll.u32 s17, $0x6;
	s26 =	sadd.s32 s20, s22;
	[dreg:$0x15] =	wrdreg s9  }
0x20: {  	s18 =	sor.u32 $0x1C04, s30;
	s30 =	sadd.s32 s19, s22;
	[dreg:$0x19] =	wrdreg s26  }
0x21: {  	[dreg:$0x1a] =	wrdreg s30;
	s9 =	sadd.s32 s16, s22  }
0x22: {  	s12 =	sadd.s32 s6, s8;
	[dreg:$0x1b] =	wrdreg s9  }
0x23: {  	s14 =	sadd.s32 s20, s8;
	[dreg:$0x1e] =	wrdreg s12  }
0x24: {  	s15 =	sadd.s32 s19, s8;
	[smem:$0x7EC] =	sst s14  }
0x25: {  	s23 =	sadd.s32 $0x20, s8;
	s22 =	sadd.s32 s16, s8;
	[smem:$0x7ED] =	sst s15  }
0x26: {  	s24 =	sadd.s32 s0, s23;
	[smem:$0x7EE] =	sst s22  }
0x27: {  	s25 =	sadd.s32 s6, s23;
	[smem:$0x7EF] =	sst s24  }
0x28: {  	s26 =	sadd.s32 s21, s23;
	[smem:$0x7F0] =	sst s25  }
0x29: {  	s30 =	sadd.s32 s20, s23;
	[smem:$0x7F1] =	sst s26  }
0x2a: {  	s11 =	sadd.s32 s19, s23;
	[smem:$0x7F2] =	sst s30  }
0x2b: {  	s7 =	sadd.s32 s16, s23;
	[smem:$0x7F3] =	sst s11  }
0x2c: {  	s9 =	sadd.s32 $0x9C0, s8;
	s8 =	sadd.s32 $0x30, s8;
	[smem:$0x7F4] =	sst s7  }
0x2d: {  	s12 =	sadd.s32 s0, s8;
	[dreg:$0x1f] =	wrdreg s9  }
0x2e: {  	s13 =	sadd.s32 s6, s8;
	[smem:$0x7F5] =	sst s12  }
0x2f: {  	s14 =	sadd.s32 s21, s8;
	[smem:$0x7F6] =	sst s13  }
0x30: {  	s15 =	sadd.s32 s20, s8;
	[smem:$0x7F7] =	sst s14  }
0x31: {  	s31 =	simm.s32 $0x80;
	s23 =	sadd.s32 s19, s8;
	[smem:$0x7F8] =	sst s15  }
0x32: {  	s28 =	simm.s32 $0x3;
	s24 =	sadd.s32 s16, s8;
	[smem:$0x7F9] =	sst s23  }
0x33: {  	s22 =	smul.u32 $0x9C4, s17;
	s25 =	sadd.s32 s6, s9;
	[smem:$0x7FA] =	sst s24  }
0x34: {  	s29 =	simm.s32 $0x0;
	s26 =	sadd.s32 s0, s9;
	[smem:$0x7FB] =	sst s25  }
0x35: {  	s30 =	smul.u32 $0x2800, s17;
	s15 =	sadd.s32 s22, s6;
	[smem:$0x7FC] =	sst s26  }
.Ltmp0:
0x36: {  	s7 =	sadd.s32 s22, s0;
	s8 =	sadd.s32 s22, s20;
	(pc) =	sbr.rel .LBB2_1-.Ltmp0, $4  }
0x37: {  	s9 =	sadd.s32 s22, s21;
	s10 =	sadd.s32 s22, s16;
	s16 =	sadd.s32 s22, s19  }
0x38: {  	[smem:$0x7FD] =	sst s30;
	s19 =	simm.s32 $0x4;
	s21 =	simm.s32 $0x40  }
0x39: {  	v0 =	vlaneseq.u32;
	s22 =	simm.s32 $0x200;
	s23 =	simm.s32 $0x1;
	s24 =	simm.s32 $0x100  }
0x3a: {  	v1 =	vor.u32 $0x2710, v0;
	s25 =	simm.s32 $0x2;
	s0 =	simm.s32 $0x180;
	s6 =	simm.s32 $0x4200  }
.LBB2_14:
0x3b: {  	[tilespmem:s6], [sflag:$0x1] =	stream.indirect.gather [hbm4b:s3+s31], $0x80, s31, s31, $0xb8;
	[tilespmem:$0x1C600] =	vst v63  }
0x3c: {  	s11 =	sadd.s32 $0x9C0, s20  }
0x3d: {  	[tilespmem:s5], [sflag:$0x2] =	stream.linear.gather [hbm4b:s11+s5], $0x80, $0x38;
	[tilespmem:$0x1C600] =	vst v63  }
0x3e: {  	s17 =	sadd.s32 $0x9C0, s30  }
0x3f: {  	[tilespmem:s24], [sflag:$0x2] =	stream.linear.gather [hbm4b:s17+s5], $0x80, $0x38;
	[tilespmem:$0x1C600] =	vst v63  }
0x40: {  	_ = 	snop  }
0x41: {  	[spmem:s4] =	stream.indirect.scatter.add.f32 [tilespmem:s22], [sflag:$0x3], $0x80, s24, s31, $0xb8;
	[tilespmem:$0x1C600] =	vst v63  }
0x42: {  	_ =	swait.ge [sflag:s23], $0x4000  }
0x43: {  	[sflag:s23] =	ssyncset.done $0x0  }
0x44: {  	[sflag:s23] =	ssyncadd.s32 $0xFFFFC000  }
0x45: {  	_ =	swait.ge [sflag:s25], $0x80  }
0x46: {  	[sflag:s25] =	ssyncset.done $0x0  }
0x47: {  	[sflag:s25] =	ssyncadd.s32 $0xFFFFFF80  }
0x48: {  	_ =	swait.ge [sflag:s25], $0x80  }
0x49: {  	[sflag:s25] =	ssyncset.done $0x0  }
0x4a: {  	[sflag:s25] =	ssyncadd.s32 $0xFFFFFF80  }
0x4b: {  	_ =	swait.ge [sflag:s28], $0x4000  }
0x4c: {  	[sflag:s28] =	ssyncset.done $0x0  }
0x4d: {  	[sflag:s28] =	ssyncadd.s32 $0xFFFFC000  }
0x4e: {  	[tilespmem:s22], [sflag:$0x1] =	stream.indirect.gather [hbm4b:s3+s31], $0x80, s5, s31, $0xb8;
	[tilespmem:$0x1C600] =	vst v63  }
0x4f: {  	s20 =	sadd.s32 $0x9D0, s20  }
0x50: {  	[tilespmem:s31], [sflag:$0x2] =	stream.linear.gather [hbm4b:s20+s5], $0x80, $0x38;
	[tilespmem:$0x1C600] =	vst v63  }
0x51: {  	s30 =	sadd.s32 $0x9D0, s30  }
0x52: {  	[tilespmem:s0], [sflag:$0x2] =	stream.linear.gather [hbm4b:s30+s5], $0x80, $0x38;
	[tilespmem:$0x1C600] =	vst v63  }
0x53: {  	_ = 	snop  }
0x54: {  	[spmem:s4] =	stream.indirect.scatter.add.f32 [tilespmem:s6], [sflag:$0x3], $0x80, s0, s31, $0xb8;
	[tilespmem:$0x1C600] =	vst v63  }
0x55: {  	_ =	swait.ge [sflag:s23], $0x4000  }
0x56: {  	[sflag:s23] =	ssyncset.done $0x0  }
0x57: {  	[sflag:s23] =	ssyncadd.s32 $0xFFFFC000  }
0x58: {  	_ =	swait.ge [sflag:s25], $0x80  }
0x59: {  	[sflag:s25] =	ssyncset.done $0x0  }
0x5a: {  	[sflag:s25] =	ssyncadd.s32 $0xFFFFFF80  }
0x5b: {  	_ =	swait.ge [sflag:s25], $0x80  }
0x5c: {  	[sflag:s25] =	ssyncset.done $0x0  }
0x5d: {  	[sflag:s25] =	ssyncadd.s32 $0xFFFFFF80  }
0x5e: {  	_ =	swait.ge [sflag:s28], $0x4000  }
0x5f: {  	s20 =	rddreg [dreg:$0x9]  }
0x60: {  	[sflag:s28] =	ssyncset.done $0x0;
	s14 =	rddreg [dreg:$0x8]  }
0x61: {  	s13 =	rddreg [dreg:$0xe];
	[sflag:s28] =	ssyncadd.s32 $0xFFFFC000  }
0x62: {  	[tilespmem:s6], [sflag:$0x1] =	stream.indirect.gather [hbm4b:s3+s31], $0x80, s31, s31, $0xb8;
	[tilespmem:$0x1C600] =	vst v63  }
.LBB2_15:
0x63: {  	[spmem:s4] =	stream.indirect.scatter.add.f32 [tilespmem:s22], [sflag:$0x3], $0x80, s24, s31, $0xb8;
	[tilespmem:$0x1C600] =	vst v63  }
0x64: {  	_ =	swait.ge [sflag:s23], $0x4000  }
0x65: {  	[sflag:s23] =	ssyncset.done $0x0  }
0x66: {  	[sflag:s23] =	ssyncadd.s32 $0xFFFFC000  }
0x67: {  	[spmem:s4] =	stream.indirect.scatter.add.f32 [tilespmem:s6], [sflag:$0x3], $0x80, s0, s31, $0xb8;
	[tilespmem:$0x1C600] =	vst v63  }
0x68: {  	_ =	swait.ge [sflag:s28], $0x4000  }
0x69: {  	[sflag:s28] =	ssyncset.done $0x0  }
0x6a: {  	[sflag:s28] =	ssyncadd.s32 $0xFFFFC000  }
0x6b: {  	_ =	swait.ge [sflag:s28], $0x4000  }
0x6c: {  	[sflag:s28] =	ssyncset.done $0x0;
	s12 =	rddreg [dreg:$0x1f]  }
0x6d: {  	s11 =	sadd.s32 s20, s12;
	[sflag:s28] =	ssyncadd.s32 $0xFFFFC000  }
0x6e: {  	[tilespmem:s5], [sflag:$0x4] =	stream.linear.gather [hbm4b:s11+s5], $0x20, $0x38;
	[tilespmem:$0x1C600] =	vst v63  }
0x6f: {  	_ =	swait.ge [sflag:s19], $0x20  }
0x70: {  	[sflag:s19] =	ssyncset.done $0x0  }
0x71: {  	s17 =	sadd.s32 s14, s12;
	[sflag:s19] =	ssyncadd.s32 $0xFFFFFFE0  }
0x72: {  	[tilespmem:s24], [sflag:$0x4] =	stream.linear.gather [hbm4b:s17+s5], $0x20, $0x38;
	[tilespmem:$0x1C600] =	vst v63  }
0x73: {  	_ =	swait.ge [sflag:s19], $0x20  }
0x74: {  	[sflag:s19] =	ssyncset.done $0x0  }
0x75: {  	[sflag:s19] =	ssyncadd.s32 $0xFFFFFFE0  }
0x76: {  	[tilespmem:$0x20] =	vst v0  }
0x77: {  	[tilespmem:$0x120] =	vst v1  }
0x78: {  	[tilespmem:$0x30] =	vst v0  }
0x79: {  	[tilespmem:$0x130] =	vst v1  }
0x7a: {  	[tilespmem:$0x40] =	vst v0  }
0x7b: {  	[tilespmem:$0x140] =	vst v1  }
0x7c: {  	[tilespmem:$0x50] =	vst v0  }
0x7d: {  	[tilespmem:$0x150] =	vst v1  }
0x7e: {  	[tilespmem:$0x60] =	vst v0  }
0x7f: {  	[tilespmem:$0x160] =	vst v1  }
0x80: {  	[tilespmem:$0x70] =	vst v0  }
0x81: {  	[tilespmem:$0x170] =	vst v1  }
0x82: {  	[tilespmem:s22], [sflag:$0x1] =	stream.indirect.gather [hbm4b:s3+s31], $0x80, s5, s31, $0xb8;
	[tilespmem:$0x1C600] =	vst v63  }
0x83: {  	_ =	swait.ge [sflag:s23], $0x4000  }
0x84: {  	[sflag:s23] =	ssyncset.done $0x0  }
0x85: {  	[sflag:s23] =	ssyncadd.s32 $0xFFFFC000  }
0x86: {  	[spmem:s4] =	stream.indirect.scatter.add.f32 [tilespmem:s22], [sflag:$0x4], $0x80, s24, s31, $0xb8;
	[tilespmem:$0x1C600] =	vst v63  }
0x87: {  	_ =	swait.ge [sflag:s19], $0x4000  }
0x88: {  	s20 =	sld [smem:$0x7FD]  }
0x89: {  	[sflag:s19] =	ssyncset.done $0x0  }
0x8a: {  	[sflag:s19] =	ssyncadd.s32 $0xFFFFC000  }
0x8b: {  	[bflag:$0x0] =	sbarrier.arrive $0xFFFF;
	s11 =	sadd.s32 s13, s20  }
0x8c: {  	[hbm:s11], [sflag:s18] =	dma.local [spmem:s26], $0x2800  }
0x8d: {  	_ =	swait.ge [sflag:s19], $0x2800  }
0x8e: {  	s29 =	sadd.s32 $0x1, s29;
	s30 =	rddreg [dreg:$0x1c]  }
0x8f: {  	p1 =	sne.s32 s29, s30  }
.Ltmp1:
0x90: {  	_ = 	snop;
	(pc) =	sbr.rel @!p1 .LBB2_16-.Ltmp1, $3  }
0x91: {  	_ =	sdelay $0x1  }
0x92: {  	[sflag:s19] =	ssyncset.done $0x0  }
0x93: {  	[sflag:s19] =	ssyncadd.s32 $0xFFFFD800  }
.LBB2_1:
0x94: {  	s11 =	rddreg [dreg:$0xf]  }
0x95: {  	s13 =	rddreg [dreg:$0xa];
	s26 =	sshrl.u32 s11, $0x3  }
0x96: {  	[spmem:s26], [sflag:s18] =	dma.local [hbm:s13], $0x2800  }
0x97: {  	_ =	swait.ge [sflag:s19], $0x2800  }
0x98: {  	[sflag:s19] =	ssyncset.done $0x0  }
0x99: {  	s12 =	simm.s32 $0x8200;
	s14 =	rddreg [dreg:$0x11];
	[sflag:s19] =	ssyncadd.s32 $0xFFFFD800  }
0x9a: {  	[tilespmem:s12], [sflag:$0x4] =	stream.linear.gather [hbm4b:s14+s5], $0x280, $0x38;
	[tilespmem:$0x1C600] =	vst v63  }
0x9b: {  	_ =	swait.ge [sflag:s19], $0x280  }
0x9c: {  	[sflag:s19] =	ssyncset.done $0x0  }
0x9d: {  	[sflag:s19] =	ssyncadd.s32 $0xFFFFFD80  }
0x9e: {  	[tilespmem:s22], [sflag:$0x1] =	stream.indirect.gather [hbm4b:s2+s21], $0x80, s12, s21, $0xb8;
	[tilespmem:$0x1C600] =	vst v63  }
0x9f: {  	_ =	swait.ge [sflag:s23], $0x2000  }
0xa0: {  	[sflag:s23] =	ssyncset.done $0x0  }
0xa1: {  	s17 =	rddreg [dreg:$0x10];
	[sflag:s23] =	ssyncadd.s32 $0xFFFFE000  }
0xa2: {  	[hbm4b:s17+s5] =	stream.linear.scatter [tilespmem:s22], [sflag:$0x4], $0x2000, $0x38;
	[tilespmem:$0x1C600] =	vst v63  }
0xa3: {  	_ =	swait.ge [sflag:s19], $0x2000  }
0xa4: {  	[sflag:s19] =	ssyncset.done $0x0  }
0xa5: {  	s20 =	simm.s32 $0x8280;
	[sflag:s19] =	ssyncadd.s32 $0xFFFFE000  }
0xa6: {  	[tilespmem:s22], [sflag:$0x1] =	stream.indirect.gather [hbm4b:s2+s21], $0x80, s20, s21, $0xb8;
	[tilespmem:$0x1C600] =	vst v63  }
0xa7: {  	_ =	swait.ge [sflag:s23], $0x2000  }
0xa8: {  	[sflag:s23] =	ssyncset.done $0x0  }
0xa9: {  	s30 =	rddreg [dreg:$0x12];
	[sflag:s23] =	ssyncadd.s32 $0xFFFFE000  }
0xaa: {  	[hbm4b:s30+s5] =	stream.linear.scatter [tilespmem:s22], [sflag:$0x4], $0x2000, $0x38;
	[tilespmem:$0x1C600] =	vst v63  }
0xab: {  	_ =	swait.ge [sflag:s19], $0x2000  }
0xac: {  	[sflag:s19] =	ssyncset.done $0x0  }
0xad: {  	s12 =	simm.s32 $0x8300;
	[sflag:s19] =	ssyncadd.s32 $0xFFFFE000  }
0xae: {  	[tilespmem:s22], [sflag:$0x1] =	stream.indirect.gather [hbm4b:s2+s21], $0x80, s12, s21, $0xb8;
	[tilespmem:$0x1C600] =	vst v63  }
0xaf: {  	_ =	swait.ge [sflag:s23], $0x2000  }
0xb0: {  	[sflag:s23] =	ssyncset.done $0x0  }
0xb1: {  	s13 =	rddreg [dreg:$0x13];
	[sflag:s23] =	ssyncadd.s32 $0xFFFFE000  }
0xb2: {  	[hbm4b:s13+s5] =	stream.linear.scatter [tilespmem:s22], [sflag:$0x4], $0x2000, $0x38;
	[tilespmem:$0x1C600] =	vst v63  }
0xb3: {  	_ =	swait.ge [sflag:s19], $0x2000  }
0xb4: {  	[sflag:s19] =	ssyncset.done $0x0  }
0xb5: {  	s14 =	simm.s32 $0x8380;
	[sflag:s19] =	ssyncadd.s32 $0xFFFFE000  }
0xb6: {  	[tilespmem:s22], [sflag:$0x1] =	stream.indirect.gather [hbm4b:s2+s21], $0x80, s14, s21, $0xb8;
	[tilespmem:$0x1C600] =	vst v63  }
0xb7: {  	_ =	swait.ge [sflag:s23], $0x2000  }
0xb8: {  	[sflag:s23] =	ssyncset.done $0x0  }
0xb9: {  	s17 =	rddreg [dreg:$0x14];
	[sflag:s23] =	ssyncadd.s32 $0xFFFFE000  }
0xba: {  	[hbm4b:s17+s5] =	stream.linear.scatter [tilespmem:s22], [sflag:$0x4], $0x2000, $0x38;
	[tilespmem:$0x1C600] =	vst v63  }
0xbb: {  	_ =	swait.ge [sflag:s19], $0x2000  }
0xbc: {  	[sflag:s19] =	ssyncset.done $0x0  }
0xbd: {  	s20 =	simm.s32 $0x8400;
	[sflag:s19] =	ssyncadd.s32 $0xFFFFE000  }
0xbe: {  	[tilespmem:s22], [sflag:$0x1] =	stream.indirect.gather [hbm4b:s2+s21], $0x80, s20, s21, $0xb8;
	[tilespmem:$0x1C600] =	vst v63  }
0xbf: {  	_ =	swait.ge [sflag:s23], $0x2000  }
0xc0: {  	[sflag:s23] =	ssyncset.done $0x0  }
0xc1: {  	s30 =	rddreg [dreg:$0x15];
	[sflag:s23] =	ssyncadd.s32 $0xFFFFE000  }
0xc2: {  	[hbm4b:s30+s5] =	stream.linear.scatter [tilespmem:s22], [sflag:$0x4], $0x2000, $0x38;
	[tilespmem:$0x1C600] =	vst v63  }
.Ltmp2:
0xc3: {  	_ =	swait.ge [sflag:s19], $0x2000;
	(pc) =	sbr.rel @p0 .LBB2_5-.Ltmp2, $3  }
0xc4: {  	[sflag:s19] =	ssyncset.done $0x0  }
0xc5: {  	[sflag:s19] =	ssyncadd.s32 $0xFFFFE000  }
0xc6: {  	[bflag:$0x0] =	sbarrier.arrive $0xFFFF;
	_ =	sdelay $0x1  }
0xc7: {  	s11 =	rddreg [dreg:$0x1e]  }
0xc8: {  	[tilespmem:s5], [sflag:$0x2] =	stream.linear.gather [hbm4b:s11+s5], $0x80, $0x38;
	[tilespmem:$0x1C600] =	vst v63  }
0xc9: {  	s17 =	rddreg [dreg:$0x1d]  }
0xca: {  	[tilespmem:s24], [sflag:$0x2] =	stream.linear.gather [hbm4b:s17+s5], $0x80, $0x38;
	[tilespmem:$0x1C600] =	vst v63  }
0xcb: {  	_ =	swait.ge [sflag:s25], $0x80  }
0xcc: {  	[sflag:s25] =	ssyncset.done $0x0  }
0xcd: {  	[sflag:s25] =	ssyncadd.s32 $0xFFFFFF80  }
0xce: {  	_ =	swait.ge [sflag:s25], $0x80  }
0xcf: {  	[sflag:s25] =	ssyncset.done $0x0  }
0xd0: {  	[sflag:s25] =	ssyncadd.s32 $0xFFFFFF80  }
0xd1: {  	[tilespmem:s22], [sflag:$0x1] =	stream.indirect.gather [hbm4b:s1+s31], $0x80, s5, s31, $0xb8;
	[tilespmem:$0x1C600] =	vst v63  }
0xd2: {  	s20 =	rddreg [dreg:$0x17]  }
0xd3: {  	[tilespmem:s31], [sflag:$0x2] =	stream.linear.gather [hbm4b:s20+s5], $0x80, $0x38;
	[tilespmem:$0x1C600] =	vst v63  }
0xd4: {  	s12 =	rddreg [dreg:$0x16]  }
0xd5: {  	[tilespmem:s0], [sflag:$0x2] =	stream.linear.gather [hbm4b:s12+s5], $0x80, $0x38;
	[tilespmem:$0x1C600] =	vst v63  }
0xd6: {  	_ =	swait.ge [sflag:s23], $0x4000  }
0xd7: {  	[sflag:s23] =	ssyncset.done $0x0  }
0xd8: {  	[sflag:s23] =	ssyncadd.s32 $0xFFFFC000  }
0xd9: {  	_ =	swait.ge [sflag:s25], $0x80  }
0xda: {  	[sflag:s25] =	ssyncset.done $0x0  }
0xdb: {  	[sflag:s25] =	ssyncadd.s32 $0xFFFFFF80  }
0xdc: {  	_ =	swait.ge [sflag:s25], $0x80  }
0xdd: {  	[sflag:s25] =	ssyncset.done $0x0  }
0xde: {  	s13 =	sld [smem:$0x7F0];
	[sflag:s25] =	ssyncadd.s32 $0xFFFFFF80  }
0xdf: {  	[tilespmem:s6], [sflag:$0x1] =	stream.indirect.gather [hbm4b:s1+s31], $0x80, s31, s31, $0xb8;
	[tilespmem:$0x1C600] =	vst v63  }
0xe0: {  	s14 =	sld [smem:$0x7EF]  }
0xe1: {  	[tilespmem:s5], [sflag:$0x2] =	stream.linear.gather [hbm4b:s13+s5], $0x80, $0x38;
	[tilespmem:$0x1C600] =	vst v63  }
0xe2: {  	_ = 	snop  }
0xe3: {  	[tilespmem:s24], [sflag:$0x2] =	stream.linear.gather [hbm4b:s14+s5], $0x80, $0x38;
	[tilespmem:$0x1C600] =	vst v63  }
0xe4: {  	_ = 	snop  }
0xe5: {  	[spmem:s4] =	stream.indirect.scatter.add.f32 [tilespmem:s22], [sflag:$0x3], $0x80, s24, s31, $0xb8;
	[tilespmem:$0x1C600] =	vst v63  }
0xe6: {  	_ =	swait.ge [sflag:s23], $0x4000  }
0xe7: {  	[sflag:s23] =	ssyncset.done $0x0  }
0xe8: {  	[sflag:s23] =	ssyncadd.s32 $0xFFFFC000  }
0xe9: {  	_ =	swait.ge [sflag:s25], $0x80  }
0xea: {  	[sflag:s25] =	ssyncset.done $0x0  }
0xeb: {  	[sflag:s25] =	ssyncadd.s32 $0xFFFFFF80  }
0xec: {  	_ =	swait.ge [sflag:s25], $0x80  }
0xed: {  	[sflag:s25] =	ssyncset.done $0x0  }
0xee: {  	[sflag:s25] =	ssyncadd.s32 $0xFFFFFF80  }
0xef: {  	_ =	swait.ge [sflag:s28], $0x4000  }
0xf0: {  	[sflag:s28] =	ssyncset.done $0x0  }
0xf1: {  	s17 =	sld [smem:$0x7F6];
	[sflag:s28] =	ssyncadd.s32 $0xFFFFC000  }
0xf2: {  	[tilespmem:s22], [sflag:$0x1] =	stream.indirect.gather [hbm4b:s1+s31], $0x80, s5, s31, $0xb8;
	[tilespmem:$0x1C600] =	vst v63  }
0xf3: {  	s20 =	sld [smem:$0x7F5]  }
0xf4: {  	[tilespmem:s31], [sflag:$0x2] =	stream.linear.gather [hbm4b:s17+s5], $0x80, $0x38;
	[tilespmem:$0x1C600] =	vst v63  }
0xf5: {  	_ = 	snop  }
0xf6: {  	[tilespmem:s0], [sflag:$0x2] =	stream.linear.gather [hbm4b:s20+s5], $0x80, $0x38;
	[tilespmem:$0x1C600] =	vst v63  }
0xf7: {  	_ = 	snop  }
0xf8: {  	[spmem:s4] =	stream.indirect.scatter.add.f32 [tilespmem:s6], [sflag:$0x3], $0x80, s0, s31, $0xb8;
	[tilespmem:$0x1C600] =	vst v63  }
0xf9: {  	_ =	swait.ge [sflag:s23], $0x4000  }
0xfa: {  	[sflag:s23] =	ssyncset.done $0x0  }
0xfb: {  	[sflag:s23] =	ssyncadd.s32 $0xFFFFC000  }
0xfc: {  	_ =	swait.ge [sflag:s25], $0x80  }
0xfd: {  	[sflag:s25] =	ssyncset.done $0x0  }
0xfe: {  	[sflag:s25] =	ssyncadd.s32 $0xFFFFFF80  }
0xff: {  	_ =	swait.ge [sflag:s25], $0x80  }
0x100: {  	[sflag:s25] =	ssyncset.done $0x0  }
0x101: {  	[sflag:s25] =	ssyncadd.s32 $0xFFFFFF80  }
0x102: {  	_ =	swait.ge [sflag:s28], $0x4000  }
0x103: {  	[sflag:s28] =	ssyncset.done $0x0  }
0x104: {  	s12 =	sadd.s32 $0xFFFFF680, s15;
	[sflag:s28] =	ssyncadd.s32 $0xFFFFC000  }
0x105: {  	[tilespmem:s6], [sflag:$0x1] =	stream.indirect.gather [hbm4b:s1+s31], $0x80, s31, s31, $0xb8;
	[tilespmem:$0x1C600] =	vst v63  }
0x106: {  	s13 =	sadd.s32 $0xFFFFF680, s7;
	s14 =	sadd.s32 $0x9C0, s12  }
0x107: {  	[tilespmem:s5], [sflag:$0x2] =	stream.linear.gather [hbm4b:s14+s5], $0x80, $0x38;
	[tilespmem:$0x1C600] =	vst v63  }
0x108: {  	s17 =	sadd.s32 $0x9C0, s13  }
0x109: {  	[tilespmem:s24], [sflag:$0x2] =	stream.linear.gather [hbm4b:s17+s5], $0x80, $0x38;
	[tilespmem:$0x1C600] =	vst v63  }
0x10a: {  	_ = 	snop  }
0x10b: {  	[spmem:s4] =	stream.indirect.scatter.add.f32 [tilespmem:s22], [sflag:$0x3], $0x80, s24, s31, $0xb8;
	[tilespmem:$0x1C600] =	vst v63  }
0x10c: {  	_ =	swait.ge [sflag:s23], $0x4000  }
0x10d: {  	[sflag:s23] =	ssyncset.done $0x0  }
0x10e: {  	[sflag:s23] =	ssyncadd.s32 $0xFFFFC000  }
0x10f: {  	_ =	swait.ge [sflag:s25], $0x80  }
0x110: {  	[sflag:s25] =	ssyncset.done $0x0  }
0x111: {  	[sflag:s25] =	ssyncadd.s32 $0xFFFFFF80  }
0x112: {  	_ =	swait.ge [sflag:s25], $0x80  }
0x113: {  	[sflag:s25] =	ssyncset.done $0x0  }
0x114: {  	[sflag:s25] =	ssyncadd.s32 $0xFFFFFF80  }
0x115: {  	_ =	swait.ge [sflag:s28], $0x4000  }
0x116: {  	[sflag:s28] =	ssyncset.done $0x0  }
0x117: {  	[sflag:s28] =	ssyncadd.s32 $0xFFFFC000  }
0x118: {  	[tilespmem:s22], [sflag:$0x1] =	stream.indirect.gather [hbm4b:s1+s31], $0x80, s5, s31, $0xb8;
	[tilespmem:$0x1C600] =	vst v63  }
0x119: {  	s11 =	sadd.s32 $0x9D0, s12  }
0x11a: {  	[tilespmem:s31], [sflag:$0x2] =	stream.linear.gather [hbm4b:s11+s5], $0x80, $0x38;
	[tilespmem:$0x1C600] =	vst v63  }
0x11b: {  	s20 =	sadd.s32 $0x9D0, s13  }
0x11c: {  	[tilespmem:s0], [sflag:$0x2] =	stream.linear.gather [hbm4b:s20+s5], $0x80, $0x38;
	[tilespmem:$0x1C600] =	vst v63  }
0x11d: {  	_ = 	snop  }
0x11e: {  	[spmem:s4] =	stream.indirect.scatter.add.f32 [tilespmem:s6], [sflag:$0x3], $0x80, s0, s31, $0xb8;
	[tilespmem:$0x1C600] =	vst v63  }
0x11f: {  	_ =	swait.ge [sflag:s23], $0x4000  }
0x120: {  	[sflag:s23] =	ssyncset.done $0x0  }
0x121: {  	[sflag:s23] =	ssyncadd.s32 $0xFFFFC000  }
0x122: {  	_ =	swait.ge [sflag:s25], $0x80  }
0x123: {  	[sflag:s25] =	ssyncset.done $0x0  }
0x124: {  	[sflag:s25] =	ssyncadd.s32 $0xFFFFFF80  }
0x125: {  	_ =	swait.ge [sflag:s25], $0x80  }
0x126: {  	[sflag:s25] =	ssyncset.done $0x0  }
0x127: {  	[sflag:s25] =	ssyncadd.s32 $0xFFFFFF80  }
0x128: {  	_ =	swait.ge [sflag:s28], $0x4000  }
0x129: {  	s30 =	sadd.s32 $0xFFFFF6A0, s7;
	[sflag:s28] =	ssyncset.done $0x0  }
0x12a: {  	s13 =	simm.s32 $0xFFFFF6C0;
	s20 =	sadd.s32 $0xFFFFF6A0, s15;
	[sflag:s28] =	ssyncadd.s32 $0xFFFFC000  }
.LBB2_3:
0x12b: {  	[tilespmem:s6], [sflag:$0x1] =	stream.indirect.gather [hbm4b:s1+s31], $0x80, s31, s31, $0xb8;
	[tilespmem:$0x1C600] =	vst v63  }
0x12c: {  	s14 =	smov.u32 s13  }
0x12d: {  	s11 =	sadd.s32 $0x20, s13;
	s12 =	sadd.s32 $0x9C0, s20;
	s17 =	sadd.s32 s14, s15  }
0x12e: {  	[tilespmem:s5], [sflag:$0x2] =	stream.linear.gather [hbm4b:s12+s5], $0x80, $0x38;
	[tilespmem:$0x1C600] =	vst v63  }
0x12f: {  	p1 =	seq.s32 s13, $0xFFFFFFE0;
	s12 =	sadd.s32 $0x9C0, s30  }
0x130: {  	[tilespmem:s24], [sflag:$0x2] =	stream.linear.gather [hbm4b:s12+s5], $0x80, $0x38;
	[tilespmem:$0x1C600] =	vst v63  }
0x131: {  	_ = 	snop  }
0x132: {  	[spmem:s4] =	stream.indirect.scatter.add.f32 [tilespmem:s22], [sflag:$0x3], $0x80, s24, s31, $0xb8;
	[tilespmem:$0x1C600] =	vst v63  }
0x133: {  	_ =	swait.ge [sflag:s23], $0x4000  }
0x134: {  	[sflag:s23] =	ssyncset.done $0x0  }
0x135: {  	[sflag:s23] =	ssyncadd.s32 $0xFFFFC000  }
0x136: {  	_ =	swait.ge [sflag:s25], $0x80  }
0x137: {  	[sflag:s25] =	ssyncset.done $0x0  }
0x138: {  	[sflag:s25] =	ssyncadd.s32 $0xFFFFFF80  }
0x139: {  	_ =	swait.ge [sflag:s25], $0x80  }
0x13a: {  	[sflag:s25] =	ssyncset.done $0x0  }
0x13b: {  	[sflag:s25] =	ssyncadd.s32 $0xFFFFFF80  }
0x13c: {  	_ =	swait.ge [sflag:s28], $0x4000  }
0x13d: {  	[sflag:s28] =	ssyncset.done $0x0  }
0x13e: {  	[sflag:s28] =	ssyncadd.s32 $0xFFFFC000  }
0x13f: {  	[tilespmem:s22], [sflag:$0x1] =	stream.indirect.gather [hbm4b:s1+s31], $0x80, s5, s31, $0xb8;
	[tilespmem:$0x1C600] =	vst v63  }
0x140: {  	s12 =	sadd.s32 $0x9D0, s20;
	s20 =	smov.u32 s17  }
0x141: {  	[tilespmem:s31], [sflag:$0x2] =	stream.linear.gather [hbm4b:s12+s5], $0x80, $0x38;
	[tilespmem:$0x1C600] =	vst v63  }
0x142: {  	s12 =	sadd.s32 $0x9D0, s30  }
0x143: {  	[tilespmem:s0], [sflag:$0x2] =	stream.linear.gather [hbm4b:s12+s5], $0x80, $0x38;
	[tilespmem:$0x1C600] =	vst v63  }
0x144: {  	_ = 	snop  }
0x145: {  	[spmem:s4] =	stream.indirect.scatter.add.f32 [tilespmem:s6], [sflag:$0x3], $0x80, s0, s31, $0xb8;
	[tilespmem:$0x1C600] =	vst v63  }
0x146: {  	_ =	swait.ge [sflag:s23], $0x4000  }
0x147: {  	[sflag:s23] =	ssyncset.done $0x0  }
0x148: {  	[sflag:s23] =	ssyncadd.s32 $0xFFFFC000  }
0x149: {  	_ =	swait.ge [sflag:s25], $0x80  }
0x14a: {  	[sflag:s25] =	ssyncset.done $0x0  }
0x14b: {  	[sflag:s25] =	ssyncadd.s32 $0xFFFFFF80  }
0x14c: {  	_ =	swait.ge [sflag:s25], $0x80  }
.Ltmp3:
0x14d: {  	[sflag:s25] =	ssyncset.done $0x0;
	(pc) =	sbr.rel @!p1 .LBB2_3-.Ltmp3, $4  }
0x14e: {  	[sflag:s25] =	ssyncadd.s32 $0xFFFFFF80  }
0x14f: {  	_ =	swait.ge [sflag:s28], $0x4000  }
0x150: {  	[sflag:s28] =	ssyncset.done $0x0  }
0x151: {  	s13 =	smov.u32 s11;
	s30 =	sadd.s32 s14, s7;
	[sflag:s28] =	ssyncadd.s32 $0xFFFFC000  }
0x152: {  	[tilespmem:s6], [sflag:$0x1] =	stream.indirect.gather [hbm4b:s1+s31], $0x80, s31, s31, $0xb8;
	[tilespmem:$0x1C600] =	vst v63  }
0x153: {  	s11 =	sadd.s32 $0x9C0, s20  }
0x154: {  	[tilespmem:s5], [sflag:$0x2] =	stream.linear.gather [hbm4b:s11+s5], $0x80, $0x38;
	[tilespmem:$0x1C600] =	vst v63  }
0x155: {  	s17 =	sadd.s32 $0x9C0, s30  }
0x156: {  	[tilespmem:s24], [sflag:$0x2] =	stream.linear.gather [hbm4b:s17+s5], $0x80, $0x38;
	[tilespmem:$0x1C600] =	vst v63  }
0x157: {  	_ = 	snop  }
0x158: {  	[spmem:s4] =	stream.indirect.scatter.add.f32 [tilespmem:s22], [sflag:$0x3], $0x80, s24, s31, $0xb8;
	[tilespmem:$0x1C600] =	vst v63  }
0x159: {  	_ =	swait.ge [sflag:s23], $0x4000  }
0x15a: {  	[sflag:s23] =	ssyncset.done $0x0  }
0x15b: {  	[sflag:s23] =	ssyncadd.s32 $0xFFFFC000  }
0x15c: {  	_ =	swait.ge [sflag:s25], $0x80  }
0x15d: {  	[sflag:s25] =	ssyncset.done $0x0  }
0x15e: {  	[sflag:s25] =	ssyncadd.s32 $0xFFFFFF80  }
0x15f: {  	_ =	swait.ge [sflag:s25], $0x80  }
0x160: {  	[sflag:s25] =	ssyncset.done $0x0  }
0x161: {  	[sflag:s25] =	ssyncadd.s32 $0xFFFFFF80  }
0x162: {  	_ =	swait.ge [sflag:s28], $0x4000  }
0x163: {  	[sflag:s28] =	ssyncset.done $0x0  }
0x164: {  	[sflag:s28] =	ssyncadd.s32 $0xFFFFC000  }
0x165: {  	[tilespmem:s22], [sflag:$0x1] =	stream.indirect.gather [hbm4b:s1+s31], $0x80, s5, s31, $0xb8;
	[tilespmem:$0x1C600] =	vst v63  }
0x166: {  	s20 =	sadd.s32 $0x9D0, s20  }
0x167: {  	[tilespmem:s31], [sflag:$0x2] =	stream.linear.gather [hbm4b:s20+s5], $0x80, $0x38;
	[tilespmem:$0x1C600] =	vst v63  }
0x168: {  	s30 =	sadd.s32 $0x9D0, s30  }
0x169: {  	[tilespmem:s0], [sflag:$0x2] =	stream.linear.gather [hbm4b:s30+s5], $0x80, $0x38;
	[tilespmem:$0x1C600] =	vst v63  }
0x16a: {  	_ = 	snop  }
0x16b: {  	[spmem:s4] =	stream.indirect.scatter.add.f32 [tilespmem:s6], [sflag:$0x3], $0x80, s0, s31, $0xb8;
	[tilespmem:$0x1C600] =	vst v63  }
0x16c: {  	_ =	swait.ge [sflag:s23], $0x4000  }
0x16d: {  	[sflag:s23] =	ssyncset.done $0x0  }
0x16e: {  	[sflag:s23] =	ssyncadd.s32 $0xFFFFC000  }
0x16f: {  	_ =	swait.ge [sflag:s25], $0x80  }
0x170: {  	[sflag:s25] =	ssyncset.done $0x0  }
0x171: {  	[sflag:s25] =	ssyncadd.s32 $0xFFFFFF80  }
0x172: {  	_ =	swait.ge [sflag:s25], $0x80  }
0x173: {  	[sflag:s25] =	ssyncset.done $0x0  }
0x174: {  	[sflag:s25] =	ssyncadd.s32 $0xFFFFFF80  }
.Ltmp4:
0x175: {  	_ =	swait.ge [sflag:s28], $0x4000;
	(pc) =	sbr.rel .LBB2_8-.Ltmp4, $4  }
0x176: {  	s20 =	sld [smem:$0x7FB]  }
0x177: {  	[sflag:s28] =	ssyncset.done $0x0;
	s14 =	sld [smem:$0x7FC]  }
0x178: {  	s13 =	rddreg [dreg:$0xb];
	[sflag:s28] =	ssyncadd.s32 $0xFFFFC000  }
0x179: {  	[tilespmem:s6], [sflag:$0x1] =	stream.indirect.gather [hbm4b:s1+s31], $0x80, s31, s31, $0xb8;
	[tilespmem:$0x1C600] =	vst v63  }
.LBB2_5:
0x17a: {  	s11 =	rddreg [dreg:$0x1d]  }
0x17b: {  	[tilespmem:s5], [sflag:$0x2] =	stream.linear.gather [hbm4b:s11+s5], $0x80, $0x38;
	[tilespmem:$0x1C600] =	vst v63  }
0x17c: {  	s12 =	rddreg [dreg:$0x1e]  }
0x17d: {  	[tilespmem:s24], [sflag:$0x2] =	stream.linear.gather [hbm4b:s12+s5], $0x80, $0x38;
	[tilespmem:$0x1C600] =	vst v63  }
0x17e: {  	_ =	swait.ge [sflag:s25], $0x80  }
0x17f: {  	[sflag:s25] =	ssyncset.done $0x0  }
0x180: {  	[sflag:s25] =	ssyncadd.s32 $0xFFFFFF80  }
0x181: {  	_ =	swait.ge [sflag:s25], $0x80  }
0x182: {  	[sflag:s25] =	ssyncset.done $0x0  }
0x183: {  	[sflag:s25] =	ssyncadd.s32 $0xFFFFFF80  }
0x184: {  	[tilespmem:s22], [sflag:$0x1] =	stream.indirect.gather [hbm4b:s1+s31], $0x80, s5, s31, $0xb8;
	[tilespmem:$0x1C600] =	vst v63  }
0x185: {  	s13 =	rddreg [dreg:$0x16]  }
0x186: {  	[tilespmem:s31], [sflag:$0x2] =	stream.linear.gather [hbm4b:s13+s5], $0x80, $0x38;
	[tilespmem:$0x1C600] =	vst v63  }
0x187: {  	s14 =	rddreg [dreg:$0x17]  }
0x188: {  	[tilespmem:s0], [sflag:$0x2] =	stream.linear.gather [hbm4b:s14+s5], $0x80, $0x38;
	[tilespmem:$0x1C600] =	vst v63  }
0x189: {  	_ =	swait.ge [sflag:s23], $0x4000  }
0x18a: {  	[sflag:s23] =	ssyncset.done $0x0  }
0x18b: {  	[sflag:s23] =	ssyncadd.s32 $0xFFFFC000  }
0x18c: {  	_ =	swait.ge [sflag:s25], $0x80  }
0x18d: {  	[sflag:s25] =	ssyncset.done $0x0  }
0x18e: {  	[sflag:s25] =	ssyncadd.s32 $0xFFFFFF80  }
0x18f: {  	_ =	swait.ge [sflag:s25], $0x80  }
0x190: {  	[sflag:s25] =	ssyncset.done $0x0  }
0x191: {  	s17 =	sld [smem:$0x7EF];
	[sflag:s25] =	ssyncadd.s32 $0xFFFFFF80  }
0x192: {  	[tilespmem:s6], [sflag:$0x1] =	stream.indirect.gather [hbm4b:s1+s31], $0x80, s31, s31, $0xb8;
	[tilespmem:$0x1C600] =	vst v63  }
0x193: {  	s20 =	sld [smem:$0x7F0]  }
0x194: {  	[tilespmem:s5], [sflag:$0x2] =	stream.linear.gather [hbm4b:s17+s5], $0x80, $0x38;
	[tilespmem:$0x1C600] =	vst v63  }
0x195: {  	_ = 	snop  }
0x196: {  	[tilespmem:s24], [sflag:$0x2] =	stream.linear.gather [hbm4b:s20+s5], $0x80, $0x38;
	[tilespmem:$0x1C600] =	vst v63  }
0x197: {  	_ = 	snop  }
0x198: {  	[spmem:s4] =	stream.indirect.scatter.add.f32 [tilespmem:s22], [sflag:$0x3], $0x80, s24, s31, $0xb8;
	[tilespmem:$0x1C600] =	vst v63  }
0x199: {  	_ =	swait.ge [sflag:s23], $0x4000  }
0x19a: {  	[sflag:s23] =	ssyncset.done $0x0  }
0x19b: {  	[sflag:s23] =	ssyncadd.s32 $0xFFFFC000  }
0x19c: {  	_ =	swait.ge [sflag:s25], $0x80  }
0x19d: {  	[sflag:s25] =	ssyncset.done $0x0  }
0x19e: {  	[sflag:s25] =	ssyncadd.s32 $0xFFFFFF80  }
0x19f: {  	_ =	swait.ge [sflag:s25], $0x80  }
0x1a0: {  	[sflag:s25] =	ssyncset.done $0x0  }
0x1a1: {  	[sflag:s25] =	ssyncadd.s32 $0xFFFFFF80  }
0x1a2: {  	_ =	swait.ge [sflag:s28], $0x4000  }
0x1a3: {  	[sflag:s28] =	ssyncset.done $0x0  }
0x1a4: {  	s12 =	sld [smem:$0x7F5];
	[sflag:s28] =	ssyncadd.s32 $0xFFFFC000  }
0x1a5: {  	[tilespmem:s22], [sflag:$0x1] =	stream.indirect.gather [hbm4b:s1+s31], $0x80, s5, s31, $0xb8;
	[tilespmem:$0x1C600] =	vst v63  }
0x1a6: {  	s13 =	sld [smem:$0x7F6]  }
0x1a7: {  	[tilespmem:s31], [sflag:$0x2] =	stream.linear.gather [hbm4b:s12+s5], $0x80, $0x38;
	[tilespmem:$0x1C600] =	vst v63  }
0x1a8: {  	_ = 	snop  }
0x1a9: {  	[tilespmem:s0], [sflag:$0x2] =	stream.linear.gather [hbm4b:s13+s5], $0x80, $0x38;
	[tilespmem:$0x1C600] =	vst v63  }
0x1aa: {  	_ = 	snop  }
0x1ab: {  	[spmem:s4] =	stream.indirect.scatter.add.f32 [tilespmem:s6], [sflag:$0x3], $0x80, s0, s31, $0xb8;
	[tilespmem:$0x1C600] =	vst v63  }
0x1ac: {  	_ =	swait.ge [sflag:s23], $0x4000  }
0x1ad: {  	[sflag:s23] =	ssyncset.done $0x0  }
0x1ae: {  	[sflag:s23] =	ssyncadd.s32 $0xFFFFC000  }
0x1af: {  	_ =	swait.ge [sflag:s25], $0x80  }
0x1b0: {  	[sflag:s25] =	ssyncset.done $0x0  }
0x1b1: {  	[sflag:s25] =	ssyncadd.s32 $0xFFFFFF80  }
0x1b2: {  	_ =	swait.ge [sflag:s25], $0x80  }
0x1b3: {  	[sflag:s25] =	ssyncset.done $0x0  }
0x1b4: {  	[sflag:s25] =	ssyncadd.s32 $0xFFFFFF80  }
0x1b5: {  	_ =	swait.ge [sflag:s28], $0x4000  }
0x1b6: {  	[sflag:s28] =	ssyncset.done $0x0  }
0x1b7: {  	s14 =	sadd.s32 $0xFFFFF680, s7;
	[sflag:s28] =	ssyncadd.s32 $0xFFFFC000  }
0x1b8: {  	[tilespmem:s6], [sflag:$0x1] =	stream.indirect.gather [hbm4b:s1+s31], $0x80, s31, s31, $0xb8;
	[tilespmem:$0x1C600] =	vst v63  }
0x1b9: {  	s12 =	sadd.s32 $0xFFFFF680, s15;
	s13 =	sadd.s32 $0x9C0, s14  }
0x1ba: {  	[tilespmem:s5], [sflag:$0x2] =	stream.linear.gather [hbm4b:s13+s5], $0x80, $0x38;
	[tilespmem:$0x1C600] =	vst v63  }
0x1bb: {  	s17 =	sadd.s32 $0x9C0, s12  }
0x1bc: {  	[tilespmem:s24], [sflag:$0x2] =	stream.linear.gather [hbm4b:s17+s5], $0x80, $0x38;
	[tilespmem:$0x1C600] =	vst v63  }
0x1bd: {  	_ = 	snop  }
0x1be: {  	[spmem:s4] =	stream.indirect.scatter.add.f32 [tilespmem:s22], [sflag:$0x3], $0x80, s24, s31, $0xb8;
	[tilespmem:$0x1C600] =	vst v63  }
0x1bf: {  	_ =	swait.ge [sflag:s23], $0x4000  }
0x1c0: {  	[sflag:s23] =	ssyncset.done $0x0  }
0x1c1: {  	[sflag:s23] =	ssyncadd.s32 $0xFFFFC000  }
0x1c2: {  	_ =	swait.ge [sflag:s25], $0x80  }
0x1c3: {  	[sflag:s25] =	ssyncset.done $0x0  }
0x1c4: {  	[sflag:s25] =	ssyncadd.s32 $0xFFFFFF80  }
0x1c5: {  	_ =	swait.ge [sflag:s25], $0x80  }
0x1c6: {  	[sflag:s25] =	ssyncset.done $0x0  }
0x1c7: {  	[sflag:s25] =	ssyncadd.s32 $0xFFFFFF80  }
0x1c8: {  	_ =	swait.ge [sflag:s28], $0x4000  }
0x1c9: {  	[sflag:s28] =	ssyncset.done $0x0  }
0x1ca: {  	[sflag:s28] =	ssyncadd.s32 $0xFFFFC000  }
0x1cb: {  	[tilespmem:s22], [sflag:$0x1] =	stream.indirect.gather [hbm4b:s1+s31], $0x80, s5, s31, $0xb8;
	[tilespmem:$0x1C600] =	vst v63  }
0x1cc: {  	s11 =	sadd.s32 $0x9D0, s14  }
0x1cd: {  	[tilespmem:s31], [sflag:$0x2] =	stream.linear.gather [hbm4b:s11+s5], $0x80, $0x38;
	[tilespmem:$0x1C600] =	vst v63  }
0x1ce: {  	s20 =	sadd.s32 $0x9D0, s12  }
0x1cf: {  	[tilespmem:s0], [sflag:$0x2] =	stream.linear.gather [hbm4b:s20+s5], $0x80, $0x38;
	[tilespmem:$0x1C600] =	vst v63  }
0x1d0: {  	_ = 	snop  }
0x1d1: {  	[spmem:s4] =	stream.indirect.scatter.add.f32 [tilespmem:s6], [sflag:$0x3], $0x80, s0, s31, $0xb8;
	[tilespmem:$0x1C600] =	vst v63  }
0x1d2: {  	_ =	swait.ge [sflag:s23], $0x4000  }
0x1d3: {  	[sflag:s23] =	ssyncset.done $0x0  }
0x1d4: {  	[sflag:s23] =	ssyncadd.s32 $0xFFFFC000  }
0x1d5: {  	_ =	swait.ge [sflag:s25], $0x80  }
0x1d6: {  	[sflag:s25] =	ssyncset.done $0x0  }
0x1d7: {  	[sflag:s25] =	ssyncadd.s32 $0xFFFFFF80  }
0x1d8: {  	_ =	swait.ge [sflag:s25], $0x80  }
0x1d9: {  	[sflag:s25] =	ssyncset.done $0x0  }
0x1da: {  	[sflag:s25] =	ssyncadd.s32 $0xFFFFFF80  }
0x1db: {  	_ =	swait.ge [sflag:s28], $0x4000  }
0x1dc: {  	s30 =	sadd.s32 $0xFFFFF6A0, s15;
	[sflag:s28] =	ssyncset.done $0x0  }
0x1dd: {  	s11 =	simm.s32 $0xFFFFF6C0;
	s20 =	sadd.s32 $0xFFFFF6A0, s7;
	[sflag:s28] =	ssyncadd.s32 $0xFFFFC000  }
.LBB2_6:
0x1de: {  	[tilespmem:s6], [sflag:$0x1] =	stream.indirect.gather [hbm4b:s1+s31], $0x80, s31, s31, $0xb8;
	[tilespmem:$0x1C600] =	vst v63  }
0x1df: {  	s14 =	smov.u32 s11  }
0x1e0: {  	s13 =	sadd.s32 $0x20, s11;
	s17 =	sadd.s32 $0x9C0, s20;
	s12 =	sadd.s32 s14, s7  }
0x1e1: {  	[tilespmem:s5], [sflag:$0x2] =	stream.linear.gather [hbm4b:s17+s5], $0x80, $0x38;
	[tilespmem:$0x1C600] =	vst v63  }
0x1e2: {  	p1 =	sne.s32 s11, $0xFFFFFFE0;
	s11 =	sadd.s32 $0x9C0, s30  }
0x1e3: {  	[tilespmem:s24], [sflag:$0x2] =	stream.linear.gather [hbm4b:s11+s5], $0x80, $0x38;
	[tilespmem:$0x1C600] =	vst v63  }
0x1e4: {  	_ = 	snop  }
0x1e5: {  	[spmem:s4] =	stream.indirect.scatter.add.f32 [tilespmem:s22], [sflag:$0x3], $0x80, s24, s31, $0xb8;
	[tilespmem:$0x1C600] =	vst v63  }
0x1e6: {  	_ =	swait.ge [sflag:s23], $0x4000  }
0x1e7: {  	[sflag:s23] =	ssyncset.done $0x0  }
0x1e8: {  	[sflag:s23] =	ssyncadd.s32 $0xFFFFC000  }
0x1e9: {  	_ =	swait.ge [sflag:s25], $0x80  }
0x1ea: {  	[sflag:s25] =	ssyncset.done $0x0  }
0x1eb: {  	[sflag:s25] =	ssyncadd.s32 $0xFFFFFF80  }
0x1ec: {  	_ =	swait.ge [sflag:s25], $0x80  }
0x1ed: {  	[sflag:s25] =	ssyncset.done $0x0  }
0x1ee: {  	[sflag:s25] =	ssyncadd.s32 $0xFFFFFF80  }
0x1ef: {  	_ =	swait.ge [sflag:s28], $0x4000  }
0x1f0: {  	[sflag:s28] =	ssyncset.done $0x0  }
0x1f1: {  	[sflag:s28] =	ssyncadd.s32 $0xFFFFC000  }
0x1f2: {  	[tilespmem:s22], [sflag:$0x1] =	stream.indirect.gather [hbm4b:s1+s31], $0x80, s5, s31, $0xb8;
	[tilespmem:$0x1C600] =	vst v63  }
0x1f3: {  	s11 =	sadd.s32 $0x9D0, s20;
	s20 =	smov.u32 s12  }
0x1f4: {  	[tilespmem:s31], [sflag:$0x2] =	stream.linear.gather [hbm4b:s11+s5], $0x80, $0x38;
	[tilespmem:$0x1C600] =	vst v63  }
0x1f5: {  	s11 =	sadd.s32 $0x9D0, s30  }
0x1f6: {  	[tilespmem:s0], [sflag:$0x2] =	stream.linear.gather [hbm4b:s11+s5], $0x80, $0x38;
	[tilespmem:$0x1C600] =	vst v63  }
0x1f7: {  	_ = 	snop  }
0x1f8: {  	[spmem:s4] =	stream.indirect.scatter.add.f32 [tilespmem:s6], [sflag:$0x3], $0x80, s0, s31, $0xb8;
	[tilespmem:$0x1C600] =	vst v63  }
0x1f9: {  	_ =	swait.ge [sflag:s23], $0x4000  }
0x1fa: {  	[sflag:s23] =	ssyncset.done $0x0  }
0x1fb: {  	[sflag:s23] =	ssyncadd.s32 $0xFFFFC000  }
0x1fc: {  	_ =	swait.ge [sflag:s25], $0x80  }
0x1fd: {  	[sflag:s25] =	ssyncset.done $0x0  }
0x1fe: {  	[sflag:s25] =	ssyncadd.s32 $0xFFFFFF80  }
0x1ff: {  	_ =	swait.ge [sflag:s25], $0x80  }
.Ltmp5:
0x200: {  	[sflag:s25] =	ssyncset.done $0x0;
	(pc) =	sbr.rel @p1 .LBB2_6-.Ltmp5, $4  }
0x201: {  	[sflag:s25] =	ssyncadd.s32 $0xFFFFFF80  }
0x202: {  	_ =	swait.ge [sflag:s28], $0x4000  }
0x203: {  	[sflag:s28] =	ssyncset.done $0x0  }
0x204: {  	s30 =	sadd.s32 s14, s15;
	s11 =	smov.u32 s13;
	[sflag:s28] =	ssyncadd.s32 $0xFFFFC000  }
0x205: {  	[tilespmem:s6], [sflag:$0x1] =	stream.indirect.gather [hbm4b:s1+s31], $0x80, s31, s31, $0xb8;
	[tilespmem:$0x1C600] =	vst v63  }
0x206: {  	s11 =	sadd.s32 $0x9C0, s20  }
0x207: {  	[tilespmem:s5], [sflag:$0x2] =	stream.linear.gather [hbm4b:s11+s5], $0x80, $0x38;
	[tilespmem:$0x1C600] =	vst v63  }
0x208: {  	s17 =	sadd.s32 $0x9C0, s30  }
0x209: {  	[tilespmem:s24], [sflag:$0x2] =	stream.linear.gather [hbm4b:s17+s5], $0x80, $0x38;
	[tilespmem:$0x1C600] =	vst v63  }
0x20a: {  	_ = 	snop  }
0x20b: {  	[spmem:s4] =	stream.indirect.scatter.add.f32 [tilespmem:s22], [sflag:$0x3], $0x80, s24, s31, $0xb8;
	[tilespmem:$0x1C600] =	vst v63  }
0x20c: {  	_ =	swait.ge [sflag:s23], $0x4000  }
0x20d: {  	[sflag:s23] =	ssyncset.done $0x0  }
0x20e: {  	[sflag:s23] =	ssyncadd.s32 $0xFFFFC000  }
0x20f: {  	_ =	swait.ge [sflag:s25], $0x80  }
0x210: {  	[sflag:s25] =	ssyncset.done $0x0  }
0x211: {  	[sflag:s25] =	ssyncadd.s32 $0xFFFFFF80  }
0x212: {  	_ =	swait.ge [sflag:s25], $0x80  }
0x213: {  	[sflag:s25] =	ssyncset.done $0x0  }
0x214: {  	[sflag:s25] =	ssyncadd.s32 $0xFFFFFF80  }
0x215: {  	_ =	swait.ge [sflag:s28], $0x4000  }
0x216: {  	[sflag:s28] =	ssyncset.done $0x0  }
0x217: {  	[sflag:s28] =	ssyncadd.s32 $0xFFFFC000  }
0x218: {  	[tilespmem:s22], [sflag:$0x1] =	stream.indirect.gather [hbm4b:s1+s31], $0x80, s5, s31, $0xb8;
	[tilespmem:$0x1C600] =	vst v63  }
0x219: {  	s20 =	sadd.s32 $0x9D0, s20  }
0x21a: {  	[tilespmem:s31], [sflag:$0x2] =	stream.linear.gather [hbm4b:s20+s5], $0x80, $0x38;
	[tilespmem:$0x1C600] =	vst v63  }
0x21b: {  	s30 =	sadd.s32 $0x9D0, s30  }
0x21c: {  	[tilespmem:s0], [sflag:$0x2] =	stream.linear.gather [hbm4b:s30+s5], $0x80, $0x38;
	[tilespmem:$0x1C600] =	vst v63  }
0x21d: {  	_ = 	snop  }
0x21e: {  	[spmem:s4] =	stream.indirect.scatter.add.f32 [tilespmem:s6], [sflag:$0x3], $0x80, s0, s31, $0xb8;
	[tilespmem:$0x1C600] =	vst v63  }
0x21f: {  	_ =	swait.ge [sflag:s23], $0x4000  }
0x220: {  	[sflag:s23] =	ssyncset.done $0x0  }
0x221: {  	[sflag:s23] =	ssyncadd.s32 $0xFFFFC000  }
0x222: {  	_ =	swait.ge [sflag:s25], $0x80  }
0x223: {  	[sflag:s25] =	ssyncset.done $0x0  }
0x224: {  	[sflag:s25] =	ssyncadd.s32 $0xFFFFFF80  }
0x225: {  	_ =	swait.ge [sflag:s25], $0x80  }
0x226: {  	[sflag:s25] =	ssyncset.done $0x0  }
0x227: {  	[sflag:s25] =	ssyncadd.s32 $0xFFFFFF80  }
0x228: {  	_ =	swait.ge [sflag:s28], $0x4000  }
0x229: {  	s20 =	sld [smem:$0x7FC]  }
0x22a: {  	[sflag:s28] =	ssyncset.done $0x0;
	s14 =	sld [smem:$0x7FB]  }
0x22b: {  	s13 =	rddreg [dreg:$0xc];
	[sflag:s28] =	ssyncadd.s32 $0xFFFFC000  }
0x22c: {  	[tilespmem:s6], [sflag:$0x1] =	stream.indirect.gather [hbm4b:s1+s31], $0x80, s31, s31, $0xb8;
	[tilespmem:$0x1C600] =	vst v63  }
.LBB2_8:
0x22d: {  	[spmem:s4] =	stream.indirect.scatter.add.f32 [tilespmem:s22], [sflag:$0x3], $0x80, s24, s31, $0xb8;
	[tilespmem:$0x1C600] =	vst v63  }
0x22e: {  	_ =	swait.ge [sflag:s23], $0x4000  }
0x22f: {  	[sflag:s23] =	ssyncset.done $0x0  }
0x230: {  	[sflag:s23] =	ssyncadd.s32 $0xFFFFC000  }
0x231: {  	[spmem:s4] =	stream.indirect.scatter.add.f32 [tilespmem:s6], [sflag:$0x3], $0x80, s0, s31, $0xb8;
	[tilespmem:$0x1C600] =	vst v63  }
0x232: {  	_ =	swait.ge [sflag:s28], $0x4000  }
0x233: {  	[sflag:s28] =	ssyncset.done $0x0  }
0x234: {  	[sflag:s28] =	ssyncadd.s32 $0xFFFFC000  }
0x235: {  	_ =	swait.ge [sflag:s28], $0x4000  }
0x236: {  	[sflag:s28] =	ssyncset.done $0x0  }
0x237: {  	[sflag:s28] =	ssyncadd.s32 $0xFFFFC000  }
0x238: {  	[tilespmem:s5], [sflag:$0x4] =	stream.linear.gather [hbm4b:s20+s5], $0x20, $0x38;
	[tilespmem:$0x1C600] =	vst v63  }
0x239: {  	_ =	swait.ge [sflag:s19], $0x20  }
0x23a: {  	[sflag:s19] =	ssyncset.done $0x0  }
0x23b: {  	[sflag:s19] =	ssyncadd.s32 $0xFFFFFFE0  }
0x23c: {  	[tilespmem:s24], [sflag:$0x4] =	stream.linear.gather [hbm4b:s14+s5], $0x20, $0x38;
	[tilespmem:$0x1C600] =	vst v63  }
0x23d: {  	_ =	swait.ge [sflag:s19], $0x20  }
0x23e: {  	[sflag:s19] =	ssyncset.done $0x0  }
0x23f: {  	[sflag:s19] =	ssyncadd.s32 $0xFFFFFFE0  }
0x240: {  	[tilespmem:$0x20] =	vst v0  }
0x241: {  	[tilespmem:$0x120] =	vst v1  }
0x242: {  	[tilespmem:$0x30] =	vst v0  }
0x243: {  	[tilespmem:$0x130] =	vst v1  }
0x244: {  	[tilespmem:$0x40] =	vst v0  }
0x245: {  	[tilespmem:$0x140] =	vst v1  }
0x246: {  	[tilespmem:$0x50] =	vst v0  }
0x247: {  	[tilespmem:$0x150] =	vst v1  }
0x248: {  	[tilespmem:$0x60] =	vst v0  }
0x249: {  	[tilespmem:$0x160] =	vst v1  }
0x24a: {  	[tilespmem:$0x70] =	vst v0  }
0x24b: {  	[tilespmem:$0x170] =	vst v1  }
0x24c: {  	[tilespmem:s22], [sflag:$0x1] =	stream.indirect.gather [hbm4b:s1+s31], $0x80, s5, s31, $0xb8;
	[tilespmem:$0x1C600] =	vst v63  }
0x24d: {  	_ =	swait.ge [sflag:s23], $0x4000  }
0x24e: {  	[sflag:s23] =	ssyncset.done $0x0  }
0x24f: {  	[sflag:s23] =	ssyncadd.s32 $0xFFFFC000  }
0x250: {  	[spmem:s4] =	stream.indirect.scatter.add.f32 [tilespmem:s22], [sflag:$0x4], $0x80, s24, s31, $0xb8;
	[tilespmem:$0x1C600] =	vst v63  }
0x251: {  	_ =	swait.ge [sflag:s19], $0x4000  }
0x252: {  	s11 =	sld [smem:$0x7FD]  }
0x253: {  	[sflag:s19] =	ssyncset.done $0x0  }
0x254: {  	[sflag:s19] =	ssyncadd.s32 $0xFFFFC000  }
0x255: {  	[bflag:$0x0] =	sbarrier.arrive $0xFFFF;
	s11 =	sadd.s32 s13, s11  }
0x256: {  	[hbm:s11], [sflag:s18] =	dma.local [spmem:s26], $0x2800  }
0x257: {  	_ =	swait.ge [sflag:s19], $0x2800  }
0x258: {  	[sflag:s19] =	ssyncset.done $0x0  }
0x259: {  	[sflag:s19] =	ssyncadd.s32 $0xFFFFD800  }
0x25a: {  	[bflag:$0x0] =	sbarrier.arrive $0xFFFF  }
0x25b: {  	s30 =	rddreg [dreg:$0xa]  }
0x25c: {  	[spmem:s26], [sflag:s18] =	dma.local [hbm:s30], $0x2800  }
.Ltmp6:
0x25d: {  	_ =	swait.ge [sflag:s19], $0x2800;
	(pc) =	sbr.rel @p0 .LBB2_12-.Ltmp6, $3  }
0x25e: {  	[sflag:s19] =	ssyncset.done $0x0  }
0x25f: {  	[sflag:s19] =	ssyncadd.s32 $0xFFFFD800  }
0x260: {  	[bflag:$0x0] =	sbarrier.arrive $0xFFFF;
	_ =	sdelay $0x1  }
0x261: {  	s11 =	sld [smem:$0x7ED];
	_ =	sdelay $0x1  }
0x262: {  	s12 =	sld [smem:$0x7EE]  }
0x263: {  	[tilespmem:s5], [sflag:$0x2] =	stream.linear.gather [hbm4b:s11+s5], $0x80, $0x38;
	[tilespmem:$0x1C600] =	vst v63  }
0x264: {  	_ = 	snop  }
0x265: {  	[tilespmem:s24], [sflag:$0x2] =	stream.linear.gather [hbm4b:s12+s5], $0x80, $0x38;
	[tilespmem:$0x1C600] =	vst v63  }
0x266: {  	_ =	swait.ge [sflag:s25], $0x80  }
0x267: {  	[sflag:s25] =	ssyncset.done $0x0  }
0x268: {  	[sflag:s25] =	ssyncadd.s32 $0xFFFFFF80  }
0x269: {  	_ =	swait.ge [sflag:s25], $0x80  }
0x26a: {  	[sflag:s25] =	ssyncset.done $0x0  }
0x26b: {  	[sflag:s25] =	ssyncadd.s32 $0xFFFFFF80  }
0x26c: {  	[tilespmem:s22], [sflag:$0x1] =	stream.indirect.gather [hbm4b:s3+s31], $0x80, s5, s31, $0xb8;
	[tilespmem:$0x1C600] =	vst v63  }
0x26d: {  	s13 =	rddreg [dreg:$0x1a]  }
0x26e: {  	[tilespmem:s31], [sflag:$0x2] =	stream.linear.gather [hbm4b:s13+s5], $0x80, $0x38;
	[tilespmem:$0x1C600] =	vst v63  }
0x26f: {  	s14 =	rddreg [dreg:$0x1b]  }
0x270: {  	[tilespmem:s0], [sflag:$0x2] =	stream.linear.gather [hbm4b:s14+s5], $0x80, $0x38;
	[tilespmem:$0x1C600] =	vst v63  }
0x271: {  	_ =	swait.ge [sflag:s23], $0x4000  }
0x272: {  	[sflag:s23] =	ssyncset.done $0x0  }
0x273: {  	[sflag:s23] =	ssyncadd.s32 $0xFFFFC000  }
0x274: {  	_ =	swait.ge [sflag:s25], $0x80  }
0x275: {  	[sflag:s25] =	ssyncset.done $0x0  }
0x276: {  	[sflag:s25] =	ssyncadd.s32 $0xFFFFFF80  }
0x277: {  	_ =	swait.ge [sflag:s25], $0x80  }
0x278: {  	[sflag:s25] =	ssyncset.done $0x0  }
0x279: {  	s17 =	sld [smem:$0x7F3];
	[sflag:s25] =	ssyncadd.s32 $0xFFFFFF80  }
0x27a: {  	[tilespmem:s6], [sflag:$0x1] =	stream.indirect.gather [hbm4b:s3+s31], $0x80, s31, s31, $0xb8;
	[tilespmem:$0x1C600] =	vst v63  }
0x27b: {  	s20 =	sld [smem:$0x7F4]  }
0x27c: {  	[tilespmem:s5], [sflag:$0x2] =	stream.linear.gather [hbm4b:s17+s5], $0x80, $0x38;
	[tilespmem:$0x1C600] =	vst v63  }
0x27d: {  	_ = 	snop  }
0x27e: {  	[tilespmem:s24], [sflag:$0x2] =	stream.linear.gather [hbm4b:s20+s5], $0x80, $0x38;
	[tilespmem:$0x1C600] =	vst v63  }
0x27f: {  	_ = 	snop  }
0x280: {  	[spmem:s4] =	stream.indirect.scatter.add.f32 [tilespmem:s22], [sflag:$0x3], $0x80, s24, s31, $0xb8;
	[tilespmem:$0x1C600] =	vst v63  }
0x281: {  	_ =	swait.ge [sflag:s23], $0x4000  }
0x282: {  	[sflag:s23] =	ssyncset.done $0x0  }
0x283: {  	[sflag:s23] =	ssyncadd.s32 $0xFFFFC000  }
0x284: {  	_ =	swait.ge [sflag:s25], $0x80  }
0x285: {  	[sflag:s25] =	ssyncset.done $0x0  }
0x286: {  	[sflag:s25] =	ssyncadd.s32 $0xFFFFFF80  }
0x287: {  	_ =	swait.ge [sflag:s25], $0x80  }
0x288: {  	[sflag:s25] =	ssyncset.done $0x0  }
0x289: {  	[sflag:s25] =	ssyncadd.s32 $0xFFFFFF80  }
0x28a: {  	_ =	swait.ge [sflag:s28], $0x4000  }
0x28b: {  	[sflag:s28] =	ssyncset.done $0x0  }
0x28c: {  	s12 =	sld [smem:$0x7F9];
	[sflag:s28] =	ssyncadd.s32 $0xFFFFC000  }
0x28d: {  	[tilespmem:s22], [sflag:$0x1] =	stream.indirect.gather [hbm4b:s3+s31], $0x80, s5, s31, $0xb8;
	[tilespmem:$0x1C600] =	vst v63  }
0x28e: {  	s13 =	sld [smem:$0x7FA]  }
0x28f: {  	[tilespmem:s31], [sflag:$0x2] =	stream.linear.gather [hbm4b:s12+s5], $0x80, $0x38;
	[tilespmem:$0x1C600] =	vst v63  }
0x290: {  	_ = 	snop  }
0x291: {  	[tilespmem:s0], [sflag:$0x2] =	stream.linear.gather [hbm4b:s13+s5], $0x80, $0x38;
	[tilespmem:$0x1C600] =	vst v63  }
0x292: {  	_ = 	snop  }
0x293: {  	[spmem:s4] =	stream.indirect.scatter.add.f32 [tilespmem:s6], [sflag:$0x3], $0x80, s0, s31, $0xb8;
	[tilespmem:$0x1C600] =	vst v63  }
0x294: {  	_ =	swait.ge [sflag:s23], $0x4000  }
0x295: {  	[sflag:s23] =	ssyncset.done $0x0  }
0x296: {  	[sflag:s23] =	ssyncadd.s32 $0xFFFFC000  }
0x297: {  	_ =	swait.ge [sflag:s25], $0x80  }
0x298: {  	[sflag:s25] =	ssyncset.done $0x0  }
0x299: {  	[sflag:s25] =	ssyncadd.s32 $0xFFFFFF80  }
0x29a: {  	_ =	swait.ge [sflag:s25], $0x80  }
0x29b: {  	[sflag:s25] =	ssyncset.done $0x0  }
0x29c: {  	[sflag:s25] =	ssyncadd.s32 $0xFFFFFF80  }
0x29d: {  	_ =	swait.ge [sflag:s28], $0x4000  }
0x29e: {  	[sflag:s28] =	ssyncset.done $0x0  }
0x29f: {  	s14 =	sadd.s32 $0xFFFFF680, s16;
	[sflag:s28] =	ssyncadd.s32 $0xFFFFC000  }
0x2a0: {  	[tilespmem:s6], [sflag:$0x1] =	stream.indirect.gather [hbm4b:s3+s31], $0x80, s31, s31, $0xb8;
	[tilespmem:$0x1C600] =	vst v63  }
0x2a1: {  	s12 =	sadd.s32 $0xFFFFF680, s10;
	s13 =	sadd.s32 $0x9C0, s14  }
0x2a2: {  	[tilespmem:s5], [sflag:$0x2] =	stream.linear.gather [hbm4b:s13+s5], $0x80, $0x38;
	[tilespmem:$0x1C600] =	vst v63  }
0x2a3: {  	s17 =	sadd.s32 $0x9C0, s12  }
0x2a4: {  	[tilespmem:s24], [sflag:$0x2] =	stream.linear.gather [hbm4b:s17+s5], $0x80, $0x38;
	[tilespmem:$0x1C600] =	vst v63  }
0x2a5: {  	_ = 	snop  }
0x2a6: {  	[spmem:s4] =	stream.indirect.scatter.add.f32 [tilespmem:s22], [sflag:$0x3], $0x80, s24, s31, $0xb8;
	[tilespmem:$0x1C600] =	vst v63  }
0x2a7: {  	_ =	swait.ge [sflag:s23], $0x4000  }
0x2a8: {  	[sflag:s23] =	ssyncset.done $0x0  }
0x2a9: {  	[sflag:s23] =	ssyncadd.s32 $0xFFFFC000  }
0x2aa: {  	_ =	swait.ge [sflag:s25], $0x80  }
0x2ab: {  	[sflag:s25] =	ssyncset.done $0x0  }
0x2ac: {  	[sflag:s25] =	ssyncadd.s32 $0xFFFFFF80  }
0x2ad: {  	_ =	swait.ge [sflag:s25], $0x80  }
0x2ae: {  	[sflag:s25] =	ssyncset.done $0x0  }
0x2af: {  	[sflag:s25] =	ssyncadd.s32 $0xFFFFFF80  }
0x2b0: {  	_ =	swait.ge [sflag:s28], $0x4000  }
0x2b1: {  	[sflag:s28] =	ssyncset.done $0x0  }
0x2b2: {  	[sflag:s28] =	ssyncadd.s32 $0xFFFFC000  }
0x2b3: {  	[tilespmem:s22], [sflag:$0x1] =	stream.indirect.gather [hbm4b:s3+s31], $0x80, s5, s31, $0xb8;
	[tilespmem:$0x1C600] =	vst v63  }
0x2b4: {  	s11 =	sadd.s32 $0x9D0, s14  }
0x2b5: {  	[tilespmem:s31], [sflag:$0x2] =	stream.linear.gather [hbm4b:s11+s5], $0x80, $0x38;
	[tilespmem:$0x1C600] =	vst v63  }
0x2b6: {  	s20 =	sadd.s32 $0x9D0, s12  }
0x2b7: {  	[tilespmem:s0], [sflag:$0x2] =	stream.linear.gather [hbm4b:s20+s5], $0x80, $0x38;
	[tilespmem:$0x1C600] =	vst v63  }
0x2b8: {  	_ = 	snop  }
0x2b9: {  	[spmem:s4] =	stream.indirect.scatter.add.f32 [tilespmem:s6], [sflag:$0x3], $0x80, s0, s31, $0xb8;
	[tilespmem:$0x1C600] =	vst v63  }
0x2ba: {  	_ =	swait.ge [sflag:s23], $0x4000  }
0x2bb: {  	[sflag:s23] =	ssyncset.done $0x0  }
0x2bc: {  	[sflag:s23] =	ssyncadd.s32 $0xFFFFC000  }
0x2bd: {  	_ =	swait.ge [sflag:s25], $0x80  }
0x2be: {  	[sflag:s25] =	ssyncset.done $0x0  }
0x2bf: {  	[sflag:s25] =	ssyncadd.s32 $0xFFFFFF80  }
0x2c0: {  	_ =	swait.ge [sflag:s25], $0x80  }
0x2c1: {  	[sflag:s25] =	ssyncset.done $0x0  }
0x2c2: {  	[sflag:s25] =	ssyncadd.s32 $0xFFFFFF80  }
0x2c3: {  	_ =	swait.ge [sflag:s28], $0x4000  }
0x2c4: {  	s30 =	sadd.s32 $0xFFFFF6A0, s10;
	[sflag:s28] =	ssyncset.done $0x0  }
0x2c5: {  	s11 =	simm.s32 $0xFFFFF6C0;
	s20 =	sadd.s32 $0xFFFFF6A0, s16;
	[sflag:s28] =	ssyncadd.s32 $0xFFFFC000  }
.LBB2_10:
0x2c6: {  	[tilespmem:s6], [sflag:$0x1] =	stream.indirect.gather [hbm4b:s3+s31], $0x80, s31, s31, $0xb8;
	[tilespmem:$0x1C600] =	vst v63  }
0x2c7: {  	s14 =	smov.u32 s11  }
0x2c8: {  	s13 =	sadd.s32 $0x20, s11;
	s17 =	sadd.s32 $0x9C0, s20;
	s12 =	sadd.s32 s14, s16  }
0x2c9: {  	[tilespmem:s5], [sflag:$0x2] =	stream.linear.gather [hbm4b:s17+s5], $0x80, $0x38;
	[tilespmem:$0x1C600] =	vst v63  }
0x2ca: {  	p1 =	seq.s32 s11, $0xFFFFFFE0;
	s11 =	sadd.s32 $0x9C0, s30  }
0x2cb: {  	[tilespmem:s24], [sflag:$0x2] =	stream.linear.gather [hbm4b:s11+s5], $0x80, $0x38;
	[tilespmem:$0x1C600] =	vst v63  }
0x2cc: {  	_ = 	snop  }
0x2cd: {  	[spmem:s4] =	stream.indirect.scatter.add.f32 [tilespmem:s22], [sflag:$0x3], $0x80, s24, s31, $0xb8;
	[tilespmem:$0x1C600] =	vst v63  }
0x2ce: {  	_ =	swait.ge [sflag:s23], $0x4000  }
0x2cf: {  	[sflag:s23] =	ssyncset.done $0x0  }
0x2d0: {  	[sflag:s23] =	ssyncadd.s32 $0xFFFFC000  }
0x2d1: {  	_ =	swait.ge [sflag:s25], $0x80  }
0x2d2: {  	[sflag:s25] =	ssyncset.done $0x0  }
0x2d3: {  	[sflag:s25] =	ssyncadd.s32 $0xFFFFFF80  }
0x2d4: {  	_ =	swait.ge [sflag:s25], $0x80  }
0x2d5: {  	[sflag:s25] =	ssyncset.done $0x0  }
0x2d6: {  	[sflag:s25] =	ssyncadd.s32 $0xFFFFFF80  }
0x2d7: {  	_ =	swait.ge [sflag:s28], $0x4000  }
0x2d8: {  	[sflag:s28] =	ssyncset.done $0x0  }
0x2d9: {  	[sflag:s28] =	ssyncadd.s32 $0xFFFFC000  }
0x2da: {  	[tilespmem:s22], [sflag:$0x1] =	stream.indirect.gather [hbm4b:s3+s31], $0x80, s5, s31, $0xb8;
	[tilespmem:$0x1C600] =	vst v63  }
0x2db: {  	s11 =	sadd.s32 $0x9D0, s20;
	s20 =	smov.u32 s12  }
0x2dc: {  	[tilespmem:s31], [sflag:$0x2] =	stream.linear.gather [hbm4b:s11+s5], $0x80, $0x38;
	[tilespmem:$0x1C600] =	vst v63  }
0x2dd: {  	s11 =	sadd.s32 $0x9D0, s30  }
0x2de: {  	[tilespmem:s0], [sflag:$0x2] =	stream.linear.gather [hbm4b:s11+s5], $0x80, $0x38;
	[tilespmem:$0x1C600] =	vst v63  }
0x2df: {  	_ = 	snop  }
0x2e0: {  	[spmem:s4] =	stream.indirect.scatter.add.f32 [tilespmem:s6], [sflag:$0x3], $0x80, s0, s31, $0xb8;
	[tilespmem:$0x1C600] =	vst v63  }
0x2e1: {  	_ =	swait.ge [sflag:s23], $0x4000  }
0x2e2: {  	[sflag:s23] =	ssyncset.done $0x0  }
0x2e3: {  	[sflag:s23] =	ssyncadd.s32 $0xFFFFC000  }
0x2e4: {  	_ =	swait.ge [sflag:s25], $0x80  }
0x2e5: {  	[sflag:s25] =	ssyncset.done $0x0  }
0x2e6: {  	[sflag:s25] =	ssyncadd.s32 $0xFFFFFF80  }
0x2e7: {  	_ =	swait.ge [sflag:s25], $0x80  }
.Ltmp7:
0x2e8: {  	[sflag:s25] =	ssyncset.done $0x0;
	(pc) =	sbr.rel @!p1 .LBB2_10-.Ltmp7, $4  }
0x2e9: {  	[sflag:s25] =	ssyncadd.s32 $0xFFFFFF80  }
0x2ea: {  	_ =	swait.ge [sflag:s28], $0x4000  }
0x2eb: {  	[sflag:s28] =	ssyncset.done $0x0  }
0x2ec: {  	s30 =	sadd.s32 s14, s10;
	s11 =	smov.u32 s13;
	[sflag:s28] =	ssyncadd.s32 $0xFFFFC000  }
0x2ed: {  	[tilespmem:s6], [sflag:$0x1] =	stream.indirect.gather [hbm4b:s3+s31], $0x80, s31, s31, $0xb8;
	[tilespmem:$0x1C600] =	vst v63  }
0x2ee: {  	s11 =	sadd.s32 $0x9C0, s20  }
0x2ef: {  	[tilespmem:s5], [sflag:$0x2] =	stream.linear.gather [hbm4b:s11+s5], $0x80, $0x38;
	[tilespmem:$0x1C600] =	vst v63  }
0x2f0: {  	s17 =	sadd.s32 $0x9C0, s30  }
0x2f1: {  	[tilespmem:s24], [sflag:$0x2] =	stream.linear.gather [hbm4b:s17+s5], $0x80, $0x38;
	[tilespmem:$0x1C600] =	vst v63  }
0x2f2: {  	_ = 	snop  }
0x2f3: {  	[spmem:s4] =	stream.indirect.scatter.add.f32 [tilespmem:s22], [sflag:$0x3], $0x80, s24, s31, $0xb8;
	[tilespmem:$0x1C600] =	vst v63  }
0x2f4: {  	_ =	swait.ge [sflag:s23], $0x4000  }
0x2f5: {  	[sflag:s23] =	ssyncset.done $0x0  }
0x2f6: {  	[sflag:s23] =	ssyncadd.s32 $0xFFFFC000  }
0x2f7: {  	_ =	swait.ge [sflag:s25], $0x80  }
0x2f8: {  	[sflag:s25] =	ssyncset.done $0x0  }
0x2f9: {  	[sflag:s25] =	ssyncadd.s32 $0xFFFFFF80  }
0x2fa: {  	_ =	swait.ge [sflag:s25], $0x80  }
0x2fb: {  	[sflag:s25] =	ssyncset.done $0x0  }
0x2fc: {  	[sflag:s25] =	ssyncadd.s32 $0xFFFFFF80  }
0x2fd: {  	_ =	swait.ge [sflag:s28], $0x4000  }
0x2fe: {  	[sflag:s28] =	ssyncset.done $0x0  }
0x2ff: {  	[sflag:s28] =	ssyncadd.s32 $0xFFFFC000  }
0x300: {  	[tilespmem:s22], [sflag:$0x1] =	stream.indirect.gather [hbm4b:s3+s31], $0x80, s5, s31, $0xb8;
	[tilespmem:$0x1C600] =	vst v63  }
0x301: {  	s20 =	sadd.s32 $0x9D0, s20  }
0x302: {  	[tilespmem:s31], [sflag:$0x2] =	stream.linear.gather [hbm4b:s20+s5], $0x80, $0x38;
	[tilespmem:$0x1C600] =	vst v63  }
0x303: {  	s30 =	sadd.s32 $0x9D0, s30  }
0x304: {  	[tilespmem:s0], [sflag:$0x2] =	stream.linear.gather [hbm4b:s30+s5], $0x80, $0x38;
	[tilespmem:$0x1C600] =	vst v63  }
0x305: {  	_ = 	snop  }
0x306: {  	[spmem:s4] =	stream.indirect.scatter.add.f32 [tilespmem:s6], [sflag:$0x3], $0x80, s0, s31, $0xb8;
	[tilespmem:$0x1C600] =	vst v63  }
0x307: {  	_ =	swait.ge [sflag:s23], $0x4000  }
0x308: {  	[sflag:s23] =	ssyncset.done $0x0  }
0x309: {  	[sflag:s23] =	ssyncadd.s32 $0xFFFFC000  }
0x30a: {  	_ =	swait.ge [sflag:s25], $0x80  }
0x30b: {  	[sflag:s25] =	ssyncset.done $0x0  }
0x30c: {  	[sflag:s25] =	ssyncadd.s32 $0xFFFFFF80  }
0x30d: {  	_ =	swait.ge [sflag:s25], $0x80  }
0x30e: {  	[sflag:s25] =	ssyncset.done $0x0  }
0x30f: {  	[sflag:s25] =	ssyncadd.s32 $0xFFFFFF80  }
.Ltmp8:
0x310: {  	_ =	swait.ge [sflag:s28], $0x4000;
	(pc) =	sbr.rel .LBB2_15-.Ltmp8, $4  }
0x311: {  	s20 =	rddreg [dreg:$0x7]  }
0x312: {  	[sflag:s28] =	ssyncset.done $0x0;
	s14 =	rddreg [dreg:$0x6]  }
0x313: {  	s13 =	rddreg [dreg:$0xd];
	[sflag:s28] =	ssyncadd.s32 $0xFFFFC000  }
0x314: {  	[tilespmem:s6], [sflag:$0x1] =	stream.indirect.gather [hbm4b:s3+s31], $0x80, s31, s31, $0xb8;
	[tilespmem:$0x1C600] =	vst v63  }
.LBB2_12:
0x315: {  	s11 =	sld [smem:$0x7EB];
	_ =	sdelay $0x1  }
0x316: {  	s12 =	sld [smem:$0x7EC]  }
0x317: {  	[tilespmem:s5], [sflag:$0x2] =	stream.linear.gather [hbm4b:s11+s5], $0x80, $0x38;
	[tilespmem:$0x1C600] =	vst v63  }
0x318: {  	_ = 	snop  }
0x319: {  	[tilespmem:s24], [sflag:$0x2] =	stream.linear.gather [hbm4b:s12+s5], $0x80, $0x38;
	[tilespmem:$0x1C600] =	vst v63  }
0x31a: {  	_ =	swait.ge [sflag:s25], $0x80  }
0x31b: {  	[sflag:s25] =	ssyncset.done $0x0  }
0x31c: {  	[sflag:s25] =	ssyncadd.s32 $0xFFFFFF80  }
0x31d: {  	_ =	swait.ge [sflag:s25], $0x80  }
0x31e: {  	[sflag:s25] =	ssyncset.done $0x0  }
0x31f: {  	[sflag:s25] =	ssyncadd.s32 $0xFFFFFF80  }
0x320: {  	[tilespmem:s22], [sflag:$0x1] =	stream.indirect.gather [hbm4b:s3+s31], $0x80, s5, s31, $0xb8;
	[tilespmem:$0x1C600] =	vst v63  }
0x321: {  	s13 =	rddreg [dreg:$0x18]  }
0x322: {  	[tilespmem:s31], [sflag:$0x2] =	stream.linear.gather [hbm4b:s13+s5], $0x80, $0x38;
	[tilespmem:$0x1C600] =	vst v63  }
0x323: {  	s14 =	rddreg [dreg:$0x19]  }
0x324: {  	[tilespmem:s0], [sflag:$0x2] =	stream.linear.gather [hbm4b:s14+s5], $0x80, $0x38;
	[tilespmem:$0x1C600] =	vst v63  }
0x325: {  	_ =	swait.ge [sflag:s23], $0x4000  }
0x326: {  	[sflag:s23] =	ssyncset.done $0x0  }
0x327: {  	[sflag:s23] =	ssyncadd.s32 $0xFFFFC000  }
0x328: {  	_ =	swait.ge [sflag:s25], $0x80  }
0x329: {  	[sflag:s25] =	ssyncset.done $0x0  }
0x32a: {  	[sflag:s25] =	ssyncadd.s32 $0xFFFFFF80  }
0x32b: {  	_ =	swait.ge [sflag:s25], $0x80  }
0x32c: {  	[sflag:s25] =	ssyncset.done $0x0  }
0x32d: {  	s17 =	sld [smem:$0x7F1];
	[sflag:s25] =	ssyncadd.s32 $0xFFFFFF80  }
0x32e: {  	[tilespmem:s6], [sflag:$0x1] =	stream.indirect.gather [hbm4b:s3+s31], $0x80, s31, s31, $0xb8;
	[tilespmem:$0x1C600] =	vst v63  }
0x32f: {  	s20 =	sld [smem:$0x7F2]  }
0x330: {  	[tilespmem:s5], [sflag:$0x2] =	stream.linear.gather [hbm4b:s17+s5], $0x80, $0x38;
	[tilespmem:$0x1C600] =	vst v63  }
0x331: {  	_ = 	snop  }
0x332: {  	[tilespmem:s24], [sflag:$0x2] =	stream.linear.gather [hbm4b:s20+s5], $0x80, $0x38;
	[tilespmem:$0x1C600] =	vst v63  }
0x333: {  	_ = 	snop  }
0x334: {  	[spmem:s4] =	stream.indirect.scatter.add.f32 [tilespmem:s22], [sflag:$0x3], $0x80, s24, s31, $0xb8;
	[tilespmem:$0x1C600] =	vst v63  }
0x335: {  	_ =	swait.ge [sflag:s23], $0x4000  }
0x336: {  	[sflag:s23] =	ssyncset.done $0x0  }
0x337: {  	[sflag:s23] =	ssyncadd.s32 $0xFFFFC000  }
0x338: {  	_ =	swait.ge [sflag:s25], $0x80  }
0x339: {  	[sflag:s25] =	ssyncset.done $0x0  }
0x33a: {  	[sflag:s25] =	ssyncadd.s32 $0xFFFFFF80  }
0x33b: {  	_ =	swait.ge [sflag:s25], $0x80  }
0x33c: {  	[sflag:s25] =	ssyncset.done $0x0  }
0x33d: {  	[sflag:s25] =	ssyncadd.s32 $0xFFFFFF80  }
0x33e: {  	_ =	swait.ge [sflag:s28], $0x4000  }
0x33f: {  	[sflag:s28] =	ssyncset.done $0x0  }
0x340: {  	s12 =	sld [smem:$0x7F7];
	[sflag:s28] =	ssyncadd.s32 $0xFFFFC000  }
0x341: {  	[tilespmem:s22], [sflag:$0x1] =	stream.indirect.gather [hbm4b:s3+s31], $0x80, s5, s31, $0xb8;
	[tilespmem:$0x1C600] =	vst v63  }
0x342: {  	s13 =	sld [smem:$0x7F8]  }
0x343: {  	[tilespmem:s31], [sflag:$0x2] =	stream.linear.gather [hbm4b:s12+s5], $0x80, $0x38;
	[tilespmem:$0x1C600] =	vst v63  }
0x344: {  	_ = 	snop  }
0x345: {  	[tilespmem:s0], [sflag:$0x2] =	stream.linear.gather [hbm4b:s13+s5], $0x80, $0x38;
	[tilespmem:$0x1C600] =	vst v63  }
0x346: {  	_ = 	snop  }
0x347: {  	[spmem:s4] =	stream.indirect.scatter.add.f32 [tilespmem:s6], [sflag:$0x3], $0x80, s0, s31, $0xb8;
	[tilespmem:$0x1C600] =	vst v63  }
0x348: {  	_ =	swait.ge [sflag:s23], $0x4000  }
0x349: {  	[sflag:s23] =	ssyncset.done $0x0  }
0x34a: {  	[sflag:s23] =	ssyncadd.s32 $0xFFFFC000  }
0x34b: {  	_ =	swait.ge [sflag:s25], $0x80  }
0x34c: {  	[sflag:s25] =	ssyncset.done $0x0  }
0x34d: {  	[sflag:s25] =	ssyncadd.s32 $0xFFFFFF80  }
0x34e: {  	_ =	swait.ge [sflag:s25], $0x80  }
0x34f: {  	[sflag:s25] =	ssyncset.done $0x0  }
0x350: {  	[sflag:s25] =	ssyncadd.s32 $0xFFFFFF80  }
0x351: {  	_ =	swait.ge [sflag:s28], $0x4000  }
0x352: {  	[sflag:s28] =	ssyncset.done $0x0  }
0x353: {  	s14 =	sadd.s32 $0xFFFFF680, s9;
	[sflag:s28] =	ssyncadd.s32 $0xFFFFC000  }
0x354: {  	[tilespmem:s6], [sflag:$0x1] =	stream.indirect.gather [hbm4b:s3+s31], $0x80, s31, s31, $0xb8;
	[tilespmem:$0x1C600] =	vst v63  }
0x355: {  	s12 =	sadd.s32 $0xFFFFF680, s8;
	s13 =	sadd.s32 $0x9C0, s14  }
0x356: {  	[tilespmem:s5], [sflag:$0x2] =	stream.linear.gather [hbm4b:s13+s5], $0x80, $0x38;
	[tilespmem:$0x1C600] =	vst v63  }
0x357: {  	s17 =	sadd.s32 $0x9C0, s12  }
0x358: {  	[tilespmem:s24], [sflag:$0x2] =	stream.linear.gather [hbm4b:s17+s5], $0x80, $0x38;
	[tilespmem:$0x1C600] =	vst v63  }
0x359: {  	_ = 	snop  }
0x35a: {  	[spmem:s4] =	stream.indirect.scatter.add.f32 [tilespmem:s22], [sflag:$0x3], $0x80, s24, s31, $0xb8;
	[tilespmem:$0x1C600] =	vst v63  }
0x35b: {  	_ =	swait.ge [sflag:s23], $0x4000  }
0x35c: {  	[sflag:s23] =	ssyncset.done $0x0  }
0x35d: {  	[sflag:s23] =	ssyncadd.s32 $0xFFFFC000  }
0x35e: {  	_ =	swait.ge [sflag:s25], $0x80  }
0x35f: {  	[sflag:s25] =	ssyncset.done $0x0  }
0x360: {  	[sflag:s25] =	ssyncadd.s32 $0xFFFFFF80  }
0x361: {  	_ =	swait.ge [sflag:s25], $0x80  }
0x362: {  	[sflag:s25] =	ssyncset.done $0x0  }
0x363: {  	[sflag:s25] =	ssyncadd.s32 $0xFFFFFF80  }
0x364: {  	_ =	swait.ge [sflag:s28], $0x4000  }
0x365: {  	[sflag:s28] =	ssyncset.done $0x0  }
0x366: {  	[sflag:s28] =	ssyncadd.s32 $0xFFFFC000  }
0x367: {  	[tilespmem:s22], [sflag:$0x1] =	stream.indirect.gather [hbm4b:s3+s31], $0x80, s5, s31, $0xb8;
	[tilespmem:$0x1C600] =	vst v63  }
0x368: {  	s11 =	sadd.s32 $0x9D0, s14  }
0x369: {  	[tilespmem:s31], [sflag:$0x2] =	stream.linear.gather [hbm4b:s11+s5], $0x80, $0x38;
	[tilespmem:$0x1C600] =	vst v63  }
0x36a: {  	s20 =	sadd.s32 $0x9D0, s12  }
0x36b: {  	[tilespmem:s0], [sflag:$0x2] =	stream.linear.gather [hbm4b:s20+s5], $0x80, $0x38;
	[tilespmem:$0x1C600] =	vst v63  }
0x36c: {  	_ = 	snop  }
0x36d: {  	[spmem:s4] =	stream.indirect.scatter.add.f32 [tilespmem:s6], [sflag:$0x3], $0x80, s0, s31, $0xb8;
	[tilespmem:$0x1C600] =	vst v63  }
0x36e: {  	_ =	swait.ge [sflag:s23], $0x4000  }
0x36f: {  	[sflag:s23] =	ssyncset.done $0x0  }
0x370: {  	[sflag:s23] =	ssyncadd.s32 $0xFFFFC000  }
0x371: {  	_ =	swait.ge [sflag:s25], $0x80  }
0x372: {  	[sflag:s25] =	ssyncset.done $0x0  }
0x373: {  	[sflag:s25] =	ssyncadd.s32 $0xFFFFFF80  }
0x374: {  	_ =	swait.ge [sflag:s25], $0x80  }
0x375: {  	[sflag:s25] =	ssyncset.done $0x0  }
0x376: {  	[sflag:s25] =	ssyncadd.s32 $0xFFFFFF80  }
0x377: {  	_ =	swait.ge [sflag:s28], $0x4000  }
0x378: {  	s30 =	sadd.s32 $0xFFFFF6A0, s8;
	[sflag:s28] =	ssyncset.done $0x0  }
0x379: {  	s11 =	simm.s32 $0xFFFFF6C0;
	s20 =	sadd.s32 $0xFFFFF6A0, s9;
	[sflag:s28] =	ssyncadd.s32 $0xFFFFC000  }
.LBB2_13:
0x37a: {  	[tilespmem:s6], [sflag:$0x1] =	stream.indirect.gather [hbm4b:s3+s31], $0x80, s31, s31, $0xb8;
	[tilespmem:$0x1C600] =	vst v63  }
0x37b: {  	s14 =	smov.u32 s11  }
0x37c: {  	s13 =	sadd.s32 $0x20, s11;
	s17 =	sadd.s32 $0x9C0, s20;
	s12 =	sadd.s32 s14, s9  }
0x37d: {  	[tilespmem:s5], [sflag:$0x2] =	stream.linear.gather [hbm4b:s17+s5], $0x80, $0x38;
	[tilespmem:$0x1C600] =	vst v63  }
0x37e: {  	p1 =	sne.s32 s11, $0xFFFFFFE0;
	s11 =	sadd.s32 $0x9C0, s30  }
0x37f: {  	[tilespmem:s24], [sflag:$0x2] =	stream.linear.gather [hbm4b:s11+s5], $0x80, $0x38;
	[tilespmem:$0x1C600] =	vst v63  }
0x380: {  	_ = 	snop  }
0x381: {  	[spmem:s4] =	stream.indirect.scatter.add.f32 [tilespmem:s22], [sflag:$0x3], $0x80, s24, s31, $0xb8;
	[tilespmem:$0x1C600] =	vst v63  }
0x382: {  	_ =	swait.ge [sflag:s23], $0x4000  }
0x383: {  	[sflag:s23] =	ssyncset.done $0x0  }
0x384: {  	[sflag:s23] =	ssyncadd.s32 $0xFFFFC000  }
0x385: {  	_ =	swait.ge [sflag:s25], $0x80  }
0x386: {  	[sflag:s25] =	ssyncset.done $0x0  }
0x387: {  	[sflag:s25] =	ssyncadd.s32 $0xFFFFFF80  }
0x388: {  	_ =	swait.ge [sflag:s25], $0x80  }
0x389: {  	[sflag:s25] =	ssyncset.done $0x0  }
0x38a: {  	[sflag:s25] =	ssyncadd.s32 $0xFFFFFF80  }
0x38b: {  	_ =	swait.ge [sflag:s28], $0x4000  }
0x38c: {  	[sflag:s28] =	ssyncset.done $0x0  }
0x38d: {  	[sflag:s28] =	ssyncadd.s32 $0xFFFFC000  }
0x38e: {  	[tilespmem:s22], [sflag:$0x1] =	stream.indirect.gather [hbm4b:s3+s31], $0x80, s5, s31, $0xb8;
	[tilespmem:$0x1C600] =	vst v63  }
0x38f: {  	s11 =	sadd.s32 $0x9D0, s20;
	s20 =	smov.u32 s12  }
0x390: {  	[tilespmem:s31], [sflag:$0x2] =	stream.linear.gather [hbm4b:s11+s5], $0x80, $0x38;
	[tilespmem:$0x1C600] =	vst v63  }
0x391: {  	s11 =	sadd.s32 $0x9D0, s30  }
0x392: {  	[tilespmem:s0], [sflag:$0x2] =	stream.linear.gather [hbm4b:s11+s5], $0x80, $0x38;
	[tilespmem:$0x1C600] =	vst v63  }
0x393: {  	_ = 	snop  }
0x394: {  	[spmem:s4] =	stream.indirect.scatter.add.f32 [tilespmem:s6], [sflag:$0x3], $0x80, s0, s31, $0xb8;
	[tilespmem:$0x1C600] =	vst v63  }
0x395: {  	_ =	swait.ge [sflag:s23], $0x4000  }
0x396: {  	[sflag:s23] =	ssyncset.done $0x0  }
0x397: {  	[sflag:s23] =	ssyncadd.s32 $0xFFFFC000  }
0x398: {  	_ =	swait.ge [sflag:s25], $0x80  }
0x399: {  	[sflag:s25] =	ssyncset.done $0x0  }
0x39a: {  	[sflag:s25] =	ssyncadd.s32 $0xFFFFFF80  }
0x39b: {  	_ =	swait.ge [sflag:s25], $0x80  }
.Ltmp9:
0x39c: {  	[sflag:s25] =	ssyncset.done $0x0;
	(pc) =	sbr.rel @p1 .LBB2_13-.Ltmp9, $4  }
0x39d: {  	[sflag:s25] =	ssyncadd.s32 $0xFFFFFF80  }
0x39e: {  	_ =	swait.ge [sflag:s28], $0x4000  }
0x39f: {  	[sflag:s28] =	ssyncset.done $0x0  }
0x3a0: {  	s30 =	sadd.s32 s14, s8;
	s11 =	smov.u32 s13;
	[sflag:s28] =	ssyncadd.s32 $0xFFFFC000  }
.Ltmp10:
0x3a1: {  	_ = 	snop;
	(pc) =	sbr.rel .LBB2_14-.Ltmp10, $1  }
0x3a2: {  	_ =	sdelay $0x3  }
.LBB2_16:
0x3a3: {  	_ =	sfence.sel $0x180000  }
0x3a4: {  	[bflag:$0x0] =	sbarrier.arrive $0xFFFF  }
0x3a5: {  	_ =	strace $0x90000047  }
0x3a6: {  	s0 =	stileid.u32;
	[bflag:$0x2] =	sbarrier.arrive $0xFFFF  }
0x3a7: {  	p0 =	sne.s32 s0, $0x0;
	s0 =	rddreg [dreg:$0x5]  }
0x3a8: {  	s0 =	sadd.s32 @!p0 $0x100000, s0  }
0x3a9: {  	[sflag:s0] =	ssyncadd.tile.s32 @!p0 $0x1;
	_ =	shalt  }
.Lfunc_end2:
_tile_overlayer_lowered:
.L_overlay_start_2:
0x3aa: {  	(tag) =	ssettag $0x2  }
0x3ab: {  	s0 =	rddreg [dreg:$0x0];
	s2 =	stileid.u32  }
0x3ac: {  	s1 =	rddreg [dreg:$0x1];
	p0 =	sne.s32 s2, $0x0  }
0x3ad: {  	s3 =	rddreg [dreg:$0x2];
	[bflag:$0x3] =	sbarrier.arrive $0xFFFF;
	s2 =	simm.s32 @!p0 $0x1C04  }
0x3ae: {  	[timem:s3], [sflag:s2] =	dma.local @!p0 [hbm:s0], s1  }
0x3af: {  	s0 =	simm.s32 @!p0 $0x4  }
0x3b0: {  	_ =	swait.ge @!p0 [sflag:s0], s1  }
0x3b1: {  	s1 =	ssub.s32 @!p0 $0x0, s1;
	[sflag:s0] =	ssyncset.done @!p0 $0x0  }
0x3b2: {  	[sflag:s0] =	ssyncadd.s32 @!p0 s1  }
0x3b3: {  	[bflag:$0x3] =	sbarrier.arrive $0xFFFF  }
0x3b4: {  	_ =	shalt  }

</sc_bundles>
